<compile_context>
chip_gen: v7x
topology: tpu7x:2x2x1
jax: 0.10.2.dev20260603
libtpu: 0.0.44.dev20260713+nightly
codegen_flags: <defaults>
</compile_context>

<pallas_src>
import functools

import jax
import jax.numpy as jnp
from jax import lax
from jax.experimental import pallas as pl
from jax.experimental.pallas import tpu as pltpu
from jax.experimental.pallas import tpu_sc as plsc


def _sc_gather3(pd, ps, hh, dst_f, src_f, D):
    BE = dst_f.shape[0]
    CH = 128
    nch = BE // CH
    info = plsc.get_sparse_core_info()
    NC, NS = info.num_cores, info.num_subcores
    NW = NC * NS
    nper = (nch + NW - 1) // NW
    mesh = plsc.VectorSubcoreMesh(core_axis_name="c", subcore_axis_name="s")

    @functools.partial(
        pl.kernel,
        out_type=[jax.ShapeDtypeStruct((BE, D), jnp.float32),
                  jax.ShapeDtypeStruct((BE, D), jnp.float32)],
        mesh=mesh,
        scratch_types=[
            pltpu.VMEM((CH,), jnp.int32),
            pltpu.VMEM((CH,), jnp.int32),
            pltpu.VMEM((CH, D), jnp.float32),
            pltpu.VMEM((CH, D), jnp.float32),
            pltpu.VMEM((CH, D), jnp.float32),
            pltpu.SemaphoreType.DMA,
            pltpu.SemaphoreType.DMA,
            pltpu.SemaphoreType.DMA,
            pltpu.SemaphoreType.DMA,
            pltpu.SemaphoreType.DMA,
        ],
    )
    def gk(pd_h, ps_h, h_h, dst_h, src_h, ag_o, gh_o,
           dbuf, sbuf, rpd, rps, rh, s0, s1, s2, s3, s4):
        wid = lax.axis_index("s") * NC + lax.axis_index("c")

        def body(i, _):
            c = wid * nper + i

            @pl.when(c < nch)
            def _():
                base = c * CH
                cpd = pltpu.async_copy(dst_h.at[pl.ds(base, CH)], dbuf, s3)
                cps = pltpu.async_copy(src_h.at[pl.ds(base, CH)], sbuf, s4)
                cpd.wait()
                cp0 = pltpu.async_copy(pd_h.at[dbuf], rpd, s0)
                cps.wait()
                cp1 = pltpu.async_copy(ps_h.at[sbuf], rps, s1)
                cp2 = pltpu.async_copy(h_h.at[sbuf], rh, s2)
                cp0.wait()
                cp1.wait()

                def rowbody(e, _):
                    for j in range(D // 16):
                        sl = pl.ds(j * 16, 16)
                        rpd[e, sl] = rpd[e, sl] + rps[e, sl]
                    return 0

                lax.fori_loop(0, CH, rowbody, 0)
                cpo0 = pltpu.async_copy(rpd, ag_o.at[pl.ds(base, CH)], s3)
                cp2.wait()
                cpo1 = pltpu.async_copy(rh, gh_o.at[pl.ds(base, CH)], s4)
                cpo0.wait()
                cpo1.wait()
            return 0

        lax.fori_loop(0, nper, body, 0)

    return gk(pd, ps, hh, dst_f, src_f)


def _nodeproj_body(h_ref, w_ref, out_ref):
    out_ref[...] = jnp.dot(h_ref[...], w_ref[...],
                           preferred_element_type=jnp.float32)


def _node_proj(h, Wcat):
    B, N, D = h.shape
    NB = 2000 if N % 2000 == 0 else N
    grid = (B, N // NB)
    return pl.pallas_call(
        _nodeproj_body,
        grid=grid,
        in_specs=[
            pl.BlockSpec((1, NB, D), lambda b, i: (b, i, 0)),
            pl.BlockSpec((D, 2 * D), lambda b, i: (0, 0)),
        ],
        out_specs=pl.BlockSpec((1, NB, 2 * D), lambda b, i: (b, i, 0)),
        out_shape=jax.ShapeDtypeStruct((B, N, 2 * D), jnp.float32),
    )(h, Wcat)


def _edge_body(ea_ref, ag_ref, hs_ref, we_ref, apad_ref, x_ref, msg_ref):
    ea = ea_ref[0]
    pe = jnp.dot(ea, we_ref[...], preferred_element_type=jnp.float32)
    proj = pe + ag_ref[0]
    proj = jnp.where(proj > 0, proj, 0.2 * proj)
    e = jnp.dot(proj, apad_ref[...], preferred_element_type=jnp.float32)
    x_ref[0] = jnp.exp(e).T
    msg_ref[0] = jnp.maximum(hs_ref[0] + ea, 0.0)


def _edge_pass(edge_attr, ag, h_src, WeT, A_pad):
    B, E, D = edge_attr.shape
    EB = 3200 if E % 3200 == 0 else E
    grid = (B, E // EB)
    return pl.pallas_call(
        _edge_body,
        grid=grid,
        in_specs=[
            pl.BlockSpec((1, EB, D), lambda b, i: (b, i, 0)),
            pl.BlockSpec((1, EB, D), lambda b, i: (b, i, 0)),
            pl.BlockSpec((1, EB, D), lambda b, i: (b, i, 0)),
            pl.BlockSpec((D, D), lambda b, i: (0, 0)),
            pl.BlockSpec((D, 8), lambda b, i: (0, 0)),
        ],
        out_specs=[
            pl.BlockSpec((1, 8, EB), lambda b, i: (b, 0, i)),
            pl.BlockSpec((1, EB, D), lambda b, i: (b, i, 0)),
        ],
        out_shape=[
            jax.ShapeDtypeStruct((B, 8, E), jnp.float32),
            jax.ShapeDtypeStruct((B, E, D), jnp.float32),
        ],
    )(edge_attr, ag, h_src, WeT, A_pad)


def _sc_softmax_scatter(x_f, msg0, dst_p, B, E, N, Npad, D, H):
    CH = 128
    nch = E // CH
    CH1 = 5 * CH
    nch1 = E // CH1
    info = plsc.get_sparse_core_info()
    NC, NS = info.num_cores, info.num_subcores
    nper = (nch + NS - 1) // NS
    nper1 = (nch1 + NS - 1) // NS
    rows_pt = Npad // NS
    mesh = plsc.VectorSubcoreMesh(core_axis_name="c", subcore_axis_name="s")

    NB = 2

    @functools.partial(
        pl.kernel,
        out_type=jax.ShapeDtypeStruct((B * Npad, D), jnp.float32),
        mesh=mesh,
        scratch_types=[
            [pltpu.VMEM((CH,), jnp.int32) for _ in range(NB)],
            [[pltpu.VMEM((CH,), jnp.float32) for _ in range(H)]
             for _ in range(NB)],
            [[pltpu.VMEM((CH,), jnp.float32) for _ in range(H)]
             for _ in range(NB)],
            [pltpu.VMEM((CH,), jnp.float32) for _ in range(NB)],
            [pltpu.VMEM((CH, D), jnp.float32) for _ in range(NB)],
            [[pltpu.VMEM((CH,), jnp.int32) for _ in range(5)]
             for _ in range(NB)],
            [[pltpu.VMEM((CH1,), jnp.float32) for _ in range(H)]
             for _ in range(NB)],
            pltpu.VMEM((640,), jnp.float32),
            [pltpu.VMEM_SHARED((Npad,), jnp.float32) for _ in range(H)],
            pltpu.VMEM_SHARED((Npad, D), jnp.float32),
            [pltpu.SemaphoreType.DMA for _ in range(NB)],
            [pltpu.SemaphoreType.DMA for _ in range(NB)],
            [pltpu.SemaphoreType.DMA for _ in range(NB)],
            [pltpu.SemaphoreType.DMA for _ in range(NB)],
            [pltpu.SemaphoreType.DMA for _ in range(NB)],
        ],
        compiler_params=pltpu.CompilerParams(needs_layout_passes=False),
    )
    def sk(x_h, msg_h, dst_h, agg_o,
           dbufs, xbufs, sbufs, ameans, mbufs, dbigs, xbigs, zbuf,
           sshs, aggsh, semd, semx, semw, semm, semg):
        b = lax.axis_index("c")
        s = lax.axis_index("s")
        lanes = lax.iota(jnp.int32, 16)
        lim = jnp.minimum(nch, (s + 1) * nper)
        lim1 = jnp.minimum(nch1, (s + 1) * nper1)

        def zstrip(i, _):
            zbuf[pl.ds(i * 16, 16)] = jnp.zeros((16,), jnp.float32)
            return 0
        lax.fori_loop(0, 640 // 16, zstrip, 0)

        def zrow(e, _):
            z16 = zbuf[pl.ds(0, 16)]
            e16 = jnp.full((16,), e, jnp.int32)
            for j in range(D // 16):
                plsc.store_scatter(mbufs[0], [e16, lanes + (j * 16)], z16)
            return 0
        lax.fori_loop(0, CH, zrow, 0)

        for hh in range(H):
            pltpu.sync_copy(zbuf, sshs[hh].at[pl.ds(s * rows_pt, rows_pt)])
        for k in range(rows_pt // CH):
            pltpu.sync_copy(mbufs[0],
                            aggsh.at[pl.ds(s * rows_pt + k * CH, CH)])
        plsc.subcore_barrier()

        def d_cp(k, c):
            return pltpu.make_async_copy(
                dst_h.at[pl.ds(b * E + c * CH, CH)], dbufs[k], semd[k])

        def x_cp(k, hh, c):
            xbase = (b * 8 + hh) * E + c * CH
            return pltpu.make_async_copy(
                x_h.at[pl.ds(xbase, CH)], xbufs[k][hh], semx[k])

        def m_cp(k, c):
            return pltpu.make_async_copy(
                msg_h.at[pl.ds(b * E + c * CH, CH)], mbufs[k], semm[k])

        def g_cp(k, hh):
            return pltpu.make_async_copy(sshs[hh].at[dbufs[k]], sbufs[k][hh],
                                         semg[k])

        def w2_cp(k):
            return pltpu.make_async_copy(mbufs[k], aggsh.at[dbufs[k]],
                                         semw[k])

        def d1_cp(k, r, c):
            return pltpu.make_async_copy(
                dst_h.at[pl.ds(b * E + c * CH1 + r * CH, CH)],
                dbigs[k][r], semd[k])

        def x1_cp(k, hh, c):
            xbase = (b * 8 + hh) * E + c * CH1
            return pltpu.make_async_copy(
                x_h.at[pl.ds(xbase, CH1)], xbigs[k][hh], semx[k])

        def p1(i, _):
            cs = [s * nper1 + NB * i + k for k in range(NB)]
            for k in range(NB):
                @pl.when(cs[k] < lim1)
                def _(k=k):
                    for r in range(5):
                        d1_cp(k, r, cs[k]).start()
                    for hh in range(H):
                        x1_cp(k, hh, cs[k]).start()
            for k in range(NB):
                @pl.when(cs[k] < lim1)
                def _(k=k):
                    for r in range(5):
                        d1_cp(k, r, cs[k]).wait()
                    for hh in range(H):
                        x1_cp(k, hh, cs[k]).wait()
                    for r in range(5):
                        for hh in range(H):
                            pltpu.async_copy(
                                xbigs[k][hh].at[pl.ds(r * CH, CH)],
                                sshs[hh].at[dbigs[k][r]],
                                semw[k], add=True)
            for k in range(NB):
                @pl.when(cs[k] < lim1)
                def _(k=k):
                    for r in range(5):
                        for hh in range(H):
                            pltpu.make_async_copy(
                                xbigs[k][hh].at[pl.ds(r * CH, CH)],
                                sshs[hh].at[dbigs[k][r]],
                                semw[k]).wait()
            return 0

        lax.fori_loop(0, (nper1 + NB - 1) // NB, p1, 0)
        plsc.subcore_barrier()

        def p2(i, _):
            cs = [s * nper + NB * i + k for k in range(NB)]
            for k in range(NB):
                @pl.when(cs[k] < lim)
                def _(k=k):
                    d_cp(k, cs[k]).start()
                    for hh in range(H):
                        x_cp(k, hh, cs[k]).start()
                    m_cp(k, cs[k]).start()
            for k in range(NB):
                @pl.when(cs[k] < lim)
                def _(k=k):
                    d_cp(k, cs[k]).wait()
                    for hh in range(H):
                        g_cp(k, hh).start()
                    for hh in range(H):
                        x_cp(k, hh, cs[k]).wait()
                    for hh in range(H):
                        g_cp(k, hh).wait()
                    for g in range(CH // 16):
                        sl = pl.ds(g * 16, 16)
                        acc = jnp.zeros((16,), jnp.float32)
                        for hh in range(H):
                            acc = acc + xbufs[k][hh][sl] / sbufs[k][hh][sl]
                        ameans[k][sl] = acc * (1.0 / H)
                    m_cp(k, cs[k]).wait()

                    def rowscale(e, _):
                        e16 = jnp.full((16,), e, jnp.int32)
                        am = plsc.load_gather(ameans[k], [e16])
                        for j in range(D // 16):
                            cols = lanes + (j * 16)
                            v = plsc.load_gather(mbufs[k], [e16, cols])
                            plsc.store_scatter(mbufs[k], [e16, cols], v * am)
                        return 0

                    lax.fori_loop(0, CH, rowscale, 0)
                    pltpu.async_copy(mbufs[k], aggsh.at[dbufs[k]],
                                     semw[k], add=True)
            for k in range(NB):
                @pl.when(cs[k] < lim)
                def _(k=k):
                    w2_cp(k).wait()
            return 0

        lax.fori_loop(0, (nper + NB - 1) // NB, p2, 0)
        plsc.subcore_barrier()

        pltpu.sync_copy(aggsh.at[pl.ds(s * rows_pt, rows_pt)],
                        agg_o.at[pl.ds(b * Npad + s * rows_pt, rows_pt)])

    return sk(x_f, msg0, dst_p)


def _mlp1_body(h_ref, agg_ref, eps_ref, w_ref, b_ref, t_ref, st_ref):
    i = pl.program_id(0)

    @pl.when(i == 0)
    def _():
        st_ref[...] = jnp.zeros_like(st_ref)

    hnew = (1.0 + eps_ref[0]) * h_ref[...] + agg_ref[...]
    t = jnp.dot(hnew, w_ref[...], preferred_element_type=jnp.float32)
    t = t + b_ref[...]
    t_ref[...] = t
    st_ref[0:1, :] += jnp.sum(t, axis=0, keepdims=True)
    st_ref[1:2, :] += jnp.sum(t * t, axis=0, keepdims=True)


def _mlp2_body(t_ref, st_ref, w_ref, b_ref, g_ref, bt_ref, nr_ref,
               u_ref, st2_ref):
    i = pl.program_id(0)

    @pl.when(i == 0)
    def _():
        st2_ref[...] = jnp.zeros_like(st2_ref)

    nrows = nr_ref[0]
    m = st_ref[0:1, :] / nrows
    var = st_ref[1:2, :] / nrows - m * m
    inv = jax.lax.rsqrt(var + 1e-5)
    xn = (t_ref[...] - m) * (inv * g_ref[...]) + bt_ref[...]
    xn = jnp.maximum(xn, 0.0)
    u = jnp.dot(xn, w_ref[...], preferred_element_type=jnp.float32)
    u = u + b_ref[...]
    u_ref[...] = u
    st2_ref[0:1, :] += jnp.sum(u, axis=0, keepdims=True)
    st2_ref[1:2, :] += jnp.sum(u * u, axis=0, keepdims=True)


def _mlp3_body(u_ref, st_ref, g_ref, bt_ref, nr_ref, o_ref):
    nrows = nr_ref[0]
    m = st_ref[0:1, :] / nrows
    var = st_ref[1:2, :] / nrows - m * m
    inv = jax.lax.rsqrt(var + 1e-5)
    o_ref[...] = (u_ref[...] - m) * (inv * g_ref[...]) + bt_ref[...]


def _mlp(h2, agg2, eps, W1T, b1, g1, bt1, W2T, b2, g2, bt2):
    R, D = h2.shape
    RB = 2000 if R % 2000 == 0 else R
    grid = (R // RB,)
    nrows = jnp.full((1,), float(R), dtype=jnp.float32)
    row = lambda i: (i, 0)
    fix = lambda i: (0, 0)
    t, st1 = pl.pallas_call(
        _mlp1_body,
        grid=grid,
        in_specs=[
            pl.BlockSpec((RB, D), row),
            pl.BlockSpec((RB, D), row),
            pl.BlockSpec(memory_space=pltpu.SMEM),
            pl.BlockSpec((D, D), fix),
            pl.BlockSpec((1, D), fix),
        ],
        out_specs=[
            pl.BlockSpec((RB, D), row),
            pl.BlockSpec((8, D), fix),
        ],
        out_shape=[
            jax.ShapeDtypeStruct((R, D), jnp.float32),
            jax.ShapeDtypeStruct((8, D), jnp.float32),
        ],
    )(h2, agg2, eps, W1T, b1.reshape(1, D))
    u, st2 = pl.pallas_call(
        _mlp2_body,
        grid=grid,
        in_specs=[
            pl.BlockSpec((RB, D), row),
            pl.BlockSpec((8, D), fix),
            pl.BlockSpec((D, D), fix),
            pl.BlockSpec((1, D), fix),
            pl.BlockSpec((1, D), fix),
            pl.BlockSpec((1, D), fix),
            pl.BlockSpec(memory_space=pltpu.SMEM),
        ],
        out_specs=[
            pl.BlockSpec((RB, D), row),
            pl.BlockSpec((8, D), fix),
        ],
        out_shape=[
            jax.ShapeDtypeStruct((R, D), jnp.float32),
            jax.ShapeDtypeStruct((8, D), jnp.float32),
        ],
    )(t, st1, W2T, b2.reshape(1, D), g1.reshape(1, D), bt1.reshape(1, D),
      nrows)
    out = pl.pallas_call(
        _mlp3_body,
        grid=grid,
        in_specs=[
            pl.BlockSpec((RB, D), row),
            pl.BlockSpec((8, D), fix),
            pl.BlockSpec((1, D), fix),
            pl.BlockSpec((1, D), fix),
            pl.BlockSpec(memory_space=pltpu.SMEM),
        ],
        out_specs=pl.BlockSpec((RB, D), row),
        out_shape=jax.ShapeDtypeStruct((R, D), jnp.float32),
    )(u, st2, g2.reshape(1, D), bt2.reshape(1, D), nrows)
    return out


def kernel(h, edge_index, edge_attr, eps, W_attn, a, W1, b1, g1, bt1,
           W2, b2, g2, bt2):
    B, N, D = h.shape
    E = edge_index.shape[2]
    H, hd = a.shape
    src = edge_index[:, 0, :].astype(jnp.int32)
    dst = edge_index[:, 1, :].astype(jnp.int32)

    WdT = W_attn[:, :D].T
    WsT = W_attn[:, D:2 * D].T
    WeT = W_attn[:, 2 * D:].T
    A_pad = jnp.zeros((D, 8), jnp.float32)
    A_pad = A_pad.at[jnp.arange(D), jnp.arange(D) // hd].set(a.reshape(-1))

    P = _node_proj(h, jnp.concatenate([WdT, WsT], axis=1))
    pd = P[:, :, :D].reshape(B * N, D)
    ps = P[:, :, D:].reshape(B * N, D)

    boff = (jnp.arange(B, dtype=jnp.int32) * N)[:, None]
    dst_f = (dst + boff).reshape(-1)
    src_f = (src + boff).reshape(-1)
    ag, h_src = _sc_gather3(pd, ps, h.reshape(B * N, D), dst_f, src_f, D)
    ag = ag.reshape(B, E, D)
    h_src = h_src.reshape(B, E, D)

    x_t, msg0 = _edge_pass(edge_attr, ag, h_src, WeT, A_pad)

    Npad = 10240
    agg = _sc_softmax_scatter(x_t.reshape(-1), msg0.reshape(B * E, D),
                              dst.reshape(-1), B, E, N, Npad, D, H)
    agg = agg.reshape(B, Npad, D)[:, :N, :]

    out = _mlp(h.reshape(-1, D), agg.reshape(-1, D), eps,
               W1.T, b1, g1, bt1, W2.T, b2, g2, bt2)
    return out.reshape(B, N, D)

# --- scband reference (transcript-rebuilt; emitter-appended) ---
"""Pipeline reference for scband-gineattention-layer-56221121904770 (READ-ONLY COPY).

The authoritative reference and input builder live on the scoring server;
editing this copy changes nothing except your own understanding.
"""

import jax, jax.numpy as jnp
import numpy as np

B, N, E, D, H = 2, 10000, 160000, 128, 4

def setup_inputs(seed: int = 0):
    key = jax.random.key(seed)
    ks = jax.random.split(key, 12)
    h = jax.random.normal(ks[0], (B, N, D), dtype=jnp.float32)
    edge_index = jax.random.randint(ks[1], (B, 2, E), 0, N, dtype=jnp.int64)
    edge_attr = jax.random.normal(ks[2], (B, E, D), dtype=jnp.float32)
    eps = jnp.zeros((1,), dtype=jnp.float32)
    W_attn = jax.random.normal(ks[3], (D, 3 * D), dtype=jnp.float32) * (1.0 / np.sqrt(3 * D))
    a = jax.random.normal(ks[4], (H, D // H), dtype=jnp.float32) * 0.25
    W1 = jax.random.normal(ks[5], (D, D), dtype=jnp.float32) * (1.0 / np.sqrt(D))
    b1 = jnp.zeros((D,), dtype=jnp.float32)
    g1 = jnp.ones((D,), dtype=jnp.float32)
    bt1 = jnp.zeros((D,), dtype=jnp.float32)
    W2 = jax.random.normal(ks[6], (D, D), dtype=jnp.float32) * (1.0 / np.sqrt(D))
    b2 = jnp.zeros((D,), dtype=jnp.float32)
    g2 = jnp.ones((D,), dtype=jnp.float32)
    bt2 = jnp.zeros((D,), dtype=jnp.float32)
    return {"h": h, "edge_index": edge_index, "edge_attr": edge_attr, "eps": eps, "W_attn": W_attn, "a": a, "W1": W1, "b1": b1, "g1": g1, "bt1": bt1, "W2": W2, "b2": b2, "g2": g2, "bt2": bt2}

def _bn(x, g, b):
    m = x.mean(axis=0)
    v = x.var(axis=0)
    return (x - m) / jnp.sqrt(v + 1e-5) * g + b

def reference(h, edge_index, edge_attr, eps, W_attn, a, W1, b1, g1, bt1, W2, b2, g2, bt2):
    Bs, Ns, Ds = h.shape
    Es = edge_index.shape[2]
    Hh = a.shape[0]
    hd = Ds // Hh
    src = edge_index[:, 0, :]
    dst = edge_index[:, 1, :]
    h_src = jnp.take_along_axis(h, src[:, :, None], axis=1)
    h_dst = jnp.take_along_axis(h, dst[:, :, None], axis=1)
    messages = jax.nn.relu(h_src + edge_attr)
    attn_input = jnp.concatenate([h_dst, h_src, edge_attr], axis=-1)
    attn_proj = attn_input @ W_attn.T
    attn_proj = attn_proj.reshape(Bs, Es, Hh, hd)
    attn_proj = jax.nn.leaky_relu(attn_proj, negative_slope=0.2)
    e = (attn_proj * a[None, None, :, :]).sum(axis=-1)
    b_idx = jnp.broadcast_to(jnp.arange(Bs)[:, None], (Bs, Es))
    neg = jnp.full((Bs, Ns, Hh), -jnp.inf, dtype=e.dtype)
    neg = neg.at[b_idx, dst].max(e)
    e_max = jax.lax.stop_gradient(neg[b_idx, dst])
    exp_e = jnp.exp(e - e_max)
    sum_exp = jnp.zeros((Bs, Ns, Hh), dtype=e.dtype).at[b_idx, dst].add(exp_e)
    sum_exp = jnp.clip(sum_exp, 1e-8, None)
    alpha = exp_e / sum_exp[b_idx, dst]
    alpha_mean = alpha.mean(axis=-1)
    messages = messages * alpha_mean[:, :, None]
    agg = jnp.zeros_like(h).at[b_idx, dst].add(messages)
    h_new = (1.0 + eps) * h + agg
    x = h_new.reshape(-1, Ds)
    x = x @ W1.T + b1
    x = _bn(x, g1, bt1)
    x = jax.nn.relu(x)
    x = x @ W2.T + b2
    x = _bn(x, g2, bt2)
    return x.reshape(Bs, Ns, Ds)

if __name__ == "__main__":
    import jax
    _d = setup_inputs()
    print(jax.jit(kernel)(*tuple(_d.values())))

</pallas_src>

<mosaic_0001>
#map = affine_map<(d0, d1) -> (0, 0)>
#map1 = affine_map<(d0, d1) -> (0)>
module attributes {stable_mosaic.version = 14 : i64} {
  func.func @gk(%arg0: i32, %arg1: i32, %arg2: memref<20000x128xf32, #tpu.memory_space<hbm>>, %arg3: memref<20000x128xf32, #tpu.memory_space<hbm>>, %arg4: memref<20000x128xf32, #tpu.memory_space<hbm>>, %arg5: memref<320000xi32, #tpu.memory_space<hbm>>, %arg6: memref<320000xi32, #tpu.memory_space<hbm>>, %arg7: memref<320000x128xf32, #tpu.memory_space<hbm>>, %arg8: memref<320000x128xf32, #tpu.memory_space<hbm>>, %arg9: memref<128xi32, #tpu.memory_space<vmem>>, %arg10: memref<128xi32, #tpu.memory_space<vmem>>, %arg11: memref<128x128xf32, #tpu.memory_space<vmem>>, %arg12: memref<128x128xf32, #tpu.memory_space<vmem>>, %arg13: memref<128x128xf32, #tpu.memory_space<vmem>>, %arg14: memref<!tpu.dma_semaphore, #tpu.memory_space<semaphore_mem>>, %arg15: memref<!tpu.dma_semaphore, #tpu.memory_space<semaphore_mem>>, %arg16: memref<!tpu.dma_semaphore, #tpu.memory_space<semaphore_mem>>, %arg17: memref<!tpu.dma_semaphore, #tpu.memory_space<semaphore_mem>>, %arg18: memref<!tpu.dma_semaphore, #tpu.memory_space<semaphore_mem>>) attributes {dimension_semantics = [#tpu.dimension_semantics<core_parallel>, #tpu.dimension_semantics<subcore_parallel>], iteration_bounds = array<i64: 2, 16>, scalar_prefetch = 0 : i64, scratch_operands = 10 : i64, tpu.core_type = #tpu.core_type<sc_vector_subcore>, window_params = [{transform_indices = #map}, {transform_indices = #map}, {transform_indices = #map}, {transform_indices = #map1}, {transform_indices = #map1}, {transform_indices = #map}, {transform_indices = #map}]} {
    %mul3A = arith.constant 2 : i32
    %mul3A_0 = arith.muli %arg1, %mul3A : i32
    %add3A = arith.addi %mul3A_0, %arg0 : i32
    %scan3A = arith.constant 0 : i32
    %scan3A_1 = arith.constant 0 : i32
    %scan3A_2 = arith.constant 79 : i32
    %scan3A_3 = arith.addi %scan3A_1, %scan3A_2 : i32
    %scan3A_4 = arith.constant 1 : i32
    %scan3A_5 = scf.for %scan3A_7 = %scan3A_1 to %scan3A_3 step %scan3A_4 iter_args(%scan3A_8 = %scan3A) -> (i32)  : i32 {
      %mul3A_9 = arith.constant 79 : i32
      %mul3A_10 = arith.muli %add3A, %mul3A_9 : i32
      %add3A_11 = arith.addi %mul3A_10, %scan3A_7 : i32
      %lt3A = arith.constant 2500 : i32
      %lt3A_12 = arith.cmpi slt, %add3A_11, %lt3A : i32
      %convert_element_type3A = arith.extui %lt3A_12 : i1 to i32
      %cond3A = arith.constant 0 : i32
      %cond3A_13 = arith.cmpi ne, %convert_element_type3A, %cond3A : i32
      scf.if %cond3A_13 {
        %mul3A_15 = arith.constant 128 : i32
        %mul3A_16 = arith.muli %add3A_11, %mul3A_15 : i32
        %dma_start3A = tpu.memref_slice %arg5[%mul3A_16] : memref<320000xi32, #tpu.memory_space<hbm>> -> memref<128xi32, #tpu.memory_space<hbm>>
        %dma_start3A_17 = tpu.memref_slice %arg5[%mul3A_16] : memref<320000xi32, #tpu.memory_space<hbm>> -> memref<128xi32, #tpu.memory_space<hbm>>
        tpu.enqueue_dma source(%dma_start3A_17 : memref<128xi32, #tpu.memory_space<hbm>>) target(%arg9 : memref<128xi32, #tpu.memory_space<vmem>>) target_semaphore(%arg17 : memref<!tpu.dma_semaphore, #tpu.memory_space<semaphore_mem>>)
        %dma_start3A_18 = tpu.memref_slice %arg6[%mul3A_16] : memref<320000xi32, #tpu.memory_space<hbm>> -> memref<128xi32, #tpu.memory_space<hbm>>
        %dma_start3A_19 = tpu.memref_slice %arg6[%mul3A_16] : memref<320000xi32, #tpu.memory_space<hbm>> -> memref<128xi32, #tpu.memory_space<hbm>>
        tpu.enqueue_dma source(%dma_start3A_19 : memref<128xi32, #tpu.memory_space<hbm>>) target(%arg10 : memref<128xi32, #tpu.memory_space<vmem>>) target_semaphore(%arg18 : memref<!tpu.dma_semaphore, #tpu.memory_space<semaphore_mem>>)
        %dma_wait3A = tpu.memref_slice %arg5[%mul3A_16] : memref<320000xi32, #tpu.memory_space<hbm>> -> memref<128xi32, #tpu.memory_space<hbm>>
        %dma_wait3A_20 = tpu.memref_slice %arg5[%mul3A_16] : memref<320000xi32, #tpu.memory_space<hbm>> -> memref<128xi32, #tpu.memory_space<hbm>>
        tpu.wait_dma2 semaphore(%arg17 : memref<!tpu.dma_semaphore, #tpu.memory_space<semaphore_mem>>) src(%dma_wait3A_20 : memref<128xi32, #tpu.memory_space<hbm>>) dst(%arg9 : memref<128xi32, #tpu.memory_space<vmem>>)
        %dma_start3A_21 = arith.constant 0 : i32
        %dma_start3A_22 = arith.constant 0 : i32
        %dma_start3A_23 = tpu.memref_slice %arg2[%dma_start3A_21, %dma_start3A_22] : memref<20000x128xf32, #tpu.memory_space<hbm>> -> memref<20000x128xf32, #tpu.memory_space<hbm>>
        tpu.enqueue_indirect_dma source(%dma_start3A_23 : memref<20000x128xf32, #tpu.memory_space<hbm>>) target(%arg11 : memref<128x128xf32, #tpu.memory_space<vmem>>) offsets(%arg9 : memref<128xi32, #tpu.memory_space<vmem>>) semaphore(%arg14 : memref<!tpu.dma_semaphore, #tpu.memory_space<semaphore_mem>>)
        %dma_wait3A_24 = tpu.memref_slice %arg6[%mul3A_16] : memref<320000xi32, #tpu.memory_space<hbm>> -> memref<128xi32, #tpu.memory_space<hbm>>
        %dma_wait3A_25 = tpu.memref_slice %arg6[%mul3A_16] : memref<320000xi32, #tpu.memory_space<hbm>> -> memref<128xi32, #tpu.memory_space<hbm>>
        tpu.wait_dma2 semaphore(%arg18 : memref<!tpu.dma_semaphore, #tpu.memory_space<semaphore_mem>>) src(%dma_wait3A_25 : memref<128xi32, #tpu.memory_space<hbm>>) dst(%arg10 : memref<128xi32, #tpu.memory_space<vmem>>)
        %dma_start3A_26 = arith.constant 0 : i32
        %dma_start3A_27 = arith.constant 0 : i32
        %dma_start3A_28 = tpu.memref_slice %arg3[%dma_start3A_26, %dma_start3A_27] : memref<20000x128xf32, #tpu.memory_space<hbm>> -> memref<20000x128xf32, #tpu.memory_space<hbm>>
        tpu.enqueue_indirect_dma source(%dma_start3A_28 : memref<20000x128xf32, #tpu.memory_space<hbm>>) target(%arg12 : memref<128x128xf32, #tpu.memory_space<vmem>>) offsets(%arg10 : memref<128xi32, #tpu.memory_space<vmem>>) semaphore(%arg15 : memref<!tpu.dma_semaphore, #tpu.memory_space<semaphore_mem>>)
        %dma_start3A_29 = arith.constant 0 : i32
        %dma_start3A_30 = arith.constant 0 : i32
        %dma_start3A_31 = tpu.memref_slice %arg4[%dma_start3A_29, %dma_start3A_30] : memref<20000x128xf32, #tpu.memory_space<hbm>> -> memref<20000x128xf32, #tpu.memory_space<hbm>>
        tpu.enqueue_indirect_dma source(%dma_start3A_31 : memref<20000x128xf32, #tpu.memory_space<hbm>>) target(%arg13 : memref<128x128xf32, #tpu.memory_space<vmem>>) offsets(%arg10 : memref<128xi32, #tpu.memory_space<vmem>>) semaphore(%arg16 : memref<!tpu.dma_semaphore, #tpu.memory_space<semaphore_mem>>)
        %dma_wait3A_32 = arith.constant 0 : i32
        %dma_wait3A_33 = arith.constant 0 : i32
        %dma_wait3A_34 = tpu.memref_slice %arg2[%dma_wait3A_32, %dma_wait3A_33] : memref<20000x128xf32, #tpu.memory_space<hbm>> -> memref<20000x128xf32, #tpu.memory_space<hbm>>
        tpu.wait_indirect_dma semaphore(%arg14 : memref<!tpu.dma_semaphore, #tpu.memory_space<semaphore_mem>>) src(%dma_wait3A_34 : memref<20000x128xf32, #tpu.memory_space<hbm>>) dst(%arg11 : memref<128x128xf32, #tpu.memory_space<vmem>>)
        %dma_wait3A_35 = arith.constant 0 : i32
        %dma_wait3A_36 = arith.constant 0 : i32
        %dma_wait3A_37 = tpu.memref_slice %arg3[%dma_wait3A_35, %dma_wait3A_36] : memref<20000x128xf32, #tpu.memory_space<hbm>> -> memref<20000x128xf32, #tpu.memory_space<hbm>>
        tpu.wait_indirect_dma semaphore(%arg15 : memref<!tpu.dma_semaphore, #tpu.memory_space<semaphore_mem>>) src(%dma_wait3A_37 : memref<20000x128xf32, #tpu.memory_space<hbm>>) dst(%arg12 : memref<128x128xf32, #tpu.memory_space<vmem>>)
        %scan3A_38 = arith.constant 0 : i32
        %scan3A_39 = arith.constant 0 : i32
        %scan3A_40 = arith.constant 128 : i32
        %scan3A_41 = arith.addi %scan3A_39, %scan3A_40 : i32
        %scan3A_42 = arith.constant 1 : i32
        %scan3A_43 = scf.for %scan3A_64 = %scan3A_39 to %scan3A_41 step %scan3A_42 iter_args(%scan3A_65 = %scan3A_38) -> (i32)  : i32 {
          %get3A = arith.index_cast %scan3A_64 : i32 to index
          %get3A_66 = arith.constant 0 : index
          %get3A_67 = tpu.vector_load %arg11[%get3A, %get3A_66] {strides = array<i32>} : memref<128x128xf32, #tpu.memory_space<vmem>>, vector<1x16xf32>,
          %get3A_68 = vector.shape_cast %get3A_67 : vector<1x16xf32> to vector<16xf32>
          %get3A_69 = arith.index_cast %scan3A_64 : i32 to index
          %get3A_70 = arith.constant 0 : index
          %get3A_71 = tpu.vector_load %arg12[%get3A_69, %get3A_70] {strides = array<i32>} : memref<128x128xf32, #tpu.memory_space<vmem>>, vector<1x16xf32>,
          %get3A_72 = vector.shape_cast %get3A_71 : vector<1x16xf32> to vector<16xf32>
          %add3A_73 = arith.addf %get3A_68, %get3A_72 : vector<16xf32>
          %swap3A = arith.index_cast %scan3A_64 : i32 to index
          %swap3A_74 = arith.constant 0 : index
          %swap3A_75 = tpu.vector_load %arg11[%swap3A, %swap3A_74] {strides = array<i32>} : memref<128x128xf32, #tpu.memory_space<vmem>>, vector<1x16xf32>,
          %swap3A_76 = vector.shape_cast %swap3A_75 : vector<1x16xf32> to vector<16xf32>
          %swap3A_77 = vector.shape_cast %add3A_73 : vector<16xf32> to vector<1x16xf32>
          tpu.vector_store %arg11[%swap3A, %swap3A_74], %swap3A_77 {strides = array<i32>} : memref<128x128xf32, #tpu.memory_space<vmem>>, vector<1x16xf32>,
          %get3A_78 = arith.index_cast %scan3A_64 : i32 to index
          %get3A_79 = arith.constant 16 : index
          %get3A_80 = tpu.vector_load %arg11[%get3A_78, %get3A_79] {strides = array<i32>} : memref<128x128xf32, #tpu.memory_space<vmem>>, vector<1x16xf32>,
          %get3A_81 = vector.shape_cast %get3A_80 : vector<1x16xf32> to vector<16xf32>
          %get3A_82 = arith.index_cast %scan3A_64 : i32 to index
          %get3A_83 = arith.constant 16 : index
          %get3A_84 = tpu.vector_load %arg12[%get3A_82, %get3A_83] {strides = array<i32>} : memref<128x128xf32, #tpu.memory_space<vmem>>, vector<1x16xf32>,
          %get3A_85 = vector.shape_cast %get3A_84 : vector<1x16xf32> to vector<16xf32>
          %add3A_86 = arith.addf %get3A_81, %get3A_85 : vector<16xf32>
          %swap3A_87 = arith.index_cast %scan3A_64 : i32 to index
          %swap3A_88 = arith.constant 16 : index
          %swap3A_89 = tpu.vector_load %arg11[%swap3A_87, %swap3A_88] {strides = array<i32>} : memref<128x128xf32, #tpu.memory_space<vmem>>, vector<1x16xf32>,
          %swap3A_90 = vector.shape_cast %swap3A_89 : vector<1x16xf32> to vector<16xf32>
          %swap3A_91 = vector.shape_cast %add3A_86 : vector<16xf32> to vector<1x16xf32>
          tpu.vector_store %arg11[%swap3A_87, %swap3A_88], %swap3A_91 {strides = array<i32>} : memref<128x128xf32, #tpu.memory_space<vmem>>, vector<1x16xf32>,
          %get3A_92 = arith.index_cast %scan3A_64 : i32 to index
          %get3A_93 = arith.constant 32 : index
          %get3A_94 = tpu.vector_load %arg11[%get3A_92, %get3A_93] {strides = array<i32>} : memref<128x128xf32, #tpu.memory_space<vmem>>, vector<1x16xf32>,
          %get3A_95 = vector.shape_cast %get3A_94 : vector<1x16xf32> to vector<16xf32>
          %get3A_96 = arith.index_cast %scan3A_64 : i32 to index
          %get3A_97 = arith.constant 32 : index
          %get3A_98 = tpu.vector_load %arg12[%get3A_96, %get3A_97] {strides = array<i32>} : memref<128x128xf32, #tpu.memory_space<vmem>>, vector<1x16xf32>,
          %get3A_99 = vector.shape_cast %get3A_98 : vector<1x16xf32> to vector<16xf32>
          %add3A_100 = arith.addf %get3A_95, %get3A_99 : vector<16xf32>
          %swap3A_101 = arith.index_cast %scan3A_64 : i32 to index
          %swap3A_102 = arith.constant 32 : index
          %swap3A_103 = tpu.vector_load %arg11[%swap3A_101, %swap3A_102] {strides = array<i32>} : memref<128x128xf32, #tpu.memory_space<vmem>>, vector<1x16xf32>,
          %swap3A_104 = vector.shape_cast %swap3A_103 : vector<1x16xf32> to vector<16xf32>
          %swap3A_105 = vector.shape_cast %add3A_100 : vector<16xf32> to vector<1x16xf32>
          tpu.vector_store %arg11[%swap3A_101, %swap3A_102], %swap3A_105 {strides = array<i32>} : memref<128x128xf32, #tpu.memory_space<vmem>>, vector<1x16xf32>,
          %get3A_106 = arith.index_cast %scan3A_64 : i32 to index
          %get3A_107 = arith.constant 48 : index
          %get3A_108 = tpu.vector_load %arg11[%get3A_106, %get3A_107] {strides = array<i32>} : memref<128x128xf32, #tpu.memory_space<vmem>>, vector<1x16xf32>,
          %get3A_109 = vector.shape_cast %get3A_108 : vector<1x16xf32> to vector<16xf32>
          %get3A_110 = arith.index_cast %scan3A_64 : i32 to index
          %get3A_111 = arith.constant 48 : index
          %get3A_112 = tpu.vector_load %arg12[%get3A_110, %get3A_111] {strides = array<i32>} : memref<128x128xf32, #tpu.memory_space<vmem>>, vector<1x16xf32>,
          %get3A_113 = vector.shape_cast %get3A_112 : vector<1x16xf32> to vector<16xf32>
          %add3A_114 = arith.addf %get3A_109, %get3A_113 : vector<16xf32>
          %swap3A_115 = arith.index_cast %scan3A_64 : i32 to index
          %swap3A_116 = arith.constant 48 : index
          %swap3A_117 = tpu.vector_load %arg11[%swap3A_115, %swap3A_116] {strides = array<i32>} : memref<128x128xf32, #tpu.memory_space<vmem>>, vector<1x16xf32>,
          %swap3A_118 = vector.shape_cast %swap3A_117 : vector<1x16xf32> to vector<16xf32>
          %swap3A_119 = vector.shape_cast %add3A_114 : vector<16xf32> to vector<1x16xf32>
          tpu.vector_store %arg11[%swap3A_115, %swap3A_116], %swap3A_119 {strides = array<i32>} : memref<128x128xf32, #tpu.memory_space<vmem>>, vector<1x16xf32>,
          %get3A_120 = arith.index_cast %scan3A_64 : i32 to index
          %get3A_121 = arith.constant 64 : index
          %get3A_122 = tpu.vector_load %arg11[%get3A_120, %get3A_121] {strides = array<i32>} : memref<128x128xf32, #tpu.memory_space<vmem>>, vector<1x16xf32>,
          %get3A_123 = vector.shape_cast %get3A_122 : vector<1x16xf32> to vector<16xf32>
          %get3A_124 = arith.index_cast %scan3A_64 : i32 to index
          %get3A_125 = arith.constant 64 : index
          %get3A_126 = tpu.vector_load %arg12[%get3A_124, %get3A_125] {strides = array<i32>} : memref<128x128xf32, #tpu.memory_space<vmem>>, vector<1x16xf32>,
          %get3A_127 = vector.shape_cast %get3A_126 : vector<1x16xf32> to vector<16xf32>
          %add3A_128 = arith.addf %get3A_123, %get3A_127 : vector<16xf32>
          %swap3A_129 = arith.index_cast %scan3A_64 : i32 to index
          %swap3A_130 = arith.constant 64 : index
          %swap3A_131 = tpu.vector_load %arg11[%swap3A_129, %swap3A_130] {strides = array<i32>} : memref<128x128xf32, #tpu.memory_space<vmem>>, vector<1x16xf32>,
          %swap3A_132 = vector.shape_cast %swap3A_131 : vector<1x16xf32> to vector<16xf32>
          %swap3A_133 = vector.shape_cast %add3A_128 : vector<16xf32> to vector<1x16xf32>
          tpu.vector_store %arg11[%swap3A_129, %swap3A_130], %swap3A_133 {strides = array<i32>} : memref<128x128xf32, #tpu.memory_space<vmem>>, vector<1x16xf32>,
          %get3A_134 = arith.index_cast %scan3A_64 : i32 to index
          %get3A_135 = arith.constant 80 : index
          %get3A_136 = tpu.vector_load %arg11[%get3A_134, %get3A_135] {strides = array<i32>} : memref<128x128xf32, #tpu.memory_space<vmem>>, vector<1x16xf32>,
          %get3A_137 = vector.shape_cast %get3A_136 : vector<1x16xf32> to vector<16xf32>
          %get3A_138 = arith.index_cast %scan3A_64 : i32 to index
          %get3A_139 = arith.constant 80 : index
          %get3A_140 = tpu.vector_load %arg12[%get3A_138, %get3A_139] {strides = array<i32>} : memref<128x128xf32, #tpu.memory_space<vmem>>, vector<1x16xf32>,
          %get3A_141 = vector.shape_cast %get3A_140 : vector<1x16xf32> to vector<16xf32>
          %add3A_142 = arith.addf %get3A_137, %get3A_141 : vector<16xf32>
          %swap3A_143 = arith.index_cast %scan3A_64 : i32 to index
          %swap3A_144 = arith.constant 80 : index
          %swap3A_145 = tpu.vector_load %arg11[%swap3A_143, %swap3A_144] {strides = array<i32>} : memref<128x128xf32, #tpu.memory_space<vmem>>, vector<1x16xf32>,
          %swap3A_146 = vector.shape_cast %swap3A_145 : vector<1x16xf32> to vector<16xf32>
          %swap3A_147 = vector.shape_cast %add3A_142 : vector<16xf32> to vector<1x16xf32>
          tpu.vector_store %arg11[%swap3A_143, %swap3A_144], %swap3A_147 {strides = array<i32>} : memref<128x128xf32, #tpu.memory_space<vmem>>, vector<1x16xf32>,
          %get3A_148 = arith.index_cast %scan3A_64 : i32 to index
          %get3A_149 = arith.constant 96 : index
          %get3A_150 = tpu.vector_load %arg11[%get3A_148, %get3A_149] {strides = array<i32>} : memref<128x128xf32, #tpu.memory_space<vmem>>, vector<1x16xf32>,
          %get3A_151 = vector.shape_cast %get3A_150 : vector<1x16xf32> to vector<16xf32>
          %get3A_152 = arith.index_cast %scan3A_64 : i32 to index
          %get3A_153 = arith.constant 96 : index
          %get3A_154 = tpu.vector_load %arg12[%get3A_152, %get3A_153] {strides = array<i32>} : memref<128x128xf32, #tpu.memory_space<vmem>>, vector<1x16xf32>,
          %get3A_155 = vector.shape_cast %get3A_154 : vector<1x16xf32> to vector<16xf32>
          %add3A_156 = arith.addf %get3A_151, %get3A_155 : vector<16xf32>
          %swap3A_157 = arith.index_cast %scan3A_64 : i32 to index
          %swap3A_158 = arith.constant 96 : index
          %swap3A_159 = tpu.vector_load %arg11[%swap3A_157, %swap3A_158] {strides = array<i32>} : memref<128x128xf32, #tpu.memory_space<vmem>>, vector<1x16xf32>,
          %swap3A_160 = vector.shape_cast %swap3A_159 : vector<1x16xf32> to vector<16xf32>
          %swap3A_161 = vector.shape_cast %add3A_156 : vector<16xf32> to vector<1x16xf32>
          tpu.vector_store %arg11[%swap3A_157, %swap3A_158], %swap3A_161 {strides = array<i32>} : memref<128x128xf32, #tpu.memory_space<vmem>>, vector<1x16xf32>,
          %get3A_162 = arith.index_cast %scan3A_64 : i32 to index
          %get3A_163 = arith.constant 112 : index
          %get3A_164 = tpu.vector_load %arg11[%get3A_162, %get3A_163] {strides = array<i32>} : memref<128x128xf32, #tpu.memory_space<vmem>>, vector<1x16xf32>,
          %get3A_165 = vector.shape_cast %get3A_164 : vector<1x16xf32> to vector<16xf32>
          %get3A_166 = arith.index_cast %scan3A_64 : i32 to index
          %get3A_167 = arith.constant 112 : index
          %get3A_168 = tpu.vector_load %arg12[%get3A_166, %get3A_167] {strides = array<i32>} : memref<128x128xf32, #tpu.memory_space<vmem>>, vector<1x16xf32>,
          %get3A_169 = vector.shape_cast %get3A_168 : vector<1x16xf32> to vector<16xf32>
          %add3A_170 = arith.addf %get3A_165, %get3A_169 : vector<16xf32>
          %swap3A_171 = arith.index_cast %scan3A_64 : i32 to index
          %swap3A_172 = arith.constant 112 : index
          %swap3A_173 = tpu.vector_load %arg11[%swap3A_171, %swap3A_172] {strides = array<i32>} : memref<128x128xf32, #tpu.memory_space<vmem>>, vector<1x16xf32>,
          %swap3A_174 = vector.shape_cast %swap3A_173 : vector<1x16xf32> to vector<16xf32>
          %swap3A_175 = vector.shape_cast %add3A_170 : vector<16xf32> to vector<1x16xf32>
          tpu.vector_store %arg11[%swap3A_171, %swap3A_172], %swap3A_175 {strides = array<i32>} : memref<128x128xf32, #tpu.memory_space<vmem>>, vector<1x16xf32>,
          %scan3A_176 = arith.constant 0 : i32
          scf.yield %scan3A_176 : i32
        }
        %scan3A_44 = arith.constant 128 : i32
        %dma_start3A_45 = arith.constant 0 : i32
        %dma_start3A_46 = tpu.memref_slice %arg7[%mul3A_16, %dma_start3A_45] : memref<320000x128xf32, #tpu.memory_space<hbm>> -> memref<128x128xf32, #tpu.memory_space<hbm>>
        %dma_start3A_47 = arith.constant 0 : i32
        %dma_start3A_48 = tpu.memref_slice %arg7[%mul3A_16, %dma_start3A_47] : memref<320000x128xf32, #tpu.memory_space<hbm>> -> memref<128x128xf32, #tpu.memory_space<hbm>>
        tpu.enqueue_dma source(%arg11 : memref<128x128xf32, #tpu.memory_space<vmem>>) target(%dma_start3A_48 : memref<128x128xf32, #tpu.memory_space<hbm>>) target_semaphore(%arg17 : memref<!tpu.dma_semaphore, #tpu.memory_space<semaphore_mem>>)
        %dma_wait3A_49 = arith.constant 0 : i32
        %dma_wait3A_50 = arith.constant 0 : i32
        %dma_wait3A_51 = tpu.memref_slice %arg4[%dma_wait3A_49, %dma_wait3A_50] : memref<20000x128xf32, #tpu.memory_space<hbm>> -> memref<20000x128xf32, #tpu.memory_space<hbm>>
        tpu.wait_indirect_dma semaphore(%arg16 : memref<!tpu.dma_semaphore, #tpu.memory_space<semaphore_mem>>) src(%dma_wait3A_51 : memref<20000x128xf32, #tpu.memory_space<hbm>>) dst(%arg13 : memref<128x128xf32, #tpu.memory_space<vmem>>)
        %dma_start3A_52 = arith.constant 0 : i32
        %dma_start3A_53 = tpu.memref_slice %arg8[%mul3A_16, %dma_start3A_52] : memref<320000x128xf32, #tpu.memory_space<hbm>> -> memref<128x128xf32, #tpu.memory_space<hbm>>
        %dma_start3A_54 = arith.constant 0 : i32
        %dma_start3A_55 = tpu.memref_slice %arg8[%mul3A_16, %dma_start3A_54] : memref<320000x128xf32, #tpu.memory_space<hbm>> -> memref<128x128xf32, #tpu.memory_space<hbm>>
        tpu.enqueue_dma source(%arg13 : memref<128x128xf32, #tpu.memory_space<vmem>>) target(%dma_start3A_55 : memref<128x128xf32, #tpu.memory_space<hbm>>) target_semaphore(%arg18 : memref<!tpu.dma_semaphore, #tpu.memory_space<semaphore_mem>>)
        %dma_wait3A_56 = arith.constant 0 : i32
        %dma_wait3A_57 = tpu.memref_slice %arg7[%mul3A_16, %dma_wait3A_56] : memref<320000x128xf32, #tpu.memory_space<hbm>> -> memref<128x128xf32, #tpu.memory_space<hbm>>
        %dma_wait3A_58 = arith.constant 0 : i32
        %dma_wait3A_59 = tpu.memref_slice %arg7[%mul3A_16, %dma_wait3A_58] : memref<320000x128xf32, #tpu.memory_space<hbm>> -> memref<128x128xf32, #tpu.memory_space<hbm>>
        tpu.wait_dma2 semaphore(%arg17 : memref<!tpu.dma_semaphore, #tpu.memory_space<semaphore_mem>>) src(%arg11 : memref<128x128xf32, #tpu.memory_space<vmem>>) dst(%dma_wait3A_59 : memref<128x128xf32, #tpu.memory_space<hbm>>)
        %dma_wait3A_60 = arith.constant 0 : i32
        %dma_wait3A_61 = tpu.memref_slice %arg8[%mul3A_16, %dma_wait3A_60] : memref<320000x128xf32, #tpu.memory_space<hbm>> -> memref<128x128xf32, #tpu.memory_space<hbm>>
        %dma_wait3A_62 = arith.constant 0 : i32
        %dma_wait3A_63 = tpu.memref_slice %arg8[%mul3A_16, %dma_wait3A_62] : memref<320000x128xf32, #tpu.memory_space<hbm>> -> memref<128x128xf32, #tpu.memory_space<hbm>>
        tpu.wait_dma2 semaphore(%arg18 : memref<!tpu.dma_semaphore, #tpu.memory_space<semaphore_mem>>) src(%arg13 : memref<128x128xf32, #tpu.memory_space<vmem>>) dst(%dma_wait3A_63 : memref<128x128xf32, #tpu.memory_space<hbm>>)
      } else {
      }
      %scan3A_14 = arith.constant 0 : i32
      scf.yield %scan3A_14 : i32
    }
    %scan3A_6 = arith.constant 79 : i32
    return
  }
}

#map = affine_map<(d0, d1) -> (0)>
#map1 = affine_map<(d0, d1) -> (0, 0)>
module attributes {stable_mosaic.version = 14 : i64} {
  func.func @sk(%arg0: i32, %arg1: i32, %arg2: memref<2560000xf32, #tpu.memory_space<hbm>>, %arg3: memref<320000x128xf32, #tpu.memory_space<hbm>>, %arg4: memref<320000xi32, #tpu.memory_space<hbm>>, %arg5: memref<20480x128xf32, #tpu.memory_space<hbm>>, %arg6: memref<128xi32, #tpu.memory_space<vmem>>, %arg7: memref<128xi32, #tpu.memory_space<vmem>>, %arg8: memref<128xf32, #tpu.memory_space<vmem>>, %arg9: memref<128xf32, #tpu.memory_space<vmem>>, %arg10: memref<128xf32, #tpu.memory_space<vmem>>, %arg11: memref<128xf32, #tpu.memory_space<vmem>>, %arg12: memref<128xf32, #tpu.memory_space<vmem>>, %arg13: memref<128xf32, #tpu.memory_space<vmem>>, %arg14: memref<128xf32, #tpu.memory_space<vmem>>, %arg15: memref<128xf32, #tpu.memory_space<vmem>>, %arg16: memref<128xf32, #tpu.memory_space<vmem>>, %arg17: memref<128xf32, #tpu.memory_space<vmem>>, %arg18: memref<128xf32, #tpu.memory_space<vmem>>, %arg19: memref<128xf32, #tpu.memory_space<vmem>>, %arg20: memref<128xf32, #tpu.memory_space<vmem>>, %arg21: memref<128xf32, #tpu.memory_space<vmem>>, %arg22: memref<128xf32, #tpu.memory_space<vmem>>, %arg23: memref<128xf32, #tpu.memory_space<vmem>>, %arg24: memref<128xf32, #tpu.memory_space<vmem>>, %arg25: memref<128xf32, #tpu.memory_space<vmem>>, %arg26: memref<128x128xf32, #tpu.memory_space<vmem>>, %arg27: memref<128x128xf32, #tpu.memory_space<vmem>>, %arg28: memref<128xi32, #tpu.memory_space<vmem>>, %arg29: memref<128xi32, #tpu.memory_space<vmem>>, %arg30: memref<128xi32, #tpu.memory_space<vmem>>, %arg31: memref<128xi32, #tpu.memory_space<vmem>>, %arg32: memref<128xi32, #tpu.memory_space<vmem>>, %arg33: memref<128xi32, #tpu.memory_space<vmem>>, %arg34: memref<128xi32, #tpu.memory_space<vmem>>, %arg35: memref<128xi32, #tpu.memory_space<vmem>>, %arg36: memref<128xi32, #tpu.memory_space<vmem>>, %arg37: memref<128xi32, #tpu.memory_space<vmem>>, %arg38: memref<640xf32, #tpu.memory_space<vmem>>, %arg39: memref<640xf32, #tpu.memory_space<vmem>>, %arg40: memref<640xf32, #tpu.memory_space<vmem>>, %arg41: memref<640xf32, #tpu.memory_space<vmem>>, %arg42: memref<640xf32, #tpu.memory_space<vmem>>, %arg43: memref<640xf32, #tpu.memory_space<vmem>>, %arg44: memref<640xf32, #tpu.memory_space<vmem>>, %arg45: memref<640xf32, #tpu.memory_space<vmem>>, %arg46: memref<640xf32, #tpu.memory_space<vmem>>, %arg47: memref<10240xf32, #tpu.memory_space<vmem_shared>>, %arg48: memref<10240xf32, #tpu.memory_space<vmem_shared>>, %arg49: memref<10240xf32, #tpu.memory_space<vmem_shared>>, %arg50: memref<10240xf32, #tpu.memory_space<vmem_shared>>, %arg51: memref<10240x128xf32, #tpu.memory_space<vmem_shared>>, %arg52: memref<!tpu.dma_semaphore, #tpu.memory_space<semaphore_mem>>, %arg53: memref<!tpu.dma_semaphore, #tpu.memory_space<semaphore_mem>>, %arg54: memref<!tpu.dma_semaphore, #tpu.memory_space<semaphore_mem>>, %arg55: memref<!tpu.dma_semaphore, #tpu.memory_space<semaphore_mem>>, %arg56: memref<!tpu.dma_semaphore, #tpu.memory_space<semaphore_mem>>, %arg57: memref<!tpu.dma_semaphore, #tpu.memory_space<semaphore_mem>>, %arg58: memref<!tpu.dma_semaphore, #tpu.memory_space<semaphore_mem>>, %arg59: memref<!tpu.dma_semaphore, #tpu.memory_space<semaphore_mem>>, %arg60: memref<!tpu.dma_semaphore, #tpu.memory_space<semaphore_mem>>, %arg61: memref<!tpu.dma_semaphore, #tpu.memory_space<semaphore_mem>>) attributes {dimension_semantics = [#tpu.dimension_semantics<core_parallel>, #tpu.dimension_semantics<subcore_parallel>], iteration_bounds = array<i64: 2, 16>, scalar_prefetch = 0 : i64, scratch_operands = 56 : i64, tpu.core_type = #tpu.core_type<sc_vector_subcore>, window_params = [{transform_indices = #map}, {transform_indices = #map1}, {transform_indices = #map}, {transform_indices = #map1}]} {
    %iota3A = tpu.iota {dimensions = array<i32: 0>} : vector<16xi32>
    %add3A = arith.constant 1 : i32
    %add3A_0 = arith.addi %arg1, %add3A : i32
    %mul3A = arith.constant 79 : i32
    %mul3A_1 = arith.muli %add3A_0, %mul3A : i32
    %min3A = arith.constant 1250 : i32
    %min3A_2 = arith.minsi %min3A, %mul3A_1 : i32
    %add3A_3 = arith.constant 1 : i32
    %add3A_4 = arith.addi %arg1, %add3A_3 : i32
    %mul3A_5 = arith.constant 16 : i32
    %mul3A_6 = arith.muli %add3A_4, %mul3A_5 : i32
    %min3A_7 = arith.constant 250 : i32
    %min3A_8 = arith.minsi %min3A_7, %mul3A_6 : i32
    %scan3A = arith.constant 0 : i32
    %scan3A_9 = arith.constant 0 : i32
    %scan3A_10 = arith.constant 40 : i32
    %scan3A_11 = arith.addi %scan3A_9, %scan3A_10 : i32
    %scan3A_12 = arith.constant 1 : i32
    %scan3A_13 = scf.for %scan3A_73 = %scan3A_9 to %scan3A_11 step %scan3A_12 iter_args(%scan3A_74 = %scan3A) -> (i32)  : i32 {
      %broadcast_in_dim3A = arith.constant 0.000000e+00 : f32
      %broadcast_in_dim3A_75 = vector.broadcast %broadcast_in_dim3A : f32 to vector<16xf32>
      %mul3A_76 = arith.constant 16 : i32
      %mul3A_77 = arith.muli %scan3A_73, %mul3A_76 : i32
      %swap3A = arith.index_cast %mul3A_77 : i32 to index
      %swap3A_78 = tpu.vector_load %arg46[%swap3A] {strides = array<i32>} : memref<640xf32, #tpu.memory_space<vmem>>, vector<16xf32>,
      tpu.vector_store %arg46[%swap3A], %broadcast_in_dim3A_75 {strides = array<i32>} : memref<640xf32, #tpu.memory_space<vmem>>, vector<16xf32>,
      %scan3A_79 = arith.constant 0 : i32
      scf.yield %scan3A_79 : i32
    }
    %scan3A_14 = arith.constant 40 : i32
    %scan3A_15 = arith.constant 0 : i32
    %scan3A_16 = arith.constant 0 : i32
    %scan3A_17 = arith.constant 128 : i32
    %scan3A_18 = arith.addi %scan3A_16, %scan3A_17 : i32
    %scan3A_19 = arith.constant 1 : i32
    %scan3A_20 = scf.for %scan3A_73 = %scan3A_16 to %scan3A_18 step %scan3A_19 iter_args(%scan3A_74 = %scan3A_15) -> (i32)  : i32 {
      %get3A = arith.constant 0 : index
      %get3A_75 = tpu.vector_load %arg46[%get3A] {strides = array<i32>} : memref<640xf32, #tpu.memory_space<vmem>>, vector<16xf32>,
      %broadcast_in_dim3A = vector.broadcast %scan3A_73 : i32 to vector<16xi32>
      %add3A_76 = arith.constant 0 : i32
      %add3A_77 = vector.broadcast %add3A_76 : i32 to vector<16xi32>
      %add3A_78 = arith.addi %iota3A, %add3A_77 : vector<16xi32>
      tpu.vector_store_idx %arg26[%broadcast_in_dim3A, %add3A_78], %get3A_75 : memref<128x128xf32, #tpu.memory_space<vmem>>[vector<16xi32>, vector<16xi32>], vector<16xf32>,
      %add3A_79 = arith.constant 16 : i32
      %add3A_80 = vector.broadcast %add3A_79 : i32 to vector<16xi32>
      %add3A_81 = arith.addi %iota3A, %add3A_80 : vector<16xi32>
      tpu.vector_store_idx %arg26[%broadcast_in_dim3A, %add3A_81], %get3A_75 : memref<128x128xf32, #tpu.memory_space<vmem>>[vector<16xi32>, vector<16xi32>], vector<16xf32>,
      %add3A_82 = arith.constant 32 : i32
      %add3A_83 = vector.broadcast %add3A_82 : i32 to vector<16xi32>
      %add3A_84 = arith.addi %iota3A, %add3A_83 : vector<16xi32>
      tpu.vector_store_idx %arg26[%broadcast_in_dim3A, %add3A_84], %get3A_75 : memref<128x128xf32, #tpu.memory_space<vmem>>[vector<16xi32>, vector<16xi32>], vector<16xf32>,
      %add3A_85 = arith.constant 48 : i32
      %add3A_86 = vector.broadcast %add3A_85 : i32 to vector<16xi32>
      %add3A_87 = arith.addi %iota3A, %add3A_86 : vector<16xi32>
      tpu.vector_store_idx %arg26[%broadcast_in_dim3A, %add3A_87], %get3A_75 : memref<128x128xf32, #tpu.memory_space<vmem>>[vector<16xi32>, vector<16xi32>], vector<16xf32>,
      %add3A_88 = arith.constant 64 : i32
      %add3A_89 = vector.broadcast %add3A_88 : i32 to vector<16xi32>
      %add3A_90 = arith.addi %iota3A, %add3A_89 : vector<16xi32>
      tpu.vector_store_idx %arg26[%broadcast_in_dim3A, %add3A_90], %get3A_75 : memref<128x128xf32, #tpu.memory_space<vmem>>[vector<16xi32>, vector<16xi32>], vector<16xf32>,
      %add3A_91 = arith.constant 80 : i32
      %add3A_92 = vector.broadcast %add3A_91 : i32 to vector<16xi32>
      %add3A_93 = arith.addi %iota3A, %add3A_92 : vector<16xi32>
      tpu.vector_store_idx %arg26[%broadcast_in_dim3A, %add3A_93], %get3A_75 : memref<128x128xf32, #tpu.memory_space<vmem>>[vector<16xi32>, vector<16xi32>], vector<16xf32>,
      %add3A_94 = arith.constant 96 : i32
      %add3A_95 = vector.broadcast %add3A_94 : i32 to vector<16xi32>
      %add3A_96 = arith.addi %iota3A, %add3A_95 : vector<16xi32>
      tpu.vector_store_idx %arg26[%broadcast_in_dim3A, %add3A_96], %get3A_75 : memref<128x128xf32, #tpu.memory_space<vmem>>[vector<16xi32>, vector<16xi32>], vector<16xf32>,
      %add3A_97 = arith.constant 112 : i32
      %add3A_98 = vector.broadcast %add3A_97 : i32 to vector<16xi32>
      %add3A_99 = arith.addi %iota3A, %add3A_98 : vector<16xi32>
      tpu.vector_store_idx %arg26[%broadcast_in_dim3A, %add3A_99], %get3A_75 : memref<128x128xf32, #tpu.memory_space<vmem>>[vector<16xi32>, vector<16xi32>], vector<16xf32>,
      %scan3A_100 = arith.constant 0 : i32
      scf.yield %scan3A_100 : i32
    }
    %scan3A_21 = arith.constant 128 : i32
    %mul3A_22 = arith.constant 640 : i32
    %mul3A_23 = arith.muli %arg1, %mul3A_22 : i32
    "tpu.region"() ({
      %run_scoped3A = tpu.sem_alloc : memref<!tpu.dma_semaphore, #tpu.memory_space<semaphore_mem>>
      %dma_start3A = tpu.memref_slice %arg47[%mul3A_23] : memref<10240xf32, #tpu.memory_space<vmem_shared>> -> memref<640xf32, #tpu.memory_space<vmem_shared>>
      %dma_start3A_73 = tpu.memref_slice %arg47[%mul3A_23] : memref<10240xf32, #tpu.memory_space<vmem_shared>> -> memref<640xf32, #tpu.memory_space<vmem_shared>>
      tpu.enqueue_dma source(%arg46 : memref<640xf32, #tpu.memory_space<vmem>>) target(%dma_start3A_73 : memref<640xf32, #tpu.memory_space<vmem_shared>>) target_semaphore(%run_scoped3A : memref<!tpu.dma_semaphore, #tpu.memory_space<semaphore_mem>>)
      %dma_wait3A = tpu.memref_slice %arg47[%mul3A_23] : memref<10240xf32, #tpu.memory_space<vmem_shared>> -> memref<640xf32, #tpu.memory_space<vmem_shared>>
      %dma_wait3A_74 = tpu.memref_slice %arg47[%mul3A_23] : memref<10240xf32, #tpu.memory_space<vmem_shared>> -> memref<640xf32, #tpu.memory_space<vmem_shared>>
      tpu.wait_dma2 semaphore(%run_scoped3A : memref<!tpu.dma_semaphore, #tpu.memory_space<semaphore_mem>>) src(%arg46 : memref<640xf32, #tpu.memory_space<vmem>>) dst(%dma_wait3A_74 : memref<640xf32, #tpu.memory_space<vmem_shared>>)
      tpu.yield
    }) : () -> ()
    %mul3A_24 = arith.constant 640 : i32
    %mul3A_25 = arith.muli %arg1, %mul3A_24 : i32
    "tpu.region"() ({
      %run_scoped3A = tpu.sem_alloc : memref<!tpu.dma_semaphore, #tpu.memory_space<semaphore_mem>>
      %dma_start3A = tpu.memref_slice %arg48[%mul3A_25] : memref<10240xf32, #tpu.memory_space<vmem_shared>> -> memref<640xf32, #tpu.memory_space<vmem_shared>>
      %dma_start3A_73 = tpu.memref_slice %arg48[%mul3A_25] : memref<10240xf32, #tpu.memory_space<vmem_shared>> -> memref<640xf32, #tpu.memory_space<vmem_shared>>
      tpu.enqueue_dma source(%arg46 : memref<640xf32, #tpu.memory_space<vmem>>) target(%dma_start3A_73 : memref<640xf32, #tpu.memory_space<vmem_shared>>) target_semaphore(%run_scoped3A : memref<!tpu.dma_semaphore, #tpu.memory_space<semaphore_mem>>)
      %dma_wait3A = tpu.memref_slice %arg48[%mul3A_25] : memref<10240xf32, #tpu.memory_space<vmem_shared>> -> memref<640xf32, #tpu.memory_space<vmem_shared>>
      %dma_wait3A_74 = tpu.memref_slice %arg48[%mul3A_25] : memref<10240xf32, #tpu.memory_space<vmem_shared>> -> memref<640xf32, #tpu.memory_space<vmem_shared>>
      tpu.wait_dma2 semaphore(%run_scoped3A : memref<!tpu.dma_semaphore, #tpu.memory_space<semaphore_mem>>) src(%arg46 : memref<640xf32, #tpu.memory_space<vmem>>) dst(%dma_wait3A_74 : memref<640xf32, #tpu.memory_space<vmem_shared>>)
      tpu.yield
    }) : () -> ()
    %mul3A_26 = arith.constant 640 : i32
    %mul3A_27 = arith.muli %arg1, %mul3A_26 : i32
    "tpu.region"() ({
      %run_scoped3A = tpu.sem_alloc : memref<!tpu.dma_semaphore, #tpu.memory_space<semaphore_mem>>
      %dma_start3A = tpu.memref_slice %arg49[%mul3A_27] : memref<10240xf32, #tpu.memory_space<vmem_shared>> -> memref<640xf32, #tpu.memory_space<vmem_shared>>
      %dma_start3A_73 = tpu.memref_slice %arg49[%mul3A_27] : memref<10240xf32, #tpu.memory_space<vmem_shared>> -> memref<640xf32, #tpu.memory_space<vmem_shared>>
      tpu.enqueue_dma source(%arg46 : memref<640xf32, #tpu.memory_space<vmem>>) target(%dma_start3A_73 : memref<640xf32, #tpu.memory_space<vmem_shared>>) target_semaphore(%run_scoped3A : memref<!tpu.dma_semaphore, #tpu.memory_space<semaphore_mem>>)
      %dma_wait3A = tpu.memref_slice %arg49[%mul3A_27] : memref<10240xf32, #tpu.memory_space<vmem_shared>> -> memref<640xf32, #tpu.memory_space<vmem_shared>>
      %dma_wait3A_74 = tpu.memref_slice %arg49[%mul3A_27] : memref<10240xf32, #tpu.memory_space<vmem_shared>> -> memref<640xf32, #tpu.memory_space<vmem_shared>>
      tpu.wait_dma2 semaphore(%run_scoped3A : memref<!tpu.dma_semaphore, #tpu.memory_space<semaphore_mem>>) src(%arg46 : memref<640xf32, #tpu.memory_space<vmem>>) dst(%dma_wait3A_74 : memref<640xf32, #tpu.memory_space<vmem_shared>>)
      tpu.yield
    }) : () -> ()
    %mul3A_28 = arith.constant 640 : i32
    %mul3A_29 = arith.muli %arg1, %mul3A_28 : i32
    "tpu.region"() ({
      %run_scoped3A = tpu.sem_alloc : memref<!tpu.dma_semaphore, #tpu.memory_space<semaphore_mem>>
      %dma_start3A = tpu.memref_slice %arg50[%mul3A_29] : memref<10240xf32, #tpu.memory_space<vmem_shared>> -> memref<640xf32, #tpu.memory_space<vmem_shared>>
      %dma_start3A_73 = tpu.memref_slice %arg50[%mul3A_29] : memref<10240xf32, #tpu.memory_space<vmem_shared>> -> memref<640xf32, #tpu.memory_space<vmem_shared>>
      tpu.enqueue_dma source(%arg46 : memref<640xf32, #tpu.memory_space<vmem>>) target(%dma_start3A_73 : memref<640xf32, #tpu.memory_space<vmem_shared>>) target_semaphore(%run_scoped3A : memref<!tpu.dma_semaphore, #tpu.memory_space<semaphore_mem>>)
      %dma_wait3A = tpu.memref_slice %arg50[%mul3A_29] : memref<10240xf32, #tpu.memory_space<vmem_shared>> -> memref<640xf32, #tpu.memory_space<vmem_shared>>
      %dma_wait3A_74 = tpu.memref_slice %arg50[%mul3A_29] : memref<10240xf32, #tpu.memory_space<vmem_shared>> -> memref<640xf32, #tpu.memory_space<vmem_shared>>
      tpu.wait_dma2 semaphore(%run_scoped3A : memref<!tpu.dma_semaphore, #tpu.memory_space<semaphore_mem>>) src(%arg46 : memref<640xf32, #tpu.memory_space<vmem>>) dst(%dma_wait3A_74 : memref<640xf32, #tpu.memory_space<vmem_shared>>)
      tpu.yield
    }) : () -> ()
    %mul3A_30 = arith.constant 640 : i32
    %mul3A_31 = arith.muli %arg1, %mul3A_30 : i32
    %add3A_32 = arith.constant 0 : i32
    %add3A_33 = arith.addi %mul3A_31, %add3A_32 : i32
    "tpu.region"() ({
      %run_scoped3A = tpu.sem_alloc : memref<!tpu.dma_semaphore, #tpu.memory_space<semaphore_mem>>
      %dma_start3A = arith.constant 0 : i32
      %dma_start3A_73 = tpu.memref_slice %arg51[%add3A_33, %dma_start3A] : memref<10240x128xf32, #tpu.memory_space<vmem_shared>> -> memref<128x128xf32, #tpu.memory_space<vmem_shared>>
      %dma_start3A_74 = arith.constant 0 : i32
      %dma_start3A_75 = tpu.memref_slice %arg51[%add3A_33, %dma_start3A_74] : memref<10240x128xf32, #tpu.memory_space<vmem_shared>> -> memref<128x128xf32, #tpu.memory_space<vmem_shared>>
      tpu.enqueue_dma source(%arg26 : memref<128x128xf32, #tpu.memory_space<vmem>>) target(%dma_start3A_75 : memref<128x128xf32, #tpu.memory_space<vmem_shared>>) target_semaphore(%run_scoped3A : memref<!tpu.dma_semaphore, #tpu.memory_space<semaphore_mem>>)
      %dma_wait3A = arith.constant 0 : i32
      %dma_wait3A_76 = tpu.memref_slice %arg51[%add3A_33, %dma_wait3A] : memref<10240x128xf32, #tpu.memory_space<vmem_shared>> -> memref<128x128xf32, #tpu.memory_space<vmem_shared>>
      %dma_wait3A_77 = arith.constant 0 : i32
      %dma_wait3A_78 = tpu.memref_slice %arg51[%add3A_33, %dma_wait3A_77] : memref<10240x128xf32, #tpu.memory_space<vmem_shared>> -> memref<128x128xf32, #tpu.memory_space<vmem_shared>>
      tpu.wait_dma2 semaphore(%run_scoped3A : memref<!tpu.dma_semaphore, #tpu.memory_space<semaphore_mem>>) src(%arg26 : memref<128x128xf32, #tpu.memory_space<vmem>>) dst(%dma_wait3A_78 : memref<128x128xf32, #tpu.memory_space<vmem_shared>>)
      tpu.yield
    }) : () -> ()
    %mul3A_34 = arith.constant 640 : i32
    %mul3A_35 = arith.muli %arg1, %mul3A_34 : i32
    %add3A_36 = arith.constant 128 : i32
    %add3A_37 = arith.addi %mul3A_35, %add3A_36 : i32
    "tpu.region"() ({
      %run_scoped3A = tpu.sem_alloc : memref<!tpu.dma_semaphore, #tpu.memory_space<semaphore_mem>>
      %dma_start3A = arith.constant 0 : i32
      %dma_start3A_73 = tpu.memref_slice %arg51[%add3A_37, %dma_start3A] : memref<10240x128xf32, #tpu.memory_space<vmem_shared>> -> memref<128x128xf32, #tpu.memory_space<vmem_shared>>
      %dma_start3A_74 = arith.constant 0 : i32
      %dma_start3A_75 = tpu.memref_slice %arg51[%add3A_37, %dma_start3A_74] : memref<10240x128xf32, #tpu.memory_space<vmem_shared>> -> memref<128x128xf32, #tpu.memory_space<vmem_shared>>
      tpu.enqueue_dma source(%arg26 : memref<128x128xf32, #tpu.memory_space<vmem>>) target(%dma_start3A_75 : memref<128x128xf32, #tpu.memory_space<vmem_shared>>) target_semaphore(%run_scoped3A : memref<!tpu.dma_semaphore, #tpu.memory_space<semaphore_mem>>)
      %dma_wait3A = arith.constant 0 : i32
      %dma_wait3A_76 = tpu.memref_slice %arg51[%add3A_37, %dma_wait3A] : memref<10240x128xf32, #tpu.memory_space<vmem_shared>> -> memref<128x128xf32, #tpu.memory_space<vmem_shared>>
      %dma_wait3A_77 = arith.constant 0 : i32
      %dma_wait3A_78 = tpu.memref_slice %arg51[%add3A_37, %dma_wait3A_77] : memref<10240x128xf32, #tpu.memory_space<vmem_shared>> -> memref<128x128xf32, #tpu.memory_space<vmem_shared>>
      tpu.wait_dma2 semaphore(%run_scoped3A : memref<!tpu.dma_semaphore, #tpu.memory_space<semaphore_mem>>) src(%arg26 : memref<128x128xf32, #tpu.memory_space<vmem>>) dst(%dma_wait3A_78 : memref<128x128xf32, #tpu.memory_space<vmem_shared>>)
      tpu.yield
    }) : () -> ()
    %mul3A_38 = arith.constant 640 : i32
    %mul3A_39 = arith.muli %arg1, %mul3A_38 : i32
    %add3A_40 = arith.constant 256 : i32
    %add3A_41 = arith.addi %mul3A_39, %add3A_40 : i32
    "tpu.region"() ({
      %run_scoped3A = tpu.sem_alloc : memref<!tpu.dma_semaphore, #tpu.memory_space<semaphore_mem>>
      %dma_start3A = arith.constant 0 : i32
      %dma_start3A_73 = tpu.memref_slice %arg51[%add3A_41, %dma_start3A] : memref<10240x128xf32, #tpu.memory_space<vmem_shared>> -> memref<128x128xf32, #tpu.memory_space<vmem_shared>>
      %dma_start3A_74 = arith.constant 0 : i32
      %dma_start3A_75 = tpu.memref_slice %arg51[%add3A_41, %dma_start3A_74] : memref<10240x128xf32, #tpu.memory_space<vmem_shared>> -> memref<128x128xf32, #tpu.memory_space<vmem_shared>>
      tpu.enqueue_dma source(%arg26 : memref<128x128xf32, #tpu.memory_space<vmem>>) target(%dma_start3A_75 : memref<128x128xf32, #tpu.memory_space<vmem_shared>>) target_semaphore(%run_scoped3A : memref<!tpu.dma_semaphore, #tpu.memory_space<semaphore_mem>>)
      %dma_wait3A = arith.constant 0 : i32
      %dma_wait3A_76 = tpu.memref_slice %arg51[%add3A_41, %dma_wait3A] : memref<10240x128xf32, #tpu.memory_space<vmem_shared>> -> memref<128x128xf32, #tpu.memory_space<vmem_shared>>
      %dma_wait3A_77 = arith.constant 0 : i32
      %dma_wait3A_78 = tpu.memref_slice %arg51[%add3A_41, %dma_wait3A_77] : memref<10240x128xf32, #tpu.memory_space<vmem_shared>> -> memref<128x128xf32, #tpu.memory_space<vmem_shared>>
      tpu.wait_dma2 semaphore(%run_scoped3A : memref<!tpu.dma_semaphore, #tpu.memory_space<semaphore_mem>>) src(%arg26 : memref<128x128xf32, #tpu.memory_space<vmem>>) dst(%dma_wait3A_78 : memref<128x128xf32, #tpu.memory_space<vmem_shared>>)
      tpu.yield
    }) : () -> ()
    %mul3A_42 = arith.constant 640 : i32
    %mul3A_43 = arith.muli %arg1, %mul3A_42 : i32
    %add3A_44 = arith.constant 384 : i32
    %add3A_45 = arith.addi %mul3A_43, %add3A_44 : i32
    "tpu.region"() ({
      %run_scoped3A = tpu.sem_alloc : memref<!tpu.dma_semaphore, #tpu.memory_space<semaphore_mem>>
      %dma_start3A = arith.constant 0 : i32
      %dma_start3A_73 = tpu.memref_slice %arg51[%add3A_45, %dma_start3A] : memref<10240x128xf32, #tpu.memory_space<vmem_shared>> -> memref<128x128xf32, #tpu.memory_space<vmem_shared>>
      %dma_start3A_74 = arith.constant 0 : i32
      %dma_start3A_75 = tpu.memref_slice %arg51[%add3A_45, %dma_start3A_74] : memref<10240x128xf32, #tpu.memory_space<vmem_shared>> -> memref<128x128xf32, #tpu.memory_space<vmem_shared>>
      tpu.enqueue_dma source(%arg26 : memref<128x128xf32, #tpu.memory_space<vmem>>) target(%dma_start3A_75 : memref<128x128xf32, #tpu.memory_space<vmem_shared>>) target_semaphore(%run_scoped3A : memref<!tpu.dma_semaphore, #tpu.memory_space<semaphore_mem>>)
      %dma_wait3A = arith.constant 0 : i32
      %dma_wait3A_76 = tpu.memref_slice %arg51[%add3A_45, %dma_wait3A] : memref<10240x128xf32, #tpu.memory_space<vmem_shared>> -> memref<128x128xf32, #tpu.memory_space<vmem_shared>>
      %dma_wait3A_77 = arith.constant 0 : i32
      %dma_wait3A_78 = tpu.memref_slice %arg51[%add3A_45, %dma_wait3A_77] : memref<10240x128xf32, #tpu.memory_space<vmem_shared>> -> memref<128x128xf32, #tpu.memory_space<vmem_shared>>
      tpu.wait_dma2 semaphore(%run_scoped3A : memref<!tpu.dma_semaphore, #tpu.memory_space<semaphore_mem>>) src(%arg26 : memref<128x128xf32, #tpu.memory_space<vmem>>) dst(%dma_wait3A_78 : memref<128x128xf32, #tpu.memory_space<vmem_shared>>)
      tpu.yield
    }) : () -> ()
    %mul3A_46 = arith.constant 640 : i32
    %mul3A_47 = arith.muli %arg1, %mul3A_46 : i32
    %add3A_48 = arith.constant 512 : i32
    %add3A_49 = arith.addi %mul3A_47, %add3A_48 : i32
    "tpu.region"() ({
      %run_scoped3A = tpu.sem_alloc : memref<!tpu.dma_semaphore, #tpu.memory_space<semaphore_mem>>
      %dma_start3A = arith.constant 0 : i32
      %dma_start3A_73 = tpu.memref_slice %arg51[%add3A_49, %dma_start3A] : memref<10240x128xf32, #tpu.memory_space<vmem_shared>> -> memref<128x128xf32, #tpu.memory_space<vmem_shared>>
      %dma_start3A_74 = arith.constant 0 : i32
      %dma_start3A_75 = tpu.memref_slice %arg51[%add3A_49, %dma_start3A_74] : memref<10240x128xf32, #tpu.memory_space<vmem_shared>> -> memref<128x128xf32, #tpu.memory_space<vmem_shared>>
      tpu.enqueue_dma source(%arg26 : memref<128x128xf32, #tpu.memory_space<vmem>>) target(%dma_start3A_75 : memref<128x128xf32, #tpu.memory_space<vmem_shared>>) target_semaphore(%run_scoped3A : memref<!tpu.dma_semaphore, #tpu.memory_space<semaphore_mem>>)
      %dma_wait3A = arith.constant 0 : i32
      %dma_wait3A_76 = tpu.memref_slice %arg51[%add3A_49, %dma_wait3A] : memref<10240x128xf32, #tpu.memory_space<vmem_shared>> -> memref<128x128xf32, #tpu.memory_space<vmem_shared>>
      %dma_wait3A_77 = arith.constant 0 : i32
      %dma_wait3A_78 = tpu.memref_slice %arg51[%add3A_49, %dma_wait3A_77] : memref<10240x128xf32, #tpu.memory_space<vmem_shared>> -> memref<128x128xf32, #tpu.memory_space<vmem_shared>>
      tpu.wait_dma2 semaphore(%run_scoped3A : memref<!tpu.dma_semaphore, #tpu.memory_space<semaphore_mem>>) src(%arg26 : memref<128x128xf32, #tpu.memory_space<vmem>>) dst(%dma_wait3A_78 : memref<128x128xf32, #tpu.memory_space<vmem_shared>>)
      tpu.yield
    }) : () -> ()
    %barrier3A = arith.constant 0 : index
    tpu.barrier barrier_id(%barrier3A)
    %scan3A_50 = arith.constant 0 : i32
    %scan3A_51 = arith.constant 0 : i32
    %scan3A_52 = arith.constant 8 : i32
    %scan3A_53 = arith.addi %scan3A_51, %scan3A_52 : i32
    %scan3A_54 = arith.constant 1 : i32
    %scan3A_55 = scf.for %scan3A_73 = %scan3A_51 to %scan3A_53 step %scan3A_54 iter_args(%scan3A_74 = %scan3A_50) -> (i32)  : i32 {
      %mul3A_75 = arith.constant 16 : i32
      %mul3A_76 = arith.muli %arg1, %mul3A_75 : i32
      %mul3A_77 = arith.constant 2 : i32
      %mul3A_78 = arith.muli %mul3A_77, %scan3A_73 : i32
      %add3A_79 = arith.addi %mul3A_76, %mul3A_78 : i32
      %add3A_80 = arith.constant 0 : i32
      %add3A_81 = arith.addi %add3A_79, %add3A_80 : i32
      %mul3A_82 = arith.constant 16 : i32
      %mul3A_83 = arith.muli %arg1, %mul3A_82 : i32
      %mul3A_84 = arith.constant 2 : i32
      %mul3A_85 = arith.muli %mul3A_84, %scan3A_73 : i32
      %add3A_86 = arith.addi %mul3A_83, %mul3A_85 : i32
      %add3A_87 = arith.constant 1 : i32
      %add3A_88 = arith.addi %add3A_86, %add3A_87 : i32
      %lt3A = arith.cmpi slt, %add3A_81, %min3A_8 : i32
      %convert_element_type3A = arith.extui %lt3A : i1 to i32
      %cond3A = arith.constant 0 : i32
      %cond3A_89 = arith.cmpi ne, %convert_element_type3A, %cond3A : i32
      scf.if %cond3A_89 {
        %mul3A_111 = arith.constant 160000 : i32
        %mul3A_112 = arith.muli %arg0, %mul3A_111 : i32
        %mul3A_113 = arith.constant 640 : i32
        %mul3A_114 = arith.muli %add3A_81, %mul3A_113 : i32
        %add3A_115 = arith.addi %mul3A_112, %mul3A_114 : i32
        %add3A_116 = arith.constant 0 : i32
        %add3A_117 = arith.addi %add3A_115, %add3A_116 : i32
        %dma_start3A = tpu.memref_slice %arg4[%add3A_117] : memref<320000xi32, #tpu.memory_space<hbm>> -> memref<128xi32, #tpu.memory_space<hbm>>
        %dma_start3A_118 = tpu.memref_slice %arg4[%add3A_117] : memref<320000xi32, #tpu.memory_space<hbm>> -> memref<128xi32, #tpu.memory_space<hbm>>
        tpu.enqueue_dma source(%dma_start3A_118 : memref<128xi32, #tpu.memory_space<hbm>>) target(%arg28 : memref<128xi32, #tpu.memory_space<vmem>>) target_semaphore(%arg52 : memref<!tpu.dma_semaphore, #tpu.memory_space<semaphore_mem>>)
        %mul3A_119 = arith.constant 160000 : i32
        %mul3A_120 = arith.muli %arg0, %mul3A_119 : i32
        %mul3A_121 = arith.constant 640 : i32
        %mul3A_122 = arith.muli %add3A_81, %mul3A_121 : i32
        %add3A_123 = arith.addi %mul3A_120, %mul3A_122 : i32
        %add3A_124 = arith.constant 128 : i32
        %add3A_125 = arith.addi %add3A_123, %add3A_124 : i32
        %dma_start3A_126 = tpu.memref_slice %arg4[%add3A_125] : memref<320000xi32, #tpu.memory_space<hbm>> -> memref<128xi32, #tpu.memory_space<hbm>>
        %dma_start3A_127 = tpu.memref_slice %arg4[%add3A_125] : memref<320000xi32, #tpu.memory_space<hbm>> -> memref<128xi32, #tpu.memory_space<hbm>>
        tpu.enqueue_dma source(%dma_start3A_127 : memref<128xi32, #tpu.memory_space<hbm>>) target(%arg29 : memref<128xi32, #tpu.memory_space<vmem>>) target_semaphore(%arg52 : memref<!tpu.dma_semaphore, #tpu.memory_space<semaphore_mem>>)
        %mul3A_128 = arith.constant 160000 : i32
        %mul3A_129 = arith.muli %arg0, %mul3A_128 : i32
        %mul3A_130 = arith.constant 640 : i32
        %mul3A_131 = arith.muli %add3A_81, %mul3A_130 : i32
        %add3A_132 = arith.addi %mul3A_129, %mul3A_131 : i32
        %add3A_133 = arith.constant 256 : i32
        %add3A_134 = arith.addi %add3A_132, %add3A_133 : i32
        %dma_start3A_135 = tpu.memref_slice %arg4[%add3A_134] : memref<320000xi32, #tpu.memory_space<hbm>> -> memref<128xi32, #tpu.memory_space<hbm>>
        %dma_start3A_136 = tpu.memref_slice %arg4[%add3A_134] : memref<320000xi32, #tpu.memory_space<hbm>> -> memref<128xi32, #tpu.memory_space<hbm>>
        tpu.enqueue_dma source(%dma_start3A_136 : memref<128xi32, #tpu.memory_space<hbm>>) target(%arg30 : memref<128xi32, #tpu.memory_space<vmem>>) target_semaphore(%arg52 : memref<!tpu.dma_semaphore, #tpu.memory_space<semaphore_mem>>)
        %mul3A_137 = arith.constant 160000 : i32
        %mul3A_138 = arith.muli %arg0, %mul3A_137 : i32
        %mul3A_139 = arith.constant 640 : i32
        %mul3A_140 = arith.muli %add3A_81, %mul3A_139 : i32
        %add3A_141 = arith.addi %mul3A_138, %mul3A_140 : i32
        %add3A_142 = arith.constant 384 : i32
        %add3A_143 = arith.addi %add3A_141, %add3A_142 : i32
        %dma_start3A_144 = tpu.memref_slice %arg4[%add3A_143] : memref<320000xi32, #tpu.memory_space<hbm>> -> memref<128xi32, #tpu.memory_space<hbm>>
        %dma_start3A_145 = tpu.memref_slice %arg4[%add3A_143] : memref<320000xi32, #tpu.memory_space<hbm>> -> memref<128xi32, #tpu.memory_space<hbm>>
        tpu.enqueue_dma source(%dma_start3A_145 : memref<128xi32, #tpu.memory_space<hbm>>) target(%arg31 : memref<128xi32, #tpu.memory_space<vmem>>) target_semaphore(%arg52 : memref<!tpu.dma_semaphore, #tpu.memory_space<semaphore_mem>>)
        %mul3A_146 = arith.constant 160000 : i32
        %mul3A_147 = arith.muli %arg0, %mul3A_146 : i32
        %mul3A_148 = arith.constant 640 : i32
        %mul3A_149 = arith.muli %add3A_81, %mul3A_148 : i32
        %add3A_150 = arith.addi %mul3A_147, %mul3A_149 : i32
        %add3A_151 = arith.constant 512 : i32
        %add3A_152 = arith.addi %add3A_150, %add3A_151 : i32
        %dma_start3A_153 = tpu.memref_slice %arg4[%add3A_152] : memref<320000xi32, #tpu.memory_space<hbm>> -> memref<128xi32, #tpu.memory_space<hbm>>
        %dma_start3A_154 = tpu.memref_slice %arg4[%add3A_152] : memref<320000xi32, #tpu.memory_space<hbm>> -> memref<128xi32, #tpu.memory_space<hbm>>
        tpu.enqueue_dma source(%dma_start3A_154 : memref<128xi32, #tpu.memory_space<hbm>>) target(%arg32 : memref<128xi32, #tpu.memory_space<vmem>>) target_semaphore(%arg52 : memref<!tpu.dma_semaphore, #tpu.memory_space<semaphore_mem>>)
        %mul3A_155 = arith.constant 8 : i32
        %mul3A_156 = arith.muli %arg0, %mul3A_155 : i32
        %add3A_157 = arith.constant 0 : i32
        %add3A_158 = arith.addi %mul3A_156, %add3A_157 : i32
        %mul3A_159 = arith.constant 160000 : i32
        %mul3A_160 = arith.muli %add3A_158, %mul3A_159 : i32
        %mul3A_161 = arith.constant 640 : i32
        %mul3A_162 = arith.muli %add3A_81, %mul3A_161 : i32
        %add3A_163 = arith.addi %mul3A_160, %mul3A_162 : i32
        %dma_start3A_164 = tpu.memref_slice %arg2[%add3A_163] : memref<2560000xf32, #tpu.memory_space<hbm>> -> memref<640xf32, #tpu.memory_space<hbm>>
        %dma_start3A_165 = tpu.memref_slice %arg2[%add3A_163] : memref<2560000xf32, #tpu.memory_space<hbm>> -> memref<640xf32, #tpu.memory_space<hbm>>
        tpu.enqueue_dma source(%dma_start3A_165 : memref<640xf32, #tpu.memory_space<hbm>>) target(%arg38 : memref<640xf32, #tpu.memory_space<vmem>>) target_semaphore(%arg54 : memref<!tpu.dma_semaphore, #tpu.memory_space<semaphore_mem>>)
        %mul3A_166 = arith.constant 8 : i32
        %mul3A_167 = arith.muli %arg0, %mul3A_166 : i32
        %add3A_168 = arith.constant 1 : i32
        %add3A_169 = arith.addi %mul3A_167, %add3A_168 : i32
        %mul3A_170 = arith.constant 160000 : i32
        %mul3A_171 = arith.muli %add3A_169, %mul3A_170 : i32
        %mul3A_172 = arith.constant 640 : i32
        %mul3A_173 = arith.muli %add3A_81, %mul3A_172 : i32
        %add3A_174 = arith.addi %mul3A_171, %mul3A_173 : i32
        %dma_start3A_175 = tpu.memref_slice %arg2[%add3A_174] : memref<2560000xf32, #tpu.memory_space<hbm>> -> memref<640xf32, #tpu.memory_space<hbm>>
        %dma_start3A_176 = tpu.memref_slice %arg2[%add3A_174] : memref<2560000xf32, #tpu.memory_space<hbm>> -> memref<640xf32, #tpu.memory_space<hbm>>
        tpu.enqueue_dma source(%dma_start3A_176 : memref<640xf32, #tpu.memory_space<hbm>>) target(%arg39 : memref<640xf32, #tpu.memory_space<vmem>>) target_semaphore(%arg54 : memref<!tpu.dma_semaphore, #tpu.memory_space<semaphore_mem>>)
        %mul3A_177 = arith.constant 8 : i32
        %mul3A_178 = arith.muli %arg0, %mul3A_177 : i32
        %add3A_179 = arith.constant 2 : i32
        %add3A_180 = arith.addi %mul3A_178, %add3A_179 : i32
        %mul3A_181 = arith.constant 160000 : i32
        %mul3A_182 = arith.muli %add3A_180, %mul3A_181 : i32
        %mul3A_183 = arith.constant 640 : i32
        %mul3A_184 = arith.muli %add3A_81, %mul3A_183 : i32
        %add3A_185 = arith.addi %mul3A_182, %mul3A_184 : i32
        %dma_start3A_186 = tpu.memref_slice %arg2[%add3A_185] : memref<2560000xf32, #tpu.memory_space<hbm>> -> memref<640xf32, #tpu.memory_space<hbm>>
        %dma_start3A_187 = tpu.memref_slice %arg2[%add3A_185] : memref<2560000xf32, #tpu.memory_space<hbm>> -> memref<640xf32, #tpu.memory_space<hbm>>
        tpu.enqueue_dma source(%dma_start3A_187 : memref<640xf32, #tpu.memory_space<hbm>>) target(%arg40 : memref<640xf32, #tpu.memory_space<vmem>>) target_semaphore(%arg54 : memref<!tpu.dma_semaphore, #tpu.memory_space<semaphore_mem>>)
        %mul3A_188 = arith.constant 8 : i32
        %mul3A_189 = arith.muli %arg0, %mul3A_188 : i32
        %add3A_190 = arith.constant 3 : i32
        %add3A_191 = arith.addi %mul3A_189, %add3A_190 : i32
        %mul3A_192 = arith.constant 160000 : i32
        %mul3A_193 = arith.muli %add3A_191, %mul3A_192 : i32
        %mul3A_194 = arith.constant 640 : i32
        %mul3A_195 = arith.muli %add3A_81, %mul3A_194 : i32
        %add3A_196 = arith.addi %mul3A_193, %mul3A_195 : i32
        %dma_start3A_197 = tpu.memref_slice %arg2[%add3A_196] : memref<2560000xf32, #tpu.memory_space<hbm>> -> memref<640xf32, #tpu.memory_space<hbm>>
        %dma_start3A_198 = tpu.memref_slice %arg2[%add3A_196] : memref<2560000xf32, #tpu.memory_space<hbm>> -> memref<640xf32, #tpu.memory_space<hbm>>
        tpu.enqueue_dma source(%dma_start3A_198 : memref<640xf32, #tpu.memory_space<hbm>>) target(%arg41 : memref<640xf32, #tpu.memory_space<vmem>>) target_semaphore(%arg54 : memref<!tpu.dma_semaphore, #tpu.memory_space<semaphore_mem>>)
      } else {
      }
      %lt3A_90 = arith.cmpi slt, %add3A_88, %min3A_8 : i32
      %convert_element_type3A_91 = arith.extui %lt3A_90 : i1 to i32
      %cond3A_92 = arith.constant 0 : i32
      %cond3A_93 = arith.cmpi ne, %convert_element_type3A_91, %cond3A_92 : i32
      scf.if %cond3A_93 {
        %mul3A_111 = arith.constant 160000 : i32
        %mul3A_112 = arith.muli %arg0, %mul3A_111 : i32
        %mul3A_113 = arith.constant 640 : i32
        %mul3A_114 = arith.muli %add3A_88, %mul3A_113 : i32
        %add3A_115 = arith.addi %mul3A_112, %mul3A_114 : i32
        %add3A_116 = arith.constant 0 : i32
        %add3A_117 = arith.addi %add3A_115, %add3A_116 : i32
        %dma_start3A = tpu.memref_slice %arg4[%add3A_117] : memref<320000xi32, #tpu.memory_space<hbm>> -> memref<128xi32, #tpu.memory_space<hbm>>
        %dma_start3A_118 = tpu.memref_slice %arg4[%add3A_117] : memref<320000xi32, #tpu.memory_space<hbm>> -> memref<128xi32, #tpu.memory_space<hbm>>
        tpu.enqueue_dma source(%dma_start3A_118 : memref<128xi32, #tpu.memory_space<hbm>>) target(%arg33 : memref<128xi32, #tpu.memory_space<vmem>>) target_semaphore(%arg53 : memref<!tpu.dma_semaphore, #tpu.memory_space<semaphore_mem>>)
        %mul3A_119 = arith.constant 160000 : i32
        %mul3A_120 = arith.muli %arg0, %mul3A_119 : i32
        %mul3A_121 = arith.constant 640 : i32
        %mul3A_122 = arith.muli %add3A_88, %mul3A_121 : i32
        %add3A_123 = arith.addi %mul3A_120, %mul3A_122 : i32
        %add3A_124 = arith.constant 128 : i32
        %add3A_125 = arith.addi %add3A_123, %add3A_124 : i32
        %dma_start3A_126 = tpu.memref_slice %arg4[%add3A_125] : memref<320000xi32, #tpu.memory_space<hbm>> -> memref<128xi32, #tpu.memory_space<hbm>>
        %dma_start3A_127 = tpu.memref_slice %arg4[%add3A_125] : memref<320000xi32, #tpu.memory_space<hbm>> -> memref<128xi32, #tpu.memory_space<hbm>>
        tpu.enqueue_dma source(%dma_start3A_127 : memref<128xi32, #tpu.memory_space<hbm>>) target(%arg34 : memref<128xi32, #tpu.memory_space<vmem>>) target_semaphore(%arg53 : memref<!tpu.dma_semaphore, #tpu.memory_space<semaphore_mem>>)
        %mul3A_128 = arith.constant 160000 : i32
        %mul3A_129 = arith.muli %arg0, %mul3A_128 : i32
        %mul3A_130 = arith.constant 640 : i32
        %mul3A_131 = arith.muli %add3A_88, %mul3A_130 : i32
        %add3A_132 = arith.addi %mul3A_129, %mul3A_131 : i32
        %add3A_133 = arith.constant 256 : i32
        %add3A_134 = arith.addi %add3A_132, %add3A_133 : i32
        %dma_start3A_135 = tpu.memref_slice %arg4[%add3A_134] : memref<320000xi32, #tpu.memory_space<hbm>> -> memref<128xi32, #tpu.memory_space<hbm>>
        %dma_start3A_136 = tpu.memref_slice %arg4[%add3A_134] : memref<320000xi32, #tpu.memory_space<hbm>> -> memref<128xi32, #tpu.memory_space<hbm>>
        tpu.enqueue_dma source(%dma_start3A_136 : memref<128xi32, #tpu.memory_space<hbm>>) target(%arg35 : memref<128xi32, #tpu.memory_space<vmem>>) target_semaphore(%arg53 : memref<!tpu.dma_semaphore, #tpu.memory_space<semaphore_mem>>)
        %mul3A_137 = arith.constant 160000 : i32
        %mul3A_138 = arith.muli %arg0, %mul3A_137 : i32
        %mul3A_139 = arith.constant 640 : i32
        %mul3A_140 = arith.muli %add3A_88, %mul3A_139 : i32
        %add3A_141 = arith.addi %mul3A_138, %mul3A_140 : i32
        %add3A_142 = arith.constant 384 : i32
        %add3A_143 = arith.addi %add3A_141, %add3A_142 : i32
        %dma_start3A_144 = tpu.memref_slice %arg4[%add3A_143] : memref<320000xi32, #tpu.memory_space<hbm>> -> memref<128xi32, #tpu.memory_space<hbm>>
        %dma_start3A_145 = tpu.memref_slice %arg4[%add3A_143] : memref<320000xi32, #tpu.memory_space<hbm>> -> memref<128xi32, #tpu.memory_space<hbm>>
        tpu.enqueue_dma source(%dma_start3A_145 : memref<128xi32, #tpu.memory_space<hbm>>) target(%arg36 : memref<128xi32, #tpu.memory_space<vmem>>) target_semaphore(%arg53 : memref<!tpu.dma_semaphore, #tpu.memory_space<semaphore_mem>>)
        %mul3A_146 = arith.constant 160000 : i32
        %mul3A_147 = arith.muli %arg0, %mul3A_146 : i32
        %mul3A_148 = arith.constant 640 : i32
        %mul3A_149 = arith.muli %add3A_88, %mul3A_148 : i32
        %add3A_150 = arith.addi %mul3A_147, %mul3A_149 : i32
        %add3A_151 = arith.constant 512 : i32
        %add3A_152 = arith.addi %add3A_150, %add3A_151 : i32
        %dma_start3A_153 = tpu.memref_slice %arg4[%add3A_152] : memref<320000xi32, #tpu.memory_space<hbm>> -> memref<128xi32, #tpu.memory_space<hbm>>
        %dma_start3A_154 = tpu.memref_slice %arg4[%add3A_152] : memref<320000xi32, #tpu.memory_space<hbm>> -> memref<128xi32, #tpu.memory_space<hbm>>
        tpu.enqueue_dma source(%dma_start3A_154 : memref<128xi32, #tpu.memory_space<hbm>>) target(%arg37 : memref<128xi32, #tpu.memory_space<vmem>>) target_semaphore(%arg53 : memref<!tpu.dma_semaphore, #tpu.memory_space<semaphore_mem>>)
        %mul3A_155 = arith.constant 8 : i32
        %mul3A_156 = arith.muli %arg0, %mul3A_155 : i32
        %add3A_157 = arith.constant 0 : i32
        %add3A_158 = arith.addi %mul3A_156, %add3A_157 : i32
        %mul3A_159 = arith.constant 160000 : i32
        %mul3A_160 = arith.muli %add3A_158, %mul3A_159 : i32
        %mul3A_161 = arith.constant 640 : i32
        %mul3A_162 = arith.muli %add3A_88, %mul3A_161 : i32
        %add3A_163 = arith.addi %mul3A_160, %mul3A_162 : i32
        %dma_start3A_164 = tpu.memref_slice %arg2[%add3A_163] : memref<2560000xf32, #tpu.memory_space<hbm>> -> memref<640xf32, #tpu.memory_space<hbm>>
        %dma_start3A_165 = tpu.memref_slice %arg2[%add3A_163] : memref<2560000xf32, #tpu.memory_space<hbm>> -> memref<640xf32, #tpu.memory_space<hbm>>
        tpu.enqueue_dma source(%dma_start3A_165 : memref<640xf32, #tpu.memory_space<hbm>>) target(%arg42 : memref<640xf32, #tpu.memory_space<vmem>>) target_semaphore(%arg55 : memref<!tpu.dma_semaphore, #tpu.memory_space<semaphore_mem>>)
        %mul3A_166 = arith.constant 8 : i32
        %mul3A_167 = arith.muli %arg0, %mul3A_166 : i32
        %add3A_168 = arith.constant 1 : i32
        %add3A_169 = arith.addi %mul3A_167, %add3A_168 : i32
        %mul3A_170 = arith.constant 160000 : i32
        %mul3A_171 = arith.muli %add3A_169, %mul3A_170 : i32
        %mul3A_172 = arith.constant 640 : i32
        %mul3A_173 = arith.muli %add3A_88, %mul3A_172 : i32
        %add3A_174 = arith.addi %mul3A_171, %mul3A_173 : i32
        %dma_start3A_175 = tpu.memref_slice %arg2[%add3A_174] : memref<2560000xf32, #tpu.memory_space<hbm>> -> memref<640xf32, #tpu.memory_space<hbm>>
        %dma_start3A_176 = tpu.memref_slice %arg2[%add3A_174] : memref<2560000xf32, #tpu.memory_space<hbm>> -> memref<640xf32, #tpu.memory_space<hbm>>
        tpu.enqueue_dma source(%dma_start3A_176 : memref<640xf32, #tpu.memory_space<hbm>>) target(%arg43 : memref<640xf32, #tpu.memory_space<vmem>>) target_semaphore(%arg55 : memref<!tpu.dma_semaphore, #tpu.memory_space<semaphore_mem>>)
        %mul3A_177 = arith.constant 8 : i32
        %mul3A_178 = arith.muli %arg0, %mul3A_177 : i32
        %add3A_179 = arith.constant 2 : i32
        %add3A_180 = arith.addi %mul3A_178, %add3A_179 : i32
        %mul3A_181 = arith.constant 160000 : i32
        %mul3A_182 = arith.muli %add3A_180, %mul3A_181 : i32
        %mul3A_183 = arith.constant 640 : i32
        %mul3A_184 = arith.muli %add3A_88, %mul3A_183 : i32
        %add3A_185 = arith.addi %mul3A_182, %mul3A_184 : i32
        %dma_start3A_186 = tpu.memref_slice %arg2[%add3A_185] : memref<2560000xf32, #tpu.memory_space<hbm>> -> memref<640xf32, #tpu.memory_space<hbm>>
        %dma_start3A_187 = tpu.memref_slice %arg2[%add3A_185] : memref<2560000xf32, #tpu.memory_space<hbm>> -> memref<640xf32, #tpu.memory_space<hbm>>
        tpu.enqueue_dma source(%dma_start3A_187 : memref<640xf32, #tpu.memory_space<hbm>>) target(%arg44 : memref<640xf32, #tpu.memory_space<vmem>>) target_semaphore(%arg55 : memref<!tpu.dma_semaphore, #tpu.memory_space<semaphore_mem>>)
        %mul3A_188 = arith.constant 8 : i32
        %mul3A_189 = arith.muli %arg0, %mul3A_188 : i32
        %add3A_190 = arith.constant 3 : i32
        %add3A_191 = arith.addi %mul3A_189, %add3A_190 : i32
        %mul3A_192 = arith.constant 160000 : i32
        %mul3A_193 = arith.muli %add3A_191, %mul3A_192 : i32
        %mul3A_194 = arith.constant 640 : i32
        %mul3A_195 = arith.muli %add3A_88, %mul3A_194 : i32
        %add3A_196 = arith.addi %mul3A_193, %mul3A_195 : i32
        %dma_start3A_197 = tpu.memref_slice %arg2[%add3A_196] : memref<2560000xf32, #tpu.memory_space<hbm>> -> memref<640xf32, #tpu.memory_space<hbm>>
        %dma_start3A_198 = tpu.memref_slice %arg2[%add3A_196] : memref<2560000xf32, #tpu.memory_space<hbm>> -> memref<640xf32, #tpu.memory_space<hbm>>
        tpu.enqueue_dma source(%dma_start3A_198 : memref<640xf32, #tpu.memory_space<hbm>>) target(%arg45 : memref<640xf32, #tpu.memory_space<vmem>>) target_semaphore(%arg55 : memref<!tpu.dma_semaphore, #tpu.memory_space<semaphore_mem>>)
      } else {
      }
      %lt3A_94 = arith.cmpi slt, %add3A_81, %min3A_8 : i32
      %convert_element_type3A_95 = arith.extui %lt3A_94 : i1 to i32
      %cond3A_96 = arith.constant 0 : i32
      %cond3A_97 = arith.cmpi ne, %convert_element_type3A_95, %cond3A_96 : i32
      scf.if %cond3A_97 {
        %mul3A_111 = arith.constant 160000 : i32
        %mul3A_112 = arith.muli %arg0, %mul3A_111 : i32
        %mul3A_113 = arith.constant 640 : i32
        %mul3A_114 = arith.muli %add3A_81, %mul3A_113 : i32
        %add3A_115 = arith.addi %mul3A_112, %mul3A_114 : i32
        %add3A_116 = arith.constant 0 : i32
        %add3A_117 = arith.addi %add3A_115, %add3A_116 : i32
        %dma_wait3A = tpu.memref_slice %arg4[%add3A_117] : memref<320000xi32, #tpu.memory_space<hbm>> -> memref<128xi32, #tpu.memory_space<hbm>>
        %dma_wait3A_118 = tpu.memref_slice %arg4[%add3A_117] : memref<320000xi32, #tpu.memory_space<hbm>> -> memref<128xi32, #tpu.memory_space<hbm>>
        tpu.wait_dma2 semaphore(%arg52 : memref<!tpu.dma_semaphore, #tpu.memory_space<semaphore_mem>>) src(%dma_wait3A_118 : memref<128xi32, #tpu.memory_space<hbm>>) dst(%arg28 : memref<128xi32, #tpu.memory_space<vmem>>)
        %mul3A_119 = arith.constant 160000 : i32
        %mul3A_120 = arith.muli %arg0, %mul3A_119 : i32
        %mul3A_121 = arith.constant 640 : i32
        %mul3A_122 = arith.muli %add3A_81, %mul3A_121 : i32
        %add3A_123 = arith.addi %mul3A_120, %mul3A_122 : i32
        %add3A_124 = arith.constant 128 : i32
        %add3A_125 = arith.addi %add3A_123, %add3A_124 : i32
        %dma_wait3A_126 = tpu.memref_slice %arg4[%add3A_125] : memref<320000xi32, #tpu.memory_space<hbm>> -> memref<128xi32, #tpu.memory_space<hbm>>
        %dma_wait3A_127 = tpu.memref_slice %arg4[%add3A_125] : memref<320000xi32, #tpu.memory_space<hbm>> -> memref<128xi32, #tpu.memory_space<hbm>>
        tpu.wait_dma2 semaphore(%arg52 : memref<!tpu.dma_semaphore, #tpu.memory_space<semaphore_mem>>) src(%dma_wait3A_127 : memref<128xi32, #tpu.memory_space<hbm>>) dst(%arg29 : memref<128xi32, #tpu.memory_space<vmem>>)
        %mul3A_128 = arith.constant 160000 : i32
        %mul3A_129 = arith.muli %arg0, %mul3A_128 : i32
        %mul3A_130 = arith.constant 640 : i32
        %mul3A_131 = arith.muli %add3A_81, %mul3A_130 : i32
        %add3A_132 = arith.addi %mul3A_129, %mul3A_131 : i32
        %add3A_133 = arith.constant 256 : i32
        %add3A_134 = arith.addi %add3A_132, %add3A_133 : i32
        %dma_wait3A_135 = tpu.memref_slice %arg4[%add3A_134] : memref<320000xi32, #tpu.memory_space<hbm>> -> memref<128xi32, #tpu.memory_space<hbm>>
        %dma_wait3A_136 = tpu.memref_slice %arg4[%add3A_134] : memref<320000xi32, #tpu.memory_space<hbm>> -> memref<128xi32, #tpu.memory_space<hbm>>
        tpu.wait_dma2 semaphore(%arg52 : memref<!tpu.dma_semaphore, #tpu.memory_space<semaphore_mem>>) src(%dma_wait3A_136 : memref<128xi32, #tpu.memory_space<hbm>>) dst(%arg30 : memref<128xi32, #tpu.memory_space<vmem>>)
        %mul3A_137 = arith.constant 160000 : i32
        %mul3A_138 = arith.muli %arg0, %mul3A_137 : i32
        %mul3A_139 = arith.constant 640 : i32
        %mul3A_140 = arith.muli %add3A_81, %mul3A_139 : i32
        %add3A_141 = arith.addi %mul3A_138, %mul3A_140 : i32
        %add3A_142 = arith.constant 384 : i32
        %add3A_143 = arith.addi %add3A_141, %add3A_142 : i32
        %dma_wait3A_144 = tpu.memref_slice %arg4[%add3A_143] : memref<320000xi32, #tpu.memory_space<hbm>> -> memref<128xi32, #tpu.memory_space<hbm>>
        %dma_wait3A_145 = tpu.memref_slice %arg4[%add3A_143] : memref<320000xi32, #tpu.memory_space<hbm>> -> memref<128xi32, #tpu.memory_space<hbm>>
        tpu.wait_dma2 semaphore(%arg52 : memref<!tpu.dma_semaphore, #tpu.memory_space<semaphore_mem>>) src(%dma_wait3A_145 : memref<128xi32, #tpu.memory_space<hbm>>) dst(%arg31 : memref<128xi32, #tpu.memory_space<vmem>>)
        %mul3A_146 = arith.constant 160000 : i32
        %mul3A_147 = arith.muli %arg0, %mul3A_146 : i32
        %mul3A_148 = arith.constant 640 : i32
        %mul3A_149 = arith.muli %add3A_81, %mul3A_148 : i32
        %add3A_150 = arith.addi %mul3A_147, %mul3A_149 : i32
        %add3A_151 = arith.constant 512 : i32
        %add3A_152 = arith.addi %add3A_150, %add3A_151 : i32
        %dma_wait3A_153 = tpu.memref_slice %arg4[%add3A_152] : memref<320000xi32, #tpu.memory_space<hbm>> -> memref<128xi32, #tpu.memory_space<hbm>>
        %dma_wait3A_154 = tpu.memref_slice %arg4[%add3A_152] : memref<320000xi32, #tpu.memory_space<hbm>> -> memref<128xi32, #tpu.memory_space<hbm>>
        tpu.wait_dma2 semaphore(%arg52 : memref<!tpu.dma_semaphore, #tpu.memory_space<semaphore_mem>>) src(%dma_wait3A_154 : memref<128xi32, #tpu.memory_space<hbm>>) dst(%arg32 : memref<128xi32, #tpu.memory_space<vmem>>)
        %mul3A_155 = arith.constant 8 : i32
        %mul3A_156 = arith.muli %arg0, %mul3A_155 : i32
        %add3A_157 = arith.constant 0 : i32
        %add3A_158 = arith.addi %mul3A_156, %add3A_157 : i32
        %mul3A_159 = arith.constant 160000 : i32
        %mul3A_160 = arith.muli %add3A_158, %mul3A_159 : i32
        %mul3A_161 = arith.constant 640 : i32
        %mul3A_162 = arith.muli %add3A_81, %mul3A_161 : i32
        %add3A_163 = arith.addi %mul3A_160, %mul3A_162 : i32
        %dma_wait3A_164 = tpu.memref_slice %arg2[%add3A_163] : memref<2560000xf32, #tpu.memory_space<hbm>> -> memref<640xf32, #tpu.memory_space<hbm>>
        %dma_wait3A_165 = tpu.memref_slice %arg2[%add3A_163] : memref<2560000xf32, #tpu.memory_space<hbm>> -> memref<640xf32, #tpu.memory_space<hbm>>
        tpu.wait_dma2 semaphore(%arg54 : memref<!tpu.dma_semaphore, #tpu.memory_space<semaphore_mem>>) src(%dma_wait3A_165 : memref<640xf32, #tpu.memory_space<hbm>>) dst(%arg38 : memref<640xf32, #tpu.memory_space<vmem>>)
        %mul3A_166 = arith.constant 8 : i32
        %mul3A_167 = arith.muli %arg0, %mul3A_166 : i32
        %add3A_168 = arith.constant 1 : i32
        %add3A_169 = arith.addi %mul3A_167, %add3A_168 : i32
        %mul3A_170 = arith.constant 160000 : i32
        %mul3A_171 = arith.muli %add3A_169, %mul3A_170 : i32
        %mul3A_172 = arith.constant 640 : i32
        %mul3A_173 = arith.muli %add3A_81, %mul3A_172 : i32
        %add3A_174 = arith.addi %mul3A_171, %mul3A_173 : i32
        %dma_wait3A_175 = tpu.memref_slice %arg2[%add3A_174] : memref<2560000xf32, #tpu.memory_space<hbm>> -> memref<640xf32, #tpu.memory_space<hbm>>
        %dma_wait3A_176 = tpu.memref_slice %arg2[%add3A_174] : memref<2560000xf32, #tpu.memory_space<hbm>> -> memref<640xf32, #tpu.memory_space<hbm>>
        tpu.wait_dma2 semaphore(%arg54 : memref<!tpu.dma_semaphore, #tpu.memory_space<semaphore_mem>>) src(%dma_wait3A_176 : memref<640xf32, #tpu.memory_space<hbm>>) dst(%arg39 : memref<640xf32, #tpu.memory_space<vmem>>)
        %mul3A_177 = arith.constant 8 : i32
        %mul3A_178 = arith.muli %arg0, %mul3A_177 : i32
        %add3A_179 = arith.constant 2 : i32
        %add3A_180 = arith.addi %mul3A_178, %add3A_179 : i32
        %mul3A_181 = arith.constant 160000 : i32
        %mul3A_182 = arith.muli %add3A_180, %mul3A_181 : i32
        %mul3A_183 = arith.constant 640 : i32
        %mul3A_184 = arith.muli %add3A_81, %mul3A_183 : i32
        %add3A_185 = arith.addi %mul3A_182, %mul3A_184 : i32
        %dma_wait3A_186 = tpu.memref_slice %arg2[%add3A_185] : memref<2560000xf32, #tpu.memory_space<hbm>> -> memref<640xf32, #tpu.memory_space<hbm>>
        %dma_wait3A_187 = tpu.memref_slice %arg2[%add3A_185] : memref<2560000xf32, #tpu.memory_space<hbm>> -> memref<640xf32, #tpu.memory_space<hbm>>
        tpu.wait_dma2 semaphore(%arg54 : memref<!tpu.dma_semaphore, #tpu.memory_space<semaphore_mem>>) src(%dma_wait3A_187 : memref<640xf32, #tpu.memory_space<hbm>>) dst(%arg40 : memref<640xf32, #tpu.memory_space<vmem>>)
        %mul3A_188 = arith.constant 8 : i32
        %mul3A_189 = arith.muli %arg0, %mul3A_188 : i32
        %add3A_190 = arith.constant 3 : i32
        %add3A_191 = arith.addi %mul3A_189, %add3A_190 : i32
        %mul3A_192 = arith.constant 160000 : i32
        %mul3A_193 = arith.muli %add3A_191, %mul3A_192 : i32
        %mul3A_194 = arith.constant 640 : i32
        %mul3A_195 = arith.muli %add3A_81, %mul3A_194 : i32
        %add3A_196 = arith.addi %mul3A_193, %mul3A_195 : i32
        %dma_wait3A_197 = tpu.memref_slice %arg2[%add3A_196] : memref<2560000xf32, #tpu.memory_space<hbm>> -> memref<640xf32, #tpu.memory_space<hbm>>
        %dma_wait3A_198 = tpu.memref_slice %arg2[%add3A_196] : memref<2560000xf32, #tpu.memory_space<hbm>> -> memref<640xf32, #tpu.memory_space<hbm>>
        tpu.wait_dma2 semaphore(%arg54 : memref<!tpu.dma_semaphore, #tpu.memory_space<semaphore_mem>>) src(%dma_wait3A_198 : memref<640xf32, #tpu.memory_space<hbm>>) dst(%arg41 : memref<640xf32, #tpu.memory_space<vmem>>)
        %dma_start3A = arith.constant 0 : i32
        %dma_start3A_199 = tpu.memref_slice %arg38[%dma_start3A] : memref<640xf32, #tpu.memory_space<vmem>> -> memref<128xf32, #tpu.memory_space<vmem>>
        %dma_start3A_200 = arith.constant 0 : i32
        %dma_start3A_201 = tpu.memref_slice %arg47[%dma_start3A_200] : memref<10240xf32, #tpu.memory_space<vmem_shared>> -> memref<10240xf32, #tpu.memory_space<vmem_shared>>
        tpu.enqueue_indirect_dma source(%dma_start3A_199 : memref<128xf32, #tpu.memory_space<vmem>>) target(%dma_start3A_201 : memref<10240xf32, #tpu.memory_space<vmem_shared>>) offsets(%arg28 : memref<128xi32, #tpu.memory_space<vmem>>) semaphore(%arg56 : memref<!tpu.dma_semaphore, #tpu.memory_space<semaphore_mem>>) {add = true}
        %dma_start3A_202 = arith.constant 0 : i32
        %dma_start3A_203 = tpu.memref_slice %arg39[%dma_start3A_202] : memref<640xf32, #tpu.memory_space<vmem>> -> memref<128xf32, #tpu.memory_space<vmem>>
        %dma_start3A_204 = arith.constant 0 : i32
        %dma_start3A_205 = tpu.memref_slice %arg48[%dma_start3A_204] : memref<10240xf32, #tpu.memory_space<vmem_shared>> -> memref<10240xf32, #tpu.memory_space<vmem_shared>>
        tpu.enqueue_indirect_dma source(%dma_start3A_203 : memref<128xf32, #tpu.memory_space<vmem>>) target(%dma_start3A_205 : memref<10240xf32, #tpu.memory_space<vmem_shared>>) offsets(%arg28 : memref<128xi32, #tpu.memory_space<vmem>>) semaphore(%arg56 : memref<!tpu.dma_semaphore, #tpu.memory_space<semaphore_mem>>) {add = true}
        %dma_start3A_206 = arith.constant 0 : i32
        %dma_start3A_207 = tpu.memref_slice %arg40[%dma_start3A_206] : memref<640xf32, #tpu.memory_space<vmem>> -> memref<128xf32, #tpu.memory_space<vmem>>
        %dma_start3A_208 = arith.constant 0 : i32
        %dma_start3A_209 = tpu.memref_slice %arg49[%dma_start3A_208] : memref<10240xf32, #tpu.memory_space<vmem_shared>> -> memref<10240xf32, #tpu.memory_space<vmem_shared>>
        tpu.enqueue_indirect_dma source(%dma_start3A_207 : memref<128xf32, #tpu.memory_space<vmem>>) target(%dma_start3A_209 : memref<10240xf32, #tpu.memory_space<vmem_shared>>) offsets(%arg28 : memref<128xi32, #tpu.memory_space<vmem>>) semaphore(%arg56 : memref<!tpu.dma_semaphore, #tpu.memory_space<semaphore_mem>>) {add = true}
        %dma_start3A_210 = arith.constant 0 : i32
        %dma_start3A_211 = tpu.memref_slice %arg41[%dma_start3A_210] : memref<640xf32, #tpu.memory_space<vmem>> -> memref<128xf32, #tpu.memory_space<vmem>>
        %dma_start3A_212 = arith.constant 0 : i32
        %dma_start3A_213 = tpu.memref_slice %arg50[%dma_start3A_212] : memref<10240xf32, #tpu.memory_space<vmem_shared>> -> memref<10240xf32, #tpu.memory_space<vmem_shared>>
        tpu.enqueue_indirect_dma source(%dma_start3A_211 : memref<128xf32, #tpu.memory_space<vmem>>) target(%dma_start3A_213 : memref<10240xf32, #tpu.memory_space<vmem_shared>>) offsets(%arg28 : memref<128xi32, #tpu.memory_space<vmem>>) semaphore(%arg56 : memref<!tpu.dma_semaphore, #tpu.memory_space<semaphore_mem>>) {add = true}
        %dma_start3A_214 = arith.constant 128 : i32
        %dma_start3A_215 = tpu.memref_slice %arg38[%dma_start3A_214] : memref<640xf32, #tpu.memory_space<vmem>> -> memref<128xf32, #tpu.memory_space<vmem>>
        %dma_start3A_216 = arith.constant 0 : i32
        %dma_start3A_217 = tpu.memref_slice %arg47[%dma_start3A_216] : memref<10240xf32, #tpu.memory_space<vmem_shared>> -> memref<10240xf32, #tpu.memory_space<vmem_shared>>
        tpu.enqueue_indirect_dma source(%dma_start3A_215 : memref<128xf32, #tpu.memory_space<vmem>>) target(%dma_start3A_217 : memref<10240xf32, #tpu.memory_space<vmem_shared>>) offsets(%arg29 : memref<128xi32, #tpu.memory_space<vmem>>) semaphore(%arg56 : memref<!tpu.dma_semaphore, #tpu.memory_space<semaphore_mem>>) {add = true}
        %dma_start3A_218 = arith.constant 128 : i32
        %dma_start3A_219 = tpu.memref_slice %arg39[%dma_start3A_218] : memref<640xf32, #tpu.memory_space<vmem>> -> memref<128xf32, #tpu.memory_space<vmem>>
        %dma_start3A_220 = arith.constant 0 : i32
        %dma_start3A_221 = tpu.memref_slice %arg48[%dma_start3A_220] : memref<10240xf32, #tpu.memory_space<vmem_shared>> -> memref<10240xf32, #tpu.memory_space<vmem_shared>>
        tpu.enqueue_indirect_dma source(%dma_start3A_219 : memref<128xf32, #tpu.memory_space<vmem>>) target(%dma_start3A_221 : memref<10240xf32, #tpu.memory_space<vmem_shared>>) offsets(%arg29 : memref<128xi32, #tpu.memory_space<vmem>>) semaphore(%arg56 : memref<!tpu.dma_semaphore, #tpu.memory_space<semaphore_mem>>) {add = true}
        %dma_start3A_222 = arith.constant 128 : i32
        %dma_start3A_223 = tpu.memref_slice %arg40[%dma_start3A_222] : memref<640xf32, #tpu.memory_space<vmem>> -> memref<128xf32, #tpu.memory_space<vmem>>
        %dma_start3A_224 = arith.constant 0 : i32
        %dma_start3A_225 = tpu.memref_slice %arg49[%dma_start3A_224] : memref<10240xf32, #tpu.memory_space<vmem_shared>> -> memref<10240xf32, #tpu.memory_space<vmem_shared>>
        tpu.enqueue_indirect_dma source(%dma_start3A_223 : memref<128xf32, #tpu.memory_space<vmem>>) target(%dma_start3A_225 : memref<10240xf32, #tpu.memory_space<vmem_shared>>) offsets(%arg29 : memref<128xi32, #tpu.memory_space<vmem>>) semaphore(%arg56 : memref<!tpu.dma_semaphore, #tpu.memory_space<semaphore_mem>>) {add = true}
        %dma_start3A_226 = arith.constant 128 : i32
        %dma_start3A_227 = tpu.memref_slice %arg41[%dma_start3A_226] : memref<640xf32, #tpu.memory_space<vmem>> -> memref<128xf32, #tpu.memory_space<vmem>>
        %dma_start3A_228 = arith.constant 0 : i32
        %dma_start3A_229 = tpu.memref_slice %arg50[%dma_start3A_228] : memref<10240xf32, #tpu.memory_space<vmem_shared>> -> memref<10240xf32, #tpu.memory_space<vmem_shared>>
        tpu.enqueue_indirect_dma source(%dma_start3A_227 : memref<128xf32, #tpu.memory_space<vmem>>) target(%dma_start3A_229 : memref<10240xf32, #tpu.memory_space<vmem_shared>>) offsets(%arg29 : memref<128xi32, #tpu.memory_space<vmem>>) semaphore(%arg56 : memref<!tpu.dma_semaphore, #tpu.memory_space<semaphore_mem>>) {add = true}
        %dma_start3A_230 = arith.constant 256 : i32
        %dma_start3A_231 = tpu.memref_slice %arg38[%dma_start3A_230] : memref<640xf32, #tpu.memory_space<vmem>> -> memref<128xf32, #tpu.memory_space<vmem>>
        %dma_start3A_232 = arith.constant 0 : i32
        %dma_start3A_233 = tpu.memref_slice %arg47[%dma_start3A_232] : memref<10240xf32, #tpu.memory_space<vmem_shared>> -> memref<10240xf32, #tpu.memory_space<vmem_shared>>
        tpu.enqueue_indirect_dma source(%dma_start3A_231 : memref<128xf32, #tpu.memory_space<vmem>>) target(%dma_start3A_233 : memref<10240xf32, #tpu.memory_space<vmem_shared>>) offsets(%arg30 : memref<128xi32, #tpu.memory_space<vmem>>) semaphore(%arg56 : memref<!tpu.dma_semaphore, #tpu.memory_space<semaphore_mem>>) {add = true}
        %dma_start3A_234 = arith.constant 256 : i32
        %dma_start3A_235 = tpu.memref_slice %arg39[%dma_start3A_234] : memref<640xf32, #tpu.memory_space<vmem>> -> memref<128xf32, #tpu.memory_space<vmem>>
        %dma_start3A_236 = arith.constant 0 : i32
        %dma_start3A_237 = tpu.memref_slice %arg48[%dma_start3A_236] : memref<10240xf32, #tpu.memory_space<vmem_shared>> -> memref<10240xf32, #tpu.memory_space<vmem_shared>>
        tpu.enqueue_indirect_dma source(%dma_start3A_235 : memref<128xf32, #tpu.memory_space<vmem>>) target(%dma_start3A_237 : memref<10240xf32, #tpu.memory_space<vmem_shared>>) offsets(%arg30 : memref<128xi32, #tpu.memory_space<vmem>>) semaphore(%arg56 : memref<!tpu.dma_semaphore, #tpu.memory_space<semaphore_mem>>) {add = true}
        %dma_start3A_238 = arith.constant 256 : i32
        %dma_start3A_239 = tpu.memref_slice %arg40[%dma_start3A_238] : memref<640xf32, #tpu.memory_space<vmem>> -> memref<128xf32, #tpu.memory_space<vmem>>
        %dma_start3A_240 = arith.constant 0 : i32
        %dma_start3A_241 = tpu.memref_slice %arg49[%dma_start3A_240] : memref<10240xf32, #tpu.memory_space<vmem_shared>> -> memref<10240xf32, #tpu.memory_space<vmem_shared>>
        tpu.enqueue_indirect_dma source(%dma_start3A_239 : memref<128xf32, #tpu.memory_space<vmem>>) target(%dma_start3A_241 : memref<10240xf32, #tpu.memory_space<vmem_shared>>) offsets(%arg30 : memref<128xi32, #tpu.memory_space<vmem>>) semaphore(%arg56 : memref<!tpu.dma_semaphore, #tpu.memory_space<semaphore_mem>>) {add = true}
        %dma_start3A_242 = arith.constant 256 : i32
        %dma_start3A_243 = tpu.memref_slice %arg41[%dma_start3A_242] : memref<640xf32, #tpu.memory_space<vmem>> -> memref<128xf32, #tpu.memory_space<vmem>>
        %dma_start3A_244 = arith.constant 0 : i32
        %dma_start3A_245 = tpu.memref_slice %arg50[%dma_start3A_244] : memref<10240xf32, #tpu.memory_space<vmem_shared>> -> memref<10240xf32, #tpu.memory_space<vmem_shared>>
        tpu.enqueue_indirect_dma source(%dma_start3A_243 : memref<128xf32, #tpu.memory_space<vmem>>) target(%dma_start3A_245 : memref<10240xf32, #tpu.memory_space<vmem_shared>>) offsets(%arg30 : memref<128xi32, #tpu.memory_space<vmem>>) semaphore(%arg56 : memref<!tpu.dma_semaphore, #tpu.memory_space<semaphore_mem>>) {add = true}
        %dma_start3A_246 = arith.constant 384 : i32
        %dma_start3A_247 = tpu.memref_slice %arg38[%dma_start3A_246] : memref<640xf32, #tpu.memory_space<vmem>> -> memref<128xf32, #tpu.memory_space<vmem>>
        %dma_start3A_248 = arith.constant 0 : i32
        %dma_start3A_249 = tpu.memref_slice %arg47[%dma_start3A_248] : memref<10240xf32, #tpu.memory_space<vmem_shared>> -> memref<10240xf32, #tpu.memory_space<vmem_shared>>
        tpu.enqueue_indirect_dma source(%dma_start3A_247 : memref<128xf32, #tpu.memory_space<vmem>>) target(%dma_start3A_249 : memref<10240xf32, #tpu.memory_space<vmem_shared>>) offsets(%arg31 : memref<128xi32, #tpu.memory_space<vmem>>) semaphore(%arg56 : memref<!tpu.dma_semaphore, #tpu.memory_space<semaphore_mem>>) {add = true}
        %dma_start3A_250 = arith.constant 384 : i32
        %dma_start3A_251 = tpu.memref_slice %arg39[%dma_start3A_250] : memref<640xf32, #tpu.memory_space<vmem>> -> memref<128xf32, #tpu.memory_space<vmem>>
        %dma_start3A_252 = arith.constant 0 : i32
        %dma_start3A_253 = tpu.memref_slice %arg48[%dma_start3A_252] : memref<10240xf32, #tpu.memory_space<vmem_shared>> -> memref<10240xf32, #tpu.memory_space<vmem_shared>>
        tpu.enqueue_indirect_dma source(%dma_start3A_251 : memref<128xf32, #tpu.memory_space<vmem>>) target(%dma_start3A_253 : memref<10240xf32, #tpu.memory_space<vmem_shared>>) offsets(%arg31 : memref<128xi32, #tpu.memory_space<vmem>>) semaphore(%arg56 : memref<!tpu.dma_semaphore, #tpu.memory_space<semaphore_mem>>) {add = true}
        %dma_start3A_254 = arith.constant 384 : i32
        %dma_start3A_255 = tpu.memref_slice %arg40[%dma_start3A_254] : memref<640xf32, #tpu.memory_space<vmem>> -> memref<128xf32, #tpu.memory_space<vmem>>
        %dma_start3A_256 = arith.constant 0 : i32
        %dma_start3A_257 = tpu.memref_slice %arg49[%dma_start3A_256] : memref<10240xf32, #tpu.memory_space<vmem_shared>> -> memref<10240xf32, #tpu.memory_space<vmem_shared>>
        tpu.enqueue_indirect_dma source(%dma_start3A_255 : memref<128xf32, #tpu.memory_space<vmem>>) target(%dma_start3A_257 : memref<10240xf32, #tpu.memory_space<vmem_shared>>) offsets(%arg31 : memref<128xi32, #tpu.memory_space<vmem>>) semaphore(%arg56 : memref<!tpu.dma_semaphore, #tpu.memory_space<semaphore_mem>>) {add = true}
        %dma_start3A_258 = arith.constant 384 : i32
        %dma_start3A_259 = tpu.memref_slice %arg41[%dma_start3A_258] : memref<640xf32, #tpu.memory_space<vmem>> -> memref<128xf32, #tpu.memory_space<vmem>>
        %dma_start3A_260 = arith.constant 0 : i32
        %dma_start3A_261 = tpu.memref_slice %arg50[%dma_start3A_260] : memref<10240xf32, #tpu.memory_space<vmem_shared>> -> memref<10240xf32, #tpu.memory_space<vmem_shared>>
        tpu.enqueue_indirect_dma source(%dma_start3A_259 : memref<128xf32, #tpu.memory_space<vmem>>) target(%dma_start3A_261 : memref<10240xf32, #tpu.memory_space<vmem_shared>>) offsets(%arg31 : memref<128xi32, #tpu.memory_space<vmem>>) semaphore(%arg56 : memref<!tpu.dma_semaphore, #tpu.memory_space<semaphore_mem>>) {add = true}
        %dma_start3A_262 = arith.constant 512 : i32
        %dma_start3A_263 = tpu.memref_slice %arg38[%dma_start3A_262] : memref<640xf32, #tpu.memory_space<vmem>> -> memref<128xf32, #tpu.memory_space<vmem>>
        %dma_start3A_264 = arith.constant 0 : i32
        %dma_start3A_265 = tpu.memref_slice %arg47[%dma_start3A_264] : memref<10240xf32, #tpu.memory_space<vmem_shared>> -> memref<10240xf32, #tpu.memory_space<vmem_shared>>
        tpu.enqueue_indirect_dma source(%dma_start3A_263 : memref<128xf32, #tpu.memory_space<vmem>>) target(%dma_start3A_265 : memref<10240xf32, #tpu.memory_space<vmem_shared>>) offsets(%arg32 : memref<128xi32, #tpu.memory_space<vmem>>) semaphore(%arg56 : memref<!tpu.dma_semaphore, #tpu.memory_space<semaphore_mem>>) {add = true}
        %dma_start3A_266 = arith.constant 512 : i32
        %dma_start3A_267 = tpu.memref_slice %arg39[%dma_start3A_266] : memref<640xf32, #tpu.memory_space<vmem>> -> memref<128xf32, #tpu.memory_space<vmem>>
        %dma_start3A_268 = arith.constant 0 : i32
        %dma_start3A_269 = tpu.memref_slice %arg48[%dma_start3A_268] : memref<10240xf32, #tpu.memory_space<vmem_shared>> -> memref<10240xf32, #tpu.memory_space<vmem_shared>>
        tpu.enqueue_indirect_dma source(%dma_start3A_267 : memref<128xf32, #tpu.memory_space<vmem>>) target(%dma_start3A_269 : memref<10240xf32, #tpu.memory_space<vmem_shared>>) offsets(%arg32 : memref<128xi32, #tpu.memory_space<vmem>>) semaphore(%arg56 : memref<!tpu.dma_semaphore, #tpu.memory_space<semaphore_mem>>) {add = true}
        %dma_start3A_270 = arith.constant 512 : i32
        %dma_start3A_271 = tpu.memref_slice %arg40[%dma_start3A_270] : memref<640xf32, #tpu.memory_space<vmem>> -> memref<128xf32, #tpu.memory_space<vmem>>
        %dma_start3A_272 = arith.constant 0 : i32
        %dma_start3A_273 = tpu.memref_slice %arg49[%dma_start3A_272] : memref<10240xf32, #tpu.memory_space<vmem_shared>> -> memref<10240xf32, #tpu.memory_space<vmem_shared>>
        tpu.enqueue_indirect_dma source(%dma_start3A_271 : memref<128xf32, #tpu.memory_space<vmem>>) target(%dma_start3A_273 : memref<10240xf32, #tpu.memory_space<vmem_shared>>) offsets(%arg32 : memref<128xi32, #tpu.memory_space<vmem>>) semaphore(%arg56 : memref<!tpu.dma_semaphore, #tpu.memory_space<semaphore_mem>>) {add = true}
        %dma_start3A_274 = arith.constant 512 : i32
        %dma_start3A_275 = tpu.memref_slice %arg41[%dma_start3A_274] : memref<640xf32, #tpu.memory_space<vmem>> -> memref<128xf32, #tpu.memory_space<vmem>>
        %dma_start3A_276 = arith.constant 0 : i32
        %dma_start3A_277 = tpu.memref_slice %arg50[%dma_start3A_276] : memref<10240xf32, #tpu.memory_space<vmem_shared>> -> memref<10240xf32, #tpu.memory_space<vmem_shared>>
        tpu.enqueue_indirect_dma source(%dma_start3A_275 : memref<128xf32, #tpu.memory_space<vmem>>) target(%dma_start3A_277 : memref<10240xf32, #tpu.memory_space<vmem_shared>>) offsets(%arg32 : memref<128xi32, #tpu.memory_space<vmem>>) semaphore(%arg56 : memref<!tpu.dma_semaphore, #tpu.memory_space<semaphore_mem>>) {add = true}
      } else {
      }
      %lt3A_98 = arith.cmpi slt, %add3A_88, %min3A_8 : i32
      %convert_element_type3A_99 = arith.extui %lt3A_98 : i1 to i32
      %cond3A_100 = arith.constant 0 : i32
      %cond3A_101 = arith.cmpi ne, %convert_element_type3A_99, %cond3A_100 : i32
      scf.if %cond3A_101 {
        %mul3A_111 = arith.constant 160000 : i32
        %mul3A_112 = arith.muli %arg0, %mul3A_111 : i32
        %mul3A_113 = arith.constant 640 : i32
        %mul3A_114 = arith.muli %add3A_88, %mul3A_113 : i32
        %add3A_115 = arith.addi %mul3A_112, %mul3A_114 : i32
        %add3A_116 = arith.constant 0 : i32
        %add3A_117 = arith.addi %add3A_115, %add3A_116 : i32
        %dma_wait3A = tpu.memref_slice %arg4[%add3A_117] : memref<320000xi32, #tpu.memory_space<hbm>> -> memref<128xi32, #tpu.memory_space<hbm>>
        %dma_wait3A_118 = tpu.memref_slice %arg4[%add3A_117] : memref<320000xi32, #tpu.memory_space<hbm>> -> memref<128xi32, #tpu.memory_space<hbm>>
        tpu.wait_dma2 semaphore(%arg53 : memref<!tpu.dma_semaphore, #tpu.memory_space<semaphore_mem>>) src(%dma_wait3A_118 : memref<128xi32, #tpu.memory_space<hbm>>) dst(%arg33 : memref<128xi32, #tpu.memory_space<vmem>>)
        %mul3A_119 = arith.constant 160000 : i32
        %mul3A_120 = arith.muli %arg0, %mul3A_119 : i32
        %mul3A_121 = arith.constant 640 : i32
        %mul3A_122 = arith.muli %add3A_88, %mul3A_121 : i32
        %add3A_123 = arith.addi %mul3A_120, %mul3A_122 : i32
        %add3A_124 = arith.constant 128 : i32
        %add3A_125 = arith.addi %add3A_123, %add3A_124 : i32
        %dma_wait3A_126 = tpu.memref_slice %arg4[%add3A_125] : memref<320000xi32, #tpu.memory_space<hbm>> -> memref<128xi32, #tpu.memory_space<hbm>>
        %dma_wait3A_127 = tpu.memref_slice %arg4[%add3A_125] : memref<320000xi32, #tpu.memory_space<hbm>> -> memref<128xi32, #tpu.memory_space<hbm>>
        tpu.wait_dma2 semaphore(%arg53 : memref<!tpu.dma_semaphore, #tpu.memory_space<semaphore_mem>>) src(%dma_wait3A_127 : memref<128xi32, #tpu.memory_space<hbm>>) dst(%arg34 : memref<128xi32, #tpu.memory_space<vmem>>)
        %mul3A_128 = arith.constant 160000 : i32
        %mul3A_129 = arith.muli %arg0, %mul3A_128 : i32
        %mul3A_130 = arith.constant 640 : i32
        %mul3A_131 = arith.muli %add3A_88, %mul3A_130 : i32
        %add3A_132 = arith.addi %mul3A_129, %mul3A_131 : i32
        %add3A_133 = arith.constant 256 : i32
        %add3A_134 = arith.addi %add3A_132, %add3A_133 : i32
        %dma_wait3A_135 = tpu.memref_slice %arg4[%add3A_134] : memref<320000xi32, #tpu.memory_space<hbm>> -> memref<128xi32, #tpu.memory_space<hbm>>
        %dma_wait3A_136 = tpu.memref_slice %arg4[%add3A_134] : memref<320000xi32, #tpu.memory_space<hbm>> -> memref<128xi32, #tpu.memory_space<hbm>>
        tpu.wait_dma2 semaphore(%arg53 : memref<!tpu.dma_semaphore, #tpu.memory_space<semaphore_mem>>) src(%dma_wait3A_136 : memref<128xi32, #tpu.memory_space<hbm>>) dst(%arg35 : memref<128xi32, #tpu.memory_space<vmem>>)
        %mul3A_137 = arith.constant 160000 : i32
        %mul3A_138 = arith.muli %arg0, %mul3A_137 : i32
        %mul3A_139 = arith.constant 640 : i32
        %mul3A_140 = arith.muli %add3A_88, %mul3A_139 : i32
        %add3A_141 = arith.addi %mul3A_138, %mul3A_140 : i32
        %add3A_142 = arith.constant 384 : i32
        %add3A_143 = arith.addi %add3A_141, %add3A_142 : i32
        %dma_wait3A_144 = tpu.memref_slice %arg4[%add3A_143] : memref<320000xi32, #tpu.memory_space<hbm>> -> memref<128xi32, #tpu.memory_space<hbm>>
        %dma_wait3A_145 = tpu.memref_slice %arg4[%add3A_143] : memref<320000xi32, #tpu.memory_space<hbm>> -> memref<128xi32, #tpu.memory_space<hbm>>
        tpu.wait_dma2 semaphore(%arg53 : memref<!tpu.dma_semaphore, #tpu.memory_space<semaphore_mem>>) src(%dma_wait3A_145 : memref<128xi32, #tpu.memory_space<hbm>>) dst(%arg36 : memref<128xi32, #tpu.memory_space<vmem>>)
        %mul3A_146 = arith.constant 160000 : i32
        %mul3A_147 = arith.muli %arg0, %mul3A_146 : i32
        %mul3A_148 = arith.constant 640 : i32
        %mul3A_149 = arith.muli %add3A_88, %mul3A_148 : i32
        %add3A_150 = arith.addi %mul3A_147, %mul3A_149 : i32
        %add3A_151 = arith.constant 512 : i32
        %add3A_152 = arith.addi %add3A_150, %add3A_151 : i32
        %dma_wait3A_153 = tpu.memref_slice %arg4[%add3A_152] : memref<320000xi32, #tpu.memory_space<hbm>> -> memref<128xi32, #tpu.memory_space<hbm>>
        %dma_wait3A_154 = tpu.memref_slice %arg4[%add3A_152] : memref<320000xi32, #tpu.memory_space<hbm>> -> memref<128xi32, #tpu.memory_space<hbm>>
        tpu.wait_dma2 semaphore(%arg53 : memref<!tpu.dma_semaphore, #tpu.memory_space<semaphore_mem>>) src(%dma_wait3A_154 : memref<128xi32, #tpu.memory_space<hbm>>) dst(%arg37 : memref<128xi32, #tpu.memory_space<vmem>>)
        %mul3A_155 = arith.constant 8 : i32
        %mul3A_156 = arith.muli %arg0, %mul3A_155 : i32
        %add3A_157 = arith.constant 0 : i32
        %add3A_158 = arith.addi %mul3A_156, %add3A_157 : i32
        %mul3A_159 = arith.constant 160000 : i32
        %mul3A_160 = arith.muli %add3A_158, %mul3A_159 : i32
        %mul3A_161 = arith.constant 640 : i32
        %mul3A_162 = arith.muli %add3A_88, %mul3A_161 : i32
        %add3A_163 = arith.addi %mul3A_160, %mul3A_162 : i32
        %dma_wait3A_164 = tpu.memref_slice %arg2[%add3A_163] : memref<2560000xf32, #tpu.memory_space<hbm>> -> memref<640xf32, #tpu.memory_space<hbm>>
        %dma_wait3A_165 = tpu.memref_slice %arg2[%add3A_163] : memref<2560000xf32, #tpu.memory_space<hbm>> -> memref<640xf32, #tpu.memory_space<hbm>>
        tpu.wait_dma2 semaphore(%arg55 : memref<!tpu.dma_semaphore, #tpu.memory_space<semaphore_mem>>) src(%dma_wait3A_165 : memref<640xf32, #tpu.memory_space<hbm>>) dst(%arg42 : memref<640xf32, #tpu.memory_space<vmem>>)
        %mul3A_166 = arith.constant 8 : i32
        %mul3A_167 = arith.muli %arg0, %mul3A_166 : i32
        %add3A_168 = arith.constant 1 : i32
        %add3A_169 = arith.addi %mul3A_167, %add3A_168 : i32
        %mul3A_170 = arith.constant 160000 : i32
        %mul3A_171 = arith.muli %add3A_169, %mul3A_170 : i32
        %mul3A_172 = arith.constant 640 : i32
        %mul3A_173 = arith.muli %add3A_88, %mul3A_172 : i32
        %add3A_174 = arith.addi %mul3A_171, %mul3A_173 : i32
        %dma_wait3A_175 = tpu.memref_slice %arg2[%add3A_174] : memref<2560000xf32, #tpu.memory_space<hbm>> -> memref<640xf32, #tpu.memory_space<hbm>>
        %dma_wait3A_176 = tpu.memref_slice %arg2[%add3A_174] : memref<2560000xf32, #tpu.memory_space<hbm>> -> memref<640xf32, #tpu.memory_space<hbm>>
        tpu.wait_dma2 semaphore(%arg55 : memref<!tpu.dma_semaphore, #tpu.memory_space<semaphore_mem>>) src(%dma_wait3A_176 : memref<640xf32, #tpu.memory_space<hbm>>) dst(%arg43 : memref<640xf32, #tpu.memory_space<vmem>>)
        %mul3A_177 = arith.constant 8 : i32
        %mul3A_178 = arith.muli %arg0, %mul3A_177 : i32
        %add3A_179 = arith.constant 2 : i32
        %add3A_180 = arith.addi %mul3A_178, %add3A_179 : i32
        %mul3A_181 = arith.constant 160000 : i32
        %mul3A_182 = arith.muli %add3A_180, %mul3A_181 : i32
        %mul3A_183 = arith.constant 640 : i32
        %mul3A_184 = arith.muli %add3A_88, %mul3A_183 : i32
        %add3A_185 = arith.addi %mul3A_182, %mul3A_184 : i32
        %dma_wait3A_186 = tpu.memref_slice %arg2[%add3A_185] : memref<2560000xf32, #tpu.memory_space<hbm>> -> memref<640xf32, #tpu.memory_space<hbm>>
        %dma_wait3A_187 = tpu.memref_slice %arg2[%add3A_185] : memref<2560000xf32, #tpu.memory_space<hbm>> -> memref<640xf32, #tpu.memory_space<hbm>>
        tpu.wait_dma2 semaphore(%arg55 : memref<!tpu.dma_semaphore, #tpu.memory_space<semaphore_mem>>) src(%dma_wait3A_187 : memref<640xf32, #tpu.memory_space<hbm>>) dst(%arg44 : memref<640xf32, #tpu.memory_space<vmem>>)
        %mul3A_188 = arith.constant 8 : i32
        %mul3A_189 = arith.muli %arg0, %mul3A_188 : i32
        %add3A_190 = arith.constant 3 : i32
        %add3A_191 = arith.addi %mul3A_189, %add3A_190 : i32
        %mul3A_192 = arith.constant 160000 : i32
        %mul3A_193 = arith.muli %add3A_191, %mul3A_192 : i32
        %mul3A_194 = arith.constant 640 : i32
        %mul3A_195 = arith.muli %add3A_88, %mul3A_194 : i32
        %add3A_196 = arith.addi %mul3A_193, %mul3A_195 : i32
        %dma_wait3A_197 = tpu.memref_slice %arg2[%add3A_196] : memref<2560000xf32, #tpu.memory_space<hbm>> -> memref<640xf32, #tpu.memory_space<hbm>>
        %dma_wait3A_198 = tpu.memref_slice %arg2[%add3A_196] : memref<2560000xf32, #tpu.memory_space<hbm>> -> memref<640xf32, #tpu.memory_space<hbm>>
        tpu.wait_dma2 semaphore(%arg55 : memref<!tpu.dma_semaphore, #tpu.memory_space<semaphore_mem>>) src(%dma_wait3A_198 : memref<640xf32, #tpu.memory_space<hbm>>) dst(%arg45 : memref<640xf32, #tpu.memory_space<vmem>>)
        %dma_start3A = arith.constant 0 : i32
        %dma_start3A_199 = tpu.memref_slice %arg42[%dma_start3A] : memref<640xf32, #tpu.memory_space<vmem>> -> memref<128xf32, #tpu.memory_space<vmem>>
        %dma_start3A_200 = arith.constant 0 : i32
        %dma_start3A_201 = tpu.memref_slice %arg47[%dma_start3A_200] : memref<10240xf32, #tpu.memory_space<vmem_shared>> -> memref<10240xf32, #tpu.memory_space<vmem_shared>>
        tpu.enqueue_indirect_dma source(%dma_start3A_199 : memref<128xf32, #tpu.memory_space<vmem>>) target(%dma_start3A_201 : memref<10240xf32, #tpu.memory_space<vmem_shared>>) offsets(%arg33 : memref<128xi32, #tpu.memory_space<vmem>>) semaphore(%arg57 : memref<!tpu.dma_semaphore, #tpu.memory_space<semaphore_mem>>) {add = true}
        %dma_start3A_202 = arith.constant 0 : i32
        %dma_start3A_203 = tpu.memref_slice %arg43[%dma_start3A_202] : memref<640xf32, #tpu.memory_space<vmem>> -> memref<128xf32, #tpu.memory_space<vmem>>
        %dma_start3A_204 = arith.constant 0 : i32
        %dma_start3A_205 = tpu.memref_slice %arg48[%dma_start3A_204] : memref<10240xf32, #tpu.memory_space<vmem_shared>> -> memref<10240xf32, #tpu.memory_space<vmem_shared>>
        tpu.enqueue_indirect_dma source(%dma_start3A_203 : memref<128xf32, #tpu.memory_space<vmem>>) target(%dma_start3A_205 : memref<10240xf32, #tpu.memory_space<vmem_shared>>) offsets(%arg33 : memref<128xi32, #tpu.memory_space<vmem>>) semaphore(%arg57 : memref<!tpu.dma_semaphore, #tpu.memory_space<semaphore_mem>>) {add = true}
        %dma_start3A_206 = arith.constant 0 : i32
        %dma_start3A_207 = tpu.memref_slice %arg44[%dma_start3A_206] : memref<640xf32, #tpu.memory_space<vmem>> -> memref<128xf32, #tpu.memory_space<vmem>>
        %dma_start3A_208 = arith.constant 0 : i32
        %dma_start3A_209 = tpu.memref_slice %arg49[%dma_start3A_208] : memref<10240xf32, #tpu.memory_space<vmem_shared>> -> memref<10240xf32, #tpu.memory_space<vmem_shared>>
        tpu.enqueue_indirect_dma source(%dma_start3A_207 : memref<128xf32, #tpu.memory_space<vmem>>) target(%dma_start3A_209 : memref<10240xf32, #tpu.memory_space<vmem_shared>>) offsets(%arg33 : memref<128xi32, #tpu.memory_space<vmem>>) semaphore(%arg57 : memref<!tpu.dma_semaphore, #tpu.memory_space<semaphore_mem>>) {add = true}
        %dma_start3A_210 = arith.constant 0 : i32
        %dma_start3A_211 = tpu.memref_slice %arg45[%dma_start3A_210] : memref<640xf32, #tpu.memory_space<vmem>> -> memref<128xf32, #tpu.memory_space<vmem>>
        %dma_start3A_212 = arith.constant 0 : i32
        %dma_start3A_213 = tpu.memref_slice %arg50[%dma_start3A_212] : memref<10240xf32, #tpu.memory_space<vmem_shared>> -> memref<10240xf32, #tpu.memory_space<vmem_shared>>
        tpu.enqueue_indirect_dma source(%dma_start3A_211 : memref<128xf32, #tpu.memory_space<vmem>>) target(%dma_start3A_213 : memref<10240xf32, #tpu.memory_space<vmem_shared>>) offsets(%arg33 : memref<128xi32, #tpu.memory_space<vmem>>) semaphore(%arg57 : memref<!tpu.dma_semaphore, #tpu.memory_space<semaphore_mem>>) {add = true}
        %dma_start3A_214 = arith.constant 128 : i32
        %dma_start3A_215 = tpu.memref_slice %arg42[%dma_start3A_214] : memref<640xf32, #tpu.memory_space<vmem>> -> memref<128xf32, #tpu.memory_space<vmem>>
        %dma_start3A_216 = arith.constant 0 : i32
        %dma_start3A_217 = tpu.memref_slice %arg47[%dma_start3A_216] : memref<10240xf32, #tpu.memory_space<vmem_shared>> -> memref<10240xf32, #tpu.memory_space<vmem_shared>>
        tpu.enqueue_indirect_dma source(%dma_start3A_215 : memref<128xf32, #tpu.memory_space<vmem>>) target(%dma_start3A_217 : memref<10240xf32, #tpu.memory_space<vmem_shared>>) offsets(%arg34 : memref<128xi32, #tpu.memory_space<vmem>>) semaphore(%arg57 : memref<!tpu.dma_semaphore, #tpu.memory_space<semaphore_mem>>) {add = true}
        %dma_start3A_218 = arith.constant 128 : i32
        %dma_start3A_219 = tpu.memref_slice %arg43[%dma_start3A_218] : memref<640xf32, #tpu.memory_space<vmem>> -> memref<128xf32, #tpu.memory_space<vmem>>
        %dma_start3A_220 = arith.constant 0 : i32
        %dma_start3A_221 = tpu.memref_slice %arg48[%dma_start3A_220] : memref<10240xf32, #tpu.memory_space<vmem_shared>> -> memref<10240xf32, #tpu.memory_space<vmem_shared>>
        tpu.enqueue_indirect_dma source(%dma_start3A_219 : memref<128xf32, #tpu.memory_space<vmem>>) target(%dma_start3A_221 : memref<10240xf32, #tpu.memory_space<vmem_shared>>) offsets(%arg34 : memref<128xi32, #tpu.memory_space<vmem>>) semaphore(%arg57 : memref<!tpu.dma_semaphore, #tpu.memory_space<semaphore_mem>>) {add = true}
        %dma_start3A_222 = arith.constant 128 : i32
        %dma_start3A_223 = tpu.memref_slice %arg44[%dma_start3A_222] : memref<640xf32, #tpu.memory_space<vmem>> -> memref<128xf32, #tpu.memory_space<vmem>>
        %dma_start3A_224 = arith.constant 0 : i32
        %dma_start3A_225 = tpu.memref_slice %arg49[%dma_start3A_224] : memref<10240xf32, #tpu.memory_space<vmem_shared>> -> memref<10240xf32, #tpu.memory_space<vmem_shared>>
        tpu.enqueue_indirect_dma source(%dma_start3A_223 : memref<128xf32, #tpu.memory_space<vmem>>) target(%dma_start3A_225 : memref<10240xf32, #tpu.memory_space<vmem_shared>>) offsets(%arg34 : memref<128xi32, #tpu.memory_space<vmem>>) semaphore(%arg57 : memref<!tpu.dma_semaphore, #tpu.memory_space<semaphore_mem>>) {add = true}
        %dma_start3A_226 = arith.constant 128 : i32
        %dma_start3A_227 = tpu.memref_slice %arg45[%dma_start3A_226] : memref<640xf32, #tpu.memory_space<vmem>> -> memref<128xf32, #tpu.memory_space<vmem>>
        %dma_start3A_228 = arith.constant 0 : i32
        %dma_start3A_229 = tpu.memref_slice %arg50[%dma_start3A_228] : memref<10240xf32, #tpu.memory_space<vmem_shared>> -> memref<10240xf32, #tpu.memory_space<vmem_shared>>
        tpu.enqueue_indirect_dma source(%dma_start3A_227 : memref<128xf32, #tpu.memory_space<vmem>>) target(%dma_start3A_229 : memref<10240xf32, #tpu.memory_space<vmem_shared>>) offsets(%arg34 : memref<128xi32, #tpu.memory_space<vmem>>) semaphore(%arg57 : memref<!tpu.dma_semaphore, #tpu.memory_space<semaphore_mem>>) {add = true}
        %dma_start3A_230 = arith.constant 256 : i32
        %dma_start3A_231 = tpu.memref_slice %arg42[%dma_start3A_230] : memref<640xf32, #tpu.memory_space<vmem>> -> memref<128xf32, #tpu.memory_space<vmem>>
        %dma_start3A_232 = arith.constant 0 : i32
        %dma_start3A_233 = tpu.memref_slice %arg47[%dma_start3A_232] : memref<10240xf32, #tpu.memory_space<vmem_shared>> -> memref<10240xf32, #tpu.memory_space<vmem_shared>>
        tpu.enqueue_indirect_dma source(%dma_start3A_231 : memref<128xf32, #tpu.memory_space<vmem>>) target(%dma_start3A_233 : memref<10240xf32, #tpu.memory_space<vmem_shared>>) offsets(%arg35 : memref<128xi32, #tpu.memory_space<vmem>>) semaphore(%arg57 : memref<!tpu.dma_semaphore, #tpu.memory_space<semaphore_mem>>) {add = true}
        %dma_start3A_234 = arith.constant 256 : i32
        %dma_start3A_235 = tpu.memref_slice %arg43[%dma_start3A_234] : memref<640xf32, #tpu.memory_space<vmem>> -> memref<128xf32, #tpu.memory_space<vmem>>
        %dma_start3A_236 = arith.constant 0 : i32
        %dma_start3A_237 = tpu.memref_slice %arg48[%dma_start3A_236] : memref<10240xf32, #tpu.memory_space<vmem_shared>> -> memref<10240xf32, #tpu.memory_space<vmem_shared>>
        tpu.enqueue_indirect_dma source(%dma_start3A_235 : memref<128xf32, #tpu.memory_space<vmem>>) target(%dma_start3A_237 : memref<10240xf32, #tpu.memory_space<vmem_shared>>) offsets(%arg35 : memref<128xi32, #tpu.memory_space<vmem>>) semaphore(%arg57 : memref<!tpu.dma_semaphore, #tpu.memory_space<semaphore_mem>>) {add = true}
        %dma_start3A_238 = arith.constant 256 : i32
        %dma_start3A_239 = tpu.memref_slice %arg44[%dma_start3A_238] : memref<640xf32, #tpu.memory_space<vmem>> -> memref<128xf32, #tpu.memory_space<vmem>>
        %dma_start3A_240 = arith.constant 0 : i32
        %dma_start3A_241 = tpu.memref_slice %arg49[%dma_start3A_240] : memref<10240xf32, #tpu.memory_space<vmem_shared>> -> memref<10240xf32, #tpu.memory_space<vmem_shared>>
        tpu.enqueue_indirect_dma source(%dma_start3A_239 : memref<128xf32, #tpu.memory_space<vmem>>) target(%dma_start3A_241 : memref<10240xf32, #tpu.memory_space<vmem_shared>>) offsets(%arg35 : memref<128xi32, #tpu.memory_space<vmem>>) semaphore(%arg57 : memref<!tpu.dma_semaphore, #tpu.memory_space<semaphore_mem>>) {add = true}
        %dma_start3A_242 = arith.constant 256 : i32
        %dma_start3A_243 = tpu.memref_slice %arg45[%dma_start3A_242] : memref<640xf32, #tpu.memory_space<vmem>> -> memref<128xf32, #tpu.memory_space<vmem>>
        %dma_start3A_244 = arith.constant 0 : i32
        %dma_start3A_245 = tpu.memref_slice %arg50[%dma_start3A_244] : memref<10240xf32, #tpu.memory_space<vmem_shared>> -> memref<10240xf32, #tpu.memory_space<vmem_shared>>
        tpu.enqueue_indirect_dma source(%dma_start3A_243 : memref<128xf32, #tpu.memory_space<vmem>>) target(%dma_start3A_245 : memref<10240xf32, #tpu.memory_space<vmem_shared>>) offsets(%arg35 : memref<128xi32, #tpu.memory_space<vmem>>) semaphore(%arg57 : memref<!tpu.dma_semaphore, #tpu.memory_space<semaphore_mem>>) {add = true}
        %dma_start3A_246 = arith.constant 384 : i32
        %dma_start3A_247 = tpu.memref_slice %arg42[%dma_start3A_246] : memref<640xf32, #tpu.memory_space<vmem>> -> memref<128xf32, #tpu.memory_space<vmem>>
        %dma_start3A_248 = arith.constant 0 : i32
        %dma_start3A_249 = tpu.memref_slice %arg47[%dma_start3A_248] : memref<10240xf32, #tpu.memory_space<vmem_shared>> -> memref<10240xf32, #tpu.memory_space<vmem_shared>>
        tpu.enqueue_indirect_dma source(%dma_start3A_247 : memref<128xf32, #tpu.memory_space<vmem>>) target(%dma_start3A_249 : memref<10240xf32, #tpu.memory_space<vmem_shared>>) offsets(%arg36 : memref<128xi32, #tpu.memory_space<vmem>>) semaphore(%arg57 : memref<!tpu.dma_semaphore, #tpu.memory_space<semaphore_mem>>) {add = true}
        %dma_start3A_250 = arith.constant 384 : i32
        %dma_start3A_251 = tpu.memref_slice %arg43[%dma_start3A_250] : memref<640xf32, #tpu.memory_space<vmem>> -> memref<128xf32, #tpu.memory_space<vmem>>
        %dma_start3A_252 = arith.constant 0 : i32
        %dma_start3A_253 = tpu.memref_slice %arg48[%dma_start3A_252] : memref<10240xf32, #tpu.memory_space<vmem_shared>> -> memref<10240xf32, #tpu.memory_space<vmem_shared>>
        tpu.enqueue_indirect_dma source(%dma_start3A_251 : memref<128xf32, #tpu.memory_space<vmem>>) target(%dma_start3A_253 : memref<10240xf32, #tpu.memory_space<vmem_shared>>) offsets(%arg36 : memref<128xi32, #tpu.memory_space<vmem>>) semaphore(%arg57 : memref<!tpu.dma_semaphore, #tpu.memory_space<semaphore_mem>>) {add = true}
        %dma_start3A_254 = arith.constant 384 : i32
        %dma_start3A_255 = tpu.memref_slice %arg44[%dma_start3A_254] : memref<640xf32, #tpu.memory_space<vmem>> -> memref<128xf32, #tpu.memory_space<vmem>>
        %dma_start3A_256 = arith.constant 0 : i32
        %dma_start3A_257 = tpu.memref_slice %arg49[%dma_start3A_256] : memref<10240xf32, #tpu.memory_space<vmem_shared>> -> memref<10240xf32, #tpu.memory_space<vmem_shared>>
        tpu.enqueue_indirect_dma source(%dma_start3A_255 : memref<128xf32, #tpu.memory_space<vmem>>) target(%dma_start3A_257 : memref<10240xf32, #tpu.memory_space<vmem_shared>>) offsets(%arg36 : memref<128xi32, #tpu.memory_space<vmem>>) semaphore(%arg57 : memref<!tpu.dma_semaphore, #tpu.memory_space<semaphore_mem>>) {add = true}
        %dma_start3A_258 = arith.constant 384 : i32
        %dma_start3A_259 = tpu.memref_slice %arg45[%dma_start3A_258] : memref<640xf32, #tpu.memory_space<vmem>> -> memref<128xf32, #tpu.memory_space<vmem>>
        %dma_start3A_260 = arith.constant 0 : i32
        %dma_start3A_261 = tpu.memref_slice %arg50[%dma_start3A_260] : memref<10240xf32, #tpu.memory_space<vmem_shared>> -> memref<10240xf32, #tpu.memory_space<vmem_shared>>
        tpu.enqueue_indirect_dma source(%dma_start3A_259 : memref<128xf32, #tpu.memory_space<vmem>>) target(%dma_start3A_261 : memref<10240xf32, #tpu.memory_space<vmem_shared>>) offsets(%arg36 : memref<128xi32, #tpu.memory_space<vmem>>) semaphore(%arg57 : memref<!tpu.dma_semaphore, #tpu.memory_space<semaphore_mem>>) {add = true}
        %dma_start3A_262 = arith.constant 512 : i32
        %dma_start3A_263 = tpu.memref_slice %arg42[%dma_start3A_262] : memref<640xf32, #tpu.memory_space<vmem>> -> memref<128xf32, #tpu.memory_space<vmem>>
        %dma_start3A_264 = arith.constant 0 : i32
        %dma_start3A_265 = tpu.memref_slice %arg47[%dma_start3A_264] : memref<10240xf32, #tpu.memory_space<vmem_shared>> -> memref<10240xf32, #tpu.memory_space<vmem_shared>>
        tpu.enqueue_indirect_dma source(%dma_start3A_263 : memref<128xf32, #tpu.memory_space<vmem>>) target(%dma_start3A_265 : memref<10240xf32, #tpu.memory_space<vmem_shared>>) offsets(%arg37 : memref<128xi32, #tpu.memory_space<vmem>>) semaphore(%arg57 : memref<!tpu.dma_semaphore, #tpu.memory_space<semaphore_mem>>) {add = true}
        %dma_start3A_266 = arith.constant 512 : i32
        %dma_start3A_267 = tpu.memref_slice %arg43[%dma_start3A_266] : memref<640xf32, #tpu.memory_space<vmem>> -> memref<128xf32, #tpu.memory_space<vmem>>
        %dma_start3A_268 = arith.constant 0 : i32
        %dma_start3A_269 = tpu.memref_slice %arg48[%dma_start3A_268] : memref<10240xf32, #tpu.memory_space<vmem_shared>> -> memref<10240xf32, #tpu.memory_space<vmem_shared>>
        tpu.enqueue_indirect_dma source(%dma_start3A_267 : memref<128xf32, #tpu.memory_space<vmem>>) target(%dma_start3A_269 : memref<10240xf32, #tpu.memory_space<vmem_shared>>) offsets(%arg37 : memref<128xi32, #tpu.memory_space<vmem>>) semaphore(%arg57 : memref<!tpu.dma_semaphore, #tpu.memory_space<semaphore_mem>>) {add = true}
        %dma_start3A_270 = arith.constant 512 : i32
        %dma_start3A_271 = tpu.memref_slice %arg44[%dma_start3A_270] : memref<640xf32, #tpu.memory_space<vmem>> -> memref<128xf32, #tpu.memory_space<vmem>>
        %dma_start3A_272 = arith.constant 0 : i32
        %dma_start3A_273 = tpu.memref_slice %arg49[%dma_start3A_272] : memref<10240xf32, #tpu.memory_space<vmem_shared>> -> memref<10240xf32, #tpu.memory_space<vmem_shared>>
        tpu.enqueue_indirect_dma source(%dma_start3A_271 : memref<128xf32, #tpu.memory_space<vmem>>) target(%dma_start3A_273 : memref<10240xf32, #tpu.memory_space<vmem_shared>>) offsets(%arg37 : memref<128xi32, #tpu.memory_space<vmem>>) semaphore(%arg57 : memref<!tpu.dma_semaphore, #tpu.memory_space<semaphore_mem>>) {add = true}
        %dma_start3A_274 = arith.constant 512 : i32
        %dma_start3A_275 = tpu.memref_slice %arg45[%dma_start3A_274] : memref<640xf32, #tpu.memory_space<vmem>> -> memref<128xf32, #tpu.memory_space<vmem>>
        %dma_start3A_276 = arith.constant 0 : i32
        %dma_start3A_277 = tpu.memref_slice %arg50[%dma_start3A_276] : memref<10240xf32, #tpu.memory_space<vmem_shared>> -> memref<10240xf32, #tpu.memory_space<vmem_shared>>
        tpu.enqueue_indirect_dma source(%dma_start3A_275 : memref<128xf32, #tpu.memory_space<vmem>>) target(%dma_start3A_277 : memref<10240xf32, #tpu.memory_space<vmem_shared>>) offsets(%arg37 : memref<128xi32, #tpu.memory_space<vmem>>) semaphore(%arg57 : memref<!tpu.dma_semaphore, #tpu.memory_space<semaphore_mem>>) {add = true}
      } else {
      }
      %lt3A_102 = arith.cmpi slt, %add3A_81, %min3A_8 : i32
      %convert_element_type3A_103 = arith.extui %lt3A_102 : i1 to i32
      %cond3A_104 = arith.constant 0 : i32
      %cond3A_105 = arith.cmpi ne, %convert_element_type3A_103, %cond3A_104 : i32
      scf.if %cond3A_105 {
        %dma_wait3A = arith.constant 0 : i32
        %dma_wait3A_111 = tpu.memref_slice %arg38[%dma_wait3A] : memref<640xf32, #tpu.memory_space<vmem>> -> memref<128xf32, #tpu.memory_space<vmem>>
        %dma_wait3A_112 = arith.constant 0 : i32
        %dma_wait3A_113 = tpu.memref_slice %arg47[%dma_wait3A_112] : memref<10240xf32, #tpu.memory_space<vmem_shared>> -> memref<10240xf32, #tpu.memory_space<vmem_shared>>
        tpu.wait_indirect_dma semaphore(%arg56 : memref<!tpu.dma_semaphore, #tpu.memory_space<semaphore_mem>>) src(%dma_wait3A_111 : memref<128xf32, #tpu.memory_space<vmem>>) dst(%dma_wait3A_113 : memref<10240xf32, #tpu.memory_space<vmem_shared>>)
        %dma_wait3A_114 = arith.constant 0 : i32
        %dma_wait3A_115 = tpu.memref_slice %arg39[%dma_wait3A_114] : memref<640xf32, #tpu.memory_space<vmem>> -> memref<128xf32, #tpu.memory_space<vmem>>
        %dma_wait3A_116 = arith.constant 0 : i32
        %dma_wait3A_117 = tpu.memref_slice %arg48[%dma_wait3A_116] : memref<10240xf32, #tpu.memory_space<vmem_shared>> -> memref<10240xf32, #tpu.memory_space<vmem_shared>>
        tpu.wait_indirect_dma semaphore(%arg56 : memref<!tpu.dma_semaphore, #tpu.memory_space<semaphore_mem>>) src(%dma_wait3A_115 : memref<128xf32, #tpu.memory_space<vmem>>) dst(%dma_wait3A_117 : memref<10240xf32, #tpu.memory_space<vmem_shared>>)
        %dma_wait3A_118 = arith.constant 0 : i32
        %dma_wait3A_119 = tpu.memref_slice %arg40[%dma_wait3A_118] : memref<640xf32, #tpu.memory_space<vmem>> -> memref<128xf32, #tpu.memory_space<vmem>>
        %dma_wait3A_120 = arith.constant 0 : i32
        %dma_wait3A_121 = tpu.memref_slice %arg49[%dma_wait3A_120] : memref<10240xf32, #tpu.memory_space<vmem_shared>> -> memref<10240xf32, #tpu.memory_space<vmem_shared>>
        tpu.wait_indirect_dma semaphore(%arg56 : memref<!tpu.dma_semaphore, #tpu.memory_space<semaphore_mem>>) src(%dma_wait3A_119 : memref<128xf32, #tpu.memory_space<vmem>>) dst(%dma_wait3A_121 : memref<10240xf32, #tpu.memory_space<vmem_shared>>)
        %dma_wait3A_122 = arith.constant 0 : i32
        %dma_wait3A_123 = tpu.memref_slice %arg41[%dma_wait3A_122] : memref<640xf32, #tpu.memory_space<vmem>> -> memref<128xf32, #tpu.memory_space<vmem>>
        %dma_wait3A_124 = arith.constant 0 : i32
        %dma_wait3A_125 = tpu.memref_slice %arg50[%dma_wait3A_124] : memref<10240xf32, #tpu.memory_space<vmem_shared>> -> memref<10240xf32, #tpu.memory_space<vmem_shared>>
        tpu.wait_indirect_dma semaphore(%arg56 : memref<!tpu.dma_semaphore, #tpu.memory_space<semaphore_mem>>) src(%dma_wait3A_123 : memref<128xf32, #tpu.memory_space<vmem>>) dst(%dma_wait3A_125 : memref<10240xf32, #tpu.memory_space<vmem_shared>>)
        %dma_wait3A_126 = arith.constant 128 : i32
        %dma_wait3A_127 = tpu.memref_slice %arg38[%dma_wait3A_126] : memref<640xf32, #tpu.memory_space<vmem>> -> memref<128xf32, #tpu.memory_space<vmem>>
        %dma_wait3A_128 = arith.constant 0 : i32
        %dma_wait3A_129 = tpu.memref_slice %arg47[%dma_wait3A_128] : memref<10240xf32, #tpu.memory_space<vmem_shared>> -> memref<10240xf32, #tpu.memory_space<vmem_shared>>
        tpu.wait_indirect_dma semaphore(%arg56 : memref<!tpu.dma_semaphore, #tpu.memory_space<semaphore_mem>>) src(%dma_wait3A_127 : memref<128xf32, #tpu.memory_space<vmem>>) dst(%dma_wait3A_129 : memref<10240xf32, #tpu.memory_space<vmem_shared>>)
        %dma_wait3A_130 = arith.constant 128 : i32
        %dma_wait3A_131 = tpu.memref_slice %arg39[%dma_wait3A_130] : memref<640xf32, #tpu.memory_space<vmem>> -> memref<128xf32, #tpu.memory_space<vmem>>
        %dma_wait3A_132 = arith.constant 0 : i32
        %dma_wait3A_133 = tpu.memref_slice %arg48[%dma_wait3A_132] : memref<10240xf32, #tpu.memory_space<vmem_shared>> -> memref<10240xf32, #tpu.memory_space<vmem_shared>>
        tpu.wait_indirect_dma semaphore(%arg56 : memref<!tpu.dma_semaphore, #tpu.memory_space<semaphore_mem>>) src(%dma_wait3A_131 : memref<128xf32, #tpu.memory_space<vmem>>) dst(%dma_wait3A_133 : memref<10240xf32, #tpu.memory_space<vmem_shared>>)
        %dma_wait3A_134 = arith.constant 128 : i32
        %dma_wait3A_135 = tpu.memref_slice %arg40[%dma_wait3A_134] : memref<640xf32, #tpu.memory_space<vmem>> -> memref<128xf32, #tpu.memory_space<vmem>>
        %dma_wait3A_136 = arith.constant 0 : i32
        %dma_wait3A_137 = tpu.memref_slice %arg49[%dma_wait3A_136] : memref<10240xf32, #tpu.memory_space<vmem_shared>> -> memref<10240xf32, #tpu.memory_space<vmem_shared>>
        tpu.wait_indirect_dma semaphore(%arg56 : memref<!tpu.dma_semaphore, #tpu.memory_space<semaphore_mem>>) src(%dma_wait3A_135 : memref<128xf32, #tpu.memory_space<vmem>>) dst(%dma_wait3A_137 : memref<10240xf32, #tpu.memory_space<vmem_shared>>)
        %dma_wait3A_138 = arith.constant 128 : i32
        %dma_wait3A_139 = tpu.memref_slice %arg41[%dma_wait3A_138] : memref<640xf32, #tpu.memory_space<vmem>> -> memref<128xf32, #tpu.memory_space<vmem>>
        %dma_wait3A_140 = arith.constant 0 : i32
        %dma_wait3A_141 = tpu.memref_slice %arg50[%dma_wait3A_140] : memref<10240xf32, #tpu.memory_space<vmem_shared>> -> memref<10240xf32, #tpu.memory_space<vmem_shared>>
        tpu.wait_indirect_dma semaphore(%arg56 : memref<!tpu.dma_semaphore, #tpu.memory_space<semaphore_mem>>) src(%dma_wait3A_139 : memref<128xf32, #tpu.memory_space<vmem>>) dst(%dma_wait3A_141 : memref<10240xf32, #tpu.memory_space<vmem_shared>>)
        %dma_wait3A_142 = arith.constant 256 : i32
        %dma_wait3A_143 = tpu.memref_slice %arg38[%dma_wait3A_142] : memref<640xf32, #tpu.memory_space<vmem>> -> memref<128xf32, #tpu.memory_space<vmem>>
        %dma_wait3A_144 = arith.constant 0 : i32
        %dma_wait3A_145 = tpu.memref_slice %arg47[%dma_wait3A_144] : memref<10240xf32, #tpu.memory_space<vmem_shared>> -> memref<10240xf32, #tpu.memory_space<vmem_shared>>
        tpu.wait_indirect_dma semaphore(%arg56 : memref<!tpu.dma_semaphore, #tpu.memory_space<semaphore_mem>>) src(%dma_wait3A_143 : memref<128xf32, #tpu.memory_space<vmem>>) dst(%dma_wait3A_145 : memref<10240xf32, #tpu.memory_space<vmem_shared>>)
        %dma_wait3A_146 = arith.constant 256 : i32
        %dma_wait3A_147 = tpu.memref_slice %arg39[%dma_wait3A_146] : memref<640xf32, #tpu.memory_space<vmem>> -> memref<128xf32, #tpu.memory_space<vmem>>
        %dma_wait3A_148 = arith.constant 0 : i32
        %dma_wait3A_149 = tpu.memref_slice %arg48[%dma_wait3A_148] : memref<10240xf32, #tpu.memory_space<vmem_shared>> -> memref<10240xf32, #tpu.memory_space<vmem_shared>>
        tpu.wait_indirect_dma semaphore(%arg56 : memref<!tpu.dma_semaphore, #tpu.memory_space<semaphore_mem>>) src(%dma_wait3A_147 : memref<128xf32, #tpu.memory_space<vmem>>) dst(%dma_wait3A_149 : memref<10240xf32, #tpu.memory_space<vmem_shared>>)
        %dma_wait3A_150 = arith.constant 256 : i32
        %dma_wait3A_151 = tpu.memref_slice %arg40[%dma_wait3A_150] : memref<640xf32, #tpu.memory_space<vmem>> -> memref<128xf32, #tpu.memory_space<vmem>>
        %dma_wait3A_152 = arith.constant 0 : i32
        %dma_wait3A_153 = tpu.memref_slice %arg49[%dma_wait3A_152] : memref<10240xf32, #tpu.memory_space<vmem_shared>> -> memref<10240xf32, #tpu.memory_space<vmem_shared>>
        tpu.wait_indirect_dma semaphore(%arg56 : memref<!tpu.dma_semaphore, #tpu.memory_space<semaphore_mem>>) src(%dma_wait3A_151 : memref<128xf32, #tpu.memory_space<vmem>>) dst(%dma_wait3A_153 : memref<10240xf32, #tpu.memory_space<vmem_shared>>)
        %dma_wait3A_154 = arith.constant 256 : i32
        %dma_wait3A_155 = tpu.memref_slice %arg41[%dma_wait3A_154] : memref<640xf32, #tpu.memory_space<vmem>> -> memref<128xf32, #tpu.memory_space<vmem>>
        %dma_wait3A_156 = arith.constant 0 : i32
        %dma_wait3A_157 = tpu.memref_slice %arg50[%dma_wait3A_156] : memref<10240xf32, #tpu.memory_space<vmem_shared>> -> memref<10240xf32, #tpu.memory_space<vmem_shared>>
        tpu.wait_indirect_dma semaphore(%arg56 : memref<!tpu.dma_semaphore, #tpu.memory_space<semaphore_mem>>) src(%dma_wait3A_155 : memref<128xf32, #tpu.memory_space<vmem>>) dst(%dma_wait3A_157 : memref<10240xf32, #tpu.memory_space<vmem_shared>>)
        %dma_wait3A_158 = arith.constant 384 : i32
        %dma_wait3A_159 = tpu.memref_slice %arg38[%dma_wait3A_158] : memref<640xf32, #tpu.memory_space<vmem>> -> memref<128xf32, #tpu.memory_space<vmem>>
        %dma_wait3A_160 = arith.constant 0 : i32
        %dma_wait3A_161 = tpu.memref_slice %arg47[%dma_wait3A_160] : memref<10240xf32, #tpu.memory_space<vmem_shared>> -> memref<10240xf32, #tpu.memory_space<vmem_shared>>
        tpu.wait_indirect_dma semaphore(%arg56 : memref<!tpu.dma_semaphore, #tpu.memory_space<semaphore_mem>>) src(%dma_wait3A_159 : memref<128xf32, #tpu.memory_space<vmem>>) dst(%dma_wait3A_161 : memref<10240xf32, #tpu.memory_space<vmem_shared>>)
        %dma_wait3A_162 = arith.constant 384 : i32
        %dma_wait3A_163 = tpu.memref_slice %arg39[%dma_wait3A_162] : memref<640xf32, #tpu.memory_space<vmem>> -> memref<128xf32, #tpu.memory_space<vmem>>
        %dma_wait3A_164 = arith.constant 0 : i32
        %dma_wait3A_165 = tpu.memref_slice %arg48[%dma_wait3A_164] : memref<10240xf32, #tpu.memory_space<vmem_shared>> -> memref<10240xf32, #tpu.memory_space<vmem_shared>>
        tpu.wait_indirect_dma semaphore(%arg56 : memref<!tpu.dma_semaphore, #tpu.memory_space<semaphore_mem>>) src(%dma_wait3A_163 : memref<128xf32, #tpu.memory_space<vmem>>) dst(%dma_wait3A_165 : memref<10240xf32, #tpu.memory_space<vmem_shared>>)
        %dma_wait3A_166 = arith.constant 384 : i32
        %dma_wait3A_167 = tpu.memref_slice %arg40[%dma_wait3A_166] : memref<640xf32, #tpu.memory_space<vmem>> -> memref<128xf32, #tpu.memory_space<vmem>>
        %dma_wait3A_168 = arith.constant 0 : i32
        %dma_wait3A_169 = tpu.memref_slice %arg49[%dma_wait3A_168] : memref<10240xf32, #tpu.memory_space<vmem_shared>> -> memref<10240xf32, #tpu.memory_space<vmem_shared>>
        tpu.wait_indirect_dma semaphore(%arg56 : memref<!tpu.dma_semaphore, #tpu.memory_space<semaphore_mem>>) src(%dma_wait3A_167 : memref<128xf32, #tpu.memory_space<vmem>>) dst(%dma_wait3A_169 : memref<10240xf32, #tpu.memory_space<vmem_shared>>)
        %dma_wait3A_170 = arith.constant 384 : i32
        %dma_wait3A_171 = tpu.memref_slice %arg41[%dma_wait3A_170] : memref<640xf32, #tpu.memory_space<vmem>> -> memref<128xf32, #tpu.memory_space<vmem>>
        %dma_wait3A_172 = arith.constant 0 : i32
        %dma_wait3A_173 = tpu.memref_slice %arg50[%dma_wait3A_172] : memref<10240xf32, #tpu.memory_space<vmem_shared>> -> memref<10240xf32, #tpu.memory_space<vmem_shared>>
        tpu.wait_indirect_dma semaphore(%arg56 : memref<!tpu.dma_semaphore, #tpu.memory_space<semaphore_mem>>) src(%dma_wait3A_171 : memref<128xf32, #tpu.memory_space<vmem>>) dst(%dma_wait3A_173 : memref<10240xf32, #tpu.memory_space<vmem_shared>>)
        %dma_wait3A_174 = arith.constant 512 : i32
        %dma_wait3A_175 = tpu.memref_slice %arg38[%dma_wait3A_174] : memref<640xf32, #tpu.memory_space<vmem>> -> memref<128xf32, #tpu.memory_space<vmem>>
        %dma_wait3A_176 = arith.constant 0 : i32
        %dma_wait3A_177 = tpu.memref_slice %arg47[%dma_wait3A_176] : memref<10240xf32, #tpu.memory_space<vmem_shared>> -> memref<10240xf32, #tpu.memory_space<vmem_shared>>
        tpu.wait_indirect_dma semaphore(%arg56 : memref<!tpu.dma_semaphore, #tpu.memory_space<semaphore_mem>>) src(%dma_wait3A_175 : memref<128xf32, #tpu.memory_space<vmem>>) dst(%dma_wait3A_177 : memref<10240xf32, #tpu.memory_space<vmem_shared>>)
        %dma_wait3A_178 = arith.constant 512 : i32
        %dma_wait3A_179 = tpu.memref_slice %arg39[%dma_wait3A_178] : memref<640xf32, #tpu.memory_space<vmem>> -> memref<128xf32, #tpu.memory_space<vmem>>
        %dma_wait3A_180 = arith.constant 0 : i32
        %dma_wait3A_181 = tpu.memref_slice %arg48[%dma_wait3A_180] : memref<10240xf32, #tpu.memory_space<vmem_shared>> -> memref<10240xf32, #tpu.memory_space<vmem_shared>>
        tpu.wait_indirect_dma semaphore(%arg56 : memref<!tpu.dma_semaphore, #tpu.memory_space<semaphore_mem>>) src(%dma_wait3A_179 : memref<128xf32, #tpu.memory_space<vmem>>) dst(%dma_wait3A_181 : memref<10240xf32, #tpu.memory_space<vmem_shared>>)
        %dma_wait3A_182 = arith.constant 512 : i32
        %dma_wait3A_183 = tpu.memref_slice %arg40[%dma_wait3A_182] : memref<640xf32, #tpu.memory_space<vmem>> -> memref<128xf32, #tpu.memory_space<vmem>>
        %dma_wait3A_184 = arith.constant 0 : i32
        %dma_wait3A_185 = tpu.memref_slice %arg49[%dma_wait3A_184] : memref<10240xf32, #tpu.memory_space<vmem_shared>> -> memref<10240xf32, #tpu.memory_space<vmem_shared>>
        tpu.wait_indirect_dma semaphore(%arg56 : memref<!tpu.dma_semaphore, #tpu.memory_space<semaphore_mem>>) src(%dma_wait3A_183 : memref<128xf32, #tpu.memory_space<vmem>>) dst(%dma_wait3A_185 : memref<10240xf32, #tpu.memory_space<vmem_shared>>)
        %dma_wait3A_186 = arith.constant 512 : i32
        %dma_wait3A_187 = tpu.memref_slice %arg41[%dma_wait3A_186] : memref<640xf32, #tpu.memory_space<vmem>> -> memref<128xf32, #tpu.memory_space<vmem>>
        %dma_wait3A_188 = arith.constant 0 : i32
        %dma_wait3A_189 = tpu.memref_slice %arg50[%dma_wait3A_188] : memref<10240xf32, #tpu.memory_space<vmem_shared>> -> memref<10240xf32, #tpu.memory_space<vmem_shared>>
        tpu.wait_indirect_dma semaphore(%arg56 : memref<!tpu.dma_semaphore, #tpu.memory_space<semaphore_mem>>) src(%dma_wait3A_187 : memref<128xf32, #tpu.memory_space<vmem>>) dst(%dma_wait3A_189 : memref<10240xf32, #tpu.memory_space<vmem_shared>>)
      } else {
      }
      %lt3A_106 = arith.cmpi slt, %add3A_88, %min3A_8 : i32
      %convert_element_type3A_107 = arith.extui %lt3A_106 : i1 to i32
      %cond3A_108 = arith.constant 0 : i32
      %cond3A_109 = arith.cmpi ne, %convert_element_type3A_107, %cond3A_108 : i32
      scf.if %cond3A_109 {
        %dma_wait3A = arith.constant 0 : i32
        %dma_wait3A_111 = tpu.memref_slice %arg42[%dma_wait3A] : memref<640xf32, #tpu.memory_space<vmem>> -> memref<128xf32, #tpu.memory_space<vmem>>
        %dma_wait3A_112 = arith.constant 0 : i32
        %dma_wait3A_113 = tpu.memref_slice %arg47[%dma_wait3A_112] : memref<10240xf32, #tpu.memory_space<vmem_shared>> -> memref<10240xf32, #tpu.memory_space<vmem_shared>>
        tpu.wait_indirect_dma semaphore(%arg57 : memref<!tpu.dma_semaphore, #tpu.memory_space<semaphore_mem>>) src(%dma_wait3A_111 : memref<128xf32, #tpu.memory_space<vmem>>) dst(%dma_wait3A_113 : memref<10240xf32, #tpu.memory_space<vmem_shared>>)
        %dma_wait3A_114 = arith.constant 0 : i32
        %dma_wait3A_115 = tpu.memref_slice %arg43[%dma_wait3A_114] : memref<640xf32, #tpu.memory_space<vmem>> -> memref<128xf32, #tpu.memory_space<vmem>>
        %dma_wait3A_116 = arith.constant 0 : i32
        %dma_wait3A_117 = tpu.memref_slice %arg48[%dma_wait3A_116] : memref<10240xf32, #tpu.memory_space<vmem_shared>> -> memref<10240xf32, #tpu.memory_space<vmem_shared>>
        tpu.wait_indirect_dma semaphore(%arg57 : memref<!tpu.dma_semaphore, #tpu.memory_space<semaphore_mem>>) src(%dma_wait3A_115 : memref<128xf32, #tpu.memory_space<vmem>>) dst(%dma_wait3A_117 : memref<10240xf32, #tpu.memory_space<vmem_shared>>)
        %dma_wait3A_118 = arith.constant 0 : i32
        %dma_wait3A_119 = tpu.memref_slice %arg44[%dma_wait3A_118] : memref<640xf32, #tpu.memory_space<vmem>> -> memref<128xf32, #tpu.memory_space<vmem>>
        %dma_wait3A_120 = arith.constant 0 : i32
        %dma_wait3A_121 = tpu.memref_slice %arg49[%dma_wait3A_120] : memref<10240xf32, #tpu.memory_space<vmem_shared>> -> memref<10240xf32, #tpu.memory_space<vmem_shared>>
        tpu.wait_indirect_dma semaphore(%arg57 : memref<!tpu.dma_semaphore, #tpu.memory_space<semaphore_mem>>) src(%dma_wait3A_119 : memref<128xf32, #tpu.memory_space<vmem>>) dst(%dma_wait3A_121 : memref<10240xf32, #tpu.memory_space<vmem_shared>>)
        %dma_wait3A_122 = arith.constant 0 : i32
        %dma_wait3A_123 = tpu.memref_slice %arg45[%dma_wait3A_122] : memref<640xf32, #tpu.memory_space<vmem>> -> memref<128xf32, #tpu.memory_space<vmem>>
        %dma_wait3A_124 = arith.constant 0 : i32
        %dma_wait3A_125 = tpu.memref_slice %arg50[%dma_wait3A_124] : memref<10240xf32, #tpu.memory_space<vmem_shared>> -> memref<10240xf32, #tpu.memory_space<vmem_shared>>
        tpu.wait_indirect_dma semaphore(%arg57 : memref<!tpu.dma_semaphore, #tpu.memory_space<semaphore_mem>>) src(%dma_wait3A_123 : memref<128xf32, #tpu.memory_space<vmem>>) dst(%dma_wait3A_125 : memref<10240xf32, #tpu.memory_space<vmem_shared>>)
        %dma_wait3A_126 = arith.constant 128 : i32
        %dma_wait3A_127 = tpu.memref_slice %arg42[%dma_wait3A_126] : memref<640xf32, #tpu.memory_space<vmem>> -> memref<128xf32, #tpu.memory_space<vmem>>
        %dma_wait3A_128 = arith.constant 0 : i32
        %dma_wait3A_129 = tpu.memref_slice %arg47[%dma_wait3A_128] : memref<10240xf32, #tpu.memory_space<vmem_shared>> -> memref<10240xf32, #tpu.memory_space<vmem_shared>>
        tpu.wait_indirect_dma semaphore(%arg57 : memref<!tpu.dma_semaphore, #tpu.memory_space<semaphore_mem>>) src(%dma_wait3A_127 : memref<128xf32, #tpu.memory_space<vmem>>) dst(%dma_wait3A_129 : memref<10240xf32, #tpu.memory_space<vmem_shared>>)
        %dma_wait3A_130 = arith.constant 128 : i32
        %dma_wait3A_131 = tpu.memref_slice %arg43[%dma_wait3A_130] : memref<640xf32, #tpu.memory_space<vmem>> -> memref<128xf32, #tpu.memory_space<vmem>>
        %dma_wait3A_132 = arith.constant 0 : i32
        %dma_wait3A_133 = tpu.memref_slice %arg48[%dma_wait3A_132] : memref<10240xf32, #tpu.memory_space<vmem_shared>> -> memref<10240xf32, #tpu.memory_space<vmem_shared>>
        tpu.wait_indirect_dma semaphore(%arg57 : memref<!tpu.dma_semaphore, #tpu.memory_space<semaphore_mem>>) src(%dma_wait3A_131 : memref<128xf32, #tpu.memory_space<vmem>>) dst(%dma_wait3A_133 : memref<10240xf32, #tpu.memory_space<vmem_shared>>)
        %dma_wait3A_134 = arith.constant 128 : i32
        %dma_wait3A_135 = tpu.memref_slice %arg44[%dma_wait3A_134] : memref<640xf32, #tpu.memory_space<vmem>> -> memref<128xf32, #tpu.memory_space<vmem>>
        %dma_wait3A_136 = arith.constant 0 : i32
        %dma_wait3A_137 = tpu.memref_slice %arg49[%dma_wait3A_136] : memref<10240xf32, #tpu.memory_space<vmem_shared>> -> memref<10240xf32, #tpu.memory_space<vmem_shared>>
        tpu.wait_indirect_dma semaphore(%arg57 : memref<!tpu.dma_semaphore, #tpu.memory_space<semaphore_mem>>) src(%dma_wait3A_135 : memref<128xf32, #tpu.memory_space<vmem>>) dst(%dma_wait3A_137 : memref<10240xf32, #tpu.memory_space<vmem_shared>>)
        %dma_wait3A_138 = arith.constant 128 : i32
        %dma_wait3A_139 = tpu.memref_slice %arg45[%dma_wait3A_138] : memref<640xf32, #tpu.memory_space<vmem>> -> memref<128xf32, #tpu.memory_space<vmem>>
        %dma_wait3A_140 = arith.constant 0 : i32
        %dma_wait3A_141 = tpu.memref_slice %arg50[%dma_wait3A_140] : memref<10240xf32, #tpu.memory_space<vmem_shared>> -> memref<10240xf32, #tpu.memory_space<vmem_shared>>
        tpu.wait_indirect_dma semaphore(%arg57 : memref<!tpu.dma_semaphore, #tpu.memory_space<semaphore_mem>>) src(%dma_wait3A_139 : memref<128xf32, #tpu.memory_space<vmem>>) dst(%dma_wait3A_141 : memref<10240xf32, #tpu.memory_space<vmem_shared>>)
        %dma_wait3A_142 = arith.constant 256 : i32
        %dma_wait3A_143 = tpu.memref_slice %arg42[%dma_wait3A_142] : memref<640xf32, #tpu.memory_space<vmem>> -> memref<128xf32, #tpu.memory_space<vmem>>
        %dma_wait3A_144 = arith.constant 0 : i32
        %dma_wait3A_145 = tpu.memref_slice %arg47[%dma_wait3A_144] : memref<10240xf32, #tpu.memory_space<vmem_shared>> -> memref<10240xf32, #tpu.memory_space<vmem_shared>>
        tpu.wait_indirect_dma semaphore(%arg57 : memref<!tpu.dma_semaphore, #tpu.memory_space<semaphore_mem>>) src(%dma_wait3A_143 : memref<128xf32, #tpu.memory_space<vmem>>) dst(%dma_wait3A_145 : memref<10240xf32, #tpu.memory_space<vmem_shared>>)
        %dma_wait3A_146 = arith.constant 256 : i32
        %dma_wait3A_147 = tpu.memref_slice %arg43[%dma_wait3A_146] : memref<640xf32, #tpu.memory_space<vmem>> -> memref<128xf32, #tpu.memory_space<vmem>>
        %dma_wait3A_148 = arith.constant 0 : i32
        %dma_wait3A_149 = tpu.memref_slice %arg48[%dma_wait3A_148] : memref<10240xf32, #tpu.memory_space<vmem_shared>> -> memref<10240xf32, #tpu.memory_space<vmem_shared>>
        tpu.wait_indirect_dma semaphore(%arg57 : memref<!tpu.dma_semaphore, #tpu.memory_space<semaphore_mem>>) src(%dma_wait3A_147 : memref<128xf32, #tpu.memory_space<vmem>>) dst(%dma_wait3A_149 : memref<10240xf32, #tpu.memory_space<vmem_shared>>)
        %dma_wait3A_150 = arith.constant 256 : i32
        %dma_wait3A_151 = tpu.memref_slice %arg44[%dma_wait3A_150] : memref<640xf32, #tpu.memory_space<vmem>> -> memref<128xf32, #tpu.memory_space<vmem>>
        %dma_wait3A_152 = arith.constant 0 : i32
        %dma_wait3A_153 = tpu.memref_slice %arg49[%dma_wait3A_152] : memref<10240xf32, #tpu.memory_space<vmem_shared>> -> memref<10240xf32, #tpu.memory_space<vmem_shared>>
        tpu.wait_indirect_dma semaphore(%arg57 : memref<!tpu.dma_semaphore, #tpu.memory_space<semaphore_mem>>) src(%dma_wait3A_151 : memref<128xf32, #tpu.memory_space<vmem>>) dst(%dma_wait3A_153 : memref<10240xf32, #tpu.memory_space<vmem_shared>>)
        %dma_wait3A_154 = arith.constant 256 : i32
        %dma_wait3A_155 = tpu.memref_slice %arg45[%dma_wait3A_154] : memref<640xf32, #tpu.memory_space<vmem>> -> memref<128xf32, #tpu.memory_space<vmem>>
        %dma_wait3A_156 = arith.constant 0 : i32
        %dma_wait3A_157 = tpu.memref_slice %arg50[%dma_wait3A_156] : memref<10240xf32, #tpu.memory_space<vmem_shared>> -> memref<10240xf32, #tpu.memory_space<vmem_shared>>
        tpu.wait_indirect_dma semaphore(%arg57 : memref<!tpu.dma_semaphore, #tpu.memory_space<semaphore_mem>>) src(%dma_wait3A_155 : memref<128xf32, #tpu.memory_space<vmem>>) dst(%dma_wait3A_157 : memref<10240xf32, #tpu.memory_space<vmem_shared>>)
        %dma_wait3A_158 = arith.constant 384 : i32
        %dma_wait3A_159 = tpu.memref_slice %arg42[%dma_wait3A_158] : memref<640xf32, #tpu.memory_space<vmem>> -> memref<128xf32, #tpu.memory_space<vmem>>
        %dma_wait3A_160 = arith.constant 0 : i32
        %dma_wait3A_161 = tpu.memref_slice %arg47[%dma_wait3A_160] : memref<10240xf32, #tpu.memory_space<vmem_shared>> -> memref<10240xf32, #tpu.memory_space<vmem_shared>>
        tpu.wait_indirect_dma semaphore(%arg57 : memref<!tpu.dma_semaphore, #tpu.memory_space<semaphore_mem>>) src(%dma_wait3A_159 : memref<128xf32, #tpu.memory_space<vmem>>) dst(%dma_wait3A_161 : memref<10240xf32, #tpu.memory_space<vmem_shared>>)
        %dma_wait3A_162 = arith.constant 384 : i32
        %dma_wait3A_163 = tpu.memref_slice %arg43[%dma_wait3A_162] : memref<640xf32, #tpu.memory_space<vmem>> -> memref<128xf32, #tpu.memory_space<vmem>>
        %dma_wait3A_164 = arith.constant 0 : i32
        %dma_wait3A_165 = tpu.memref_slice %arg48[%dma_wait3A_164] : memref<10240xf32, #tpu.memory_space<vmem_shared>> -> memref<10240xf32, #tpu.memory_space<vmem_shared>>
        tpu.wait_indirect_dma semaphore(%arg57 : memref<!tpu.dma_semaphore, #tpu.memory_space<semaphore_mem>>) src(%dma_wait3A_163 : memref<128xf32, #tpu.memory_space<vmem>>) dst(%dma_wait3A_165 : memref<10240xf32, #tpu.memory_space<vmem_shared>>)
        %dma_wait3A_166 = arith.constant 384 : i32
        %dma_wait3A_167 = tpu.memref_slice %arg44[%dma_wait3A_166] : memref<640xf32, #tpu.memory_space<vmem>> -> memref<128xf32, #tpu.memory_space<vmem>>
        %dma_wait3A_168 = arith.constant 0 : i32
        %dma_wait3A_169 = tpu.memref_slice %arg49[%dma_wait3A_168] : memref<10240xf32, #tpu.memory_space<vmem_shared>> -> memref<10240xf32, #tpu.memory_space<vmem_shared>>
        tpu.wait_indirect_dma semaphore(%arg57 : memref<!tpu.dma_semaphore, #tpu.memory_space<semaphore_mem>>) src(%dma_wait3A_167 : memref<128xf32, #tpu.memory_space<vmem>>) dst(%dma_wait3A_169 : memref<10240xf32, #tpu.memory_space<vmem_shared>>)
        %dma_wait3A_170 = arith.constant 384 : i32
        %dma_wait3A_171 = tpu.memref_slice %arg45[%dma_wait3A_170] : memref<640xf32, #tpu.memory_space<vmem>> -> memref<128xf32, #tpu.memory_space<vmem>>
        %dma_wait3A_172 = arith.constant 0 : i32
        %dma_wait3A_173 = tpu.memref_slice %arg50[%dma_wait3A_172] : memref<10240xf32, #tpu.memory_space<vmem_shared>> -> memref<10240xf32, #tpu.memory_space<vmem_shared>>
        tpu.wait_indirect_dma semaphore(%arg57 : memref<!tpu.dma_semaphore, #tpu.memory_space<semaphore_mem>>) src(%dma_wait3A_171 : memref<128xf32, #tpu.memory_space<vmem>>) dst(%dma_wait3A_173 : memref<10240xf32, #tpu.memory_space<vmem_shared>>)
        %dma_wait3A_174 = arith.constant 512 : i32
        %dma_wait3A_175 = tpu.memref_slice %arg42[%dma_wait3A_174] : memref<640xf32, #tpu.memory_space<vmem>> -> memref<128xf32, #tpu.memory_space<vmem>>
        %dma_wait3A_176 = arith.constant 0 : i32
        %dma_wait3A_177 = tpu.memref_slice %arg47[%dma_wait3A_176] : memref<10240xf32, #tpu.memory_space<vmem_shared>> -> memref<10240xf32, #tpu.memory_space<vmem_shared>>
        tpu.wait_indirect_dma semaphore(%arg57 : memref<!tpu.dma_semaphore, #tpu.memory_space<semaphore_mem>>) src(%dma_wait3A_175 : memref<128xf32, #tpu.memory_space<vmem>>) dst(%dma_wait3A_177 : memref<10240xf32, #tpu.memory_space<vmem_shared>>)
        %dma_wait3A_178 = arith.constant 512 : i32
        %dma_wait3A_179 = tpu.memref_slice %arg43[%dma_wait3A_178] : memref<640xf32, #tpu.memory_space<vmem>> -> memref<128xf32, #tpu.memory_space<vmem>>
        %dma_wait3A_180 = arith.constant 0 : i32
        %dma_wait3A_181 = tpu.memref_slice %arg48[%dma_wait3A_180] : memref<10240xf32, #tpu.memory_space<vmem_shared>> -> memref<10240xf32, #tpu.memory_space<vmem_shared>>
        tpu.wait_indirect_dma semaphore(%arg57 : memref<!tpu.dma_semaphore, #tpu.memory_space<semaphore_mem>>) src(%dma_wait3A_179 : memref<128xf32, #tpu.memory_space<vmem>>) dst(%dma_wait3A_181 : memref<10240xf32, #tpu.memory_space<vmem_shared>>)
        %dma_wait3A_182 = arith.constant 512 : i32
        %dma_wait3A_183 = tpu.memref_slice %arg44[%dma_wait3A_182] : memref<640xf32, #tpu.memory_space<vmem>> -> memref<128xf32, #tpu.memory_space<vmem>>
        %dma_wait3A_184 = arith.constant 0 : i32
        %dma_wait3A_185 = tpu.memref_slice %arg49[%dma_wait3A_184] : memref<10240xf32, #tpu.memory_space<vmem_shared>> -> memref<10240xf32, #tpu.memory_space<vmem_shared>>
        tpu.wait_indirect_dma semaphore(%arg57 : memref<!tpu.dma_semaphore, #tpu.memory_space<semaphore_mem>>) src(%dma_wait3A_183 : memref<128xf32, #tpu.memory_space<vmem>>) dst(%dma_wait3A_185 : memref<10240xf32, #tpu.memory_space<vmem_shared>>)
        %dma_wait3A_186 = arith.constant 512 : i32
        %dma_wait3A_187 = tpu.memref_slice %arg45[%dma_wait3A_186] : memref<640xf32, #tpu.memory_space<vmem>> -> memref<128xf32, #tpu.memory_space<vmem>>
        %dma_wait3A_188 = arith.constant 0 : i32
        %dma_wait3A_189 = tpu.memref_slice %arg50[%dma_wait3A_188] : memref<10240xf32, #tpu.memory_space<vmem_shared>> -> memref<10240xf32, #tpu.memory_space<vmem_shared>>
        tpu.wait_indirect_dma semaphore(%arg57 : memref<!tpu.dma_semaphore, #tpu.memory_space<semaphore_mem>>) src(%dma_wait3A_187 : memref<128xf32, #tpu.memory_space<vmem>>) dst(%dma_wait3A_189 : memref<10240xf32, #tpu.memory_space<vmem_shared>>)
      } else {
      }
      %scan3A_110 = arith.constant 0 : i32
      scf.yield %scan3A_110 : i32
    }
    %scan3A_56 = arith.constant 8 : i32
    %barrier3A_57 = arith.constant 0 : index
    tpu.barrier barrier_id(%barrier3A_57)
    %scan3A_58 = arith.constant 0 : i32
    %scan3A_59 = arith.constant 0 : i32
    %scan3A_60 = arith.constant 40 : i32
    %scan3A_61 = arith.addi %scan3A_59, %scan3A_60 : i32
    %scan3A_62 = arith.constant 1 : i32
    %scan3A_63 = scf.for %scan3A_73 = %scan3A_59 to %scan3A_61 step %scan3A_62 iter_args(%scan3A_74 = %scan3A_58) -> (i32)  : i32 {
      %mul3A_75 = arith.constant 79 : i32
      %mul3A_76 = arith.muli %arg1, %mul3A_75 : i32
      %mul3A_77 = arith.constant 2 : i32
      %mul3A_78 = arith.muli %mul3A_77, %scan3A_73 : i32
      %add3A_79 = arith.addi %mul3A_76, %mul3A_78 : i32
      %add3A_80 = arith.constant 0 : i32
      %add3A_81 = arith.addi %add3A_79, %add3A_80 : i32
      %mul3A_82 = arith.constant 79 : i32
      %mul3A_83 = arith.muli %arg1, %mul3A_82 : i32
      %mul3A_84 = arith.constant 2 : i32
      %mul3A_85 = arith.muli %mul3A_84, %scan3A_73 : i32
      %add3A_86 = arith.addi %mul3A_83, %mul3A_85 : i32
      %add3A_87 = arith.constant 1 : i32
      %add3A_88 = arith.addi %add3A_86, %add3A_87 : i32
      %lt3A = arith.cmpi slt, %add3A_81, %min3A_2 : i32
      %convert_element_type3A = arith.extui %lt3A : i1 to i32
      %cond3A = arith.constant 0 : i32
      %cond3A_89 = arith.cmpi ne, %convert_element_type3A, %cond3A : i32
      scf.if %cond3A_89 {
        %mul3A_111 = arith.constant 160000 : i32
        %mul3A_112 = arith.muli %arg0, %mul3A_111 : i32
        %mul3A_113 = arith.constant 128 : i32
        %mul3A_114 = arith.muli %add3A_81, %mul3A_113 : i32
        %add3A_115 = arith.addi %mul3A_112, %mul3A_114 : i32
        %dma_start3A = tpu.memref_slice %arg4[%add3A_115] : memref<320000xi32, #tpu.memory_space<hbm>> -> memref<128xi32, #tpu.memory_space<hbm>>
        %dma_start3A_116 = tpu.memref_slice %arg4[%add3A_115] : memref<320000xi32, #tpu.memory_space<hbm>> -> memref<128xi32, #tpu.memory_space<hbm>>
        tpu.enqueue_dma source(%dma_start3A_116 : memref<128xi32, #tpu.memory_space<hbm>>) target(%arg6 : memref<128xi32, #tpu.memory_space<vmem>>) target_semaphore(%arg52 : memref<!tpu.dma_semaphore, #tpu.memory_space<semaphore_mem>>)
        %mul3A_117 = arith.constant 8 : i32
        %mul3A_118 = arith.muli %arg0, %mul3A_117 : i32
        %add3A_119 = arith.constant 0 : i32
        %add3A_120 = arith.addi %mul3A_118, %add3A_119 : i32
        %mul3A_121 = arith.constant 160000 : i32
        %mul3A_122 = arith.muli %add3A_120, %mul3A_121 : i32
        %mul3A_123 = arith.constant 128 : i32
        %mul3A_124 = arith.muli %add3A_81, %mul3A_123 : i32
        %add3A_125 = arith.addi %mul3A_122, %mul3A_124 : i32
        %dma_start3A_126 = tpu.memref_slice %arg2[%add3A_125] : memref<2560000xf32, #tpu.memory_space<hbm>> -> memref<128xf32, #tpu.memory_space<hbm>>
        %dma_start3A_127 = tpu.memref_slice %arg2[%add3A_125] : memref<2560000xf32, #tpu.memory_space<hbm>> -> memref<128xf32, #tpu.memory_space<hbm>>
        tpu.enqueue_dma source(%dma_start3A_127 : memref<128xf32, #tpu.memory_space<hbm>>) target(%arg8 : memref<128xf32, #tpu.memory_space<vmem>>) target_semaphore(%arg54 : memref<!tpu.dma_semaphore, #tpu.memory_space<semaphore_mem>>)
        %mul3A_128 = arith.constant 8 : i32
        %mul3A_129 = arith.muli %arg0, %mul3A_128 : i32
        %add3A_130 = arith.constant 1 : i32
        %add3A_131 = arith.addi %mul3A_129, %add3A_130 : i32
        %mul3A_132 = arith.constant 160000 : i32
        %mul3A_133 = arith.muli %add3A_131, %mul3A_132 : i32
        %mul3A_134 = arith.constant 128 : i32
        %mul3A_135 = arith.muli %add3A_81, %mul3A_134 : i32
        %add3A_136 = arith.addi %mul3A_133, %mul3A_135 : i32
        %dma_start3A_137 = tpu.memref_slice %arg2[%add3A_136] : memref<2560000xf32, #tpu.memory_space<hbm>> -> memref<128xf32, #tpu.memory_space<hbm>>
        %dma_start3A_138 = tpu.memref_slice %arg2[%add3A_136] : memref<2560000xf32, #tpu.memory_space<hbm>> -> memref<128xf32, #tpu.memory_space<hbm>>
        tpu.enqueue_dma source(%dma_start3A_138 : memref<128xf32, #tpu.memory_space<hbm>>) target(%arg9 : memref<128xf32, #tpu.memory_space<vmem>>) target_semaphore(%arg54 : memref<!tpu.dma_semaphore, #tpu.memory_space<semaphore_mem>>)
        %mul3A_139 = arith.constant 8 : i32
        %mul3A_140 = arith.muli %arg0, %mul3A_139 : i32
        %add3A_141 = arith.constant 2 : i32
        %add3A_142 = arith.addi %mul3A_140, %add3A_141 : i32
        %mul3A_143 = arith.constant 160000 : i32
        %mul3A_144 = arith.muli %add3A_142, %mul3A_143 : i32
        %mul3A_145 = arith.constant 128 : i32
        %mul3A_146 = arith.muli %add3A_81, %mul3A_145 : i32
        %add3A_147 = arith.addi %mul3A_144, %mul3A_146 : i32
        %dma_start3A_148 = tpu.memref_slice %arg2[%add3A_147] : memref<2560000xf32, #tpu.memory_space<hbm>> -> memref<128xf32, #tpu.memory_space<hbm>>
        %dma_start3A_149 = tpu.memref_slice %arg2[%add3A_147] : memref<2560000xf32, #tpu.memory_space<hbm>> -> memref<128xf32, #tpu.memory_space<hbm>>
        tpu.enqueue_dma source(%dma_start3A_149 : memref<128xf32, #tpu.memory_space<hbm>>) target(%arg10 : memref<128xf32, #tpu.memory_space<vmem>>) target_semaphore(%arg54 : memref<!tpu.dma_semaphore, #tpu.memory_space<semaphore_mem>>)
        %mul3A_150 = arith.constant 8 : i32
        %mul3A_151 = arith.muli %arg0, %mul3A_150 : i32
        %add3A_152 = arith.constant 3 : i32
        %add3A_153 = arith.addi %mul3A_151, %add3A_152 : i32
        %mul3A_154 = arith.constant 160000 : i32
        %mul3A_155 = arith.muli %add3A_153, %mul3A_154 : i32
        %mul3A_156 = arith.constant 128 : i32
        %mul3A_157 = arith.muli %add3A_81, %mul3A_156 : i32
        %add3A_158 = arith.addi %mul3A_155, %mul3A_157 : i32
        %dma_start3A_159 = tpu.memref_slice %arg2[%add3A_158] : memref<2560000xf32, #tpu.memory_space<hbm>> -> memref<128xf32, #tpu.memory_space<hbm>>
        %dma_start3A_160 = tpu.memref_slice %arg2[%add3A_158] : memref<2560000xf32, #tpu.memory_space<hbm>> -> memref<128xf32, #tpu.memory_space<hbm>>
        tpu.enqueue_dma source(%dma_start3A_160 : memref<128xf32, #tpu.memory_space<hbm>>) target(%arg11 : memref<128xf32, #tpu.memory_space<vmem>>) target_semaphore(%arg54 : memref<!tpu.dma_semaphore, #tpu.memory_space<semaphore_mem>>)
        %mul3A_161 = arith.constant 160000 : i32
        %mul3A_162 = arith.muli %arg0, %mul3A_161 : i32
        %mul3A_163 = arith.constant 128 : i32
        %mul3A_164 = arith.muli %add3A_81, %mul3A_163 : i32
        %add3A_165 = arith.addi %mul3A_162, %mul3A_164 : i32
        %dma_start3A_166 = arith.constant 0 : i32
        %dma_start3A_167 = tpu.memref_slice %arg3[%add3A_165, %dma_start3A_166] : memref<320000x128xf32, #tpu.memory_space<hbm>> -> memref<128x128xf32, #tpu.memory_space<hbm>>
        %dma_start3A_168 = arith.constant 0 : i32
        %dma_start3A_169 = tpu.memref_slice %arg3[%add3A_165, %dma_start3A_168] : memref<320000x128xf32, #tpu.memory_space<hbm>> -> memref<128x128xf32, #tpu.memory_space<hbm>>
        tpu.enqueue_dma source(%dma_start3A_169 : memref<128x128xf32, #tpu.memory_space<hbm>>) target(%arg26 : memref<128x128xf32, #tpu.memory_space<vmem>>) target_semaphore(%arg58 : memref<!tpu.dma_semaphore, #tpu.memory_space<semaphore_mem>>)
      } else {
      }
      %lt3A_90 = arith.cmpi slt, %add3A_88, %min3A_2 : i32
      %convert_element_type3A_91 = arith.extui %lt3A_90 : i1 to i32
      %cond3A_92 = arith.constant 0 : i32
      %cond3A_93 = arith.cmpi ne, %convert_element_type3A_91, %cond3A_92 : i32
      scf.if %cond3A_93 {
        %mul3A_111 = arith.constant 160000 : i32
        %mul3A_112 = arith.muli %arg0, %mul3A_111 : i32
        %mul3A_113 = arith.constant 128 : i32
        %mul3A_114 = arith.muli %add3A_88, %mul3A_113 : i32
        %add3A_115 = arith.addi %mul3A_112, %mul3A_114 : i32
        %dma_start3A = tpu.memref_slice %arg4[%add3A_115] : memref<320000xi32, #tpu.memory_space<hbm>> -> memref<128xi32, #tpu.memory_space<hbm>>
        %dma_start3A_116 = tpu.memref_slice %arg4[%add3A_115] : memref<320000xi32, #tpu.memory_space<hbm>> -> memref<128xi32, #tpu.memory_space<hbm>>
        tpu.enqueue_dma source(%dma_start3A_116 : memref<128xi32, #tpu.memory_space<hbm>>) target(%arg7 : memref<128xi32, #tpu.memory_space<vmem>>) target_semaphore(%arg53 : memref<!tpu.dma_semaphore, #tpu.memory_space<semaphore_mem>>)
        %mul3A_117 = arith.constant 8 : i32
        %mul3A_118 = arith.muli %arg0, %mul3A_117 : i32
        %add3A_119 = arith.constant 0 : i32
        %add3A_120 = arith.addi %mul3A_118, %add3A_119 : i32
        %mul3A_121 = arith.constant 160000 : i32
        %mul3A_122 = arith.muli %add3A_120, %mul3A_121 : i32
        %mul3A_123 = arith.constant 128 : i32
        %mul3A_124 = arith.muli %add3A_88, %mul3A_123 : i32
        %add3A_125 = arith.addi %mul3A_122, %mul3A_124 : i32
        %dma_start3A_126 = tpu.memref_slice %arg2[%add3A_125] : memref<2560000xf32, #tpu.memory_space<hbm>> -> memref<128xf32, #tpu.memory_space<hbm>>
        %dma_start3A_127 = tpu.memref_slice %arg2[%add3A_125] : memref<2560000xf32, #tpu.memory_space<hbm>> -> memref<128xf32, #tpu.memory_space<hbm>>
        tpu.enqueue_dma source(%dma_start3A_127 : memref<128xf32, #tpu.memory_space<hbm>>) target(%arg12 : memref<128xf32, #tpu.memory_space<vmem>>) target_semaphore(%arg55 : memref<!tpu.dma_semaphore, #tpu.memory_space<semaphore_mem>>)
        %mul3A_128 = arith.constant 8 : i32
        %mul3A_129 = arith.muli %arg0, %mul3A_128 : i32
        %add3A_130 = arith.constant 1 : i32
        %add3A_131 = arith.addi %mul3A_129, %add3A_130 : i32
        %mul3A_132 = arith.constant 160000 : i32
        %mul3A_133 = arith.muli %add3A_131, %mul3A_132 : i32
        %mul3A_134 = arith.constant 128 : i32
        %mul3A_135 = arith.muli %add3A_88, %mul3A_134 : i32
        %add3A_136 = arith.addi %mul3A_133, %mul3A_135 : i32
        %dma_start3A_137 = tpu.memref_slice %arg2[%add3A_136] : memref<2560000xf32, #tpu.memory_space<hbm>> -> memref<128xf32, #tpu.memory_space<hbm>>
        %dma_start3A_138 = tpu.memref_slice %arg2[%add3A_136] : memref<2560000xf32, #tpu.memory_space<hbm>> -> memref<128xf32, #tpu.memory_space<hbm>>
        tpu.enqueue_dma source(%dma_start3A_138 : memref<128xf32, #tpu.memory_space<hbm>>) target(%arg13 : memref<128xf32, #tpu.memory_space<vmem>>) target_semaphore(%arg55 : memref<!tpu.dma_semaphore, #tpu.memory_space<semaphore_mem>>)
        %mul3A_139 = arith.constant 8 : i32
        %mul3A_140 = arith.muli %arg0, %mul3A_139 : i32
        %add3A_141 = arith.constant 2 : i32
        %add3A_142 = arith.addi %mul3A_140, %add3A_141 : i32
        %mul3A_143 = arith.constant 160000 : i32
        %mul3A_144 = arith.muli %add3A_142, %mul3A_143 : i32
        %mul3A_145 = arith.constant 128 : i32
        %mul3A_146 = arith.muli %add3A_88, %mul3A_145 : i32
        %add3A_147 = arith.addi %mul3A_144, %mul3A_146 : i32
        %dma_start3A_148 = tpu.memref_slice %arg2[%add3A_147] : memref<2560000xf32, #tpu.memory_space<hbm>> -> memref<128xf32, #tpu.memory_space<hbm>>
        %dma_start3A_149 = tpu.memref_slice %arg2[%add3A_147] : memref<2560000xf32, #tpu.memory_space<hbm>> -> memref<128xf32, #tpu.memory_space<hbm>>
        tpu.enqueue_dma source(%dma_start3A_149 : memref<128xf32, #tpu.memory_space<hbm>>) target(%arg14 : memref<128xf32, #tpu.memory_space<vmem>>) target_semaphore(%arg55 : memref<!tpu.dma_semaphore, #tpu.memory_space<semaphore_mem>>)
        %mul3A_150 = arith.constant 8 : i32
        %mul3A_151 = arith.muli %arg0, %mul3A_150 : i32
        %add3A_152 = arith.constant 3 : i32
        %add3A_153 = arith.addi %mul3A_151, %add3A_152 : i32
        %mul3A_154 = arith.constant 160000 : i32
        %mul3A_155 = arith.muli %add3A_153, %mul3A_154 : i32
        %mul3A_156 = arith.constant 128 : i32
        %mul3A_157 = arith.muli %add3A_88, %mul3A_156 : i32
        %add3A_158 = arith.addi %mul3A_155, %mul3A_157 : i32
        %dma_start3A_159 = tpu.memref_slice %arg2[%add3A_158] : memref<2560000xf32, #tpu.memory_space<hbm>> -> memref<128xf32, #tpu.memory_space<hbm>>
        %dma_start3A_160 = tpu.memref_slice %arg2[%add3A_158] : memref<2560000xf32, #tpu.memory_space<hbm>> -> memref<128xf32, #tpu.memory_space<hbm>>
        tpu.enqueue_dma source(%dma_start3A_160 : memref<128xf32, #tpu.memory_space<hbm>>) target(%arg15 : memref<128xf32, #tpu.memory_space<vmem>>) target_semaphore(%arg55 : memref<!tpu.dma_semaphore, #tpu.memory_space<semaphore_mem>>)
        %mul3A_161 = arith.constant 160000 : i32
        %mul3A_162 = arith.muli %arg0, %mul3A_161 : i32
        %mul3A_163 = arith.constant 128 : i32
        %mul3A_164 = arith.muli %add3A_88, %mul3A_163 : i32
        %add3A_165 = arith.addi %mul3A_162, %mul3A_164 : i32
        %dma_start3A_166 = arith.constant 0 : i32
        %dma_start3A_167 = tpu.memref_slice %arg3[%add3A_165, %dma_start3A_166] : memref<320000x128xf32, #tpu.memory_space<hbm>> -> memref<128x128xf32, #tpu.memory_space<hbm>>
        %dma_start3A_168 = arith.constant 0 : i32
        %dma_start3A_169 = tpu.memref_slice %arg3[%add3A_165, %dma_start3A_168] : memref<320000x128xf32, #tpu.memory_space<hbm>> -> memref<128x128xf32, #tpu.memory_space<hbm>>
        tpu.enqueue_dma source(%dma_start3A_169 : memref<128x128xf32, #tpu.memory_space<hbm>>) target(%arg27 : memref<128x128xf32, #tpu.memory_space<vmem>>) target_semaphore(%arg59 : memref<!tpu.dma_semaphore, #tpu.memory_space<semaphore_mem>>)
      } else {
      }
      %lt3A_94 = arith.cmpi slt, %add3A_81, %min3A_2 : i32
      %convert_element_type3A_95 = arith.extui %lt3A_94 : i1 to i32
      %cond3A_96 = arith.constant 0 : i32
      %cond3A_97 = arith.cmpi ne, %convert_element_type3A_95, %cond3A_96 : i32
      scf.if %cond3A_97 {
        %mul3A_111 = arith.constant 160000 : i32
        %mul3A_112 = arith.muli %arg0, %mul3A_111 : i32
        %mul3A_113 = arith.constant 128 : i32
        %mul3A_114 = arith.muli %add3A_81, %mul3A_113 : i32
        %add3A_115 = arith.addi %mul3A_112, %mul3A_114 : i32
        %dma_wait3A = tpu.memref_slice %arg4[%add3A_115] : memref<320000xi32, #tpu.memory_space<hbm>> -> memref<128xi32, #tpu.memory_space<hbm>>
        %dma_wait3A_116 = tpu.memref_slice %arg4[%add3A_115] : memref<320000xi32, #tpu.memory_space<hbm>> -> memref<128xi32, #tpu.memory_space<hbm>>
        tpu.wait_dma2 semaphore(%arg52 : memref<!tpu.dma_semaphore, #tpu.memory_space<semaphore_mem>>) src(%dma_wait3A_116 : memref<128xi32, #tpu.memory_space<hbm>>) dst(%arg6 : memref<128xi32, #tpu.memory_space<vmem>>)
        %dma_start3A = arith.constant 0 : i32
        %dma_start3A_117 = tpu.memref_slice %arg47[%dma_start3A] : memref<10240xf32, #tpu.memory_space<vmem_shared>> -> memref<10240xf32, #tpu.memory_space<vmem_shared>>
        tpu.enqueue_indirect_dma source(%dma_start3A_117 : memref<10240xf32, #tpu.memory_space<vmem_shared>>) target(%arg16 : memref<128xf32, #tpu.memory_space<vmem>>) offsets(%arg6 : memref<128xi32, #tpu.memory_space<vmem>>) semaphore(%arg60 : memref<!tpu.dma_semaphore, #tpu.memory_space<semaphore_mem>>)
        %dma_start3A_118 = arith.constant 0 : i32
        %dma_start3A_119 = tpu.memref_slice %arg48[%dma_start3A_118] : memref<10240xf32, #tpu.memory_space<vmem_shared>> -> memref<10240xf32, #tpu.memory_space<vmem_shared>>
        tpu.enqueue_indirect_dma source(%dma_start3A_119 : memref<10240xf32, #tpu.memory_space<vmem_shared>>) target(%arg17 : memref<128xf32, #tpu.memory_space<vmem>>) offsets(%arg6 : memref<128xi32, #tpu.memory_space<vmem>>) semaphore(%arg60 : memref<!tpu.dma_semaphore, #tpu.memory_space<semaphore_mem>>)
        %dma_start3A_120 = arith.constant 0 : i32
        %dma_start3A_121 = tpu.memref_slice %arg49[%dma_start3A_120] : memref<10240xf32, #tpu.memory_space<vmem_shared>> -> memref<10240xf32, #tpu.memory_space<vmem_shared>>
        tpu.enqueue_indirect_dma source(%dma_start3A_121 : memref<10240xf32, #tpu.memory_space<vmem_shared>>) target(%arg18 : memref<128xf32, #tpu.memory_space<vmem>>) offsets(%arg6 : memref<128xi32, #tpu.memory_space<vmem>>) semaphore(%arg60 : memref<!tpu.dma_semaphore, #tpu.memory_space<semaphore_mem>>)
        %dma_start3A_122 = arith.constant 0 : i32
        %dma_start3A_123 = tpu.memref_slice %arg50[%dma_start3A_122] : memref<10240xf32, #tpu.memory_space<vmem_shared>> -> memref<10240xf32, #tpu.memory_space<vmem_shared>>
        tpu.enqueue_indirect_dma source(%dma_start3A_123 : memref<10240xf32, #tpu.memory_space<vmem_shared>>) target(%arg19 : memref<128xf32, #tpu.memory_space<vmem>>) offsets(%arg6 : memref<128xi32, #tpu.memory_space<vmem>>) semaphore(%arg60 : memref<!tpu.dma_semaphore, #tpu.memory_space<semaphore_mem>>)
        %mul3A_124 = arith.constant 8 : i32
        %mul3A_125 = arith.muli %arg0, %mul3A_124 : i32
        %add3A_126 = arith.constant 0 : i32
        %add3A_127 = arith.addi %mul3A_125, %add3A_126 : i32
        %mul3A_128 = arith.constant 160000 : i32
        %mul3A_129 = arith.muli %add3A_127, %mul3A_128 : i32
        %mul3A_130 = arith.constant 128 : i32
        %mul3A_131 = arith.muli %add3A_81, %mul3A_130 : i32
        %add3A_132 = arith.addi %mul3A_129, %mul3A_131 : i32
        %dma_wait3A_133 = tpu.memref_slice %arg2[%add3A_132] : memref<2560000xf32, #tpu.memory_space<hbm>> -> memref<128xf32, #tpu.memory_space<hbm>>
        %dma_wait3A_134 = tpu.memref_slice %arg2[%add3A_132] : memref<2560000xf32, #tpu.memory_space<hbm>> -> memref<128xf32, #tpu.memory_space<hbm>>
        tpu.wait_dma2 semaphore(%arg54 : memref<!tpu.dma_semaphore, #tpu.memory_space<semaphore_mem>>) src(%dma_wait3A_134 : memref<128xf32, #tpu.memory_space<hbm>>) dst(%arg8 : memref<128xf32, #tpu.memory_space<vmem>>)
        %mul3A_135 = arith.constant 8 : i32
        %mul3A_136 = arith.muli %arg0, %mul3A_135 : i32
        %add3A_137 = arith.constant 1 : i32
        %add3A_138 = arith.addi %mul3A_136, %add3A_137 : i32
        %mul3A_139 = arith.constant 160000 : i32
        %mul3A_140 = arith.muli %add3A_138, %mul3A_139 : i32
        %mul3A_141 = arith.constant 128 : i32
        %mul3A_142 = arith.muli %add3A_81, %mul3A_141 : i32
        %add3A_143 = arith.addi %mul3A_140, %mul3A_142 : i32
        %dma_wait3A_144 = tpu.memref_slice %arg2[%add3A_143] : memref<2560000xf32, #tpu.memory_space<hbm>> -> memref<128xf32, #tpu.memory_space<hbm>>
        %dma_wait3A_145 = tpu.memref_slice %arg2[%add3A_143] : memref<2560000xf32, #tpu.memory_space<hbm>> -> memref<128xf32, #tpu.memory_space<hbm>>
        tpu.wait_dma2 semaphore(%arg54 : memref<!tpu.dma_semaphore, #tpu.memory_space<semaphore_mem>>) src(%dma_wait3A_145 : memref<128xf32, #tpu.memory_space<hbm>>) dst(%arg9 : memref<128xf32, #tpu.memory_space<vmem>>)
        %mul3A_146 = arith.constant 8 : i32
        %mul3A_147 = arith.muli %arg0, %mul3A_146 : i32
        %add3A_148 = arith.constant 2 : i32
        %add3A_149 = arith.addi %mul3A_147, %add3A_148 : i32
        %mul3A_150 = arith.constant 160000 : i32
        %mul3A_151 = arith.muli %add3A_149, %mul3A_150 : i32
        %mul3A_152 = arith.constant 128 : i32
        %mul3A_153 = arith.muli %add3A_81, %mul3A_152 : i32
        %add3A_154 = arith.addi %mul3A_151, %mul3A_153 : i32
        %dma_wait3A_155 = tpu.memref_slice %arg2[%add3A_154] : memref<2560000xf32, #tpu.memory_space<hbm>> -> memref<128xf32, #tpu.memory_space<hbm>>
        %dma_wait3A_156 = tpu.memref_slice %arg2[%add3A_154] : memref<2560000xf32, #tpu.memory_space<hbm>> -> memref<128xf32, #tpu.memory_space<hbm>>
        tpu.wait_dma2 semaphore(%arg54 : memref<!tpu.dma_semaphore, #tpu.memory_space<semaphore_mem>>) src(%dma_wait3A_156 : memref<128xf32, #tpu.memory_space<hbm>>) dst(%arg10 : memref<128xf32, #tpu.memory_space<vmem>>)
        %mul3A_157 = arith.constant 8 : i32
        %mul3A_158 = arith.muli %arg0, %mul3A_157 : i32
        %add3A_159 = arith.constant 3 : i32
        %add3A_160 = arith.addi %mul3A_158, %add3A_159 : i32
        %mul3A_161 = arith.constant 160000 : i32
        %mul3A_162 = arith.muli %add3A_160, %mul3A_161 : i32
        %mul3A_163 = arith.constant 128 : i32
        %mul3A_164 = arith.muli %add3A_81, %mul3A_163 : i32
        %add3A_165 = arith.addi %mul3A_162, %mul3A_164 : i32
        %dma_wait3A_166 = tpu.memref_slice %arg2[%add3A_165] : memref<2560000xf32, #tpu.memory_space<hbm>> -> memref<128xf32, #tpu.memory_space<hbm>>
        %dma_wait3A_167 = tpu.memref_slice %arg2[%add3A_165] : memref<2560000xf32, #tpu.memory_space<hbm>> -> memref<128xf32, #tpu.memory_space<hbm>>
        tpu.wait_dma2 semaphore(%arg54 : memref<!tpu.dma_semaphore, #tpu.memory_space<semaphore_mem>>) src(%dma_wait3A_167 : memref<128xf32, #tpu.memory_space<hbm>>) dst(%arg11 : memref<128xf32, #tpu.memory_space<vmem>>)
        %dma_wait3A_168 = arith.constant 0 : i32
        %dma_wait3A_169 = tpu.memref_slice %arg47[%dma_wait3A_168] : memref<10240xf32, #tpu.memory_space<vmem_shared>> -> memref<10240xf32, #tpu.memory_space<vmem_shared>>
        tpu.wait_indirect_dma semaphore(%arg60 : memref<!tpu.dma_semaphore, #tpu.memory_space<semaphore_mem>>) src(%dma_wait3A_169 : memref<10240xf32, #tpu.memory_space<vmem_shared>>) dst(%arg16 : memref<128xf32, #tpu.memory_space<vmem>>)
        %dma_wait3A_170 = arith.constant 0 : i32
        %dma_wait3A_171 = tpu.memref_slice %arg48[%dma_wait3A_170] : memref<10240xf32, #tpu.memory_space<vmem_shared>> -> memref<10240xf32, #tpu.memory_space<vmem_shared>>
        tpu.wait_indirect_dma semaphore(%arg60 : memref<!tpu.dma_semaphore, #tpu.memory_space<semaphore_mem>>) src(%dma_wait3A_171 : memref<10240xf32, #tpu.memory_space<vmem_shared>>) dst(%arg17 : memref<128xf32, #tpu.memory_space<vmem>>)
        %dma_wait3A_172 = arith.constant 0 : i32
        %dma_wait3A_173 = tpu.memref_slice %arg49[%dma_wait3A_172] : memref<10240xf32, #tpu.memory_space<vmem_shared>> -> memref<10240xf32, #tpu.memory_space<vmem_shared>>
        tpu.wait_indirect_dma semaphore(%arg60 : memref<!tpu.dma_semaphore, #tpu.memory_space<semaphore_mem>>) src(%dma_wait3A_173 : memref<10240xf32, #tpu.memory_space<vmem_shared>>) dst(%arg18 : memref<128xf32, #tpu.memory_space<vmem>>)
        %dma_wait3A_174 = arith.constant 0 : i32
        %dma_wait3A_175 = tpu.memref_slice %arg50[%dma_wait3A_174] : memref<10240xf32, #tpu.memory_space<vmem_shared>> -> memref<10240xf32, #tpu.memory_space<vmem_shared>>
        tpu.wait_indirect_dma semaphore(%arg60 : memref<!tpu.dma_semaphore, #tpu.memory_space<semaphore_mem>>) src(%dma_wait3A_175 : memref<10240xf32, #tpu.memory_space<vmem_shared>>) dst(%arg19 : memref<128xf32, #tpu.memory_space<vmem>>)
        %broadcast_in_dim3A = arith.constant 0.000000e+00 : f32
        %broadcast_in_dim3A_176 = vector.broadcast %broadcast_in_dim3A : f32 to vector<16xf32>
        %get3A = arith.constant 0 : index
        %get3A_177 = tpu.vector_load %arg8[%get3A] {strides = array<i32>} : memref<128xf32, #tpu.memory_space<vmem>>, vector<16xf32>,
        %get3A_178 = arith.constant 0 : index
        %get3A_179 = tpu.vector_load %arg16[%get3A_178] {strides = array<i32>} : memref<128xf32, #tpu.memory_space<vmem>>, vector<16xf32>,
        %div3A = arith.divf %get3A_177, %get3A_179 : vector<16xf32>
        %add3A_180 = arith.addf %broadcast_in_dim3A_176, %div3A : vector<16xf32>
        %get3A_181 = arith.constant 0 : index
        %get3A_182 = tpu.vector_load %arg9[%get3A_181] {strides = array<i32>} : memref<128xf32, #tpu.memory_space<vmem>>, vector<16xf32>,
        %get3A_183 = arith.constant 0 : index
        %get3A_184 = tpu.vector_load %arg17[%get3A_183] {strides = array<i32>} : memref<128xf32, #tpu.memory_space<vmem>>, vector<16xf32>,
        %div3A_185 = arith.divf %get3A_182, %get3A_184 : vector<16xf32>
        %add3A_186 = arith.addf %add3A_180, %div3A_185 : vector<16xf32>
        %get3A_187 = arith.constant 0 : index
        %get3A_188 = tpu.vector_load %arg10[%get3A_187] {strides = array<i32>} : memref<128xf32, #tpu.memory_space<vmem>>, vector<16xf32>,
        %get3A_189 = arith.constant 0 : index
        %get3A_190 = tpu.vector_load %arg18[%get3A_189] {strides = array<i32>} : memref<128xf32, #tpu.memory_space<vmem>>, vector<16xf32>,
        %div3A_191 = arith.divf %get3A_188, %get3A_190 : vector<16xf32>
        %add3A_192 = arith.addf %add3A_186, %div3A_191 : vector<16xf32>
        %get3A_193 = arith.constant 0 : index
        %get3A_194 = tpu.vector_load %arg11[%get3A_193] {strides = array<i32>} : memref<128xf32, #tpu.memory_space<vmem>>, vector<16xf32>,
        %get3A_195 = arith.constant 0 : index
        %get3A_196 = tpu.vector_load %arg19[%get3A_195] {strides = array<i32>} : memref<128xf32, #tpu.memory_space<vmem>>, vector<16xf32>,
        %div3A_197 = arith.divf %get3A_194, %get3A_196 : vector<16xf32>
        %add3A_198 = arith.addf %add3A_192, %div3A_197 : vector<16xf32>
        %mul3A_199 = arith.constant 2.500000e-01 : f32
        %mul3A_200 = vector.broadcast %mul3A_199 : f32 to vector<16xf32>
        %mul3A_201 = arith.mulf %add3A_198, %mul3A_200 : vector<16xf32>
        %swap3A = arith.constant 0 : index
        %swap3A_202 = tpu.vector_load %arg24[%swap3A] {strides = array<i32>} : memref<128xf32, #tpu.memory_space<vmem>>, vector<16xf32>,
        tpu.vector_store %arg24[%swap3A], %mul3A_201 {strides = array<i32>} : memref<128xf32, #tpu.memory_space<vmem>>, vector<16xf32>,
        %broadcast_in_dim3A_203 = arith.constant 0.000000e+00 : f32
        %broadcast_in_dim3A_204 = vector.broadcast %broadcast_in_dim3A_203 : f32 to vector<16xf32>
        %get3A_205 = arith.constant 16 : index
        %get3A_206 = tpu.vector_load %arg8[%get3A_205] {strides = array<i32>} : memref<128xf32, #tpu.memory_space<vmem>>, vector<16xf32>,
        %get3A_207 = arith.constant 16 : index
        %get3A_208 = tpu.vector_load %arg16[%get3A_207] {strides = array<i32>} : memref<128xf32, #tpu.memory_space<vmem>>, vector<16xf32>,
        %div3A_209 = arith.divf %get3A_206, %get3A_208 : vector<16xf32>
        %add3A_210 = arith.addf %broadcast_in_dim3A_204, %div3A_209 : vector<16xf32>
        %get3A_211 = arith.constant 16 : index
        %get3A_212 = tpu.vector_load %arg9[%get3A_211] {strides = array<i32>} : memref<128xf32, #tpu.memory_space<vmem>>, vector<16xf32>,
        %get3A_213 = arith.constant 16 : index
        %get3A_214 = tpu.vector_load %arg17[%get3A_213] {strides = array<i32>} : memref<128xf32, #tpu.memory_space<vmem>>, vector<16xf32>,
        %div3A_215 = arith.divf %get3A_212, %get3A_214 : vector<16xf32>
        %add3A_216 = arith.addf %add3A_210, %div3A_215 : vector<16xf32>
        %get3A_217 = arith.constant 16 : index
        %get3A_218 = tpu.vector_load %arg10[%get3A_217] {strides = array<i32>} : memref<128xf32, #tpu.memory_space<vmem>>, vector<16xf32>,
        %get3A_219 = arith.constant 16 : index
        %get3A_220 = tpu.vector_load %arg18[%get3A_219] {strides = array<i32>} : memref<128xf32, #tpu.memory_space<vmem>>, vector<16xf32>,
        %div3A_221 = arith.divf %get3A_218, %get3A_220 : vector<16xf32>
        %add3A_222 = arith.addf %add3A_216, %div3A_221 : vector<16xf32>
        %get3A_223 = arith.constant 16 : index
        %get3A_224 = tpu.vector_load %arg11[%get3A_223] {strides = array<i32>} : memref<128xf32, #tpu.memory_space<vmem>>, vector<16xf32>,
        %get3A_225 = arith.constant 16 : index
        %get3A_226 = tpu.vector_load %arg19[%get3A_225] {strides = array<i32>} : memref<128xf32, #tpu.memory_space<vmem>>, vector<16xf32>,
        %div3A_227 = arith.divf %get3A_224, %get3A_226 : vector<16xf32>
        %add3A_228 = arith.addf %add3A_222, %div3A_227 : vector<16xf32>
        %mul3A_229 = arith.constant 2.500000e-01 : f32
        %mul3A_230 = vector.broadcast %mul3A_229 : f32 to vector<16xf32>
        %mul3A_231 = arith.mulf %add3A_228, %mul3A_230 : vector<16xf32>
        %swap3A_232 = arith.constant 16 : index
        %swap3A_233 = tpu.vector_load %arg24[%swap3A_232] {strides = array<i32>} : memref<128xf32, #tpu.memory_space<vmem>>, vector<16xf32>,
        tpu.vector_store %arg24[%swap3A_232], %mul3A_231 {strides = array<i32>} : memref<128xf32, #tpu.memory_space<vmem>>, vector<16xf32>,
        %broadcast_in_dim3A_234 = arith.constant 0.000000e+00 : f32
        %broadcast_in_dim3A_235 = vector.broadcast %broadcast_in_dim3A_234 : f32 to vector<16xf32>
        %get3A_236 = arith.constant 32 : index
        %get3A_237 = tpu.vector_load %arg8[%get3A_236] {strides = array<i32>} : memref<128xf32, #tpu.memory_space<vmem>>, vector<16xf32>,
        %get3A_238 = arith.constant 32 : index
        %get3A_239 = tpu.vector_load %arg16[%get3A_238] {strides = array<i32>} : memref<128xf32, #tpu.memory_space<vmem>>, vector<16xf32>,
        %div3A_240 = arith.divf %get3A_237, %get3A_239 : vector<16xf32>
        %add3A_241 = arith.addf %broadcast_in_dim3A_235, %div3A_240 : vector<16xf32>
        %get3A_242 = arith.constant 32 : index
        %get3A_243 = tpu.vector_load %arg9[%get3A_242] {strides = array<i32>} : memref<128xf32, #tpu.memory_space<vmem>>, vector<16xf32>,
        %get3A_244 = arith.constant 32 : index
        %get3A_245 = tpu.vector_load %arg17[%get3A_244] {strides = array<i32>} : memref<128xf32, #tpu.memory_space<vmem>>, vector<16xf32>,
        %div3A_246 = arith.divf %get3A_243, %get3A_245 : vector<16xf32>
        %add3A_247 = arith.addf %add3A_241, %div3A_246 : vector<16xf32>
        %get3A_248 = arith.constant 32 : index
        %get3A_249 = tpu.vector_load %arg10[%get3A_248] {strides = array<i32>} : memref<128xf32, #tpu.memory_space<vmem>>, vector<16xf32>,
        %get3A_250 = arith.constant 32 : index
        %get3A_251 = tpu.vector_load %arg18[%get3A_250] {strides = array<i32>} : memref<128xf32, #tpu.memory_space<vmem>>, vector<16xf32>,
        %div3A_252 = arith.divf %get3A_249, %get3A_251 : vector<16xf32>
        %add3A_253 = arith.addf %add3A_247, %div3A_252 : vector<16xf32>
        %get3A_254 = arith.constant 32 : index
        %get3A_255 = tpu.vector_load %arg11[%get3A_254] {strides = array<i32>} : memref<128xf32, #tpu.memory_space<vmem>>, vector<16xf32>,
        %get3A_256 = arith.constant 32 : index
        %get3A_257 = tpu.vector_load %arg19[%get3A_256] {strides = array<i32>} : memref<128xf32, #tpu.memory_space<vmem>>, vector<16xf32>,
        %div3A_258 = arith.divf %get3A_255, %get3A_257 : vector<16xf32>
        %add3A_259 = arith.addf %add3A_253, %div3A_258 : vector<16xf32>
        %mul3A_260 = arith.constant 2.500000e-01 : f32
        %mul3A_261 = vector.broadcast %mul3A_260 : f32 to vector<16xf32>
        %mul3A_262 = arith.mulf %add3A_259, %mul3A_261 : vector<16xf32>
        %swap3A_263 = arith.constant 32 : index
        %swap3A_264 = tpu.vector_load %arg24[%swap3A_263] {strides = array<i32>} : memref<128xf32, #tpu.memory_space<vmem>>, vector<16xf32>,
        tpu.vector_store %arg24[%swap3A_263], %mul3A_262 {strides = array<i32>} : memref<128xf32, #tpu.memory_space<vmem>>, vector<16xf32>,
        %broadcast_in_dim3A_265 = arith.constant 0.000000e+00 : f32
        %broadcast_in_dim3A_266 = vector.broadcast %broadcast_in_dim3A_265 : f32 to vector<16xf32>
        %get3A_267 = arith.constant 48 : index
        %get3A_268 = tpu.vector_load %arg8[%get3A_267] {strides = array<i32>} : memref<128xf32, #tpu.memory_space<vmem>>, vector<16xf32>,
        %get3A_269 = arith.constant 48 : index
        %get3A_270 = tpu.vector_load %arg16[%get3A_269] {strides = array<i32>} : memref<128xf32, #tpu.memory_space<vmem>>, vector<16xf32>,
        %div3A_271 = arith.divf %get3A_268, %get3A_270 : vector<16xf32>
        %add3A_272 = arith.addf %broadcast_in_dim3A_266, %div3A_271 : vector<16xf32>
        %get3A_273 = arith.constant 48 : index
        %get3A_274 = tpu.vector_load %arg9[%get3A_273] {strides = array<i32>} : memref<128xf32, #tpu.memory_space<vmem>>, vector<16xf32>,
        %get3A_275 = arith.constant 48 : index
        %get3A_276 = tpu.vector_load %arg17[%get3A_275] {strides = array<i32>} : memref<128xf32, #tpu.memory_space<vmem>>, vector<16xf32>,
        %div3A_277 = arith.divf %get3A_274, %get3A_276 : vector<16xf32>
        %add3A_278 = arith.addf %add3A_272, %div3A_277 : vector<16xf32>
        %get3A_279 = arith.constant 48 : index
        %get3A_280 = tpu.vector_load %arg10[%get3A_279] {strides = array<i32>} : memref<128xf32, #tpu.memory_space<vmem>>, vector<16xf32>,
        %get3A_281 = arith.constant 48 : index
        %get3A_282 = tpu.vector_load %arg18[%get3A_281] {strides = array<i32>} : memref<128xf32, #tpu.memory_space<vmem>>, vector<16xf32>,
        %div3A_283 = arith.divf %get3A_280, %get3A_282 : vector<16xf32>
        %add3A_284 = arith.addf %add3A_278, %div3A_283 : vector<16xf32>
        %get3A_285 = arith.constant 48 : index
        %get3A_286 = tpu.vector_load %arg11[%get3A_285] {strides = array<i32>} : memref<128xf32, #tpu.memory_space<vmem>>, vector<16xf32>,
        %get3A_287 = arith.constant 48 : index
        %get3A_288 = tpu.vector_load %arg19[%get3A_287] {strides = array<i32>} : memref<128xf32, #tpu.memory_space<vmem>>, vector<16xf32>,
        %div3A_289 = arith.divf %get3A_286, %get3A_288 : vector<16xf32>
        %add3A_290 = arith.addf %add3A_284, %div3A_289 : vector<16xf32>
        %mul3A_291 = arith.constant 2.500000e-01 : f32
        %mul3A_292 = vector.broadcast %mul3A_291 : f32 to vector<16xf32>
        %mul3A_293 = arith.mulf %add3A_290, %mul3A_292 : vector<16xf32>
        %swap3A_294 = arith.constant 48 : index
        %swap3A_295 = tpu.vector_load %arg24[%swap3A_294] {strides = array<i32>} : memref<128xf32, #tpu.memory_space<vmem>>, vector<16xf32>,
        tpu.vector_store %arg24[%swap3A_294], %mul3A_293 {strides = array<i32>} : memref<128xf32, #tpu.memory_space<vmem>>, vector<16xf32>,
        %broadcast_in_dim3A_296 = arith.constant 0.000000e+00 : f32
        %broadcast_in_dim3A_297 = vector.broadcast %broadcast_in_dim3A_296 : f32 to vector<16xf32>
        %get3A_298 = arith.constant 64 : index
        %get3A_299 = tpu.vector_load %arg8[%get3A_298] {strides = array<i32>} : memref<128xf32, #tpu.memory_space<vmem>>, vector<16xf32>,
        %get3A_300 = arith.constant 64 : index
        %get3A_301 = tpu.vector_load %arg16[%get3A_300] {strides = array<i32>} : memref<128xf32, #tpu.memory_space<vmem>>, vector<16xf32>,
        %div3A_302 = arith.divf %get3A_299, %get3A_301 : vector<16xf32>
        %add3A_303 = arith.addf %broadcast_in_dim3A_297, %div3A_302 : vector<16xf32>
        %get3A_304 = arith.constant 64 : index
        %get3A_305 = tpu.vector_load %arg9[%get3A_304] {strides = array<i32>} : memref<128xf32, #tpu.memory_space<vmem>>, vector<16xf32>,
        %get3A_306 = arith.constant 64 : index
        %get3A_307 = tpu.vector_load %arg17[%get3A_306] {strides = array<i32>} : memref<128xf32, #tpu.memory_space<vmem>>, vector<16xf32>,
        %div3A_308 = arith.divf %get3A_305, %get3A_307 : vector<16xf32>
        %add3A_309 = arith.addf %add3A_303, %div3A_308 : vector<16xf32>
        %get3A_310 = arith.constant 64 : index
        %get3A_311 = tpu.vector_load %arg10[%get3A_310] {strides = array<i32>} : memref<128xf32, #tpu.memory_space<vmem>>, vector<16xf32>,
        %get3A_312 = arith.constant 64 : index
        %get3A_313 = tpu.vector_load %arg18[%get3A_312] {strides = array<i32>} : memref<128xf32, #tpu.memory_space<vmem>>, vector<16xf32>,
        %div3A_314 = arith.divf %get3A_311, %get3A_313 : vector<16xf32>
        %add3A_315 = arith.addf %add3A_309, %div3A_314 : vector<16xf32>
        %get3A_316 = arith.constant 64 : index
        %get3A_317 = tpu.vector_load %arg11[%get3A_316] {strides = array<i32>} : memref<128xf32, #tpu.memory_space<vmem>>, vector<16xf32>,
        %get3A_318 = arith.constant 64 : index
        %get3A_319 = tpu.vector_load %arg19[%get3A_318] {strides = array<i32>} : memref<128xf32, #tpu.memory_space<vmem>>, vector<16xf32>,
        %div3A_320 = arith.divf %get3A_317, %get3A_319 : vector<16xf32>
        %add3A_321 = arith.addf %add3A_315, %div3A_320 : vector<16xf32>
        %mul3A_322 = arith.constant 2.500000e-01 : f32
        %mul3A_323 = vector.broadcast %mul3A_322 : f32 to vector<16xf32>
        %mul3A_324 = arith.mulf %add3A_321, %mul3A_323 : vector<16xf32>
        %swap3A_325 = arith.constant 64 : index
        %swap3A_326 = tpu.vector_load %arg24[%swap3A_325] {strides = array<i32>} : memref<128xf32, #tpu.memory_space<vmem>>, vector<16xf32>,
        tpu.vector_store %arg24[%swap3A_325], %mul3A_324 {strides = array<i32>} : memref<128xf32, #tpu.memory_space<vmem>>, vector<16xf32>,
        %broadcast_in_dim3A_327 = arith.constant 0.000000e+00 : f32
        %broadcast_in_dim3A_328 = vector.broadcast %broadcast_in_dim3A_327 : f32 to vector<16xf32>
        %get3A_329 = arith.constant 80 : index
        %get3A_330 = tpu.vector_load %arg8[%get3A_329] {strides = array<i32>} : memref<128xf32, #tpu.memory_space<vmem>>, vector<16xf32>,
        %get3A_331 = arith.constant 80 : index
        %get3A_332 = tpu.vector_load %arg16[%get3A_331] {strides = array<i32>} : memref<128xf32, #tpu.memory_space<vmem>>, vector<16xf32>,
        %div3A_333 = arith.divf %get3A_330, %get3A_332 : vector<16xf32>
        %add3A_334 = arith.addf %broadcast_in_dim3A_328, %div3A_333 : vector<16xf32>
        %get3A_335 = arith.constant 80 : index
        %get3A_336 = tpu.vector_load %arg9[%get3A_335] {strides = array<i32>} : memref<128xf32, #tpu.memory_space<vmem>>, vector<16xf32>,
        %get3A_337 = arith.constant 80 : index
        %get3A_338 = tpu.vector_load %arg17[%get3A_337] {strides = array<i32>} : memref<128xf32, #tpu.memory_space<vmem>>, vector<16xf32>,
        %div3A_339 = arith.divf %get3A_336, %get3A_338 : vector<16xf32>
        %add3A_340 = arith.addf %add3A_334, %div3A_339 : vector<16xf32>
        %get3A_341 = arith.constant 80 : index
        %get3A_342 = tpu.vector_load %arg10[%get3A_341] {strides = array<i32>} : memref<128xf32, #tpu.memory_space<vmem>>, vector<16xf32>,
        %get3A_343 = arith.constant 80 : index
        %get3A_344 = tpu.vector_load %arg18[%get3A_343] {strides = array<i32>} : memref<128xf32, #tpu.memory_space<vmem>>, vector<16xf32>,
        %div3A_345 = arith.divf %get3A_342, %get3A_344 : vector<16xf32>
        %add3A_346 = arith.addf %add3A_340, %div3A_345 : vector<16xf32>
        %get3A_347 = arith.constant 80 : index
        %get3A_348 = tpu.vector_load %arg11[%get3A_347] {strides = array<i32>} : memref<128xf32, #tpu.memory_space<vmem>>, vector<16xf32>,
        %get3A_349 = arith.constant 80 : index
        %get3A_350 = tpu.vector_load %arg19[%get3A_349] {strides = array<i32>} : memref<128xf32, #tpu.memory_space<vmem>>, vector<16xf32>,
        %div3A_351 = arith.divf %get3A_348, %get3A_350 : vector<16xf32>
        %add3A_352 = arith.addf %add3A_346, %div3A_351 : vector<16xf32>
        %mul3A_353 = arith.constant 2.500000e-01 : f32
        %mul3A_354 = vector.broadcast %mul3A_353 : f32 to vector<16xf32>
        %mul3A_355 = arith.mulf %add3A_352, %mul3A_354 : vector<16xf32>
        %swap3A_356 = arith.constant 80 : index
        %swap3A_357 = tpu.vector_load %arg24[%swap3A_356] {strides = array<i32>} : memref<128xf32, #tpu.memory_space<vmem>>, vector<16xf32>,
        tpu.vector_store %arg24[%swap3A_356], %mul3A_355 {strides = array<i32>} : memref<128xf32, #tpu.memory_space<vmem>>, vector<16xf32>,
        %broadcast_in_dim3A_358 = arith.constant 0.000000e+00 : f32
        %broadcast_in_dim3A_359 = vector.broadcast %broadcast_in_dim3A_358 : f32 to vector<16xf32>
        %get3A_360 = arith.constant 96 : index
        %get3A_361 = tpu.vector_load %arg8[%get3A_360] {strides = array<i32>} : memref<128xf32, #tpu.memory_space<vmem>>, vector<16xf32>,
        %get3A_362 = arith.constant 96 : index
        %get3A_363 = tpu.vector_load %arg16[%get3A_362] {strides = array<i32>} : memref<128xf32, #tpu.memory_space<vmem>>, vector<16xf32>,
        %div3A_364 = arith.divf %get3A_361, %get3A_363 : vector<16xf32>
        %add3A_365 = arith.addf %broadcast_in_dim3A_359, %div3A_364 : vector<16xf32>
        %get3A_366 = arith.constant 96 : index
        %get3A_367 = tpu.vector_load %arg9[%get3A_366] {strides = array<i32>} : memref<128xf32, #tpu.memory_space<vmem>>, vector<16xf32>,
        %get3A_368 = arith.constant 96 : index
        %get3A_369 = tpu.vector_load %arg17[%get3A_368] {strides = array<i32>} : memref<128xf32, #tpu.memory_space<vmem>>, vector<16xf32>,
        %div3A_370 = arith.divf %get3A_367, %get3A_369 : vector<16xf32>
        %add3A_371 = arith.addf %add3A_365, %div3A_370 : vector<16xf32>
        %get3A_372 = arith.constant 96 : index
        %get3A_373 = tpu.vector_load %arg10[%get3A_372] {strides = array<i32>} : memref<128xf32, #tpu.memory_space<vmem>>, vector<16xf32>,
        %get3A_374 = arith.constant 96 : index
        %get3A_375 = tpu.vector_load %arg18[%get3A_374] {strides = array<i32>} : memref<128xf32, #tpu.memory_space<vmem>>, vector<16xf32>,
        %div3A_376 = arith.divf %get3A_373, %get3A_375 : vector<16xf32>
        %add3A_377 = arith.addf %add3A_371, %div3A_376 : vector<16xf32>
        %get3A_378 = arith.constant 96 : index
        %get3A_379 = tpu.vector_load %arg11[%get3A_378] {strides = array<i32>} : memref<128xf32, #tpu.memory_space<vmem>>, vector<16xf32>,
        %get3A_380 = arith.constant 96 : index
        %get3A_381 = tpu.vector_load %arg19[%get3A_380] {strides = array<i32>} : memref<128xf32, #tpu.memory_space<vmem>>, vector<16xf32>,
        %div3A_382 = arith.divf %get3A_379, %get3A_381 : vector<16xf32>
        %add3A_383 = arith.addf %add3A_377, %div3A_382 : vector<16xf32>
        %mul3A_384 = arith.constant 2.500000e-01 : f32
        %mul3A_385 = vector.broadcast %mul3A_384 : f32 to vector<16xf32>
        %mul3A_386 = arith.mulf %add3A_383, %mul3A_385 : vector<16xf32>
        %swap3A_387 = arith.constant 96 : index
        %swap3A_388 = tpu.vector_load %arg24[%swap3A_387] {strides = array<i32>} : memref<128xf32, #tpu.memory_space<vmem>>, vector<16xf32>,
        tpu.vector_store %arg24[%swap3A_387], %mul3A_386 {strides = array<i32>} : memref<128xf32, #tpu.memory_space<vmem>>, vector<16xf32>,
        %broadcast_in_dim3A_389 = arith.constant 0.000000e+00 : f32
        %broadcast_in_dim3A_390 = vector.broadcast %broadcast_in_dim3A_389 : f32 to vector<16xf32>
        %get3A_391 = arith.constant 112 : index
        %get3A_392 = tpu.vector_load %arg8[%get3A_391] {strides = array<i32>} : memref<128xf32, #tpu.memory_space<vmem>>, vector<16xf32>,
        %get3A_393 = arith.constant 112 : index
        %get3A_394 = tpu.vector_load %arg16[%get3A_393] {strides = array<i32>} : memref<128xf32, #tpu.memory_space<vmem>>, vector<16xf32>,
        %div3A_395 = arith.divf %get3A_392, %get3A_394 : vector<16xf32>
        %add3A_396 = arith.addf %broadcast_in_dim3A_390, %div3A_395 : vector<16xf32>
        %get3A_397 = arith.constant 112 : index
        %get3A_398 = tpu.vector_load %arg9[%get3A_397] {strides = array<i32>} : memref<128xf32, #tpu.memory_space<vmem>>, vector<16xf32>,
        %get3A_399 = arith.constant 112 : index
        %get3A_400 = tpu.vector_load %arg17[%get3A_399] {strides = array<i32>} : memref<128xf32, #tpu.memory_space<vmem>>, vector<16xf32>,
        %div3A_401 = arith.divf %get3A_398, %get3A_400 : vector<16xf32>
        %add3A_402 = arith.addf %add3A_396, %div3A_401 : vector<16xf32>
        %get3A_403 = arith.constant 112 : index
        %get3A_404 = tpu.vector_load %arg10[%get3A_403] {strides = array<i32>} : memref<128xf32, #tpu.memory_space<vmem>>, vector<16xf32>,
        %get3A_405 = arith.constant 112 : index
        %get3A_406 = tpu.vector_load %arg18[%get3A_405] {strides = array<i32>} : memref<128xf32, #tpu.memory_space<vmem>>, vector<16xf32>,
        %div3A_407 = arith.divf %get3A_404, %get3A_406 : vector<16xf32>
        %add3A_408 = arith.addf %add3A_402, %div3A_407 : vector<16xf32>
        %get3A_409 = arith.constant 112 : index
        %get3A_410 = tpu.vector_load %arg11[%get3A_409] {strides = array<i32>} : memref<128xf32, #tpu.memory_space<vmem>>, vector<16xf32>,
        %get3A_411 = arith.constant 112 : index
        %get3A_412 = tpu.vector_load %arg19[%get3A_411] {strides = array<i32>} : memref<128xf32, #tpu.memory_space<vmem>>, vector<16xf32>,
        %div3A_413 = arith.divf %get3A_410, %get3A_412 : vector<16xf32>
        %add3A_414 = arith.addf %add3A_408, %div3A_413 : vector<16xf32>
        %mul3A_415 = arith.constant 2.500000e-01 : f32
        %mul3A_416 = vector.broadcast %mul3A_415 : f32 to vector<16xf32>
        %mul3A_417 = arith.mulf %add3A_414, %mul3A_416 : vector<16xf32>
        %swap3A_418 = arith.constant 112 : index
        %swap3A_419 = tpu.vector_load %arg24[%swap3A_418] {strides = array<i32>} : memref<128xf32, #tpu.memory_space<vmem>>, vector<16xf32>,
        tpu.vector_store %arg24[%swap3A_418], %mul3A_417 {strides = array<i32>} : memref<128xf32, #tpu.memory_space<vmem>>, vector<16xf32>,
        %mul3A_420 = arith.constant 160000 : i32
        %mul3A_421 = arith.muli %arg0, %mul3A_420 : i32
        %mul3A_422 = arith.constant 128 : i32
        %mul3A_423 = arith.muli %add3A_81, %mul3A_422 : i32
        %add3A_424 = arith.addi %mul3A_421, %mul3A_423 : i32
        %dma_wait3A_425 = arith.constant 0 : i32
        %dma_wait3A_426 = tpu.memref_slice %arg3[%add3A_424, %dma_wait3A_425] : memref<320000x128xf32, #tpu.memory_space<hbm>> -> memref<128x128xf32, #tpu.memory_space<hbm>>
        %dma_wait3A_427 = arith.constant 0 : i32
        %dma_wait3A_428 = tpu.memref_slice %arg3[%add3A_424, %dma_wait3A_427] : memref<320000x128xf32, #tpu.memory_space<hbm>> -> memref<128x128xf32, #tpu.memory_space<hbm>>
        tpu.wait_dma2 semaphore(%arg58 : memref<!tpu.dma_semaphore, #tpu.memory_space<semaphore_mem>>) src(%dma_wait3A_428 : memref<128x128xf32, #tpu.memory_space<hbm>>) dst(%arg26 : memref<128x128xf32, #tpu.memory_space<vmem>>)
        %scan3A_429 = arith.constant 0 : i32
        %scan3A_430 = arith.constant 0 : i32
        %scan3A_431 = arith.constant 128 : i32
        %scan3A_432 = arith.addi %scan3A_430, %scan3A_431 : i32
        %scan3A_433 = arith.constant 1 : i32
        %scan3A_434 = scf.for %scan3A_439 = %scan3A_430 to %scan3A_432 step %scan3A_433 iter_args(%scan3A_440 = %scan3A_429) -> (i32)  : i32 {
          %broadcast_in_dim3A_441 = vector.broadcast %scan3A_439 : i32 to vector<16xi32>
          %gather3A = tpu.vector_load_idx %arg24[%broadcast_in_dim3A_441] : memref<128xf32, #tpu.memory_space<vmem>>[vector<16xi32>], vector<16xf32>,
          %add3A_442 = arith.constant 0 : i32
          %add3A_443 = vector.broadcast %add3A_442 : i32 to vector<16xi32>
          %add3A_444 = arith.addi %iota3A, %add3A_443 : vector<16xi32>
          %gather3A_445 = tpu.vector_load_idx %arg26[%broadcast_in_dim3A_441, %add3A_444] : memref<128x128xf32, #tpu.memory_space<vmem>>[vector<16xi32>, vector<16xi32>], vector<16xf32>,
          %mul3A_446 = arith.mulf %gather3A_445, %gather3A : vector<16xf32>
          tpu.vector_store_idx %arg26[%broadcast_in_dim3A_441, %add3A_444], %mul3A_446 : memref<128x128xf32, #tpu.memory_space<vmem>>[vector<16xi32>, vector<16xi32>], vector<16xf32>,
          %add3A_447 = arith.constant 16 : i32
          %add3A_448 = vector.broadcast %add3A_447 : i32 to vector<16xi32>
          %add3A_449 = arith.addi %iota3A, %add3A_448 : vector<16xi32>
          %gather3A_450 = tpu.vector_load_idx %arg26[%broadcast_in_dim3A_441, %add3A_449] : memref<128x128xf32, #tpu.memory_space<vmem>>[vector<16xi32>, vector<16xi32>], vector<16xf32>,
          %mul3A_451 = arith.mulf %gather3A_450, %gather3A : vector<16xf32>
          tpu.vector_store_idx %arg26[%broadcast_in_dim3A_441, %add3A_449], %mul3A_451 : memref<128x128xf32, #tpu.memory_space<vmem>>[vector<16xi32>, vector<16xi32>], vector<16xf32>,
          %add3A_452 = arith.constant 32 : i32
          %add3A_453 = vector.broadcast %add3A_452 : i32 to vector<16xi32>
          %add3A_454 = arith.addi %iota3A, %add3A_453 : vector<16xi32>
          %gather3A_455 = tpu.vector_load_idx %arg26[%broadcast_in_dim3A_441, %add3A_454] : memref<128x128xf32, #tpu.memory_space<vmem>>[vector<16xi32>, vector<16xi32>], vector<16xf32>,
          %mul3A_456 = arith.mulf %gather3A_455, %gather3A : vector<16xf32>
          tpu.vector_store_idx %arg26[%broadcast_in_dim3A_441, %add3A_454], %mul3A_456 : memref<128x128xf32, #tpu.memory_space<vmem>>[vector<16xi32>, vector<16xi32>], vector<16xf32>,
          %add3A_457 = arith.constant 48 : i32
          %add3A_458 = vector.broadcast %add3A_457 : i32 to vector<16xi32>
          %add3A_459 = arith.addi %iota3A, %add3A_458 : vector<16xi32>
          %gather3A_460 = tpu.vector_load_idx %arg26[%broadcast_in_dim3A_441, %add3A_459] : memref<128x128xf32, #tpu.memory_space<vmem>>[vector<16xi32>, vector<16xi32>], vector<16xf32>,
          %mul3A_461 = arith.mulf %gather3A_460, %gather3A : vector<16xf32>
          tpu.vector_store_idx %arg26[%broadcast_in_dim3A_441, %add3A_459], %mul3A_461 : memref<128x128xf32, #tpu.memory_space<vmem>>[vector<16xi32>, vector<16xi32>], vector<16xf32>,
          %add3A_462 = arith.constant 64 : i32
          %add3A_463 = vector.broadcast %add3A_462 : i32 to vector<16xi32>
          %add3A_464 = arith.addi %iota3A, %add3A_463 : vector<16xi32>
          %gather3A_465 = tpu.vector_load_idx %arg26[%broadcast_in_dim3A_441, %add3A_464] : memref<128x128xf32, #tpu.memory_space<vmem>>[vector<16xi32>, vector<16xi32>], vector<16xf32>,
          %mul3A_466 = arith.mulf %gather3A_465, %gather3A : vector<16xf32>
          tpu.vector_store_idx %arg26[%broadcast_in_dim3A_441, %add3A_464], %mul3A_466 : memref<128x128xf32, #tpu.memory_space<vmem>>[vector<16xi32>, vector<16xi32>], vector<16xf32>,
          %add3A_467 = arith.constant 80 : i32
          %add3A_468 = vector.broadcast %add3A_467 : i32 to vector<16xi32>
          %add3A_469 = arith.addi %iota3A, %add3A_468 : vector<16xi32>
          %gather3A_470 = tpu.vector_load_idx %arg26[%broadcast_in_dim3A_441, %add3A_469] : memref<128x128xf32, #tpu.memory_space<vmem>>[vector<16xi32>, vector<16xi32>], vector<16xf32>,
          %mul3A_471 = arith.mulf %gather3A_470, %gather3A : vector<16xf32>
          tpu.vector_store_idx %arg26[%broadcast_in_dim3A_441, %add3A_469], %mul3A_471 : memref<128x128xf32, #tpu.memory_space<vmem>>[vector<16xi32>, vector<16xi32>], vector<16xf32>,
          %add3A_472 = arith.constant 96 : i32
          %add3A_473 = vector.broadcast %add3A_472 : i32 to vector<16xi32>
          %add3A_474 = arith.addi %iota3A, %add3A_473 : vector<16xi32>
          %gather3A_475 = tpu.vector_load_idx %arg26[%broadcast_in_dim3A_441, %add3A_474] : memref<128x128xf32, #tpu.memory_space<vmem>>[vector<16xi32>, vector<16xi32>], vector<16xf32>,
          %mul3A_476 = arith.mulf %gather3A_475, %gather3A : vector<16xf32>
          tpu.vector_store_idx %arg26[%broadcast_in_dim3A_441, %add3A_474], %mul3A_476 : memref<128x128xf32, #tpu.memory_space<vmem>>[vector<16xi32>, vector<16xi32>], vector<16xf32>,
          %add3A_477 = arith.constant 112 : i32
          %add3A_478 = vector.broadcast %add3A_477 : i32 to vector<16xi32>
          %add3A_479 = arith.addi %iota3A, %add3A_478 : vector<16xi32>
          %gather3A_480 = tpu.vector_load_idx %arg26[%broadcast_in_dim3A_441, %add3A_479] : memref<128x128xf32, #tpu.memory_space<vmem>>[vector<16xi32>, vector<16xi32>], vector<16xf32>,
          %mul3A_481 = arith.mulf %gather3A_480, %gather3A : vector<16xf32>
          tpu.vector_store_idx %arg26[%broadcast_in_dim3A_441, %add3A_479], %mul3A_481 : memref<128x128xf32, #tpu.memory_space<vmem>>[vector<16xi32>, vector<16xi32>], vector<16xf32>,
          %scan3A_482 = arith.constant 0 : i32
          scf.yield %scan3A_482 : i32
        }
        %scan3A_435 = arith.constant 128 : i32
        %dma_start3A_436 = arith.constant 0 : i32
        %dma_start3A_437 = arith.constant 0 : i32
        %dma_start3A_438 = tpu.memref_slice %arg51[%dma_start3A_436, %dma_start3A_437] : memref<10240x128xf32, #tpu.memory_space<vmem_shared>> -> memref<10240x128xf32, #tpu.memory_space<vmem_shared>>
        tpu.enqueue_indirect_dma source(%arg26 : memref<128x128xf32, #tpu.memory_space<vmem>>) target(%dma_start3A_438 : memref<10240x128xf32, #tpu.memory_space<vmem_shared>>) offsets(%arg6 : memref<128xi32, #tpu.memory_space<vmem>>) semaphore(%arg56 : memref<!tpu.dma_semaphore, #tpu.memory_space<semaphore_mem>>) {add = true}
      } else {
      }
      %lt3A_98 = arith.cmpi slt, %add3A_88, %min3A_2 : i32
      %convert_element_type3A_99 = arith.extui %lt3A_98 : i1 to i32
      %cond3A_100 = arith.constant 0 : i32
      %cond3A_101 = arith.cmpi ne, %convert_element_type3A_99, %cond3A_100 : i32
      scf.if %cond3A_101 {
        %mul3A_111 = arith.constant 160000 : i32
        %mul3A_112 = arith.muli %arg0, %mul3A_111 : i32
        %mul3A_113 = arith.constant 128 : i32
        %mul3A_114 = arith.muli %add3A_88, %mul3A_113 : i32
        %add3A_115 = arith.addi %mul3A_112, %mul3A_114 : i32
        %dma_wait3A = tpu.memref_slice %arg4[%add3A_115] : memref<320000xi32, #tpu.memory_space<hbm>> -> memref<128xi32, #tpu.memory_space<hbm>>
        %dma_wait3A_116 = tpu.memref_slice %arg4[%add3A_115] : memref<320000xi32, #tpu.memory_space<hbm>> -> memref<128xi32, #tpu.memory_space<hbm>>
        tpu.wait_dma2 semaphore(%arg53 : memref<!tpu.dma_semaphore, #tpu.memory_space<semaphore_mem>>) src(%dma_wait3A_116 : memref<128xi32, #tpu.memory_space<hbm>>) dst(%arg7 : memref<128xi32, #tpu.memory_space<vmem>>)
        %dma_start3A = arith.constant 0 : i32
        %dma_start3A_117 = tpu.memref_slice %arg47[%dma_start3A] : memref<10240xf32, #tpu.memory_space<vmem_shared>> -> memref<10240xf32, #tpu.memory_space<vmem_shared>>
        tpu.enqueue_indirect_dma source(%dma_start3A_117 : memref<10240xf32, #tpu.memory_space<vmem_shared>>) target(%arg20 : memref<128xf32, #tpu.memory_space<vmem>>) offsets(%arg7 : memref<128xi32, #tpu.memory_space<vmem>>) semaphore(%arg61 : memref<!tpu.dma_semaphore, #tpu.memory_space<semaphore_mem>>)
        %dma_start3A_118 = arith.constant 0 : i32
        %dma_start3A_119 = tpu.memref_slice %arg48[%dma_start3A_118] : memref<10240xf32, #tpu.memory_space<vmem_shared>> -> memref<10240xf32, #tpu.memory_space<vmem_shared>>
        tpu.enqueue_indirect_dma source(%dma_start3A_119 : memref<10240xf32, #tpu.memory_space<vmem_shared>>) target(%arg21 : memref<128xf32, #tpu.memory_space<vmem>>) offsets(%arg7 : memref<128xi32, #tpu.memory_space<vmem>>) semaphore(%arg61 : memref<!tpu.dma_semaphore, #tpu.memory_space<semaphore_mem>>)
        %dma_start3A_120 = arith.constant 0 : i32
        %dma_start3A_121 = tpu.memref_slice %arg49[%dma_start3A_120] : memref<10240xf32, #tpu.memory_space<vmem_shared>> -> memref<10240xf32, #tpu.memory_space<vmem_shared>>
        tpu.enqueue_indirect_dma source(%dma_start3A_121 : memref<10240xf32, #tpu.memory_space<vmem_shared>>) target(%arg22 : memref<128xf32, #tpu.memory_space<vmem>>) offsets(%arg7 : memref<128xi32, #tpu.memory_space<vmem>>) semaphore(%arg61 : memref<!tpu.dma_semaphore, #tpu.memory_space<semaphore_mem>>)
        %dma_start3A_122 = arith.constant 0 : i32
        %dma_start3A_123 = tpu.memref_slice %arg50[%dma_start3A_122] : memref<10240xf32, #tpu.memory_space<vmem_shared>> -> memref<10240xf32, #tpu.memory_space<vmem_shared>>
        tpu.enqueue_indirect_dma source(%dma_start3A_123 : memref<10240xf32, #tpu.memory_space<vmem_shared>>) target(%arg23 : memref<128xf32, #tpu.memory_space<vmem>>) offsets(%arg7 : memref<128xi32, #tpu.memory_space<vmem>>) semaphore(%arg61 : memref<!tpu.dma_semaphore, #tpu.memory_space<semaphore_mem>>)
        %mul3A_124 = arith.constant 8 : i32
        %mul3A_125 = arith.muli %arg0, %mul3A_124 : i32
        %add3A_126 = arith.constant 0 : i32
        %add3A_127 = arith.addi %mul3A_125, %add3A_126 : i32
        %mul3A_128 = arith.constant 160000 : i32
        %mul3A_129 = arith.muli %add3A_127, %mul3A_128 : i32
        %mul3A_130 = arith.constant 128 : i32
        %mul3A_131 = arith.muli %add3A_88, %mul3A_130 : i32
        %add3A_132 = arith.addi %mul3A_129, %mul3A_131 : i32
        %dma_wait3A_133 = tpu.memref_slice %arg2[%add3A_132] : memref<2560000xf32, #tpu.memory_space<hbm>> -> memref<128xf32, #tpu.memory_space<hbm>>
        %dma_wait3A_134 = tpu.memref_slice %arg2[%add3A_132] : memref<2560000xf32, #tpu.memory_space<hbm>> -> memref<128xf32, #tpu.memory_space<hbm>>
        tpu.wait_dma2 semaphore(%arg55 : memref<!tpu.dma_semaphore, #tpu.memory_space<semaphore_mem>>) src(%dma_wait3A_134 : memref<128xf32, #tpu.memory_space<hbm>>) dst(%arg12 : memref<128xf32, #tpu.memory_space<vmem>>)
        %mul3A_135 = arith.constant 8 : i32
        %mul3A_136 = arith.muli %arg0, %mul3A_135 : i32
        %add3A_137 = arith.constant 1 : i32
        %add3A_138 = arith.addi %mul3A_136, %add3A_137 : i32
        %mul3A_139 = arith.constant 160000 : i32
        %mul3A_140 = arith.muli %add3A_138, %mul3A_139 : i32
        %mul3A_141 = arith.constant 128 : i32
        %mul3A_142 = arith.muli %add3A_88, %mul3A_141 : i32
        %add3A_143 = arith.addi %mul3A_140, %mul3A_142 : i32
        %dma_wait3A_144 = tpu.memref_slice %arg2[%add3A_143] : memref<2560000xf32, #tpu.memory_space<hbm>> -> memref<128xf32, #tpu.memory_space<hbm>>
        %dma_wait3A_145 = tpu.memref_slice %arg2[%add3A_143] : memref<2560000xf32, #tpu.memory_space<hbm>> -> memref<128xf32, #tpu.memory_space<hbm>>
        tpu.wait_dma2 semaphore(%arg55 : memref<!tpu.dma_semaphore, #tpu.memory_space<semaphore_mem>>) src(%dma_wait3A_145 : memref<128xf32, #tpu.memory_space<hbm>>) dst(%arg13 : memref<128xf32, #tpu.memory_space<vmem>>)
        %mul3A_146 = arith.constant 8 : i32
        %mul3A_147 = arith.muli %arg0, %mul3A_146 : i32
        %add3A_148 = arith.constant 2 : i32
        %add3A_149 = arith.addi %mul3A_147, %add3A_148 : i32
        %mul3A_150 = arith.constant 160000 : i32
        %mul3A_151 = arith.muli %add3A_149, %mul3A_150 : i32
        %mul3A_152 = arith.constant 128 : i32
        %mul3A_153 = arith.muli %add3A_88, %mul3A_152 : i32
        %add3A_154 = arith.addi %mul3A_151, %mul3A_153 : i32
        %dma_wait3A_155 = tpu.memref_slice %arg2[%add3A_154] : memref<2560000xf32, #tpu.memory_space<hbm>> -> memref<128xf32, #tpu.memory_space<hbm>>
        %dma_wait3A_156 = tpu.memref_slice %arg2[%add3A_154] : memref<2560000xf32, #tpu.memory_space<hbm>> -> memref<128xf32, #tpu.memory_space<hbm>>
        tpu.wait_dma2 semaphore(%arg55 : memref<!tpu.dma_semaphore, #tpu.memory_space<semaphore_mem>>) src(%dma_wait3A_156 : memref<128xf32, #tpu.memory_space<hbm>>) dst(%arg14 : memref<128xf32, #tpu.memory_space<vmem>>)
        %mul3A_157 = arith.constant 8 : i32
        %mul3A_158 = arith.muli %arg0, %mul3A_157 : i32
        %add3A_159 = arith.constant 3 : i32
        %add3A_160 = arith.addi %mul3A_158, %add3A_159 : i32
        %mul3A_161 = arith.constant 160000 : i32
        %mul3A_162 = arith.muli %add3A_160, %mul3A_161 : i32
        %mul3A_163 = arith.constant 128 : i32
        %mul3A_164 = arith.muli %add3A_88, %mul3A_163 : i32
        %add3A_165 = arith.addi %mul3A_162, %mul3A_164 : i32
        %dma_wait3A_166 = tpu.memref_slice %arg2[%add3A_165] : memref<2560000xf32, #tpu.memory_space<hbm>> -> memref<128xf32, #tpu.memory_space<hbm>>
        %dma_wait3A_167 = tpu.memref_slice %arg2[%add3A_165] : memref<2560000xf32, #tpu.memory_space<hbm>> -> memref<128xf32, #tpu.memory_space<hbm>>
        tpu.wait_dma2 semaphore(%arg55 : memref<!tpu.dma_semaphore, #tpu.memory_space<semaphore_mem>>) src(%dma_wait3A_167 : memref<128xf32, #tpu.memory_space<hbm>>) dst(%arg15 : memref<128xf32, #tpu.memory_space<vmem>>)
        %dma_wait3A_168 = arith.constant 0 : i32
        %dma_wait3A_169 = tpu.memref_slice %arg47[%dma_wait3A_168] : memref<10240xf32, #tpu.memory_space<vmem_shared>> -> memref<10240xf32, #tpu.memory_space<vmem_shared>>
        tpu.wait_indirect_dma semaphore(%arg61 : memref<!tpu.dma_semaphore, #tpu.memory_space<semaphore_mem>>) src(%dma_wait3A_169 : memref<10240xf32, #tpu.memory_space<vmem_shared>>) dst(%arg20 : memref<128xf32, #tpu.memory_space<vmem>>)
        %dma_wait3A_170 = arith.constant 0 : i32
        %dma_wait3A_171 = tpu.memref_slice %arg48[%dma_wait3A_170] : memref<10240xf32, #tpu.memory_space<vmem_shared>> -> memref<10240xf32, #tpu.memory_space<vmem_shared>>
        tpu.wait_indirect_dma semaphore(%arg61 : memref<!tpu.dma_semaphore, #tpu.memory_space<semaphore_mem>>) src(%dma_wait3A_171 : memref<10240xf32, #tpu.memory_space<vmem_shared>>) dst(%arg21 : memref<128xf32, #tpu.memory_space<vmem>>)
        %dma_wait3A_172 = arith.constant 0 : i32
        %dma_wait3A_173 = tpu.memref_slice %arg49[%dma_wait3A_172] : memref<10240xf32, #tpu.memory_space<vmem_shared>> -> memref<10240xf32, #tpu.memory_space<vmem_shared>>
        tpu.wait_indirect_dma semaphore(%arg61 : memref<!tpu.dma_semaphore, #tpu.memory_space<semaphore_mem>>) src(%dma_wait3A_173 : memref<10240xf32, #tpu.memory_space<vmem_shared>>) dst(%arg22 : memref<128xf32, #tpu.memory_space<vmem>>)
        %dma_wait3A_174 = arith.constant 0 : i32
        %dma_wait3A_175 = tpu.memref_slice %arg50[%dma_wait3A_174] : memref<10240xf32, #tpu.memory_space<vmem_shared>> -> memref<10240xf32, #tpu.memory_space<vmem_shared>>
        tpu.wait_indirect_dma semaphore(%arg61 : memref<!tpu.dma_semaphore, #tpu.memory_space<semaphore_mem>>) src(%dma_wait3A_175 : memref<10240xf32, #tpu.memory_space<vmem_shared>>) dst(%arg23 : memref<128xf32, #tpu.memory_space<vmem>>)
        %broadcast_in_dim3A = arith.constant 0.000000e+00 : f32
        %broadcast_in_dim3A_176 = vector.broadcast %broadcast_in_dim3A : f32 to vector<16xf32>
        %get3A = arith.constant 0 : index
        %get3A_177 = tpu.vector_load %arg12[%get3A] {strides = array<i32>} : memref<128xf32, #tpu.memory_space<vmem>>, vector<16xf32>,
        %get3A_178 = arith.constant 0 : index
        %get3A_179 = tpu.vector_load %arg20[%get3A_178] {strides = array<i32>} : memref<128xf32, #tpu.memory_space<vmem>>, vector<16xf32>,
        %div3A = arith.divf %get3A_177, %get3A_179 : vector<16xf32>
        %add3A_180 = arith.addf %broadcast_in_dim3A_176, %div3A : vector<16xf32>
        %get3A_181 = arith.constant 0 : index
        %get3A_182 = tpu.vector_load %arg13[%get3A_181] {strides = array<i32>} : memref<128xf32, #tpu.memory_space<vmem>>, vector<16xf32>,
        %get3A_183 = arith.constant 0 : index
        %get3A_184 = tpu.vector_load %arg21[%get3A_183] {strides = array<i32>} : memref<128xf32, #tpu.memory_space<vmem>>, vector<16xf32>,
        %div3A_185 = arith.divf %get3A_182, %get3A_184 : vector<16xf32>
        %add3A_186 = arith.addf %add3A_180, %div3A_185 : vector<16xf32>
        %get3A_187 = arith.constant 0 : index
        %get3A_188 = tpu.vector_load %arg14[%get3A_187] {strides = array<i32>} : memref<128xf32, #tpu.memory_space<vmem>>, vector<16xf32>,
        %get3A_189 = arith.constant 0 : index
        %get3A_190 = tpu.vector_load %arg22[%get3A_189] {strides = array<i32>} : memref<128xf32, #tpu.memory_space<vmem>>, vector<16xf32>,
        %div3A_191 = arith.divf %get3A_188, %get3A_190 : vector<16xf32>
        %add3A_192 = arith.addf %add3A_186, %div3A_191 : vector<16xf32>
        %get3A_193 = arith.constant 0 : index
        %get3A_194 = tpu.vector_load %arg15[%get3A_193] {strides = array<i32>} : memref<128xf32, #tpu.memory_space<vmem>>, vector<16xf32>,
        %get3A_195 = arith.constant 0 : index
        %get3A_196 = tpu.vector_load %arg23[%get3A_195] {strides = array<i32>} : memref<128xf32, #tpu.memory_space<vmem>>, vector<16xf32>,
        %div3A_197 = arith.divf %get3A_194, %get3A_196 : vector<16xf32>
        %add3A_198 = arith.addf %add3A_192, %div3A_197 : vector<16xf32>
        %mul3A_199 = arith.constant 2.500000e-01 : f32
        %mul3A_200 = vector.broadcast %mul3A_199 : f32 to vector<16xf32>
        %mul3A_201 = arith.mulf %add3A_198, %mul3A_200 : vector<16xf32>
        %swap3A = arith.constant 0 : index
        %swap3A_202 = tpu.vector_load %arg25[%swap3A] {strides = array<i32>} : memref<128xf32, #tpu.memory_space<vmem>>, vector<16xf32>,
        tpu.vector_store %arg25[%swap3A], %mul3A_201 {strides = array<i32>} : memref<128xf32, #tpu.memory_space<vmem>>, vector<16xf32>,
        %broadcast_in_dim3A_203 = arith.constant 0.000000e+00 : f32
        %broadcast_in_dim3A_204 = vector.broadcast %broadcast_in_dim3A_203 : f32 to vector<16xf32>
        %get3A_205 = arith.constant 16 : index
        %get3A_206 = tpu.vector_load %arg12[%get3A_205] {strides = array<i32>} : memref<128xf32, #tpu.memory_space<vmem>>, vector<16xf32>,
        %get3A_207 = arith.constant 16 : index
        %get3A_208 = tpu.vector_load %arg20[%get3A_207] {strides = array<i32>} : memref<128xf32, #tpu.memory_space<vmem>>, vector<16xf32>,
        %div3A_209 = arith.divf %get3A_206, %get3A_208 : vector<16xf32>
        %add3A_210 = arith.addf %broadcast_in_dim3A_204, %div3A_209 : vector<16xf32>
        %get3A_211 = arith.constant 16 : index
        %get3A_212 = tpu.vector_load %arg13[%get3A_211] {strides = array<i32>} : memref<128xf32, #tpu.memory_space<vmem>>, vector<16xf32>,
        %get3A_213 = arith.constant 16 : index
        %get3A_214 = tpu.vector_load %arg21[%get3A_213] {strides = array<i32>} : memref<128xf32, #tpu.memory_space<vmem>>, vector<16xf32>,
        %div3A_215 = arith.divf %get3A_212, %get3A_214 : vector<16xf32>
        %add3A_216 = arith.addf %add3A_210, %div3A_215 : vector<16xf32>
        %get3A_217 = arith.constant 16 : index
        %get3A_218 = tpu.vector_load %arg14[%get3A_217] {strides = array<i32>} : memref<128xf32, #tpu.memory_space<vmem>>, vector<16xf32>,
        %get3A_219 = arith.constant 16 : index
        %get3A_220 = tpu.vector_load %arg22[%get3A_219] {strides = array<i32>} : memref<128xf32, #tpu.memory_space<vmem>>, vector<16xf32>,
        %div3A_221 = arith.divf %get3A_218, %get3A_220 : vector<16xf32>
        %add3A_222 = arith.addf %add3A_216, %div3A_221 : vector<16xf32>
        %get3A_223 = arith.constant 16 : index
        %get3A_224 = tpu.vector_load %arg15[%get3A_223] {strides = array<i32>} : memref<128xf32, #tpu.memory_space<vmem>>, vector<16xf32>,
        %get3A_225 = arith.constant 16 : index
        %get3A_226 = tpu.vector_load %arg23[%get3A_225] {strides = array<i32>} : memref<128xf32, #tpu.memory_space<vmem>>, vector<16xf32>,
        %div3A_227 = arith.divf %get3A_224, %get3A_226 : vector<16xf32>
        %add3A_228 = arith.addf %add3A_222, %div3A_227 : vector<16xf32>
        %mul3A_229 = arith.constant 2.500000e-01 : f32
        %mul3A_230 = vector.broadcast %mul3A_229 : f32 to vector<16xf32>
        %mul3A_231 = arith.mulf %add3A_228, %mul3A_230 : vector<16xf32>
        %swap3A_232 = arith.constant 16 : index
        %swap3A_233 = tpu.vector_load %arg25[%swap3A_232] {strides = array<i32>} : memref<128xf32, #tpu.memory_space<vmem>>, vector<16xf32>,
        tpu.vector_store %arg25[%swap3A_232], %mul3A_231 {strides = array<i32>} : memref<128xf32, #tpu.memory_space<vmem>>, vector<16xf32>,
        %broadcast_in_dim3A_234 = arith.constant 0.000000e+00 : f32
        %broadcast_in_dim3A_235 = vector.broadcast %broadcast_in_dim3A_234 : f32 to vector<16xf32>
        %get3A_236 = arith.constant 32 : index
        %get3A_237 = tpu.vector_load %arg12[%get3A_236] {strides = array<i32>} : memref<128xf32, #tpu.memory_space<vmem>>, vector<16xf32>,
        %get3A_238 = arith.constant 32 : index
        %get3A_239 = tpu.vector_load %arg20[%get3A_238] {strides = array<i32>} : memref<128xf32, #tpu.memory_space<vmem>>, vector<16xf32>,
        %div3A_240 = arith.divf %get3A_237, %get3A_239 : vector<16xf32>
        %add3A_241 = arith.addf %broadcast_in_dim3A_235, %div3A_240 : vector<16xf32>
        %get3A_242 = arith.constant 32 : index
        %get3A_243 = tpu.vector_load %arg13[%get3A_242] {strides = array<i32>} : memref<128xf32, #tpu.memory_space<vmem>>, vector<16xf32>,
        %get3A_244 = arith.constant 32 : index
        %get3A_245 = tpu.vector_load %arg21[%get3A_244] {strides = array<i32>} : memref<128xf32, #tpu.memory_space<vmem>>, vector<16xf32>,
        %div3A_246 = arith.divf %get3A_243, %get3A_245 : vector<16xf32>
        %add3A_247 = arith.addf %add3A_241, %div3A_246 : vector<16xf32>
        %get3A_248 = arith.constant 32 : index
        %get3A_249 = tpu.vector_load %arg14[%get3A_248] {strides = array<i32>} : memref<128xf32, #tpu.memory_space<vmem>>, vector<16xf32>,
        %get3A_250 = arith.constant 32 : index
        %get3A_251 = tpu.vector_load %arg22[%get3A_250] {strides = array<i32>} : memref<128xf32, #tpu.memory_space<vmem>>, vector<16xf32>,
        %div3A_252 = arith.divf %get3A_249, %get3A_251 : vector<16xf32>
        %add3A_253 = arith.addf %add3A_247, %div3A_252 : vector<16xf32>
        %get3A_254 = arith.constant 32 : index
        %get3A_255 = tpu.vector_load %arg15[%get3A_254] {strides = array<i32>} : memref<128xf32, #tpu.memory_space<vmem>>, vector<16xf32>,
        %get3A_256 = arith.constant 32 : index
        %get3A_257 = tpu.vector_load %arg23[%get3A_256] {strides = array<i32>} : memref<128xf32, #tpu.memory_space<vmem>>, vector<16xf32>,
        %div3A_258 = arith.divf %get3A_255, %get3A_257 : vector<16xf32>
        %add3A_259 = arith.addf %add3A_253, %div3A_258 : vector<16xf32>
        %mul3A_260 = arith.constant 2.500000e-01 : f32
        %mul3A_261 = vector.broadcast %mul3A_260 : f32 to vector<16xf32>
        %mul3A_262 = arith.mulf %add3A_259, %mul3A_261 : vector<16xf32>
        %swap3A_263 = arith.constant 32 : index
        %swap3A_264 = tpu.vector_load %arg25[%swap3A_263] {strides = array<i32>} : memref<128xf32, #tpu.memory_space<vmem>>, vector<16xf32>,
        tpu.vector_store %arg25[%swap3A_263], %mul3A_262 {strides = array<i32>} : memref<128xf32, #tpu.memory_space<vmem>>, vector<16xf32>,
        %broadcast_in_dim3A_265 = arith.constant 0.000000e+00 : f32
        %broadcast_in_dim3A_266 = vector.broadcast %broadcast_in_dim3A_265 : f32 to vector<16xf32>
        %get3A_267 = arith.constant 48 : index
        %get3A_268 = tpu.vector_load %arg12[%get3A_267] {strides = array<i32>} : memref<128xf32, #tpu.memory_space<vmem>>, vector<16xf32>,
        %get3A_269 = arith.constant 48 : index
        %get3A_270 = tpu.vector_load %arg20[%get3A_269] {strides = array<i32>} : memref<128xf32, #tpu.memory_space<vmem>>, vector<16xf32>,
        %div3A_271 = arith.divf %get3A_268, %get3A_270 : vector<16xf32>
        %add3A_272 = arith.addf %broadcast_in_dim3A_266, %div3A_271 : vector<16xf32>
        %get3A_273 = arith.constant 48 : index
        %get3A_274 = tpu.vector_load %arg13[%get3A_273] {strides = array<i32>} : memref<128xf32, #tpu.memory_space<vmem>>, vector<16xf32>,
        %get3A_275 = arith.constant 48 : index
        %get3A_276 = tpu.vector_load %arg21[%get3A_275] {strides = array<i32>} : memref<128xf32, #tpu.memory_space<vmem>>, vector<16xf32>,
        %div3A_277 = arith.divf %get3A_274, %get3A_276 : vector<16xf32>
        %add3A_278 = arith.addf %add3A_272, %div3A_277 : vector<16xf32>
        %get3A_279 = arith.constant 48 : index
        %get3A_280 = tpu.vector_load %arg14[%get3A_279] {strides = array<i32>} : memref<128xf32, #tpu.memory_space<vmem>>, vector<16xf32>,
        %get3A_281 = arith.constant 48 : index
        %get3A_282 = tpu.vector_load %arg22[%get3A_281] {strides = array<i32>} : memref<128xf32, #tpu.memory_space<vmem>>, vector<16xf32>,
        %div3A_283 = arith.divf %get3A_280, %get3A_282 : vector<16xf32>
        %add3A_284 = arith.addf %add3A_278, %div3A_283 : vector<16xf32>
        %get3A_285 = arith.constant 48 : index
        %get3A_286 = tpu.vector_load %arg15[%get3A_285] {strides = array<i32>} : memref<128xf32, #tpu.memory_space<vmem>>, vector<16xf32>,
        %get3A_287 = arith.constant 48 : index
        %get3A_288 = tpu.vector_load %arg23[%get3A_287] {strides = array<i32>} : memref<128xf32, #tpu.memory_space<vmem>>, vector<16xf32>,
        %div3A_289 = arith.divf %get3A_286, %get3A_288 : vector<16xf32>
        %add3A_290 = arith.addf %add3A_284, %div3A_289 : vector<16xf32>
        %mul3A_291 = arith.constant 2.500000e-01 : f32
        %mul3A_292 = vector.broadcast %mul3A_291 : f32 to vector<16xf32>
        %mul3A_293 = arith.mulf %add3A_290, %mul3A_292 : vector<16xf32>
        %swap3A_294 = arith.constant 48 : index
        %swap3A_295 = tpu.vector_load %arg25[%swap3A_294] {strides = array<i32>} : memref<128xf32, #tpu.memory_space<vmem>>, vector<16xf32>,
        tpu.vector_store %arg25[%swap3A_294], %mul3A_293 {strides = array<i32>} : memref<128xf32, #tpu.memory_space<vmem>>, vector<16xf32>,
        %broadcast_in_dim3A_296 = arith.constant 0.000000e+00 : f32
        %broadcast_in_dim3A_297 = vector.broadcast %broadcast_in_dim3A_296 : f32 to vector<16xf32>
        %get3A_298 = arith.constant 64 : index
        %get3A_299 = tpu.vector_load %arg12[%get3A_298] {strides = array<i32>} : memref<128xf32, #tpu.memory_space<vmem>>, vector<16xf32>,
        %get3A_300 = arith.constant 64 : index
        %get3A_301 = tpu.vector_load %arg20[%get3A_300] {strides = array<i32>} : memref<128xf32, #tpu.memory_space<vmem>>, vector<16xf32>,
        %div3A_302 = arith.divf %get3A_299, %get3A_301 : vector<16xf32>
        %add3A_303 = arith.addf %broadcast_in_dim3A_297, %div3A_302 : vector<16xf32>
        %get3A_304 = arith.constant 64 : index
        %get3A_305 = tpu.vector_load %arg13[%get3A_304] {strides = array<i32>} : memref<128xf32, #tpu.memory_space<vmem>>, vector<16xf32>,
        %get3A_306 = arith.constant 64 : index
        %get3A_307 = tpu.vector_load %arg21[%get3A_306] {strides = array<i32>} : memref<128xf32, #tpu.memory_space<vmem>>, vector<16xf32>,
        %div3A_308 = arith.divf %get3A_305, %get3A_307 : vector<16xf32>
        %add3A_309 = arith.addf %add3A_303, %div3A_308 : vector<16xf32>
        %get3A_310 = arith.constant 64 : index
        %get3A_311 = tpu.vector_load %arg14[%get3A_310] {strides = array<i32>} : memref<128xf32, #tpu.memory_space<vmem>>, vector<16xf32>,
        %get3A_312 = arith.constant 64 : index
        %get3A_313 = tpu.vector_load %arg22[%get3A_312] {strides = array<i32>} : memref<128xf32, #tpu.memory_space<vmem>>, vector<16xf32>,
        %div3A_314 = arith.divf %get3A_311, %get3A_313 : vector<16xf32>
        %add3A_315 = arith.addf %add3A_309, %div3A_314 : vector<16xf32>
        %get3A_316 = arith.constant 64 : index
        %get3A_317 = tpu.vector_load %arg15[%get3A_316] {strides = array<i32>} : memref<128xf32, #tpu.memory_space<vmem>>, vector<16xf32>,
        %get3A_318 = arith.constant 64 : index
        %get3A_319 = tpu.vector_load %arg23[%get3A_318] {strides = array<i32>} : memref<128xf32, #tpu.memory_space<vmem>>, vector<16xf32>,
        %div3A_320 = arith.divf %get3A_317, %get3A_319 : vector<16xf32>
        %add3A_321 = arith.addf %add3A_315, %div3A_320 : vector<16xf32>
        %mul3A_322 = arith.constant 2.500000e-01 : f32
        %mul3A_323 = vector.broadcast %mul3A_322 : f32 to vector<16xf32>
        %mul3A_324 = arith.mulf %add3A_321, %mul3A_323 : vector<16xf32>
        %swap3A_325 = arith.constant 64 : index
        %swap3A_326 = tpu.vector_load %arg25[%swap3A_325] {strides = array<i32>} : memref<128xf32, #tpu.memory_space<vmem>>, vector<16xf32>,
        tpu.vector_store %arg25[%swap3A_325], %mul3A_324 {strides = array<i32>} : memref<128xf32, #tpu.memory_space<vmem>>, vector<16xf32>,
        %broadcast_in_dim3A_327 = arith.constant 0.000000e+00 : f32
        %broadcast_in_dim3A_328 = vector.broadcast %broadcast_in_dim3A_327 : f32 to vector<16xf32>
        %get3A_329 = arith.constant 80 : index
        %get3A_330 = tpu.vector_load %arg12[%get3A_329] {strides = array<i32>} : memref<128xf32, #tpu.memory_space<vmem>>, vector<16xf32>,
        %get3A_331 = arith.constant 80 : index
        %get3A_332 = tpu.vector_load %arg20[%get3A_331] {strides = array<i32>} : memref<128xf32, #tpu.memory_space<vmem>>, vector<16xf32>,
        %div3A_333 = arith.divf %get3A_330, %get3A_332 : vector<16xf32>
        %add3A_334 = arith.addf %broadcast_in_dim3A_328, %div3A_333 : vector<16xf32>
        %get3A_335 = arith.constant 80 : index
        %get3A_336 = tpu.vector_load %arg13[%get3A_335] {strides = array<i32>} : memref<128xf32, #tpu.memory_space<vmem>>, vector<16xf32>,
        %get3A_337 = arith.constant 80 : index
        %get3A_338 = tpu.vector_load %arg21[%get3A_337] {strides = array<i32>} : memref<128xf32, #tpu.memory_space<vmem>>, vector<16xf32>,
        %div3A_339 = arith.divf %get3A_336, %get3A_338 : vector<16xf32>
        %add3A_340 = arith.addf %add3A_334, %div3A_339 : vector<16xf32>
        %get3A_341 = arith.constant 80 : index
        %get3A_342 = tpu.vector_load %arg14[%get3A_341] {strides = array<i32>} : memref<128xf32, #tpu.memory_space<vmem>>, vector<16xf32>,
        %get3A_343 = arith.constant 80 : index
        %get3A_344 = tpu.vector_load %arg22[%get3A_343] {strides = array<i32>} : memref<128xf32, #tpu.memory_space<vmem>>, vector<16xf32>,
        %div3A_345 = arith.divf %get3A_342, %get3A_344 : vector<16xf32>
        %add3A_346 = arith.addf %add3A_340, %div3A_345 : vector<16xf32>
        %get3A_347 = arith.constant 80 : index
        %get3A_348 = tpu.vector_load %arg15[%get3A_347] {strides = array<i32>} : memref<128xf32, #tpu.memory_space<vmem>>, vector<16xf32>,
        %get3A_349 = arith.constant 80 : index
        %get3A_350 = tpu.vector_load %arg23[%get3A_349] {strides = array<i32>} : memref<128xf32, #tpu.memory_space<vmem>>, vector<16xf32>,
        %div3A_351 = arith.divf %get3A_348, %get3A_350 : vector<16xf32>
        %add3A_352 = arith.addf %add3A_346, %div3A_351 : vector<16xf32>
        %mul3A_353 = arith.constant 2.500000e-01 : f32
        %mul3A_354 = vector.broadcast %mul3A_353 : f32 to vector<16xf32>
        %mul3A_355 = arith.mulf %add3A_352, %mul3A_354 : vector<16xf32>
        %swap3A_356 = arith.constant 80 : index
        %swap3A_357 = tpu.vector_load %arg25[%swap3A_356] {strides = array<i32>} : memref<128xf32, #tpu.memory_space<vmem>>, vector<16xf32>,
        tpu.vector_store %arg25[%swap3A_356], %mul3A_355 {strides = array<i32>} : memref<128xf32, #tpu.memory_space<vmem>>, vector<16xf32>,
        %broadcast_in_dim3A_358 = arith.constant 0.000000e+00 : f32
        %broadcast_in_dim3A_359 = vector.broadcast %broadcast_in_dim3A_358 : f32 to vector<16xf32>
        %get3A_360 = arith.constant 96 : index
        %get3A_361 = tpu.vector_load %arg12[%get3A_360] {strides = array<i32>} : memref<128xf32, #tpu.memory_space<vmem>>, vector<16xf32>,
        %get3A_362 = arith.constant 96 : index
        %get3A_363 = tpu.vector_load %arg20[%get3A_362] {strides = array<i32>} : memref<128xf32, #tpu.memory_space<vmem>>, vector<16xf32>,
        %div3A_364 = arith.divf %get3A_361, %get3A_363 : vector<16xf32>
        %add3A_365 = arith.addf %broadcast_in_dim3A_359, %div3A_364 : vector<16xf32>
        %get3A_366 = arith.constant 96 : index
        %get3A_367 = tpu.vector_load %arg13[%get3A_366] {strides = array<i32>} : memref<128xf32, #tpu.memory_space<vmem>>, vector<16xf32>,
        %get3A_368 = arith.constant 96 : index
        %get3A_369 = tpu.vector_load %arg21[%get3A_368] {strides = array<i32>} : memref<128xf32, #tpu.memory_space<vmem>>, vector<16xf32>,
        %div3A_370 = arith.divf %get3A_367, %get3A_369 : vector<16xf32>
        %add3A_371 = arith.addf %add3A_365, %div3A_370 : vector<16xf32>
        %get3A_372 = arith.constant 96 : index
        %get3A_373 = tpu.vector_load %arg14[%get3A_372] {strides = array<i32>} : memref<128xf32, #tpu.memory_space<vmem>>, vector<16xf32>,
        %get3A_374 = arith.constant 96 : index
        %get3A_375 = tpu.vector_load %arg22[%get3A_374] {strides = array<i32>} : memref<128xf32, #tpu.memory_space<vmem>>, vector<16xf32>,
        %div3A_376 = arith.divf %get3A_373, %get3A_375 : vector<16xf32>
        %add3A_377 = arith.addf %add3A_371, %div3A_376 : vector<16xf32>
        %get3A_378 = arith.constant 96 : index
        %get3A_379 = tpu.vector_load %arg15[%get3A_378] {strides = array<i32>} : memref<128xf32, #tpu.memory_space<vmem>>, vector<16xf32>,
        %get3A_380 = arith.constant 96 : index
        %get3A_381 = tpu.vector_load %arg23[%get3A_380] {strides = array<i32>} : memref<128xf32, #tpu.memory_space<vmem>>, vector<16xf32>,
        %div3A_382 = arith.divf %get3A_379, %get3A_381 : vector<16xf32>
        %add3A_383 = arith.addf %add3A_377, %div3A_382 : vector<16xf32>
        %mul3A_384 = arith.constant 2.500000e-01 : f32
        %mul3A_385 = vector.broadcast %mul3A_384 : f32 to vector<16xf32>
        %mul3A_386 = arith.mulf %add3A_383, %mul3A_385 : vector<16xf32>
        %swap3A_387 = arith.constant 96 : index
        %swap3A_388 = tpu.vector_load %arg25[%swap3A_387] {strides = array<i32>} : memref<128xf32, #tpu.memory_space<vmem>>, vector<16xf32>,
        tpu.vector_store %arg25[%swap3A_387], %mul3A_386 {strides = array<i32>} : memref<128xf32, #tpu.memory_space<vmem>>, vector<16xf32>,
        %broadcast_in_dim3A_389 = arith.constant 0.000000e+00 : f32
        %broadcast_in_dim3A_390 = vector.broadcast %broadcast_in_dim3A_389 : f32 to vector<16xf32>
        %get3A_391 = arith.constant 112 : index
        %get3A_392 = tpu.vector_load %arg12[%get3A_391] {strides = array<i32>} : memref<128xf32, #tpu.memory_space<vmem>>, vector<16xf32>,
        %get3A_393 = arith.constant 112 : index
        %get3A_394 = tpu.vector_load %arg20[%get3A_393] {strides = array<i32>} : memref<128xf32, #tpu.memory_space<vmem>>, vector<16xf32>,
        %div3A_395 = arith.divf %get3A_392, %get3A_394 : vector<16xf32>
        %add3A_396 = arith.addf %broadcast_in_dim3A_390, %div3A_395 : vector<16xf32>
        %get3A_397 = arith.constant 112 : index
        %get3A_398 = tpu.vector_load %arg13[%get3A_397] {strides = array<i32>} : memref<128xf32, #tpu.memory_space<vmem>>, vector<16xf32>,
        %get3A_399 = arith.constant 112 : index
        %get3A_400 = tpu.vector_load %arg21[%get3A_399] {strides = array<i32>} : memref<128xf32, #tpu.memory_space<vmem>>, vector<16xf32>,
        %div3A_401 = arith.divf %get3A_398, %get3A_400 : vector<16xf32>
        %add3A_402 = arith.addf %add3A_396, %div3A_401 : vector<16xf32>
        %get3A_403 = arith.constant 112 : index
        %get3A_404 = tpu.vector_load %arg14[%get3A_403] {strides = array<i32>} : memref<128xf32, #tpu.memory_space<vmem>>, vector<16xf32>,
        %get3A_405 = arith.constant 112 : index
        %get3A_406 = tpu.vector_load %arg22[%get3A_405] {strides = array<i32>} : memref<128xf32, #tpu.memory_space<vmem>>, vector<16xf32>,
        %div3A_407 = arith.divf %get3A_404, %get3A_406 : vector<16xf32>
        %add3A_408 = arith.addf %add3A_402, %div3A_407 : vector<16xf32>
        %get3A_409 = arith.constant 112 : index
        %get3A_410 = tpu.vector_load %arg15[%get3A_409] {strides = array<i32>} : memref<128xf32, #tpu.memory_space<vmem>>, vector<16xf32>,
        %get3A_411 = arith.constant 112 : index
        %get3A_412 = tpu.vector_load %arg23[%get3A_411] {strides = array<i32>} : memref<128xf32, #tpu.memory_space<vmem>>, vector<16xf32>,
        %div3A_413 = arith.divf %get3A_410, %get3A_412 : vector<16xf32>
        %add3A_414 = arith.addf %add3A_408, %div3A_413 : vector<16xf32>
        %mul3A_415 = arith.constant 2.500000e-01 : f32
        %mul3A_416 = vector.broadcast %mul3A_415 : f32 to vector<16xf32>
        %mul3A_417 = arith.mulf %add3A_414, %mul3A_416 : vector<16xf32>
        %swap3A_418 = arith.constant 112 : index
        %swap3A_419 = tpu.vector_load %arg25[%swap3A_418] {strides = array<i32>} : memref<128xf32, #tpu.memory_space<vmem>>, vector<16xf32>,
        tpu.vector_store %arg25[%swap3A_418], %mul3A_417 {strides = array<i32>} : memref<128xf32, #tpu.memory_space<vmem>>, vector<16xf32>,
        %mul3A_420 = arith.constant 160000 : i32
        %mul3A_421 = arith.muli %arg0, %mul3A_420 : i32
        %mul3A_422 = arith.constant 128 : i32
        %mul3A_423 = arith.muli %add3A_88, %mul3A_422 : i32
        %add3A_424 = arith.addi %mul3A_421, %mul3A_423 : i32
        %dma_wait3A_425 = arith.constant 0 : i32
        %dma_wait3A_426 = tpu.memref_slice %arg3[%add3A_424, %dma_wait3A_425] : memref<320000x128xf32, #tpu.memory_space<hbm>> -> memref<128x128xf32, #tpu.memory_space<hbm>>
        %dma_wait3A_427 = arith.constant 0 : i32
        %dma_wait3A_428 = tpu.memref_slice %arg3[%add3A_424, %dma_wait3A_427] : memref<320000x128xf32, #tpu.memory_space<hbm>> -> memref<128x128xf32, #tpu.memory_space<hbm>>
        tpu.wait_dma2 semaphore(%arg59 : memref<!tpu.dma_semaphore, #tpu.memory_space<semaphore_mem>>) src(%dma_wait3A_428 : memref<128x128xf32, #tpu.memory_space<hbm>>) dst(%arg27 : memref<128x128xf32, #tpu.memory_space<vmem>>)
        %scan3A_429 = arith.constant 0 : i32
        %scan3A_430 = arith.constant 0 : i32
        %scan3A_431 = arith.constant 128 : i32
        %scan3A_432 = arith.addi %scan3A_430, %scan3A_431 : i32
        %scan3A_433 = arith.constant 1 : i32
        %scan3A_434 = scf.for %scan3A_439 = %scan3A_430 to %scan3A_432 step %scan3A_433 iter_args(%scan3A_440 = %scan3A_429) -> (i32)  : i32 {
          %broadcast_in_dim3A_441 = vector.broadcast %scan3A_439 : i32 to vector<16xi32>
          %gather3A = tpu.vector_load_idx %arg25[%broadcast_in_dim3A_441] : memref<128xf32, #tpu.memory_space<vmem>>[vector<16xi32>], vector<16xf32>,
          %add3A_442 = arith.constant 0 : i32
          %add3A_443 = vector.broadcast %add3A_442 : i32 to vector<16xi32>
          %add3A_444 = arith.addi %iota3A, %add3A_443 : vector<16xi32>
          %gather3A_445 = tpu.vector_load_idx %arg27[%broadcast_in_dim3A_441, %add3A_444] : memref<128x128xf32, #tpu.memory_space<vmem>>[vector<16xi32>, vector<16xi32>], vector<16xf32>,
          %mul3A_446 = arith.mulf %gather3A_445, %gather3A : vector<16xf32>
          tpu.vector_store_idx %arg27[%broadcast_in_dim3A_441, %add3A_444], %mul3A_446 : memref<128x128xf32, #tpu.memory_space<vmem>>[vector<16xi32>, vector<16xi32>], vector<16xf32>,
          %add3A_447 = arith.constant 16 : i32
          %add3A_448 = vector.broadcast %add3A_447 : i32 to vector<16xi32>
          %add3A_449 = arith.addi %iota3A, %add3A_448 : vector<16xi32>
          %gather3A_450 = tpu.vector_load_idx %arg27[%broadcast_in_dim3A_441, %add3A_449] : memref<128x128xf32, #tpu.memory_space<vmem>>[vector<16xi32>, vector<16xi32>], vector<16xf32>,
          %mul3A_451 = arith.mulf %gather3A_450, %gather3A : vector<16xf32>
          tpu.vector_store_idx %arg27[%broadcast_in_dim3A_441, %add3A_449], %mul3A_451 : memref<128x128xf32, #tpu.memory_space<vmem>>[vector<16xi32>, vector<16xi32>], vector<16xf32>,
          %add3A_452 = arith.constant 32 : i32
          %add3A_453 = vector.broadcast %add3A_452 : i32 to vector<16xi32>
          %add3A_454 = arith.addi %iota3A, %add3A_453 : vector<16xi32>
          %gather3A_455 = tpu.vector_load_idx %arg27[%broadcast_in_dim3A_441, %add3A_454] : memref<128x128xf32, #tpu.memory_space<vmem>>[vector<16xi32>, vector<16xi32>], vector<16xf32>,
          %mul3A_456 = arith.mulf %gather3A_455, %gather3A : vector<16xf32>
          tpu.vector_store_idx %arg27[%broadcast_in_dim3A_441, %add3A_454], %mul3A_456 : memref<128x128xf32, #tpu.memory_space<vmem>>[vector<16xi32>, vector<16xi32>], vector<16xf32>,
          %add3A_457 = arith.constant 48 : i32
          %add3A_458 = vector.broadcast %add3A_457 : i32 to vector<16xi32>
          %add3A_459 = arith.addi %iota3A, %add3A_458 : vector<16xi32>
          %gather3A_460 = tpu.vector_load_idx %arg27[%broadcast_in_dim3A_441, %add3A_459] : memref<128x128xf32, #tpu.memory_space<vmem>>[vector<16xi32>, vector<16xi32>], vector<16xf32>,
          %mul3A_461 = arith.mulf %gather3A_460, %gather3A : vector<16xf32>
          tpu.vector_store_idx %arg27[%broadcast_in_dim3A_441, %add3A_459], %mul3A_461 : memref<128x128xf32, #tpu.memory_space<vmem>>[vector<16xi32>, vector<16xi32>], vector<16xf32>,
          %add3A_462 = arith.constant 64 : i32
          %add3A_463 = vector.broadcast %add3A_462 : i32 to vector<16xi32>
          %add3A_464 = arith.addi %iota3A, %add3A_463 : vector<16xi32>
          %gather3A_465 = tpu.vector_load_idx %arg27[%broadcast_in_dim3A_441, %add3A_464] : memref<128x128xf32, #tpu.memory_space<vmem>>[vector<16xi32>, vector<16xi32>], vector<16xf32>,
          %mul3A_466 = arith.mulf %gather3A_465, %gather3A : vector<16xf32>
          tpu.vector_store_idx %arg27[%broadcast_in_dim3A_441, %add3A_464], %mul3A_466 : memref<128x128xf32, #tpu.memory_space<vmem>>[vector<16xi32>, vector<16xi32>], vector<16xf32>,
          %add3A_467 = arith.constant 80 : i32
          %add3A_468 = vector.broadcast %add3A_467 : i32 to vector<16xi32>
          %add3A_469 = arith.addi %iota3A, %add3A_468 : vector<16xi32>
          %gather3A_470 = tpu.vector_load_idx %arg27[%broadcast_in_dim3A_441, %add3A_469] : memref<128x128xf32, #tpu.memory_space<vmem>>[vector<16xi32>, vector<16xi32>], vector<16xf32>,
          %mul3A_471 = arith.mulf %gather3A_470, %gather3A : vector<16xf32>
          tpu.vector_store_idx %arg27[%broadcast_in_dim3A_441, %add3A_469], %mul3A_471 : memref<128x128xf32, #tpu.memory_space<vmem>>[vector<16xi32>, vector<16xi32>], vector<16xf32>,
          %add3A_472 = arith.constant 96 : i32
          %add3A_473 = vector.broadcast %add3A_472 : i32 to vector<16xi32>
          %add3A_474 = arith.addi %iota3A, %add3A_473 : vector<16xi32>
          %gather3A_475 = tpu.vector_load_idx %arg27[%broadcast_in_dim3A_441, %add3A_474] : memref<128x128xf32, #tpu.memory_space<vmem>>[vector<16xi32>, vector<16xi32>], vector<16xf32>,
          %mul3A_476 = arith.mulf %gather3A_475, %gather3A : vector<16xf32>
          tpu.vector_store_idx %arg27[%broadcast_in_dim3A_441, %add3A_474], %mul3A_476 : memref<128x128xf32, #tpu.memory_space<vmem>>[vector<16xi32>, vector<16xi32>], vector<16xf32>,
          %add3A_477 = arith.constant 112 : i32
          %add3A_478 = vector.broadcast %add3A_477 : i32 to vector<16xi32>
          %add3A_479 = arith.addi %iota3A, %add3A_478 : vector<16xi32>
          %gather3A_480 = tpu.vector_load_idx %arg27[%broadcast_in_dim3A_441, %add3A_479] : memref<128x128xf32, #tpu.memory_space<vmem>>[vector<16xi32>, vector<16xi32>], vector<16xf32>,
          %mul3A_481 = arith.mulf %gather3A_480, %gather3A : vector<16xf32>
          tpu.vector_store_idx %arg27[%broadcast_in_dim3A_441, %add3A_479], %mul3A_481 : memref<128x128xf32, #tpu.memory_space<vmem>>[vector<16xi32>, vector<16xi32>], vector<16xf32>,
          %scan3A_482 = arith.constant 0 : i32
          scf.yield %scan3A_482 : i32
        }
        %scan3A_435 = arith.constant 128 : i32
        %dma_start3A_436 = arith.constant 0 : i32
        %dma_start3A_437 = arith.constant 0 : i32
        %dma_start3A_438 = tpu.memref_slice %arg51[%dma_start3A_436, %dma_start3A_437] : memref<10240x128xf32, #tpu.memory_space<vmem_shared>> -> memref<10240x128xf32, #tpu.memory_space<vmem_shared>>
        tpu.enqueue_indirect_dma source(%arg27 : memref<128x128xf32, #tpu.memory_space<vmem>>) target(%dma_start3A_438 : memref<10240x128xf32, #tpu.memory_space<vmem_shared>>) offsets(%arg7 : memref<128xi32, #tpu.memory_space<vmem>>) semaphore(%arg57 : memref<!tpu.dma_semaphore, #tpu.memory_space<semaphore_mem>>) {add = true}
      } else {
      }
      %lt3A_102 = arith.cmpi slt, %add3A_81, %min3A_2 : i32
      %convert_element_type3A_103 = arith.extui %lt3A_102 : i1 to i32
      %cond3A_104 = arith.constant 0 : i32
      %cond3A_105 = arith.cmpi ne, %convert_element_type3A_103, %cond3A_104 : i32
      scf.if %cond3A_105 {
        %dma_wait3A = arith.constant 0 : i32
        %dma_wait3A_111 = arith.constant 0 : i32
        %dma_wait3A_112 = tpu.memref_slice %arg51[%dma_wait3A, %dma_wait3A_111] : memref<10240x128xf32, #tpu.memory_space<vmem_shared>> -> memref<10240x128xf32, #tpu.memory_space<vmem_shared>>
        tpu.wait_indirect_dma semaphore(%arg56 : memref<!tpu.dma_semaphore, #tpu.memory_space<semaphore_mem>>) src(%arg26 : memref<128x128xf32, #tpu.memory_space<vmem>>) dst(%dma_wait3A_112 : memref<10240x128xf32, #tpu.memory_space<vmem_shared>>)
      } else {
      }
      %lt3A_106 = arith.cmpi slt, %add3A_88, %min3A_2 : i32
      %convert_element_type3A_107 = arith.extui %lt3A_106 : i1 to i32
      %cond3A_108 = arith.constant 0 : i32
      %cond3A_109 = arith.cmpi ne, %convert_element_type3A_107, %cond3A_108 : i32
      scf.if %cond3A_109 {
        %dma_wait3A = arith.constant 0 : i32
        %dma_wait3A_111 = arith.constant 0 : i32
        %dma_wait3A_112 = tpu.memref_slice %arg51[%dma_wait3A, %dma_wait3A_111] : memref<10240x128xf32, #tpu.memory_space<vmem_shared>> -> memref<10240x128xf32, #tpu.memory_space<vmem_shared>>
        tpu.wait_indirect_dma semaphore(%arg57 : memref<!tpu.dma_semaphore, #tpu.memory_space<semaphore_mem>>) src(%arg27 : memref<128x128xf32, #tpu.memory_space<vmem>>) dst(%dma_wait3A_112 : memref<10240x128xf32, #tpu.memory_space<vmem_shared>>)
      } else {
      }
      %scan3A_110 = arith.constant 0 : i32
      scf.yield %scan3A_110 : i32
    }
    %scan3A_64 = arith.constant 40 : i32
    %barrier3A_65 = arith.constant 0 : index
    tpu.barrier barrier_id(%barrier3A_65)
    %mul3A_66 = arith.constant 640 : i32
    %mul3A_67 = arith.muli %arg1, %mul3A_66 : i32
    %mul3A_68 = arith.constant 10240 : i32
    %mul3A_69 = arith.muli %arg0, %mul3A_68 : i32
    %mul3A_70 = arith.constant 640 : i32
    %mul3A_71 = arith.muli %arg1, %mul3A_70 : i32
    %add3A_72 = arith.addi %mul3A_69, %mul3A_71 : i32
    "tpu.region"() ({
      %run_scoped3A = tpu.sem_alloc : memref<!tpu.dma_semaphore, #tpu.memory_space<semaphore_mem>>
      %dma_start3A = arith.constant 0 : i32
      %dma_start3A_73 = tpu.memref_slice %arg5[%add3A_72, %dma_start3A] : memref<20480x128xf32, #tpu.memory_space<hbm>> -> memref<640x128xf32, #tpu.memory_space<hbm>>
      %dma_start3A_74 = arith.constant 0 : i32
      %dma_start3A_75 = tpu.memref_slice %arg51[%mul3A_67, %dma_start3A_74] : memref<10240x128xf32, #tpu.memory_space<vmem_shared>> -> memref<640x128xf32, #tpu.memory_space<vmem_shared>>
      tpu.enqueue_dma source(%dma_start3A_75 : memref<640x128xf32, #tpu.memory_space<vmem_shared>>) target(%dma_start3A_73 : memref<640x128xf32, #tpu.memory_space<hbm>>) target_semaphore(%run_scoped3A : memref<!tpu.dma_semaphore, #tpu.memory_space<semaphore_mem>>)
      %dma_wait3A = arith.constant 0 : i32
      %dma_wait3A_76 = tpu.memref_slice %arg5[%add3A_72, %dma_wait3A] : memref<20480x128xf32, #tpu.memory_space<hbm>> -> memref<640x128xf32, #tpu.memory_space<hbm>>
      %dma_wait3A_77 = arith.constant 0 : i32
      %dma_wait3A_78 = tpu.memref_slice %arg51[%mul3A_67, %dma_wait3A_77] : memref<10240x128xf32, #tpu.memory_space<vmem_shared>> -> memref<640x128xf32, #tpu.memory_space<vmem_shared>>
      tpu.wait_dma2 semaphore(%run_scoped3A : memref<!tpu.dma_semaphore, #tpu.memory_space<semaphore_mem>>) src(%dma_wait3A_78 : memref<640x128xf32, #tpu.memory_space<vmem_shared>>) dst(%dma_wait3A_76 : memref<640x128xf32, #tpu.memory_space<hbm>>)
      tpu.yield
    }) : () -> ()
    return
  }
}

module attributes {stable_mosaic.version = 14 : i64} {
  func.func @_nodeproj_body(%arg0: i32, %arg1: i32, %arg2: memref<1x2000x128xf32, #tpu.memory_space<vmem>>, %arg3: memref<128x256xf32, #tpu.memory_space<vmem>>, %arg4: memref<1x2000x256xf32, #tpu.memory_space<vmem>>) attributes {dimension_semantics = [#tpu.dimension_semantics<arbitrary>, #tpu.dimension_semantics<arbitrary>], iteration_bounds = array<i64: 2, 5>, scalar_prefetch = 0 : i64, scratch_operands = 0 : i64, tpu.core_type = #tpu.core_type<tc>, window_params = [{transform_indices = @transform_0, window_bounds = array<i64: 1, 2000, 128>}, {pipeline_mode = #tpu.pipeline_mode<synchronous>, transform_indices = @transform_1, window_bounds = array<i64: 128, 256>}, {transform_indices = @transform_2, window_bounds = array<i64: 1, 2000, 256>}]} {
    %get3A = arith.constant 0 : index
    %get3A_0 = arith.constant 0 : index
    %get3A_1 = arith.constant 0 : index
    %get3A_2 = vector.load %arg2[%get3A, %get3A_0, %get3A_1] : memref<1x2000x128xf32, #tpu.memory_space<vmem>>, vector<1x2000x128xf32>
    %get3A_3 = arith.constant 0 : index
    %get3A_4 = arith.constant 0 : index
    %get3A_5 = vector.load %arg3[%get3A_3, %get3A_4] : memref<128x256xf32, #tpu.memory_space<vmem>>, vector<128x256xf32>
    %dot_general3A = arith.constant dense<0.000000e+00> : vector<1x2000x256xf32>
    %dot_general3A_6 = tpu.matmul %get3A_2, %get3A_5, %dot_general3A {dimension_numbers = #tpu.dot_dimension_numbers<[2], [0], [0, 1], [1], [0, 0, 0, 1, 1, 1], [], []>, transpose_lhs_hint = false} : vector<1x2000x128xf32>, vector<128x256xf32>, vector<1x2000x256xf32> -> vector<1x2000x256xf32>
    %swap3A = arith.constant 0 : index
    %swap3A_7 = arith.constant 0 : index
    %swap3A_8 = arith.constant 0 : index
    %swap3A_9 = vector.load %arg4[%swap3A, %swap3A_7, %swap3A_8] : memref<1x2000x256xf32, #tpu.memory_space<vmem>>, vector<1x2000x256xf32>
    tpu.vector_store %arg4[%swap3A, %swap3A_7, %swap3A_8], %dot_general3A_6 {strides = array<i32>} : memref<1x2000x256xf32, #tpu.memory_space<vmem>>, vector<1x2000x256xf32>,
    return
  }
  func.func @transform_0(%arg0: i32, %arg1: i32) -> (i32, i32, i32) {
    %c0_i32 = arith.constant 0 : i32
    %c0_i32_0 = arith.constant 0 : i32
    return %arg0, %arg1, %c0_i32 : i32, i32, i32
  }
  func.func @transform_1(%arg0: i32, %arg1: i32) -> (i32, i32) {
    %c0_i32 = arith.constant 0 : i32
    %c0_i32_0 = arith.constant 0 : i32
    %c0_i32_1 = arith.constant 0 : i32
    return %c0_i32, %c0_i32_0 : i32, i32
  }
  func.func @transform_2(%arg0: i32, %arg1: i32) -> (i32, i32, i32) {
    %c0_i32 = arith.constant 0 : i32
    %c0_i32_0 = arith.constant 0 : i32
    return %arg0, %arg1, %c0_i32 : i32, i32, i32
  }
}

module attributes {stable_mosaic.version = 14 : i64} {
  func.func @_edge_body(%arg0: i32, %arg1: i32, %arg2: memref<1x3200x128xf32, #tpu.memory_space<vmem>>, %arg3: memref<1x3200x128xf32, #tpu.memory_space<vmem>>, %arg4: memref<1x3200x128xf32, #tpu.memory_space<vmem>>, %arg5: memref<128x128xf32, #tpu.memory_space<vmem>>, %arg6: memref<128x8xf32, #tpu.memory_space<vmem>>, %arg7: memref<1x8x3200xf32, #tpu.memory_space<vmem>>, %arg8: memref<1x3200x128xf32, #tpu.memory_space<vmem>>) attributes {dimension_semantics = [#tpu.dimension_semantics<arbitrary>, #tpu.dimension_semantics<arbitrary>], iteration_bounds = array<i64: 2, 50>, scalar_prefetch = 0 : i64, scratch_operands = 0 : i64, tpu.core_type = #tpu.core_type<tc>, window_params = [{transform_indices = @transform_0, window_bounds = array<i64: 1, 3200, 128>}, {transform_indices = @transform_1, window_bounds = array<i64: 1, 3200, 128>}, {transform_indices = @transform_2, window_bounds = array<i64: 1, 3200, 128>}, {pipeline_mode = #tpu.pipeline_mode<synchronous>, transform_indices = @transform_3, window_bounds = array<i64: 128, 128>}, {pipeline_mode = #tpu.pipeline_mode<synchronous>, transform_indices = @transform_4, window_bounds = array<i64: 128, 8>}, {transform_indices = @transform_5, window_bounds = array<i64: 1, 8, 3200>}, {transform_indices = @transform_6, window_bounds = array<i64: 1, 3200, 128>}]} {
    %get3A = arith.constant 0 : index
    %get3A_0 = arith.constant 0 : index
    %get3A_1 = arith.constant 0 : index
    %get3A_2 = vector.load %arg2[%get3A, %get3A_0, %get3A_1] : memref<1x3200x128xf32, #tpu.memory_space<vmem>>, vector<1x3200x128xf32>
    %get3A_3 = vector.shape_cast %get3A_2 : vector<1x3200x128xf32> to vector<3200x128xf32>
    %get3A_4 = arith.constant 0 : index
    %get3A_5 = arith.constant 0 : index
    %get3A_6 = vector.load %arg5[%get3A_4, %get3A_5] : memref<128x128xf32, #tpu.memory_space<vmem>>, vector<128x128xf32>
    %dot_general3A = arith.constant dense<0.000000e+00> : vector<3200x128xf32>
    %dot_general3A_7 = tpu.matmul %get3A_3, %get3A_6, %dot_general3A {dimension_numbers = #tpu.dot_dimension_numbers<[1], [0], [0], [1], [0, 0, 1, 1], [], []>, transpose_lhs_hint = false} : vector<3200x128xf32>, vector<128x128xf32>, vector<3200x128xf32> -> vector<3200x128xf32>
    %get3A_8 = arith.constant 0 : index
    %get3A_9 = arith.constant 0 : index
    %get3A_10 = arith.constant 0 : index
    %get3A_11 = vector.load %arg3[%get3A_8, %get3A_9, %get3A_10] : memref<1x3200x128xf32, #tpu.memory_space<vmem>>, vector<1x3200x128xf32>
    %get3A_12 = vector.shape_cast %get3A_11 : vector<1x3200x128xf32> to vector<3200x128xf32>
    %add3A = arith.addf %dot_general3A_7, %get3A_12 : vector<3200x128xf32>
    %gt3A = arith.constant 0.000000e+00 : f32
    %gt3A_13 = vector.broadcast %gt3A : f32 to vector<3200x128xf32>
    %gt3A_14 = arith.cmpf ogt, %add3A, %gt3A_13 : vector<3200x128xf32>
    %mul3A = arith.constant 2.000000e-01 : f32
    %mul3A_15 = vector.broadcast %mul3A : f32 to vector<3200x128xf32>
    %mul3A_16 = arith.mulf %mul3A_15, %add3A : vector<3200x128xf32>
    %select_n3A = arith.select %gt3A_14, %add3A, %mul3A_16 : vector<3200x128xi1>, vector<3200x128xf32>
    %get3A_17 = arith.constant 0 : index
    %get3A_18 = arith.constant 0 : index
    %get3A_19 = vector.load %arg6[%get3A_17, %get3A_18] : memref<128x8xf32, #tpu.memory_space<vmem>>, vector<128x8xf32>
    %dot_general3A_20 = arith.constant dense<0.000000e+00> : vector<3200x8xf32>
    %dot_general3A_21 = tpu.matmul %select_n3A, %get3A_19, %dot_general3A_20 {dimension_numbers = #tpu.dot_dimension_numbers<[1], [0], [0], [1], [0, 0, 1, 1], [], []>, transpose_lhs_hint = false} : vector<3200x128xf32>, vector<128x8xf32>, vector<3200x8xf32> -> vector<3200x8xf32>
    %exp3A = math.exp %dot_general3A_21 : vector<3200x8xf32>
    %transpose3A = tpu.transpose %exp3A, [1, 0] : vector<3200x8xf32> -> vector<8x3200xf32>
    %swap3A = arith.constant 0 : index
    %swap3A_22 = arith.constant 0 : index
    %swap3A_23 = arith.constant 0 : index
    %swap3A_24 = vector.load %arg7[%swap3A, %swap3A_22, %swap3A_23] : memref<1x8x3200xf32, #tpu.memory_space<vmem>>, vector<1x8x3200xf32>
    %swap3A_25 = vector.shape_cast %swap3A_24 : vector<1x8x3200xf32> to vector<8x3200xf32>
    %swap3A_26 = vector.shape_cast %transpose3A : vector<8x3200xf32> to vector<1x8x3200xf32>
    tpu.vector_store %arg7[%swap3A, %swap3A_22, %swap3A_23], %swap3A_26 {strides = array<i32>} : memref<1x8x3200xf32, #tpu.memory_space<vmem>>, vector<1x8x3200xf32>,
    %get3A_27 = arith.constant 0 : index
    %get3A_28 = arith.constant 0 : index
    %get3A_29 = arith.constant 0 : index
    %get3A_30 = vector.load %arg4[%get3A_27, %get3A_28, %get3A_29] : memref<1x3200x128xf32, #tpu.memory_space<vmem>>, vector<1x3200x128xf32>
    %get3A_31 = vector.shape_cast %get3A_30 : vector<1x3200x128xf32> to vector<3200x128xf32>
    %add3A_32 = arith.addf %get3A_31, %get3A_3 : vector<3200x128xf32>
    %max3A = arith.constant 0.000000e+00 : f32
    %max3A_33 = vector.broadcast %max3A : f32 to vector<3200x128xf32>
    %max3A_34 = arith.maximumf %add3A_32, %max3A_33 : vector<3200x128xf32>
    %swap3A_35 = arith.constant 0 : index
    %swap3A_36 = arith.constant 0 : index
    %swap3A_37 = arith.constant 0 : index
    %swap3A_38 = vector.load %arg8[%swap3A_35, %swap3A_36, %swap3A_37] : memref<1x3200x128xf32, #tpu.memory_space<vmem>>, vector<1x3200x128xf32>
    %swap3A_39 = vector.shape_cast %swap3A_38 : vector<1x3200x128xf32> to vector<3200x128xf32>
    %swap3A_40 = vector.shape_cast %max3A_34 : vector<3200x128xf32> to vector<1x3200x128xf32>
    tpu.vector_store %arg8[%swap3A_35, %swap3A_36, %swap3A_37], %swap3A_40 {strides = array<i32>} : memref<1x3200x128xf32, #tpu.memory_space<vmem>>, vector<1x3200x128xf32>,
    return
  }
  func.func @transform_0(%arg0: i32, %arg1: i32) -> (i32, i32, i32) {
    %c0_i32 = arith.constant 0 : i32
    %c0_i32_0 = arith.constant 0 : i32
    return %arg0, %arg1, %c0_i32 : i32, i32, i32
  }
  func.func @transform_1(%arg0: i32, %arg1: i32) -> (i32, i32, i32) {
    %c0_i32 = arith.constant 0 : i32
    %c0_i32_0 = arith.constant 0 : i32
    return %arg0, %arg1, %c0_i32 : i32, i32, i32
  }
  func.func @transform_2(%arg0: i32, %arg1: i32) -> (i32, i32, i32) {
    %c0_i32 = arith.constant 0 : i32
    %c0_i32_0 = arith.constant 0 : i32
    return %arg0, %arg1, %c0_i32 : i32, i32, i32
  }
  func.func @transform_3(%arg0: i32, %arg1: i32) -> (i32, i32) {
    %c0_i32 = arith.constant 0 : i32
    %c0_i32_0 = arith.constant 0 : i32
    %c0_i32_1 = arith.constant 0 : i32
    return %c0_i32, %c0_i32_0 : i32, i32
  }
  func.func @transform_4(%arg0: i32, %arg1: i32) -> (i32, i32) {
    %c0_i32 = arith.constant 0 : i32
    %c0_i32_0 = arith.constant 0 : i32
    %c0_i32_1 = arith.constant 0 : i32
    return %c0_i32, %c0_i32_0 : i32, i32
  }
  func.func @transform_5(%arg0: i32, %arg1: i32) -> (i32, i32, i32) {
    %c0_i32 = arith.constant 0 : i32
    %c0_i32_0 = arith.constant 0 : i32
    return %arg0, %c0_i32, %arg1 : i32, i32, i32
  }
  func.func @transform_6(%arg0: i32, %arg1: i32) -> (i32, i32, i32) {
    %c0_i32 = arith.constant 0 : i32
    %c0_i32_0 = arith.constant 0 : i32
    return %arg0, %arg1, %c0_i32 : i32, i32, i32
  }
}

module attributes {stable_mosaic.version = 14 : i64} {
  func.func @_mlp1_body(%arg0: i32, %arg1: memref<2000x128xf32, #tpu.memory_space<vmem>>, %arg2: memref<2000x128xf32, #tpu.memory_space<vmem>>, %arg3: memref<1xf32, #tpu.memory_space<smem>>, %arg4: memref<128x128xf32, #tpu.memory_space<vmem>>, %arg5: memref<1x128xf32, #tpu.memory_space<vmem>>, %arg6: memref<2000x128xf32, #tpu.memory_space<vmem>>, %arg7: memref<8x128xf32, #tpu.memory_space<vmem>>) attributes {dimension_semantics = [#tpu.dimension_semantics<arbitrary>], iteration_bounds = array<i64: 10>, scalar_prefetch = 0 : i64, scratch_operands = 0 : i64, tpu.core_type = #tpu.core_type<tc>, window_params = [{transform_indices = @transform_0, window_bounds = array<i64: 2000, 128>}, {transform_indices = @transform_1, window_bounds = array<i64: 2000, 128>}, {transform_indices = @transform_2, window_bounds = array<i64: 1>}, {pipeline_mode = #tpu.pipeline_mode<synchronous>, transform_indices = @transform_3, window_bounds = array<i64: 128, 128>}, {pipeline_mode = #tpu.pipeline_mode<synchronous>, transform_indices = @transform_4, window_bounds = array<i64: 1, 128>}, {transform_indices = @transform_5, window_bounds = array<i64: 2000, 128>}, {pipeline_mode = #tpu.pipeline_mode<synchronous>, transform_indices = @transform_6, window_bounds = array<i64: 8, 128>}]} {
    %eq3A = arith.constant 0 : i32
    %eq3A_0 = arith.cmpi eq, %arg0, %eq3A : i32
    %convert_element_type3A = arith.extui %eq3A_0 : i1 to i32
    %cond3A = arith.constant 0 : i32
    %cond3A_1 = arith.cmpi ne, %convert_element_type3A, %cond3A : i32
    scf.if %cond3A_1 {
      %broadcast_in_dim3A_42 = arith.constant 0.000000e+00 : f32
      %broadcast_in_dim3A_43 = vector.broadcast %broadcast_in_dim3A_42 : f32 to vector<8x128xf32>
      %swap3A_44 = arith.constant 0 : index
      %swap3A_45 = arith.constant 0 : index
      %swap3A_46 = vector.load %arg7[%swap3A_44, %swap3A_45] : memref<8x128xf32, #tpu.memory_space<vmem>>, vector<8x128xf32>
      tpu.vector_store %arg7[%swap3A_44, %swap3A_45], %broadcast_in_dim3A_43 {strides = array<i32>} : memref<8x128xf32, #tpu.memory_space<vmem>>, vector<8x128xf32>,
    } else {
    }
    %get3A = arith.constant 0 : index
    %get3A_2 = memref.load %arg3[%get3A] : memref<1xf32, #tpu.memory_space<smem>>
    %add3A = arith.constant 1.000000e+00 : f32
    %add3A_3 = arith.addf %add3A, %get3A_2 : f32
    %get3A_4 = arith.constant 0 : index
    %get3A_5 = arith.constant 0 : index
    %get3A_6 = vector.load %arg1[%get3A_4, %get3A_5] : memref<2000x128xf32, #tpu.memory_space<vmem>>, vector<2000x128xf32>
    %mul3A = vector.broadcast %add3A_3 : f32 to vector<2000x128xf32>
    %mul3A_7 = arith.mulf %mul3A, %get3A_6 : vector<2000x128xf32>
    %get3A_8 = arith.constant 0 : index
    %get3A_9 = arith.constant 0 : index
    %get3A_10 = vector.load %arg2[%get3A_8, %get3A_9] : memref<2000x128xf32, #tpu.memory_space<vmem>>, vector<2000x128xf32>
    %add3A_11 = arith.addf %mul3A_7, %get3A_10 : vector<2000x128xf32>
    %get3A_12 = arith.constant 0 : index
    %get3A_13 = arith.constant 0 : index
    %get3A_14 = vector.load %arg4[%get3A_12, %get3A_13] : memref<128x128xf32, #tpu.memory_space<vmem>>, vector<128x128xf32>
    %dot_general3A = arith.constant dense<0.000000e+00> : vector<2000x128xf32>
    %dot_general3A_15 = tpu.matmul %add3A_11, %get3A_14, %dot_general3A {dimension_numbers = #tpu.dot_dimension_numbers<[1], [0], [0], [1], [0, 0, 1, 1], [], []>, transpose_lhs_hint = false} : vector<2000x128xf32>, vector<128x128xf32>, vector<2000x128xf32> -> vector<2000x128xf32>
    %get3A_16 = arith.constant 0 : index
    %get3A_17 = arith.constant 0 : index
    %get3A_18 = vector.load %arg5[%get3A_16, %get3A_17] : memref<1x128xf32, #tpu.memory_space<vmem>>, vector<1x128xf32>
    %add3A_19 = vector.broadcast %get3A_18 : vector<1x128xf32> to vector<2000x128xf32>
    %add3A_20 = arith.addf %dot_general3A_15, %add3A_19 : vector<2000x128xf32>
    %swap3A = arith.constant 0 : index
    %swap3A_21 = arith.constant 0 : index
    %swap3A_22 = vector.load %arg6[%swap3A, %swap3A_21] : memref<2000x128xf32, #tpu.memory_space<vmem>>, vector<2000x128xf32>
    tpu.vector_store %arg6[%swap3A, %swap3A_21], %add3A_20 {strides = array<i32>} : memref<2000x128xf32, #tpu.memory_space<vmem>>, vector<2000x128xf32>,
    %get3A_23 = arith.constant 0 : index
    %get3A_24 = arith.constant 0 : index
    %get3A_25 = vector.load %arg7[%get3A_23, %get3A_24] : memref<8x128xf32, #tpu.memory_space<vmem>>, vector<1x128xf32>
    %reduce_sum3A = arith.constant dense<0.000000e+00> : vector<128xf32>
    %reduce_sum3A_26 = vector.multi_reduction <add>, %add3A_20, %reduce_sum3A [0] : vector<2000x128xf32> to vector<128xf32>
    %broadcast_in_dim3A = vector.shape_cast %reduce_sum3A_26 : vector<128xf32> to vector<1x128xf32>
    %add3A_27 = arith.addf %get3A_25, %broadcast_in_dim3A : vector<1x128xf32>
    %swap3A_28 = arith.constant 0 : index
    %swap3A_29 = arith.constant 0 : index
    %swap3A_30 = vector.load %arg7[%swap3A_28, %swap3A_29] : memref<8x128xf32, #tpu.memory_space<vmem>>, vector<1x128xf32>
    tpu.vector_store %arg7[%swap3A_28, %swap3A_29], %add3A_27 {strides = array<i32>} : memref<8x128xf32, #tpu.memory_space<vmem>>, vector<1x128xf32>,
    %get3A_31 = arith.constant 1 : index
    %get3A_32 = arith.constant 0 : index
    %get3A_33 = vector.load %arg7[%get3A_31, %get3A_32] : memref<8x128xf32, #tpu.memory_space<vmem>>, vector<1x128xf32>
    %mul3A_34 = arith.mulf %add3A_20, %add3A_20 : vector<2000x128xf32>
    %reduce_sum3A_35 = arith.constant dense<0.000000e+00> : vector<128xf32>
    %reduce_sum3A_36 = vector.multi_reduction <add>, %mul3A_34, %reduce_sum3A_35 [0] : vector<2000x128xf32> to vector<128xf32>
    %broadcast_in_dim3A_37 = vector.shape_cast %reduce_sum3A_36 : vector<128xf32> to vector<1x128xf32>
    %add3A_38 = arith.addf %get3A_33, %broadcast_in_dim3A_37 : vector<1x128xf32>
    %swap3A_39 = arith.constant 1 : index
    %swap3A_40 = arith.constant 0 : index
    %swap3A_41 = vector.load %arg7[%swap3A_39, %swap3A_40] : memref<8x128xf32, #tpu.memory_space<vmem>>, vector<1x128xf32>
    tpu.vector_store %arg7[%swap3A_39, %swap3A_40], %add3A_38 {strides = array<i32>} : memref<8x128xf32, #tpu.memory_space<vmem>>, vector<1x128xf32>,
    return
  }
  func.func @transform_0(%arg0: i32) -> (i32, i32) {
    %c0_i32 = arith.constant 0 : i32
    %c0_i32_0 = arith.constant 0 : i32
    return %arg0, %c0_i32 : i32, i32
  }
  func.func @transform_1(%arg0: i32) -> (i32, i32) {
    %c0_i32 = arith.constant 0 : i32
    %c0_i32_0 = arith.constant 0 : i32
    return %arg0, %c0_i32 : i32, i32
  }
  func.func @transform_2(%arg0: i32) -> i32 {
    %c0_i32 = arith.constant 0 : i32
    %c0_i32_0 = arith.constant 0 : i32
    return %c0_i32 : i32
  }
  func.func @transform_3(%arg0: i32) -> (i32, i32) {
    %c0_i32 = arith.constant 0 : i32
    %c0_i32_0 = arith.constant 0 : i32
    %c0_i32_1 = arith.constant 0 : i32
    return %c0_i32, %c0_i32_0 : i32, i32
  }
  func.func @transform_4(%arg0: i32) -> (i32, i32) {
    %c0_i32 = arith.constant 0 : i32
    %c0_i32_0 = arith.constant 0 : i32
    %c0_i32_1 = arith.constant 0 : i32
    return %c0_i32, %c0_i32_0 : i32, i32
  }
  func.func @transform_5(%arg0: i32) -> (i32, i32) {
    %c0_i32 = arith.constant 0 : i32
    %c0_i32_0 = arith.constant 0 : i32
    return %arg0, %c0_i32 : i32, i32
  }
  func.func @transform_6(%arg0: i32) -> (i32, i32) {
    %c0_i32 = arith.constant 0 : i32
    %c0_i32_0 = arith.constant 0 : i32
    %c0_i32_1 = arith.constant 0 : i32
    return %c0_i32, %c0_i32_0 : i32, i32
  }
}

module attributes {stable_mosaic.version = 14 : i64} {
  func.func @_mlp2_body(%arg0: i32, %arg1: memref<2000x128xf32, #tpu.memory_space<vmem>>, %arg2: memref<8x128xf32, #tpu.memory_space<vmem>>, %arg3: memref<128x128xf32, #tpu.memory_space<vmem>>, %arg4: memref<1x128xf32, #tpu.memory_space<vmem>>, %arg5: memref<1x128xf32, #tpu.memory_space<vmem>>, %arg6: memref<1x128xf32, #tpu.memory_space<vmem>>, %arg7: memref<1xf32, #tpu.memory_space<smem>>, %arg8: memref<2000x128xf32, #tpu.memory_space<vmem>>, %arg9: memref<8x128xf32, #tpu.memory_space<vmem>>) attributes {dimension_semantics = [#tpu.dimension_semantics<arbitrary>], iteration_bounds = array<i64: 10>, scalar_prefetch = 0 : i64, scratch_operands = 0 : i64, tpu.core_type = #tpu.core_type<tc>, window_params = [{transform_indices = @transform_0, window_bounds = array<i64: 2000, 128>}, {pipeline_mode = #tpu.pipeline_mode<synchronous>, transform_indices = @transform_1, window_bounds = array<i64: 8, 128>}, {pipeline_mode = #tpu.pipeline_mode<synchronous>, transform_indices = @transform_2, window_bounds = array<i64: 128, 128>}, {pipeline_mode = #tpu.pipeline_mode<synchronous>, transform_indices = @transform_3, window_bounds = array<i64: 1, 128>}, {pipeline_mode = #tpu.pipeline_mode<synchronous>, transform_indices = @transform_4, window_bounds = array<i64: 1, 128>}, {pipeline_mode = #tpu.pipeline_mode<synchronous>, transform_indices = @transform_5, window_bounds = array<i64: 1, 128>}, {transform_indices = @transform_6, window_bounds = array<i64: 1>}, {transform_indices = @transform_7, window_bounds = array<i64: 2000, 128>}, {pipeline_mode = #tpu.pipeline_mode<synchronous>, transform_indices = @transform_8, window_bounds = array<i64: 8, 128>}]} {
    %eq3A = arith.constant 0 : i32
    %eq3A_0 = arith.cmpi eq, %arg0, %eq3A : i32
    %convert_element_type3A = arith.extui %eq3A_0 : i1 to i32
    %cond3A = arith.constant 0 : i32
    %cond3A_1 = arith.cmpi ne, %convert_element_type3A, %cond3A : i32
    scf.if %cond3A_1 {
      %broadcast_in_dim3A_62 = arith.constant 0.000000e+00 : f32
      %broadcast_in_dim3A_63 = vector.broadcast %broadcast_in_dim3A_62 : f32 to vector<8x128xf32>
      %swap3A_64 = arith.constant 0 : index
      %swap3A_65 = arith.constant 0 : index
      %swap3A_66 = vector.load %arg9[%swap3A_64, %swap3A_65] : memref<8x128xf32, #tpu.memory_space<vmem>>, vector<8x128xf32>
      tpu.vector_store %arg9[%swap3A_64, %swap3A_65], %broadcast_in_dim3A_63 {strides = array<i32>} : memref<8x128xf32, #tpu.memory_space<vmem>>, vector<8x128xf32>,
    } else {
    }
    %get3A = arith.constant 0 : index
    %get3A_2 = memref.load %arg7[%get3A] : memref<1xf32, #tpu.memory_space<smem>>
    %get3A_3 = arith.constant 0 : index
    %get3A_4 = arith.constant 0 : index
    %get3A_5 = vector.load %arg2[%get3A_3, %get3A_4] : memref<8x128xf32, #tpu.memory_space<vmem>>, vector<1x128xf32>
    %div3A = vector.broadcast %get3A_2 : f32 to vector<1x128xf32>
    %div3A_6 = arith.divf %get3A_5, %div3A : vector<1x128xf32>
    %get3A_7 = arith.constant 1 : index
    %get3A_8 = arith.constant 0 : index
    %get3A_9 = vector.load %arg2[%get3A_7, %get3A_8] : memref<8x128xf32, #tpu.memory_space<vmem>>, vector<1x128xf32>
    %div3A_10 = vector.broadcast %get3A_2 : f32 to vector<1x128xf32>
    %div3A_11 = arith.divf %get3A_9, %div3A_10 : vector<1x128xf32>
    %mul3A = arith.mulf %div3A_6, %div3A_6 : vector<1x128xf32>
    %sub3A = arith.subf %div3A_11, %mul3A : vector<1x128xf32>
    %add3A = arith.constant 9.99999974E-6 : f32
    %add3A_12 = vector.broadcast %add3A : f32 to vector<1x128xf32>
    %add3A_13 = arith.addf %sub3A, %add3A_12 : vector<1x128xf32>
    %rsqrt3A = math.rsqrt %add3A_13 : vector<1x128xf32>
    %get3A_14 = arith.constant 0 : index
    %get3A_15 = arith.constant 0 : index
    %get3A_16 = vector.load %arg1[%get3A_14, %get3A_15] : memref<2000x128xf32, #tpu.memory_space<vmem>>, vector<2000x128xf32>
    %sub3A_17 = vector.broadcast %div3A_6 : vector<1x128xf32> to vector<2000x128xf32>
    %sub3A_18 = arith.subf %get3A_16, %sub3A_17 : vector<2000x128xf32>
    %get3A_19 = arith.constant 0 : index
    %get3A_20 = arith.constant 0 : index
    %get3A_21 = vector.load %arg5[%get3A_19, %get3A_20] : memref<1x128xf32, #tpu.memory_space<vmem>>, vector<1x128xf32>
    %mul3A_22 = arith.mulf %rsqrt3A, %get3A_21 : vector<1x128xf32>
    %mul3A_23 = vector.broadcast %mul3A_22 : vector<1x128xf32> to vector<2000x128xf32>
    %mul3A_24 = arith.mulf %sub3A_18, %mul3A_23 : vector<2000x128xf32>
    %get3A_25 = arith.constant 0 : index
    %get3A_26 = arith.constant 0 : index
    %get3A_27 = vector.load %arg6[%get3A_25, %get3A_26] : memref<1x128xf32, #tpu.memory_space<vmem>>, vector<1x128xf32>
    %add3A_28 = vector.broadcast %get3A_27 : vector<1x128xf32> to vector<2000x128xf32>
    %add3A_29 = arith.addf %mul3A_24, %add3A_28 : vector<2000x128xf32>
    %max3A = arith.constant 0.000000e+00 : f32
    %max3A_30 = vector.broadcast %max3A : f32 to vector<2000x128xf32>
    %max3A_31 = arith.maximumf %add3A_29, %max3A_30 : vector<2000x128xf32>
    %get3A_32 = arith.constant 0 : index
    %get3A_33 = arith.constant 0 : index
    %get3A_34 = vector.load %arg3[%get3A_32, %get3A_33] : memref<128x128xf32, #tpu.memory_space<vmem>>, vector<128x128xf32>
    %dot_general3A = arith.constant dense<0.000000e+00> : vector<2000x128xf32>
    %dot_general3A_35 = tpu.matmul %max3A_31, %get3A_34, %dot_general3A {dimension_numbers = #tpu.dot_dimension_numbers<[1], [0], [0], [1], [0, 0, 1, 1], [], []>, transpose_lhs_hint = false} : vector<2000x128xf32>, vector<128x128xf32>, vector<2000x128xf32> -> vector<2000x128xf32>
    %get3A_36 = arith.constant 0 : index
    %get3A_37 = arith.constant 0 : index
    %get3A_38 = vector.load %arg4[%get3A_36, %get3A_37] : memref<1x128xf32, #tpu.memory_space<vmem>>, vector<1x128xf32>
    %add3A_39 = vector.broadcast %get3A_38 : vector<1x128xf32> to vector<2000x128xf32>
    %add3A_40 = arith.addf %dot_general3A_35, %add3A_39 : vector<2000x128xf32>
    %swap3A = arith.constant 0 : index
    %swap3A_41 = arith.constant 0 : index
    %swap3A_42 = vector.load %arg8[%swap3A, %swap3A_41] : memref<2000x128xf32, #tpu.memory_space<vmem>>, vector<2000x128xf32>
    tpu.vector_store %arg8[%swap3A, %swap3A_41], %add3A_40 {strides = array<i32>} : memref<2000x128xf32, #tpu.memory_space<vmem>>, vector<2000x128xf32>,
    %get3A_43 = arith.constant 0 : index
    %get3A_44 = arith.constant 0 : index
    %get3A_45 = vector.load %arg9[%get3A_43, %get3A_44] : memref<8x128xf32, #tpu.memory_space<vmem>>, vector<1x128xf32>
    %reduce_sum3A = arith.constant dense<0.000000e+00> : vector<128xf32>
    %reduce_sum3A_46 = vector.multi_reduction <add>, %add3A_40, %reduce_sum3A [0] : vector<2000x128xf32> to vector<128xf32>
    %broadcast_in_dim3A = vector.shape_cast %reduce_sum3A_46 : vector<128xf32> to vector<1x128xf32>
    %add3A_47 = arith.addf %get3A_45, %broadcast_in_dim3A : vector<1x128xf32>
    %swap3A_48 = arith.constant 0 : index
    %swap3A_49 = arith.constant 0 : index
    %swap3A_50 = vector.load %arg9[%swap3A_48, %swap3A_49] : memref<8x128xf32, #tpu.memory_space<vmem>>, vector<1x128xf32>
    tpu.vector_store %arg9[%swap3A_48, %swap3A_49], %add3A_47 {strides = array<i32>} : memref<8x128xf32, #tpu.memory_space<vmem>>, vector<1x128xf32>,
    %get3A_51 = arith.constant 1 : index
    %get3A_52 = arith.constant 0 : index
    %get3A_53 = vector.load %arg9[%get3A_51, %get3A_52] : memref<8x128xf32, #tpu.memory_space<vmem>>, vector<1x128xf32>
    %mul3A_54 = arith.mulf %add3A_40, %add3A_40 : vector<2000x128xf32>
    %reduce_sum3A_55 = arith.constant dense<0.000000e+00> : vector<128xf32>
    %reduce_sum3A_56 = vector.multi_reduction <add>, %mul3A_54, %reduce_sum3A_55 [0] : vector<2000x128xf32> to vector<128xf32>
    %broadcast_in_dim3A_57 = vector.shape_cast %reduce_sum3A_56 : vector<128xf32> to vector<1x128xf32>
    %add3A_58 = arith.addf %get3A_53, %broadcast_in_dim3A_57 : vector<1x128xf32>
    %swap3A_59 = arith.constant 1 : index
    %swap3A_60 = arith.constant 0 : index
    %swap3A_61 = vector.load %arg9[%swap3A_59, %swap3A_60] : memref<8x128xf32, #tpu.memory_space<vmem>>, vector<1x128xf32>
    tpu.vector_store %arg9[%swap3A_59, %swap3A_60], %add3A_58 {strides = array<i32>} : memref<8x128xf32, #tpu.memory_space<vmem>>, vector<1x128xf32>,
    return
  }
  func.func @transform_0(%arg0: i32) -> (i32, i32) {
    %c0_i32 = arith.constant 0 : i32
    %c0_i32_0 = arith.constant 0 : i32
    return %arg0, %c0_i32 : i32, i32
  }
  func.func @transform_1(%arg0: i32) -> (i32, i32) {
    %c0_i32 = arith.constant 0 : i32
    %c0_i32_0 = arith.constant 0 : i32
    %c0_i32_1 = arith.constant 0 : i32
    return %c0_i32, %c0_i32_0 : i32, i32
  }
  func.func @transform_2(%arg0: i32) -> (i32, i32) {
    %c0_i32 = arith.constant 0 : i32
    %c0_i32_0 = arith.constant 0 : i32
    %c0_i32_1 = arith.constant 0 : i32
    return %c0_i32, %c0_i32_0 : i32, i32
  }
  func.func @transform_3(%arg0: i32) -> (i32, i32) {
    %c0_i32 = arith.constant 0 : i32
    %c0_i32_0 = arith.constant 0 : i32
    %c0_i32_1 = arith.constant 0 : i32
    return %c0_i32, %c0_i32_0 : i32, i32
  }
  func.func @transform_4(%arg0: i32) -> (i32, i32) {
    %c0_i32 = arith.constant 0 : i32
    %c0_i32_0 = arith.constant 0 : i32
    %c0_i32_1 = arith.constant 0 : i32
    return %c0_i32, %c0_i32_0 : i32, i32
  }
  func.func @transform_5(%arg0: i32) -> (i32, i32) {
    %c0_i32 = arith.constant 0 : i32
    %c0_i32_0 = arith.constant 0 : i32
    %c0_i32_1 = arith.constant 0 : i32
    return %c0_i32, %c0_i32_0 : i32, i32
  }
  func.func @transform_6(%arg0: i32) -> i32 {
    %c0_i32 = arith.constant 0 : i32
    %c0_i32_0 = arith.constant 0 : i32
    return %c0_i32 : i32
  }
  func.func @transform_7(%arg0: i32) -> (i32, i32) {
    %c0_i32 = arith.constant 0 : i32
    %c0_i32_0 = arith.constant 0 : i32
    return %arg0, %c0_i32 : i32, i32
  }
  func.func @transform_8(%arg0: i32) -> (i32, i32) {
    %c0_i32 = arith.constant 0 : i32
    %c0_i32_0 = arith.constant 0 : i32
    %c0_i32_1 = arith.constant 0 : i32
    return %c0_i32, %c0_i32_0 : i32, i32
  }
}

module attributes {stable_mosaic.version = 14 : i64} {
  func.func @_mlp3_body(%arg0: i32, %arg1: memref<2000x128xf32, #tpu.memory_space<vmem>>, %arg2: memref<8x128xf32, #tpu.memory_space<vmem>>, %arg3: memref<1x128xf32, #tpu.memory_space<vmem>>, %arg4: memref<1x128xf32, #tpu.memory_space<vmem>>, %arg5: memref<1xf32, #tpu.memory_space<smem>>, %arg6: memref<2000x128xf32, #tpu.memory_space<vmem>>) attributes {dimension_semantics = [#tpu.dimension_semantics<arbitrary>], iteration_bounds = array<i64: 10>, scalar_prefetch = 0 : i64, scratch_operands = 0 : i64, tpu.core_type = #tpu.core_type<tc>, window_params = [{transform_indices = @transform_0, window_bounds = array<i64: 2000, 128>}, {pipeline_mode = #tpu.pipeline_mode<synchronous>, transform_indices = @transform_1, window_bounds = array<i64: 8, 128>}, {pipeline_mode = #tpu.pipeline_mode<synchronous>, transform_indices = @transform_2, window_bounds = array<i64: 1, 128>}, {pipeline_mode = #tpu.pipeline_mode<synchronous>, transform_indices = @transform_3, window_bounds = array<i64: 1, 128>}, {transform_indices = @transform_4, window_bounds = array<i64: 1>}, {transform_indices = @transform_5, window_bounds = array<i64: 2000, 128>}]} {
    %get3A = arith.constant 0 : index
    %get3A_0 = memref.load %arg5[%get3A] : memref<1xf32, #tpu.memory_space<smem>>
    %get3A_1 = arith.constant 0 : index
    %get3A_2 = arith.constant 0 : index
    %get3A_3 = vector.load %arg2[%get3A_1, %get3A_2] : memref<8x128xf32, #tpu.memory_space<vmem>>, vector<1x128xf32>
    %div3A = vector.broadcast %get3A_0 : f32 to vector<1x128xf32>
    %div3A_4 = arith.divf %get3A_3, %div3A : vector<1x128xf32>
    %get3A_5 = arith.constant 1 : index
    %get3A_6 = arith.constant 0 : index
    %get3A_7 = vector.load %arg2[%get3A_5, %get3A_6] : memref<8x128xf32, #tpu.memory_space<vmem>>, vector<1x128xf32>
    %div3A_8 = vector.broadcast %get3A_0 : f32 to vector<1x128xf32>
    %div3A_9 = arith.divf %get3A_7, %div3A_8 : vector<1x128xf32>
    %mul3A = arith.mulf %div3A_4, %div3A_4 : vector<1x128xf32>
    %sub3A = arith.subf %div3A_9, %mul3A : vector<1x128xf32>
    %add3A = arith.constant 9.99999974E-6 : f32
    %add3A_10 = vector.broadcast %add3A : f32 to vector<1x128xf32>
    %add3A_11 = arith.addf %sub3A, %add3A_10 : vector<1x128xf32>
    %rsqrt3A = math.rsqrt %add3A_11 : vector<1x128xf32>
    %get3A_12 = arith.constant 0 : index
    %get3A_13 = arith.constant 0 : index
    %get3A_14 = vector.load %arg1[%get3A_12, %get3A_13] : memref<2000x128xf32, #tpu.memory_space<vmem>>, vector<2000x128xf32>
    %sub3A_15 = vector.broadcast %div3A_4 : vector<1x128xf32> to vector<2000x128xf32>
    %sub3A_16 = arith.subf %get3A_14, %sub3A_15 : vector<2000x128xf32>
    %get3A_17 = arith.constant 0 : index
    %get3A_18 = arith.constant 0 : index
    %get3A_19 = vector.load %arg3[%get3A_17, %get3A_18] : memref<1x128xf32, #tpu.memory_space<vmem>>, vector<1x128xf32>
    %mul3A_20 = arith.mulf %rsqrt3A, %get3A_19 : vector<1x128xf32>
    %mul3A_21 = vector.broadcast %mul3A_20 : vector<1x128xf32> to vector<2000x128xf32>
    %mul3A_22 = arith.mulf %sub3A_16, %mul3A_21 : vector<2000x128xf32>
    %get3A_23 = arith.constant 0 : index
    %get3A_24 = arith.constant 0 : index
    %get3A_25 = vector.load %arg4[%get3A_23, %get3A_24] : memref<1x128xf32, #tpu.memory_space<vmem>>, vector<1x128xf32>
    %add3A_26 = vector.broadcast %get3A_25 : vector<1x128xf32> to vector<2000x128xf32>
    %add3A_27 = arith.addf %mul3A_22, %add3A_26 : vector<2000x128xf32>
    %swap3A = arith.constant 0 : index
    %swap3A_28 = arith.constant 0 : index
    %swap3A_29 = vector.load %arg6[%swap3A, %swap3A_28] : memref<2000x128xf32, #tpu.memory_space<vmem>>, vector<2000x128xf32>
    tpu.vector_store %arg6[%swap3A, %swap3A_28], %add3A_27 {strides = array<i32>} : memref<2000x128xf32, #tpu.memory_space<vmem>>, vector<2000x128xf32>,
    return
  }
  func.func @transform_0(%arg0: i32) -> (i32, i32) {
    %c0_i32 = arith.constant 0 : i32
    %c0_i32_0 = arith.constant 0 : i32
    return %arg0, %c0_i32 : i32, i32
  }
  func.func @transform_1(%arg0: i32) -> (i32, i32) {
    %c0_i32 = arith.constant 0 : i32
    %c0_i32_0 = arith.constant 0 : i32
    %c0_i32_1 = arith.constant 0 : i32
    return %c0_i32, %c0_i32_0 : i32, i32
  }
  func.func @transform_2(%arg0: i32) -> (i32, i32) {
    %c0_i32 = arith.constant 0 : i32
    %c0_i32_0 = arith.constant 0 : i32
    %c0_i32_1 = arith.constant 0 : i32
    return %c0_i32, %c0_i32_0 : i32, i32
  }
  func.func @transform_3(%arg0: i32) -> (i32, i32) {
    %c0_i32 = arith.constant 0 : i32
    %c0_i32_0 = arith.constant 0 : i32
    %c0_i32_1 = arith.constant 0 : i32
    return %c0_i32, %c0_i32_0 : i32, i32
  }
  func.func @transform_4(%arg0: i32) -> i32 {
    %c0_i32 = arith.constant 0 : i32
    %c0_i32_0 = arith.constant 0 : i32
    return %c0_i32 : i32
  }
  func.func @transform_5(%arg0: i32) -> (i32, i32) {
    %c0_i32 = arith.constant 0 : i32
    %c0_i32_0 = arith.constant 0 : i32
    return %arg0, %c0_i32 : i32, i32
  }
}

</mosaic_0001>

<sc_bundles>
// kernel: kernel.12.cloned.1.call-start
scs
__scs_entry_jumppad:
0x0: {  	(pc) =	sbr.rel $0x88, $3  }
0x1: {  	(tag) =	ssettag $0x0;
	lr =	simm.s32 $0x1  }
0x2: {  	[smem:$0x3F93] =	sst lr;
	_ =	strace $0xD0000000  }
0x3: {  	_ = 	snop  }
0x4: {  	_ = 	snop  }
0x5: {  	_ = 	snop  }
0x6: {  	_ = 	snop  }
0x7: {  	_ = 	snop  }
__scs_overlays_trampoline_lowered:
0x8: {  	[smem:$0x3FA2] =	sst s0  }
0x9: {  	[smem:$0x3FA3] =	sst s1  }
0xa: {  	[smem:$0x3FA4] =	sst s2  }
0xb: {  	[smem:$0x3FA5] =	sst s3  }
0xc: {  	[smem:$0x3FA6] =	sst s4  }
0xd: {  	[smem:$0x3FA7] =	sst s5  }
0xe: {  	[smem:$0x3FA8] =	sst s6  }
0xf: {  	[smem:$0x3FA9] =	sst s7  }
0x10: {  	[smem:$0x3FAA] =	sst s8  }
0x11: {  	[smem:$0x3FAB] =	sst s9;
	s0 =	simm.s32 @!p0 $0x0  }
0x12: {  	s1 =	sld [smem:$0x3F91];
	s0 =	simm.s32 @p0 $0x1  }
0x13: {  	[smem:$0x3FAC] =	sst s0;
	s0 =	simm.s32 @!p1 $0x0  }
0x14: {  	s2 =	sld [smem:$0x3F90];
	s0 =	simm.s32 @p1 $0x1  }
0x15: {  	[smem:$0x3FAD] =	sst s0;
	s0 =	simm.s32 @!p2 $0x0  }
0x16: {  	s3 =	sld [smem:$0x3FDB];
	s0 =	simm.s32 @p2 $0x1  }
0x17: {  	s4 =	simm.s32 $0x1BF5;
	[smem:$0x3FAF] =	sst s0  }
0x18: {  	s0 =	sld [smem:$0x3F92];
	_ =	swait.ge [sflag:s4], $0x0  }
0x19: {  	s7 =	sld [smem:$0x3F93]  }
0x1a: {  	s8 =	sadd.s32 $0xFFFFE003, lr  }
0x1b: {  	s9 =	sadd.s32 $0xFFFFFEF7, lr;
	s5 =	simm.s32 $0xFFFFFFFF;
	p2 =	slt.u32 s8, $0xFFFFF086  }
0x1c: {  	p1 =	slt.u32 s9, $0xF7A;
	s5 =	simm.s32 @!p2 $0x0  }
0x1d: {  	s5 =	simm.s32 @p1 $0x1;
	p0 =	seq.s32 s7, s2  }
0x1e: {  	s7 =	smul.u32 @!p0 $0xF7A, s2;
	p2 =	seq.s32 @!p0 s5, $0x0  }
0x1f: {  	s9 =	smul.u32 $0xF7A, s1;
	s8 =	simm.s32 @!p0 $0x1BF5;
	p2 =	por !p2, p0  }
0x20: {  	[sflag:s8] =	ssyncset.s32 @!p0 $0xFFFFF086;
	s6 =	sadd.s32 @!p0 s3, s7;
	s7 =	simm.s32 @!p0 $0x108  }
0x21: {  	s3 =	sadd.s32 s3, s9;
	s6 =	sadd.s32 @!p0 $0x88, s6;
	s7 =	simm.s32 @p2 $0x1082  }
0x22: {  	[simem:s7], [sflag:s8] =	dma.local @!p0 [hbm:s6], $0xF7A  }
0x23: {  	s9 =	sor.u32 $0xD0000000, s2;
	s6 =	simm.s32 $0x108;
	_ =	swait.ge @!p0 [sflag:s8], $0x0  }
0x24: {  	s3 =	sadd.s32 $0x88, s3;
	s6 =	simm.s32 @!p1 $0x1082;
	[sflag:s4] =	ssyncset.s32 $0xFFFFF086  }
0x25: {  	[simem:s6], [sflag:s4] =	dma.local [hbm:s3], $0xF7A  }
0x26: {  	[smem:$0x3F93] =	sst s1;
	(tag) =	ssettag s2;
	_ =	strace s9  }
0x27: {  	s1 =	sld [smem:$0x3FA3]  }
0x28: {  	s2 =	sld [smem:$0x3FA4]  }
0x29: {  	s4 =	sld [smem:$0x3FA6]  }
0x2a: {  	p0 =	seq.s32 s5, $0x0;
	s5 =	sld [smem:$0x3FA7]  }
0x2b: {  	s6 =	sld [smem:$0x3FA8]  }
0x2c: {  	s7 =	sld [smem:$0x3FA9]  }
0x2d: {  	s3 =	simm.s32 $0x108;
	s8 =	sld [smem:$0x3FAA]  }
0x2e: {  	s3 =	simm.s32 @!p0 $0x1082;
	s9 =	sld [smem:$0x3FAB]  }
0x2f: {  	lr =	sadd.s32 s0, s3;
	s0 =	sld [smem:$0x3FA2]  }
0x30: {  	s3 =	sld [smem:$0x3FA5]  }
0x31: {  	[smem:$0x3FAE] =	sst s10  }
0x32: {  	s10 =	sld [smem:$0x3FAC];
	_ =	sdelay $0x3  }
0x33: {  	p0 =	seq.s32 s10, $0x1;
	s10 =	sld [smem:$0x3FAE];
	_ =	sdelay $0x3  }
0x34: {  	[smem:$0x3FAE] =	sst s10  }
0x35: {  	s10 =	sld [smem:$0x3FAD];
	_ =	sdelay $0x3  }
0x36: {  	p1 =	seq.s32 s10, $0x1;
	s10 =	sld [smem:$0x3FAE];
	_ =	sdelay $0x3  }
0x37: {  	[smem:$0x3FAE] =	sst s10  }
0x38: {  	s10 =	sld [smem:$0x3FAF]  }
0x39: {  	_ = 	snop;
	(pc) =	sbr.ind lr, $3  }
0x3a: {  	_ = 	snop  }
0x3b: {  	_ = 	snop  }
0x3c: {  	p2 =	seq.s32 s10, $0x1;
	s10 =	sld [smem:$0x3FAE]  }
0x3d: {  	_ =	shalt  }
0x3e: {  	_ =	shalt  }
0x3f: {  	_ =	shalt  }
0x40: {  	_ =	shalt  }
0x41: {  	_ =	shalt  }
0x42: {  	_ =	shalt  }
0x43: {  	_ =	shalt  }
0x44: {  	_ =	shalt  }
0x45: {  	_ =	shalt  }
0x46: {  	_ =	shalt  }
0x47: {  	_ =	shalt  }
0x48: {  	_ =	shalt  }
0x49: {  	_ =	shalt  }
0x4a: {  	_ =	shalt  }
0x4b: {  	_ =	shalt  }
0x4c: {  	_ =	shalt  }
0x4d: {  	_ =	shalt  }
0x4e: {  	_ =	shalt  }
0x4f: {  	_ =	shalt  }
0x50: {  	_ =	shalt  }
0x51: {  	_ =	shalt  }
0x52: {  	_ =	shalt  }
0x53: {  	_ =	shalt  }
0x54: {  	_ =	shalt  }
0x55: {  	_ =	shalt  }
0x56: {  	_ =	shalt  }
0x57: {  	_ =	shalt  }
0x58: {  	_ =	shalt  }
0x59: {  	_ =	shalt  }
0x5a: {  	_ =	shalt  }
0x5b: {  	_ =	shalt  }
0x5c: {  	_ =	shalt  }
0x5d: {  	_ =	shalt  }
0x5e: {  	_ =	shalt  }
0x5f: {  	_ =	shalt  }
0x60: {  	_ =	shalt  }
0x61: {  	_ =	shalt  }
0x62: {  	_ =	shalt  }
0x63: {  	_ =	shalt  }
0x64: {  	_ =	shalt  }
0x65: {  	_ =	shalt  }
0x66: {  	_ =	shalt  }
0x67: {  	_ =	shalt  }
0x68: {  	_ =	shalt  }
0x69: {  	_ =	shalt  }
0x6a: {  	_ =	shalt  }
0x6b: {  	_ =	shalt  }
0x6c: {  	_ =	shalt  }
0x6d: {  	_ =	shalt  }
0x6e: {  	_ =	shalt  }
0x6f: {  	_ =	shalt  }
0x70: {  	_ =	shalt  }
0x71: {  	_ =	shalt  }
0x72: {  	_ =	shalt  }
0x73: {  	_ =	shalt  }
0x74: {  	_ =	shalt  }
0x75: {  	_ =	shalt  }
0x76: {  	_ =	shalt  }
0x77: {  	_ =	shalt  }
0x78: {  	_ =	shalt  }
0x79: {  	_ =	shalt  }
0x7a: {  	_ =	shalt  }
0x7b: {  	_ =	shalt  }
0x7c: {  	_ =	shalt  }
0x7d: {  	_ =	shalt  }
0x7e: {  	_ =	shalt  }
0x7f: {  	_ =	shalt  }
0x80: {  	_ =	shalt  }
0x81: {  	_ =	shalt  }
0x82: {  	_ =	shalt  }
0x83: {  	_ =	shalt  }
0x84: {  	_ =	shalt  }
0x85: {  	_ =	shalt  }
0x86: {  	_ =	shalt  }
0x87: {  	_ =	shalt  }
.Lfunc_end0:
.L_simem_size_0:
called_computation.1_lowered:
.L_overlay_start_0:
0x88: {  	s2 =	sld [smem:$0x3FD9]  }
0x89: {  	s3 =	sld [smem:$0x3FFE];
	_ =	sdelay $0x1  }
0x8a: {  	s1 =	srdreg.scid  }
0x8b: {  	s0 =	sand.u32 $0x1, s1  }
0x8c: {  	s17 =	sshll.u32 s0, $0xA;
	s2 =	sadd.s32 s3, s2  }
0x8d: {  	s2 =	sadd.s32 s2, s17  }
0x8e: {  	[smem:$0x3FBA] =	sst s2  }
0x8f: {  	_ = 	snop  }
0x90: {  	s2 =	sld [smem:$0x3FD0];
	(tm) =	ssettm $0x1  }
0x91: {  	s18 =	sld [smem:$0x3FFB];
	_ =	sdelay $0x3  }
0x92: {  	_ =	strace s18  }
0x93: {  	s3 =	sld [smem:$0x3FFC];
	_ =	sdelay $0x3  }
0x94: {  	_ =	strace s3  }
0x95: {  	s3 =	sld [smem:$0x3FFD];
	_ =	sdelay $0x3  }
0x96: {  	_ =	strace s3  }
0x97: {  	_ =	strace $0x8FFFFFFF  }
0x98: {  	s19 =	sld [smem:$0x3FDB];
	_ =	sdelay $0x1  }
0x99: {  	s4 =	simm.s32 $_scs_section_size  }
0x9a: {  	s5 =	simm.s32 $_size__tile_overlayer_lowered;
	s6 =	simm.s32 $_tile_overlayer_lowered  }
0x9b: {  	s22 =	simm.s32 $0x1BFF;
	s21 =	sshll.u32 s6, $0x1;
	s3 =	sadd.s32 s4, s19  }
0x9c: {  	s7 =	simm.s32 $0x0;
	s20 =	sshll.u32 s5, $0x1;
	s5 =	sadd.s32 s21, s3  }
0x9d: {  	[timem:s7], [sflag:s22] =	dma.local [hbm:s5], s20  }
0x9e: {  	_ =	swait.ge [sflag:s22], s20  }
0x9f: {  	s4 =	ssub.s32 $0x0, s20;
	[sflag:s22] =	ssyncset.done $0x0  }
0xa0: {  	[sflag:s22] =	ssyncadd.s32 s4;
	_ =	sdelay $0x1  }
0xa1: {  	s23 =	simm.s32 $0x1B8B  }
0xa2: {  	_ =	swait.ge [sflag:s23], $0x1  }
0xa3: {  	[sflag:s23] =	ssyncset.done $0x0  }
0xa4: {  	s25 =	simm.s32 $0x1B8E;
	s24 =	sld [smem:$0x3FFE];
	[sflag:s23] =	ssyncadd.s32 $0xFFFFFFFF  }
0xa5: {  	s26 =	simm.s32 $execute0_lowered;
	[smem:$0x3FD2] =	sst s25  }
0xa6: {  	s5 =	sshll.u32 s26, $0x1;
	_ =	strace $0x80000049;
	[dreg:$0x1] =	wrdreg $0xFFFFFFFF  }
0xa7: {  	s28 =	simm.s32 $_size_execute0_lowered;
	s3 =	sadd.s32 s3, s5;
	[dreg:$0x0] =	wrdreg $0x0  }
0xa8: {  	s5 =	sshll.u32 s28, $0x1;
	[dreg:$0x2] =	wrdreg s3  }
0xa9: {  	[dreg:$0x3] =	wrdreg s5  }
0xaa: {  	[dreg:$0x4] =	wrdreg $0xC0  }
0xab: {  	_ =	task [dreg:s7], $0x5FFFF  }
0xac: {  	[dreg:$0x1] =	wrdreg $0xFFFFFFFF  }
0xad: {  	[dreg:$0x0] =	wrdreg $0x60  }
0xae: {  	[dreg:$0x2] =	wrdreg s2  }
0xaf: {  	[dreg:$0x3] =	wrdreg s24  }
0xb0: {  	[dreg:$0x4] =	wrdreg $0xAF800  }
0xb1: {  	[dreg:$0x5] =	wrdreg $0xA5800  }
0xb2: {  	[dreg:$0x6] =	wrdreg $0xA8000  }
0xb3: {  	[dreg:$0x7] =	wrdreg $0xAA800  }
0xb4: {  	[dreg:$0x8] =	wrdreg $0xAD000  }
0xb5: {  	[dreg:$0x9] =	wrdreg $0x9  }
0xb6: {  	_ =	task.clear_ibuf [dreg:s7], $0xAFFFF;
	_ =	strace $0x90000049  }
0xb7: {  	s29 =	simm.s32 $0x9;
	_ =	strace $0x8000004B  }
0xb8: {  	_ =	swait.ge [sflag:s29], $0x1  }
0xb9: {  	[sflag:s29] =	ssyncadd.s32 $0xFFFFFFFF  }
0xba: {  	_ =	strace $0x9000004B  }
0xbb: {  	_ =	sfence  }
0xbc: {  	s30 =	sld [smem:$0x0];
	_ =	sdelay $0x2  }
0xbd: {  	s31 =	sshll.u32 s1, $0xD;
	s1 =	sshrl.u32 s1, $0x2  }
0xbe: {  	s3 =	sand.u32 $0x4000, s31;
	s1 =	sadd.s32 s1, s30  }
0xbf: {  	s0 =	sor.u32 s3, s0;
	s1 =	sshll.u32 s1, $0x11  }
0xc0: {  	s0 =	sor.u32 s1, s0  }
0xc1: {  	s0 =	sadd.s32 $0x8F2B, s0  }
0xc2: {  	[sflag:s0] =	ssyncadd.remote.s32 $0x1  }
0xc3: {  	_ =	sfence.sel $0xFFFF  }
0xc4: {  	[dreg:$0x0] =	wrdreg $0xFFFFFFFF;
	(pc) =	sbr.abs _section_cstart, $3  }
0xc5: {  	[dreg:$0x1] =	wrdreg $0xFFFFFFFF  }
0xc6: {  	_ =	task.clear_ibuf [dreg:s7], $0x2FFFF;
	_ =	strace $0x9FFFFFFF  }
0xc7: {  	(tm) =	ssettm $0x7FFFFFFF  }
tec
execute0_lowered:
.L_overlay_start_1:
0x0: {  	(tag) =	ssettag $0x1  }
0x1: {  	s0 =	rddreg [dreg:$0x0]  }
0x2: {  	s1 =	rddreg [dreg:$0x1]  }
0x3: {  	s9 =	rddreg [dreg:$0x2]  }
0x4: {  	s3 =	rddreg [dreg:$0x3]  }
0x5: {  	s4 =	rddreg [dreg:$0x4]  }
0x6: {  	s6 =	rddreg [dreg:$0x5]  }
0x7: {  	s7 =	rddreg [dreg:$0x6]  }
0x8: {  	s2 =	srdreg.scid;
	s16 =	stileid.u32;
	s8 =	simm.s32 $0x0  }
0x9: {  	s28 =	simm.s32 $0x900;
	s29 =	simm.s32 $0xA;
	s30 =	simm.s32 $0x980  }
0xa: {  	s31 =	simm.s32 $0x4A00;
	s2 =	sand.u32 $0x1, s2;
	s5 =	smul.u32 $0x280, s16  }
0xb: {  	[smem:$0x7FF] =	sst s8;
	s10 =	sadd.s32 $0xAB1600, s1;
	s13 =	smul.u32 $0x4F, s16  }
0xc: {  	s11 =	sadd.s32 $0x3000, s1;
	_ =	strace $0x8000004A;
	[dreg:$0x8] =	wrdreg s10  }
0xd: {  	s15 =	smul.u32 $0x50000, s16;
	s21 =	ssub.s32 $0x2, s2;
	[dreg:$0xb] =	wrdreg s11  }
0xe: {  	s20 =	smul.u32 $0x2800, s2;
	s12 =	sshrl.u32 s21, $0x1;
	[dreg:$0x9] =	wrdreg s13  }
0xf: {  	s22 =	sadd.s32 $0x4F, s13;
	s13 =	smul.u32 $0x138800, s2;
	s24 =	sadd.s32 s5, s3  }
0x10: {  	s25 =	sadd.s32 s5, s4;
	s26 =	sadd.s32 s5, s6;
	[dreg:$0xd] =	wrdreg s24  }
0x11: {  	s15 =	sshrl.u32 s15, $0x2;
	s8 =	sadd.s32 s5, s20;
	[dreg:$0xe] =	wrdreg s25  }
0x12: {  	s10 =	ssub.s32 s21, s12;
	s12 =	smin.u32 s22, $0x4E2;
	[dreg:$0xf] =	wrdreg s26  }
0x13: {  	s5 =	sadd.s32 s5, s7;
	s20 =	smul.u32 $0x27100, s2;
	[dreg:$0xa] =	wrdreg s12  }
0x14: {  	s8 =	sshll.u32 s8, $0x4;
	[dreg:$0x10] =	wrdreg s5;
	s12 =	sadd.s32 s15, s9  }
0x15: {  	s15 =	smax.u32 s10, $0x1;
	s10 =	sadd.s32 $0x75300, s13;
	s8 =	sadd.s32 s8, s1  }
0x16: {  	s1 =	sshll.u32 s16, $0x4;
	s16 =	smul.u32 $0x2800, s16;
	[dreg:$0x13] =	wrdreg s15  }
0x17: {  	[dreg:$0x11] =	wrdreg s12;
	s14 =	sadd.s32 $0x10, s1;
	s9 =	sadd.s32 $0xCE00, s8  }
0x18: {  	s1 =	sor.u32 $0x1, s1;
	s23 =	smin.u32 s14, $0xFA;
	[dreg:$0x12] =	wrdreg s9  }
0x19: {  	s5 =	sadd.s32 s16, s13;
	s8 =	sadd.s32 s16, s20;
	[smem:$0x7F9] =	sst s1  }
0x1a: {  	[dreg:$0xc] =	wrdreg s23;
	s14 =	sadd.s32 $0x75300, s5;
	s17 =	sadd.s32 $0x4E200, s5  }
0x1b: {  	s19 =	sadd.s32 $0x27100, s5;
	s22 =	sshrl.u32 s5, $0x3;
	s23 =	sshrl.u32 s8, $0x3  }
0x1c: {  	s25 =	sadd.s32 $0x200, s8;
	s26 =	sadd.s32 $0x180, s8;
	s9 =	sadd.s32 $0x100, s8  }
0x1d: {  	s2 =	sshrl.u32 s14, $0x3;
	s18 =	sshrl.u32 s17, $0x3;
	s21 =	sshrl.u32 s19, $0x3  }
0x1e: {  	s24 =	sadd.s32 s23, s11;
	s14 =	sshrl.u32 s26, $0x3;
	s16 =	sshrl.u32 s9, $0x3  }
0x1f: {  	s19 =	sadd.s32 $0x4E480, s5;
	s26 =	sadd.s32 $0x280, s8;
	s9 =	sadd.s32 $0x480, s8  }
0x20: {  	s2 =	sadd.s32 s2, s0;
	[dreg:$0x18] =	wrdreg s24;
	s17 =	sadd.s32 s16, s11  }
0x21: {  	s15 =	sshrl.u32 s9, $0x3;
	s9 =	simm.s32 $0x0;
	[dreg:$0x14] =	wrdreg s2  }
0x22: {  	s2 =	sadd.s32 s18, s0;
	[dreg:$0x1b] =	wrdreg s17;
	s18 =	sadd.s32 $0x75580, s5  }
0x23: {  	s16 =	sadd.s32 s15, s11;
	s17 =	sadd.s32 $0x400, s8;
	[dreg:$0x15] =	wrdreg s2  }
0x24: {  	s15 =	simm.s32 $0x4;
	s2 =	sadd.s32 s21, s0;
	[smem:$0x7F5] =	sst s16  }
0x25: {  	s21 =	sadd.s32 $0x27380, s5;
	[dreg:$0x16] =	wrdreg s2;
	s2 =	sadd.s32 s22, s0  }
0x26: {  	s22 =	sshrl.u32 s19, $0x3;
	s23 =	sshrl.u32 s21, $0x3;
	[dreg:$0x17] =	wrdreg s2  }
0x27: {  	s2 =	sshrl.u32 s25, $0x3;
	s24 =	sadd.s32 s23, s0;
	s25 =	sor.u32 $0x280, s5  }
0x28: {  	s23 =	sadd.s32 $0x4000, s12;
	s5 =	simm.s32 $0x2;
	[dreg:$0x1e] =	wrdreg s24  }
0x29: {  	s2 =	sadd.s32 s2, s11;
	[smem:$0x7FA] =	sst s23;
	s24 =	sadd.s32 $0x8000, s12  }
0x2a: {  	s23 =	simm.s32 $0xA00;
	[dreg:$0x19] =	wrdreg s2;
	s2 =	sadd.s32 s14, s11  }
0x2b: {  	s14 =	sshrl.u32 s26, $0x3;
	[smem:$0x7FB] =	sst s24;
	s26 =	sadd.s32 $0x10000, s12  }
0x2c: {  	s24 =	simm.s32 $0x1;
	[dreg:$0x1a] =	wrdreg s2;
	s2 =	sshrl.u32 s18, $0x3  }
0x2d: {  	s18 =	sadd.s32 $0x380, s8;
	s8 =	sadd.s32 $0x300, s8;
	[smem:$0x7FD] =	sst s26  }
0x2e: {  	s26 =	simm.s32 $0x80;
	s2 =	sadd.s32 s2, s0;
	s19 =	sshrl.u32 s18, $0x3  }
0x2f: {  	s21 =	sshrl.u32 s8, $0x3;
	[dreg:$0x1c] =	wrdreg s2;
	s2 =	sadd.s32 s22, s0  }
0x30: {  	s22 =	sadd.s32 s21, s11;
	[dreg:$0x1d] =	wrdreg s2;
	s2 =	sshrl.u32 s25, $0x3  }
0x31: {  	s8 =	sadd.s32 $0x27100, s13;
	[smem:$0x7F8] =	sst s22;
	s2 =	sadd.s32 s2, s0  }
.Ltmp0:
0x32: {  	[dreg:$0x1f] =	wrdreg s2;
	s2 =	sadd.s32 s14, s11;
	(pc) =	sbr.rel .LBB2_1-.Ltmp0, $4  }
0x33: {  	v0 =	vlaneseq.u32;
	s25 =	sadd.s32 $0xC000, s12;
	[smem:$0x7F4] =	sst s2;
	s2 =	sshrl.u32 s17, $0x3  }
0x34: {  	v1 =	vimm.f32 $0.0e+00;
	v2 =	vor.u32 $0x10, v0;
	[smem:$0x7FC] =	sst s25;
	s25 =	simm.s32 $0x3;
	s2 =	sadd.s32 s2, s11  }
0x35: {  	v3 =	vor.u32 $0x20, v0;
	v4 =	vor.u32 $0x30, v0;
	v5 =	vor.u32 $0x40, v0;
	[smem:$0x7F6] =	sst s2;
	s2 =	sadd.s32 s19, s11;
	s11 =	simm.s32 $0xB  }
0x36: {  	v6 =	vor.u32 $0x50, v0;
	v7 =	vor.u32 $0x60, v0;
	v8 =	vor.u32 $0x70, v0;
	s19 =	simm.s32 $0x9;
	[smem:$0x7F7] =	sst s2;
	s2 =	sadd.s32 $0x4E200, s13  }
.LBB2_19:
0x37: {  	s1 =	stileid.u32;
	[bflag:$0x0] =	sbarrier.arrive $0xFFFF  }
0x38: {  	s1 =	sshll.u32 s1, $0x6;
	s12 =	rddreg [dreg:$0x11]  }
0x39: {  	s11 =	rddreg [dreg:$0x12];
	s1 =	sor.u32 $0x1C0B, s1;
	s9 =	sshrl.u32 s12, $0x3  }
0x3a: {  	[hbm:s11], [sflag:s1] =	dma.local [spmem:s9], $0x2800  }
0x3b: {  	s11 =	simm.s32 $0xB  }
0x3c: {  	_ =	swait.ge [sflag:s11], $0x2800  }
0x3d: {  	s21 =	sld [smem:$0x7F3];
	_ =	sdelay $0x2  }
0x3e: {  	s22 =	rddreg [dreg:$0x13];
	s9 =	sadd.s32 $0x1, s21  }
0x3f: {  	p0 =	sne.s32 s9, s22  }
.Ltmp1:
0x40: {  	_ = 	snop;
	(pc) =	sbr.rel @!p0 .LBB2_20-.Ltmp1, $3  }
0x41: {  	_ =	sdelay $0x1  }
0x42: {  	[sflag:s11] =	ssyncset.done $0x0  }
0x43: {  	[sflag:s11] =	ssyncadd.s32 $0xFFFFD800  }
.LBB2_1:
0x44: {  	[tilespmem:$0xA300] =	vst v1  }
0x45: {  	[tilespmem:$0xA310] =	vst v1  }
0x46: {  	[tilespmem:$0xA320] =	vst v1  }
0x47: {  	[tilespmem:$0xA330] =	vst v1  }
0x48: {  	[tilespmem:$0xA340] =	vst v1  }
0x49: {  	[tilespmem:$0xA350] =	vst v1  }
0x4a: {  	[tilespmem:$0xA360] =	vst v1  }
0x4b: {  	[tilespmem:$0xA370] =	vst v1  }
0x4c: {  	[tilespmem:$0xA380] =	vst v1  }
0x4d: {  	[tilespmem:$0xA390] =	vst v1  }
0x4e: {  	[tilespmem:$0xA3A0] =	vst v1  }
0x4f: {  	[tilespmem:$0xA3B0] =	vst v1  }
0x50: {  	[tilespmem:$0xA3C0] =	vst v1  }
0x51: {  	[tilespmem:$0xA3D0] =	vst v1  }
0x52: {  	[tilespmem:$0xA3E0] =	vst v1  }
0x53: {  	[tilespmem:$0xA3F0] =	vst v1  }
0x54: {  	[tilespmem:$0xA400] =	vst v1  }
0x55: {  	[tilespmem:$0xA410] =	vst v1  }
0x56: {  	[tilespmem:$0xA420] =	vst v1  }
0x57: {  	[tilespmem:$0xA430] =	vst v1  }
0x58: {  	[tilespmem:$0xA440] =	vst v1  }
0x59: {  	[tilespmem:$0xA450] =	vst v1  }
0x5a: {  	[tilespmem:$0xA460] =	vst v1  }
0x5b: {  	[tilespmem:$0xA470] =	vst v1  }
0x5c: {  	[tilespmem:$0xA480] =	vst v1  }
0x5d: {  	[tilespmem:$0xA490] =	vst v1  }
0x5e: {  	[tilespmem:$0xA4A0] =	vst v1  }
0x5f: {  	[tilespmem:$0xA4B0] =	vst v1  }
0x60: {  	[tilespmem:$0xA4C0] =	vst v1  }
0x61: {  	[tilespmem:$0xA4D0] =	vst v1  }
0x62: {  	[tilespmem:$0xA4E0] =	vst v1  }
0x63: {  	[tilespmem:$0xA4F0] =	vst v1  }
0x64: {  	[tilespmem:$0xA500] =	vst v1  }
0x65: {  	[tilespmem:$0xA510] =	vst v1  }
0x66: {  	[tilespmem:$0xA520] =	vst v1;
	s17 =	simm.s32 $0x0  }
0x67: {  	[tilespmem:$0xA530] =	vst v1;
	v9 =	vld [tilespmem:$0xA300];
	v10 =	vor.u32 s17, v0  }
0x68: {  	[tilespmem:$0xA540] =	vst v1;
	v11 =	vor.u32 s17, v2  }
0x69: {  	[tilespmem:$0xA550] =	vst v1;
	v12 =	vor.u32 s17, v3  }
0x6a: {  	[tilespmem:$0xA560] =	vst v1;
	v13 =	vor.u32 s17, v4  }
0x6b: {  	[tilespmem:$0xA570] =	vst v1;
	v14 =	vor.u32 s17, v5  }
0x6c: {  	[tilespmem:v10+s23+$0x0] =	vst.idx.msk $0xffff, v9;
	v10 =	vor.u32 s17, v6  }
0x6d: {  	[tilespmem:v11+s23+$0x0] =	vst.idx.msk $0xffff, v9  }
0x6e: {  	[tilespmem:v12+s23+$0x0] =	vst.idx.msk $0xffff, v9  }
0x6f: {  	v11 =	vor.u32 s17, v7;
	[tilespmem:v13+s23+$0x0] =	vst.idx.msk $0xffff, v9  }
0x70: {  	[tilespmem:v14+s23+$0x0] =	vst.idx.msk $0xffff, v9  }
0x71: {  	[tilespmem:v10+s23+$0x0] =	vst.idx.msk $0xffff, v9;
	v10 =	vor.u32 s17, v8;
	_ =	sdelay $0x2  }
0x72: {  	[smem:$0x7F3] =	sst s9;
	s1 =	simm.s32 $0x1;
	s16 =	simm.s32 $0x2;
	[tilespmem:v11+s23+$0x0] =	vst.idx.msk $0xffff, v9  }
.LBB2_2:
0x73: {  	p0 =	sne.s32 s16, $0x7F  }
0x74: {  	s17 =	sshll.u32 s1, $0x7;
	[tilespmem:v10+s23+$0x0] =	vst.idx.msk $0xffff, v9;
	s1 =	smov.u32 s16;
	s16 =	sadd.s32 $0x1, s16  }
0x75: {  	v9 =	vld [tilespmem:$0xA300];
	v10 =	vor.u32 s17, v0  }
0x76: {  	v11 =	vor.u32 s17, v2  }
0x77: {  	v12 =	vor.u32 s17, v3  }
0x78: {  	v13 =	vor.u32 s17, v4  }
0x79: {  	v14 =	vor.u32 s17, v5  }
0x7a: {  	v15 =	vor.u32 s17, v6;
	[tilespmem:v10+s23+$0x0] =	vst.idx.msk $0xffff, v9  }
0x7b: {  	[tilespmem:v11+s23+$0x0] =	vst.idx.msk $0xffff, v9;
	v11 =	vor.u32 s17, v7  }
.Ltmp2:
0x7c: {  	v10 =	vor.u32 s17, v8;
	[tilespmem:v12+s23+$0x0] =	vst.idx.msk $0xffff, v9;
	(pc) =	sbr.rel @p0 .LBB2_2-.Ltmp2, $4  }
0x7d: {  	[tilespmem:v13+s23+$0x0] =	vst.idx.msk $0xffff, v9  }
0x7e: {  	[tilespmem:v14+s23+$0x0] =	vst.idx.msk $0xffff, v9  }
0x7f: {  	[tilespmem:v15+s23+$0x0] =	vst.idx.msk $0xffff, v9  }
0x80: {  	[tilespmem:v11+s23+$0x0] =	vst.idx.msk $0xffff, v9  }
0x81: {  	_ =	sdelay $0x3  }
0x82: {  	s1 =	sshll.u32 s1, $0x7;
	[tilespmem:v10+s23+$0x0] =	vst.idx.msk $0xffff, v9  }
0x83: {  	v9 =	vld [tilespmem:$0xA300];
	v10 =	vor.u32 s1, v0  }
0x84: {  	v11 =	vor.u32 s1, v2  }
0x85: {  	v12 =	vor.u32 s1, v3  }
0x86: {  	v13 =	vor.u32 s1, v4  }
0x87: {  	v14 =	vor.u32 s1, v5  }
0x88: {  	[tilespmem:v10+s23+$0x0] =	vst.idx.msk $0xffff, v9;
	v10 =	vor.u32 s1, v6  }
0x89: {  	[tilespmem:v11+s23+$0x0] =	vst.idx.msk $0xffff, v9;
	v11 =	vor.u32 s1, v7  }
0x8a: {  	v63 =	vor.u32 s1, v8;
	[tilespmem:v12+s23+$0x0] =	vst.idx.msk $0xffff, v9  }
0x8b: {  	[tilespmem:v13+s23+$0x0] =	vst.idx.msk $0xffff, v9  }
0x8c: {  	[tilespmem:v14+s23+$0x0] =	vst.idx.msk $0xffff, v9  }
0x8d: {  	[tilespmem:v10+s23+$0x0] =	vst.idx.msk $0xffff, v9  }
0x8e: {  	[tilespmem:v11+s23+$0x0] =	vst.idx.msk $0xffff, v9  }
0x8f: {  	s21 =	rddreg [dreg:$0xd];
	s9 =	simm.s32 $0xA300;
	[tilespmem:v63+s23+$0x0] =	vst.idx.msk $0xffff, v9  }
0x90: {  	[spmem:s21] =	stream.linear.scatter [tilespmem:s9], [sflag:$0xB], $0x280, $0x38;
	[tilespmem:$0x1EF80] =	vst v63  }
0x91: {  	_ =	swait.ge [sflag:s11], $0x280  }
0x92: {  	[sflag:s11] =	ssyncset.done $0x0  }
0x93: {  	s22 =	rddreg [dreg:$0xe];
	[sflag:s11] =	ssyncadd.s32 $0xFFFFFD80  }
0x94: {  	[spmem:s22] =	stream.linear.scatter [tilespmem:s9], [sflag:$0xB], $0x280, $0x38;
	[tilespmem:$0x1EF80] =	vst v63  }
0x95: {  	_ =	swait.ge [sflag:s11], $0x280  }
0x96: {  	[sflag:s11] =	ssyncset.done $0x0  }
0x97: {  	s14 =	rddreg [dreg:$0xf];
	[sflag:s11] =	ssyncadd.s32 $0xFFFFFD80  }
0x98: {  	[spmem:s14] =	stream.linear.scatter [tilespmem:s9], [sflag:$0xB], $0x280, $0x38;
	[tilespmem:$0x1EF80] =	vst v63  }
0x99: {  	_ =	swait.ge [sflag:s11], $0x280  }
0x9a: {  	[sflag:s11] =	ssyncset.done $0x0  }
0x9b: {  	s16 =	rddreg [dreg:$0x10];
	[sflag:s11] =	ssyncadd.s32 $0xFFFFFD80  }
0x9c: {  	[spmem:s16] =	stream.linear.scatter [tilespmem:s9], [sflag:$0xB], $0x280, $0x38;
	[tilespmem:$0x1EF80] =	vst v63  }
0x9d: {  	_ =	swait.ge [sflag:s11], $0x280  }
0x9e: {  	[sflag:s11] =	ssyncset.done $0x0  }
0x9f: {  	[sflag:s11] =	ssyncadd.s32 $0xFFFFFD80  }
0xa0: {  	[spmem:s12] =	stream.linear.scatter [tilespmem:s23], [sflag:$0xB], $0x4000, $0x38;
	[tilespmem:$0x1EF80] =	vst v63  }
0xa1: {  	_ =	swait.ge [sflag:s11], $0x4000  }
0xa2: {  	s17 =	sld [smem:$0x7FA]  }
0xa3: {  	[sflag:s11] =	ssyncset.done $0x0  }
0xa4: {  	[sflag:s11] =	ssyncadd.s32 $0xFFFFC000  }
0xa5: {  	[spmem:s17] =	stream.linear.scatter [tilespmem:s23], [sflag:$0xB], $0x4000, $0x38;
	[tilespmem:$0x1EF80] =	vst v63  }
0xa6: {  	_ =	swait.ge [sflag:s11], $0x4000  }
0xa7: {  	s18 =	sld [smem:$0x7FB]  }
0xa8: {  	[sflag:s11] =	ssyncset.done $0x0  }
0xa9: {  	[sflag:s11] =	ssyncadd.s32 $0xFFFFC000  }
0xaa: {  	[spmem:s18] =	stream.linear.scatter [tilespmem:s23], [sflag:$0xB], $0x4000, $0x38;
	[tilespmem:$0x1EF80] =	vst v63  }
0xab: {  	_ =	swait.ge [sflag:s11], $0x4000  }
0xac: {  	s21 =	sld [smem:$0x7FC]  }
0xad: {  	[sflag:s11] =	ssyncset.done $0x0  }
0xae: {  	[sflag:s11] =	ssyncadd.s32 $0xFFFFC000  }
0xaf: {  	[spmem:s21] =	stream.linear.scatter [tilespmem:s23], [sflag:$0xB], $0x4000, $0x38;
	[tilespmem:$0x1EF80] =	vst v63  }
0xb0: {  	_ =	swait.ge [sflag:s11], $0x4000  }
0xb1: {  	s22 =	sld [smem:$0x7FD]  }
0xb2: {  	[sflag:s11] =	ssyncset.done $0x0  }
0xb3: {  	[sflag:s11] =	ssyncadd.s32 $0xFFFFC000  }
0xb4: {  	[spmem:s22] =	stream.linear.scatter [tilespmem:s23], [sflag:$0xB], $0x4000, $0x38;
	[tilespmem:$0x1EF80] =	vst v63  }
0xb5: {  	_ =	swait.ge [sflag:s11], $0x4000  }
0xb6: {  	[sflag:s11] =	ssyncset.done $0x0  }
0xb7: {  	[sflag:s11] =	ssyncadd.s32 $0xFFFFC000  }
.Ltmp3:
0xb8: {  	[bflag:$0x0] =	sbarrier.arrive $0xFFFF;
	(pc) =	sbr.rel .LBB2_4-.Ltmp3, $4  }
0xb9: {  	s16 =	sld [smem:$0x7F9]  }
0xba: {  	s9 =	rddreg [dreg:$0xc]  }
0xbb: {  	s11 =	rddreg [dreg:$0x14]  }
0xbc: {  	s1 =	simm.s32 $0x0;
	s12 =	rddreg [dreg:$0x15]  }
.LBB2_8:
0xbd: {  	s17 =	simm.s32 @!p1 $0x5  }
0xbe: {  	_ =	swait.ge @!p1 [sflag:s17], $0x80  }
0xbf: {  	[sflag:s17] =	ssyncset.done @!p1 $0x0  }
0xc0: {  	[sflag:s17] =	ssyncadd.s32 @!p1 $0xFFFFFF80  }
0xc1: {  	_ =	swait.ge @!p1 [sflag:s17], $0x80  }
0xc2: {  	[sflag:s17] =	ssyncset.done @!p1 $0x0  }
0xc3: {  	[sflag:s17] =	ssyncadd.s32 @!p1 $0xFFFFFF80  }
0xc4: {  	_ =	swait.ge @!p1 [sflag:s17], $0x80  }
0xc5: {  	[sflag:s17] =	ssyncset.done @!p1 $0x0  }
0xc6: {  	[sflag:s17] =	ssyncadd.s32 @!p1 $0xFFFFFF80  }
0xc7: {  	_ =	swait.ge @!p1 [sflag:s17], $0x80  }
0xc8: {  	[sflag:s17] =	ssyncset.done @!p1 $0x0  }
0xc9: {  	[sflag:s17] =	ssyncadd.s32 @!p1 $0xFFFFFF80  }
0xca: {  	_ =	swait.ge @!p1 [sflag:s17], $0x80  }
0xcb: {  	[sflag:s17] =	ssyncset.done @!p1 $0x0  }
0xcc: {  	[sflag:s17] =	ssyncadd.s32 @!p1 $0xFFFFFF80  }
0xcd: {  	_ =	swait.ge @!p1 [sflag:s17], $0x80  }
0xce: {  	[sflag:s17] =	ssyncset.done @!p1 $0x0  }
0xcf: {  	[sflag:s17] =	ssyncadd.s32 @!p1 $0xFFFFFF80  }
0xd0: {  	_ =	swait.ge @!p1 [sflag:s17], $0x80  }
0xd1: {  	[sflag:s17] =	ssyncset.done @!p1 $0x0  }
0xd2: {  	[sflag:s17] =	ssyncadd.s32 @!p1 $0xFFFFFF80  }
0xd3: {  	_ =	swait.ge @!p1 [sflag:s17], $0x80  }
0xd4: {  	[sflag:s17] =	ssyncset.done @!p1 $0x0  }
0xd5: {  	[sflag:s17] =	ssyncadd.s32 @!p1 $0xFFFFFF80  }
0xd6: {  	_ =	swait.ge @!p1 [sflag:s17], $0x80  }
0xd7: {  	[sflag:s17] =	ssyncset.done @!p1 $0x0  }
0xd8: {  	[sflag:s17] =	ssyncadd.s32 @!p1 $0xFFFFFF80  }
0xd9: {  	_ =	swait.ge @!p1 [sflag:s17], $0x80  }
0xda: {  	[sflag:s17] =	ssyncset.done @!p1 $0x0  }
0xdb: {  	[sflag:s17] =	ssyncadd.s32 @!p1 $0xFFFFFF80  }
0xdc: {  	_ =	swait.ge @!p1 [sflag:s17], $0x80  }
0xdd: {  	[sflag:s17] =	ssyncset.done @!p1 $0x0  }
0xde: {  	[sflag:s17] =	ssyncadd.s32 @!p1 $0xFFFFFF80  }
0xdf: {  	_ =	swait.ge @!p1 [sflag:s17], $0x80  }
0xe0: {  	[sflag:s17] =	ssyncset.done @!p1 $0x0  }
0xe1: {  	[sflag:s17] =	ssyncadd.s32 @!p1 $0xFFFFFF80  }
0xe2: {  	_ =	swait.ge @!p1 [sflag:s17], $0x80  }
0xe3: {  	[sflag:s17] =	ssyncset.done @!p1 $0x0  }
0xe4: {  	[sflag:s17] =	ssyncadd.s32 @!p1 $0xFFFFFF80  }
0xe5: {  	_ =	swait.ge @!p1 [sflag:s17], $0x80  }
0xe6: {  	[sflag:s17] =	ssyncset.done @!p1 $0x0  }
0xe7: {  	[sflag:s17] =	ssyncadd.s32 @!p1 $0xFFFFFF80  }
0xe8: {  	_ =	swait.ge @!p1 [sflag:s17], $0x80  }
0xe9: {  	[sflag:s17] =	ssyncset.done @!p1 $0x0  }
0xea: {  	[sflag:s17] =	ssyncadd.s32 @!p1 $0xFFFFFF80  }
0xeb: {  	_ =	swait.ge @!p1 [sflag:s17], $0x80  }
0xec: {  	[sflag:s17] =	ssyncset.done @!p1 $0x0  }
0xed: {  	[sflag:s17] =	ssyncadd.s32 @!p1 $0xFFFFFF80  }
0xee: {  	_ =	swait.ge @!p1 [sflag:s17], $0x80  }
0xef: {  	[sflag:s17] =	ssyncset.done @!p1 $0x0  }
0xf0: {  	[sflag:s17] =	ssyncadd.s32 @!p1 $0xFFFFFF80  }
0xf1: {  	_ =	swait.ge @!p1 [sflag:s17], $0x80  }
0xf2: {  	[sflag:s17] =	ssyncset.done @!p1 $0x0  }
0xf3: {  	[sflag:s17] =	ssyncadd.s32 @!p1 $0xFFFFFF80  }
0xf4: {  	_ =	swait.ge @!p1 [sflag:s17], $0x80  }
0xf5: {  	[sflag:s17] =	ssyncset.done @!p1 $0x0  }
0xf6: {  	[sflag:s17] =	ssyncadd.s32 @!p1 $0xFFFFFF80  }
0xf7: {  	_ =	swait.ge @!p1 [sflag:s17], $0x80  }
0xf8: {  	[sflag:s17] =	ssyncset.done @!p1 $0x0  }
0xf9: {  	[sflag:s17] =	ssyncadd.s32 @!p1 $0xFFFFFF80;
	s17 =	simm.s32 @!p0 $0x6  }
0xfa: {  	_ =	swait.ge @!p0 [sflag:s17], $0x80  }
0xfb: {  	[sflag:s17] =	ssyncset.done @!p0 $0x0  }
0xfc: {  	[sflag:s17] =	ssyncadd.s32 @!p0 $0xFFFFFF80  }
0xfd: {  	_ =	swait.ge @!p0 [sflag:s17], $0x80  }
0xfe: {  	[sflag:s17] =	ssyncset.done @!p0 $0x0  }
0xff: {  	[sflag:s17] =	ssyncadd.s32 @!p0 $0xFFFFFF80  }
0x100: {  	_ =	swait.ge @!p0 [sflag:s17], $0x80  }
0x101: {  	[sflag:s17] =	ssyncset.done @!p0 $0x0  }
0x102: {  	[sflag:s17] =	ssyncadd.s32 @!p0 $0xFFFFFF80  }
0x103: {  	_ =	swait.ge @!p0 [sflag:s17], $0x80  }
0x104: {  	[sflag:s17] =	ssyncset.done @!p0 $0x0  }
0x105: {  	[sflag:s17] =	ssyncadd.s32 @!p0 $0xFFFFFF80  }
0x106: {  	_ =	swait.ge @!p0 [sflag:s17], $0x80  }
0x107: {  	[sflag:s17] =	ssyncset.done @!p0 $0x0  }
0x108: {  	[sflag:s17] =	ssyncadd.s32 @!p0 $0xFFFFFF80  }
0x109: {  	_ =	swait.ge @!p0 [sflag:s17], $0x80  }
0x10a: {  	[sflag:s17] =	ssyncset.done @!p0 $0x0  }
0x10b: {  	[sflag:s17] =	ssyncadd.s32 @!p0 $0xFFFFFF80  }
0x10c: {  	_ =	swait.ge @!p0 [sflag:s17], $0x80  }
0x10d: {  	[sflag:s17] =	ssyncset.done @!p0 $0x0  }
0x10e: {  	[sflag:s17] =	ssyncadd.s32 @!p0 $0xFFFFFF80  }
0x10f: {  	_ =	swait.ge @!p0 [sflag:s17], $0x80  }
0x110: {  	[sflag:s17] =	ssyncset.done @!p0 $0x0  }
0x111: {  	[sflag:s17] =	ssyncadd.s32 @!p0 $0xFFFFFF80  }
0x112: {  	_ =	swait.ge @!p0 [sflag:s17], $0x80  }
0x113: {  	[sflag:s17] =	ssyncset.done @!p0 $0x0  }
0x114: {  	[sflag:s17] =	ssyncadd.s32 @!p0 $0xFFFFFF80  }
0x115: {  	_ =	swait.ge @!p0 [sflag:s17], $0x80  }
0x116: {  	[sflag:s17] =	ssyncset.done @!p0 $0x0  }
0x117: {  	[sflag:s17] =	ssyncadd.s32 @!p0 $0xFFFFFF80  }
0x118: {  	_ =	swait.ge @!p0 [sflag:s17], $0x80  }
0x119: {  	[sflag:s17] =	ssyncset.done @!p0 $0x0  }
0x11a: {  	[sflag:s17] =	ssyncadd.s32 @!p0 $0xFFFFFF80  }
0x11b: {  	_ =	swait.ge @!p0 [sflag:s17], $0x80  }
0x11c: {  	[sflag:s17] =	ssyncset.done @!p0 $0x0  }
0x11d: {  	[sflag:s17] =	ssyncadd.s32 @!p0 $0xFFFFFF80  }
0x11e: {  	_ =	swait.ge @!p0 [sflag:s17], $0x80  }
0x11f: {  	[sflag:s17] =	ssyncset.done @!p0 $0x0  }
0x120: {  	[sflag:s17] =	ssyncadd.s32 @!p0 $0xFFFFFF80  }
0x121: {  	_ =	swait.ge @!p0 [sflag:s17], $0x80  }
0x122: {  	[sflag:s17] =	ssyncset.done @!p0 $0x0  }
0x123: {  	[sflag:s17] =	ssyncadd.s32 @!p0 $0xFFFFFF80  }
0x124: {  	_ =	swait.ge @!p0 [sflag:s17], $0x80  }
0x125: {  	[sflag:s17] =	ssyncset.done @!p0 $0x0  }
0x126: {  	[sflag:s17] =	ssyncadd.s32 @!p0 $0xFFFFFF80  }
0x127: {  	_ =	swait.ge @!p0 [sflag:s17], $0x80  }
0x128: {  	[sflag:s17] =	ssyncset.done @!p0 $0x0  }
0x129: {  	[sflag:s17] =	ssyncadd.s32 @!p0 $0xFFFFFF80  }
0x12a: {  	_ =	swait.ge @!p0 [sflag:s17], $0x80  }
0x12b: {  	[sflag:s17] =	ssyncset.done @!p0 $0x0  }
0x12c: {  	[sflag:s17] =	ssyncadd.s32 @!p0 $0xFFFFFF80  }
0x12d: {  	_ =	swait.ge @!p0 [sflag:s17], $0x80  }
0x12e: {  	[sflag:s17] =	ssyncset.done @!p0 $0x0  }
0x12f: {  	s1 =	sadd.s32 $0xA0, s1;
	[sflag:s17] =	ssyncadd.s32 @!p0 $0xFFFFFF80  }
0x130: {  	p1 =	sne.s32 s1, $0x500;
	_ =	swait.ge @!p0 [sflag:s17], $0x80  }
.Ltmp4:
0x131: {  	[sflag:s17] =	ssyncset.done @!p0 $0x0;
	(pc) =	sbr.rel @!p1 .LBB2_9-.Ltmp4, $4  }
0x132: {  	[sflag:s17] =	ssyncadd.s32 @!p0 $0xFFFFFF80  }
0x133: {  	_ =	swait.ge @!p0 [sflag:s17], $0x80  }
0x134: {  	[sflag:s17] =	ssyncset.done @!p0 $0x0  }
0x135: {  	s16 =	sadd.s32 $0x2, s16;
	[sflag:s17] =	ssyncadd.s32 @!p0 $0xFFFFFF80  }
.LBB2_4:
0x136: {  	s17 =	sadd.s32 $0xFFFFFFFF, s16  }
0x137: {  	s14 =	rddreg [dreg:$0x18];
	p1 =	sge.u32 s17, s9  }
0x138: {  	s17 =	sadd.s32 @!p1 s1, s14;
	s18 =	simm.s32 @!p1 $0x0;
	s21 =	simm.s32 @!p1 $0x8A00  }
0x139: {  	[tilespmem:s21], [sflag:$0x1] =	stream.linear.gather @!p1 [hbm4b:s17+s18], $0x80, $0x38;
	[tilespmem:$0x1EF80] =	vst v63  }
0x13a: {  	s14 =	rddreg [dreg:$0x1b];
	s17 =	sadd.s32 @!p1 $0x10, s17;
	s21 =	simm.s32 @!p1 $0x8A80  }
0x13b: {  	[tilespmem:s21], [sflag:$0x1] =	stream.linear.gather @!p1 [hbm4b:s17+s18], $0x80, $0x38;
	[tilespmem:$0x1EF80] =	vst v63  }
0x13c: {  	s17 =	sadd.s32 @!p1 s1, s14;
	s21 =	simm.s32 @!p1 $0x8B00;
	s14 =	rddreg [dreg:$0x1a]  }
0x13d: {  	[tilespmem:s21], [sflag:$0x1] =	stream.linear.gather @!p1 [hbm4b:s17+s18], $0x80, $0x38;
	[tilespmem:$0x1EF80] =	vst v63  }
0x13e: {  	s17 =	sadd.s32 @!p1 s1, s14;
	s21 =	simm.s32 @!p1 $0x8B80;
	s14 =	rddreg [dreg:$0x19]  }
0x13f: {  	[tilespmem:s21], [sflag:$0x1] =	stream.linear.gather @!p1 [hbm4b:s17+s18], $0x80, $0x38;
	[tilespmem:$0x1EF80] =	vst v63  }
0x140: {  	s17 =	sadd.s32 @!p1 s1, s14;
	s21 =	simm.s32 @!p1 $0x8C00;
	s14 =	rddreg [dreg:$0x17]  }
0x141: {  	[tilespmem:s21], [sflag:$0x1] =	stream.linear.gather @!p1 [hbm4b:s17+s18], $0x80, $0x38;
	[tilespmem:$0x1EF80] =	vst v63  }
0x142: {  	s17 =	sadd.s32 @!p1 s1, s14;
	s21 =	simm.s32 @!p1 $0x8F00;
	s14 =	rddreg [dreg:$0x16]  }
0x143: {  	[tilespmem:s21], [sflag:$0x3] =	stream.linear.gather @!p1 [hbm4b:s17+s18], $0x280, $0x38;
	[tilespmem:$0x1EF80] =	vst v63  }
0x144: {  	s17 =	sadd.s32 @!p1 s1, s14;
	s21 =	simm.s32 @!p1 $0x9180  }
0x145: {  	[tilespmem:s21], [sflag:$0x3] =	stream.linear.gather @!p1 [hbm4b:s17+s18], $0x280, $0x38;
	[tilespmem:$0x1EF80] =	vst v63  }
0x146: {  	s14 =	sld [smem:$0x7F4];
	s17 =	sadd.s32 @!p1 s1, s12;
	s21 =	simm.s32 @!p1 $0x9400  }
0x147: {  	[tilespmem:s21], [sflag:$0x3] =	stream.linear.gather @!p1 [hbm4b:s17+s18], $0x280, $0x38;
	[tilespmem:$0x1EF80] =	vst v63  }
0x148: {  	p0 =	sge.u32 s16, s9;
	s17 =	sadd.s32 @!p1 s1, s11;
	s21 =	simm.s32 @!p1 $0x9680  }
0x149: {  	[tilespmem:s21], [sflag:$0x3] =	stream.linear.gather @!p1 [hbm4b:s17+s18], $0x280, $0x38;
	[tilespmem:$0x1EF80] =	vst v63  }
0x14a: {  	s17 =	sadd.s32 @!p0 s1, s14;
	s14 =	sld [smem:$0x7F8]  }
0x14b: {  	s18 =	simm.s32 @!p0 $0x0;
	s21 =	simm.s32 @!p0 $0x8C80  }
0x14c: {  	[tilespmem:s21], [sflag:$0x2] =	stream.linear.gather @!p0 [hbm4b:s17+s18], $0x80, $0x38;
	[tilespmem:$0x1EF80] =	vst v63  }
0x14d: {  	s17 =	sadd.s32 @!p0 s1, s14;
	s14 =	sld [smem:$0x7F7]  }
0x14e: {  	s21 =	simm.s32 @!p0 $0x8D00  }
0x14f: {  	[tilespmem:s21], [sflag:$0x2] =	stream.linear.gather @!p0 [hbm4b:s17+s18], $0x80, $0x38;
	[tilespmem:$0x1EF80] =	vst v63  }
0x150: {  	s17 =	sadd.s32 @!p0 s1, s14;
	s14 =	sld [smem:$0x7F6]  }
0x151: {  	s21 =	simm.s32 @!p0 $0x8D80  }
0x152: {  	[tilespmem:s21], [sflag:$0x2] =	stream.linear.gather @!p0 [hbm4b:s17+s18], $0x80, $0x38;
	[tilespmem:$0x1EF80] =	vst v63  }
0x153: {  	s17 =	sadd.s32 @!p0 s1, s14;
	s14 =	sld [smem:$0x7F5]  }
0x154: {  	s21 =	simm.s32 @!p0 $0x8E00  }
0x155: {  	[tilespmem:s21], [sflag:$0x2] =	stream.linear.gather @!p0 [hbm4b:s17+s18], $0x80, $0x38;
	[tilespmem:$0x1EF80] =	vst v63  }
0x156: {  	s21 =	simm.s32 @!p0 $0x8E80;
	s17 =	sadd.s32 @!p0 s1, s14;
	s14 =	rddreg [dreg:$0x1f]  }
0x157: {  	[tilespmem:s21], [sflag:$0x2] =	stream.linear.gather @!p0 [hbm4b:s17+s18], $0x80, $0x38;
	[tilespmem:$0x1EF80] =	vst v63  }
0x158: {  	s17 =	sadd.s32 @!p0 s1, s14;
	s21 =	simm.s32 @!p0 $0x9900;
	s14 =	rddreg [dreg:$0x1e]  }
0x159: {  	[tilespmem:s21], [sflag:$0x4] =	stream.linear.gather @!p0 [hbm4b:s17+s18], $0x280, $0x38;
	[tilespmem:$0x1EF80] =	vst v63  }
0x15a: {  	s17 =	sadd.s32 @!p0 s1, s14;
	s21 =	simm.s32 @!p0 $0x9B80  }
0x15b: {  	[tilespmem:s21], [sflag:$0x4] =	stream.linear.gather @!p0 [hbm4b:s17+s18], $0x280, $0x38;
	[tilespmem:$0x1EF80] =	vst v63  }
.Ltmp5:
0x15c: {  	s14 =	rddreg [dreg:$0x1d];
	(pc) =	sbr.rel @p1 .LBB2_6-.Ltmp5, $4  }
0x15d: {  	s17 =	sadd.s32 @!p0 s1, s14;
	s21 =	simm.s32 @!p0 $0x9E00;
	s14 =	rddreg [dreg:$0x1c]  }
0x15e: {  	[tilespmem:s21], [sflag:$0x4] =	stream.linear.gather @!p0 [hbm4b:s17+s18], $0x280, $0x38;
	[tilespmem:$0x1EF80] =	vst v63  }
0x15f: {  	s17 =	sadd.s32 @!p0 s1, s14;
	s21 =	simm.s32 @!p0 $0xA080  }
0x160: {  	[tilespmem:s21], [sflag:$0x4] =	stream.linear.gather @!p0 [hbm4b:s17+s18], $0x280, $0x38;
	[tilespmem:$0x1EF80] =	vst v63  }
0x161: {  	_ =	swait.ge [sflag:s24], $0x80  }
0x162: {  	[sflag:s24] =	ssyncset.done $0x0  }
0x163: {  	[sflag:s24] =	ssyncadd.s32 $0xFFFFFF80  }
0x164: {  	_ =	swait.ge [sflag:s24], $0x80  }
0x165: {  	[sflag:s24] =	ssyncset.done $0x0  }
0x166: {  	[sflag:s24] =	ssyncadd.s32 $0xFFFFFF80  }
0x167: {  	_ =	swait.ge [sflag:s24], $0x80  }
0x168: {  	[sflag:s24] =	ssyncset.done $0x0  }
0x169: {  	[sflag:s24] =	ssyncadd.s32 $0xFFFFFF80  }
0x16a: {  	_ =	swait.ge [sflag:s24], $0x80  }
0x16b: {  	[sflag:s24] =	ssyncset.done $0x0  }
0x16c: {  	[sflag:s24] =	ssyncadd.s32 $0xFFFFFF80  }
0x16d: {  	_ =	swait.ge [sflag:s24], $0x80  }
0x16e: {  	[sflag:s24] =	ssyncset.done $0x0  }
0x16f: {  	[sflag:s24] =	ssyncadd.s32 $0xFFFFFF80  }
0x170: {  	_ =	swait.ge [sflag:s25], $0x280  }
0x171: {  	[sflag:s25] =	ssyncset.done $0x0  }
0x172: {  	[sflag:s25] =	ssyncadd.s32 $0xFFFFFD80  }
0x173: {  	_ =	swait.ge [sflag:s25], $0x280  }
0x174: {  	[sflag:s25] =	ssyncset.done $0x0  }
0x175: {  	[sflag:s25] =	ssyncadd.s32 $0xFFFFFD80  }
0x176: {  	_ =	swait.ge [sflag:s25], $0x280  }
0x177: {  	[sflag:s25] =	ssyncset.done $0x0  }
0x178: {  	[sflag:s25] =	ssyncadd.s32 $0xFFFFFD80  }
0x179: {  	_ =	swait.ge [sflag:s25], $0x280  }
0x17a: {  	[sflag:s25] =	ssyncset.done $0x0  }
0x17b: {  	s14 =	simm.s32 $0x8A00;
	s17 =	simm.s32 $0x8F00;
	[sflag:s25] =	ssyncadd.s32 $0xFFFFFD80  }
0x17c: {  	[spmem:s3] =	stream.indirect.scatter.add.f32 [tilespmem:s17], [sflag:$0x5], $0x1, s14, s26, $0xb8;
	[tilespmem:$0x1EF80] =	vst v63  }
0x17d: {  	s22 =	simm.s32 $0x9180  }
0x17e: {  	[spmem:s4] =	stream.indirect.scatter.add.f32 [tilespmem:s22], [sflag:$0x5], $0x1, s14, s26, $0xb8;
	[tilespmem:$0x1EF80] =	vst v63  }
0x17f: {  	s18 =	simm.s32 $0x9400  }
0x180: {  	[spmem:s6] =	stream.indirect.scatter.add.f32 [tilespmem:s18], [sflag:$0x5], $0x1, s14, s26, $0xb8;
	[tilespmem:$0x1EF80] =	vst v63  }
0x181: {  	s21 =	simm.s32 $0x9680  }
0x182: {  	[spmem:s7] =	stream.indirect.scatter.add.f32 [tilespmem:s21], [sflag:$0x5], $0x1, s14, s26, $0xb8;
	[tilespmem:$0x1EF80] =	vst v63  }
0x183: {  	s22 =	simm.s32 $0x8F80;
	s14 =	simm.s32 $0x8A80  }
0x184: {  	[spmem:s3] =	stream.indirect.scatter.add.f32 [tilespmem:s22], [sflag:$0x5], $0x1, s14, s26, $0xb8;
	[tilespmem:$0x1EF80] =	vst v63  }
0x185: {  	s18 =	simm.s32 $0x9200  }
0x186: {  	[spmem:s4] =	stream.indirect.scatter.add.f32 [tilespmem:s18], [sflag:$0x5], $0x1, s14, s26, $0xb8;
	[tilespmem:$0x1EF80] =	vst v63  }
0x187: {  	s21 =	simm.s32 $0x9480  }
0x188: {  	[spmem:s6] =	stream.indirect.scatter.add.f32 [tilespmem:s21], [sflag:$0x5], $0x1, s14, s26, $0xb8;
	[tilespmem:$0x1EF80] =	vst v63  }
0x189: {  	s22 =	simm.s32 $0x9700  }
0x18a: {  	[spmem:s7] =	stream.indirect.scatter.add.f32 [tilespmem:s22], [sflag:$0x5], $0x1, s14, s26, $0xb8;
	[tilespmem:$0x1EF80] =	vst v63  }
0x18b: {  	s18 =	simm.s32 $0x9000;
	s14 =	simm.s32 $0x8B00  }
0x18c: {  	[spmem:s3] =	stream.indirect.scatter.add.f32 [tilespmem:s18], [sflag:$0x5], $0x1, s14, s26, $0xb8;
	[tilespmem:$0x1EF80] =	vst v63  }
0x18d: {  	s21 =	simm.s32 $0x9280  }
0x18e: {  	[spmem:s4] =	stream.indirect.scatter.add.f32 [tilespmem:s21], [sflag:$0x5], $0x1, s14, s26, $0xb8;
	[tilespmem:$0x1EF80] =	vst v63  }
0x18f: {  	s22 =	simm.s32 $0x9500  }
0x190: {  	[spmem:s6] =	stream.indirect.scatter.add.f32 [tilespmem:s22], [sflag:$0x5], $0x1, s14, s26, $0xb8;
	[tilespmem:$0x1EF80] =	vst v63  }
0x191: {  	s18 =	simm.s32 $0x9780  }
0x192: {  	[spmem:s7] =	stream.indirect.scatter.add.f32 [tilespmem:s18], [sflag:$0x5], $0x1, s14, s26, $0xb8;
	[tilespmem:$0x1EF80] =	vst v63  }
0x193: {  	s21 =	simm.s32 $0x9080;
	s14 =	simm.s32 $0x8B80  }
0x194: {  	[spmem:s3] =	stream.indirect.scatter.add.f32 [tilespmem:s21], [sflag:$0x5], $0x1, s14, s26, $0xb8;
	[tilespmem:$0x1EF80] =	vst v63  }
0x195: {  	s22 =	simm.s32 $0x9300  }
0x196: {  	[spmem:s4] =	stream.indirect.scatter.add.f32 [tilespmem:s22], [sflag:$0x5], $0x1, s14, s26, $0xb8;
	[tilespmem:$0x1EF80] =	vst v63  }
0x197: {  	s18 =	simm.s32 $0x9580  }
0x198: {  	[spmem:s6] =	stream.indirect.scatter.add.f32 [tilespmem:s18], [sflag:$0x5], $0x1, s14, s26, $0xb8;
	[tilespmem:$0x1EF80] =	vst v63  }
0x199: {  	s21 =	simm.s32 $0x9800  }
0x19a: {  	[spmem:s7] =	stream.indirect.scatter.add.f32 [tilespmem:s21], [sflag:$0x5], $0x1, s14, s26, $0xb8;
	[tilespmem:$0x1EF80] =	vst v63  }
0x19b: {  	s22 =	simm.s32 $0x9100;
	s14 =	simm.s32 $0x8C00  }
0x19c: {  	[spmem:s3] =	stream.indirect.scatter.add.f32 [tilespmem:s22], [sflag:$0x5], $0x1, s14, s26, $0xb8;
	[tilespmem:$0x1EF80] =	vst v63  }
0x19d: {  	s18 =	simm.s32 $0x9380  }
0x19e: {  	[spmem:s4] =	stream.indirect.scatter.add.f32 [tilespmem:s18], [sflag:$0x5], $0x1, s14, s26, $0xb8;
	[tilespmem:$0x1EF80] =	vst v63  }
0x19f: {  	s21 =	simm.s32 $0x9600  }
0x1a0: {  	[spmem:s6] =	stream.indirect.scatter.add.f32 [tilespmem:s21], [sflag:$0x5], $0x1, s14, s26, $0xb8;
	[tilespmem:$0x1EF80] =	vst v63  }
0x1a1: {  	s22 =	simm.s32 $0x9880  }
0x1a2: {  	[spmem:s7] =	stream.indirect.scatter.add.f32 [tilespmem:s22], [sflag:$0x5], $0x1, s14, s26, $0xb8;
	[tilespmem:$0x1EF80] =	vst v63  }
.LBB2_6:
.Ltmp6:
0x1a3: {  	(pc) =	sbr.rel @p0 .LBB2_8-.Ltmp6, $1  }
0x1a4: {  	_ =	sdelay $0x3  }
0x1a5: {  	_ =	swait.ge [sflag:s5], $0x80  }
0x1a6: {  	[sflag:s5] =	ssyncset.done $0x0  }
0x1a7: {  	[sflag:s5] =	ssyncadd.s32 $0xFFFFFF80  }
0x1a8: {  	_ =	swait.ge [sflag:s5], $0x80  }
0x1a9: {  	[sflag:s5] =	ssyncset.done $0x0  }
0x1aa: {  	[sflag:s5] =	ssyncadd.s32 $0xFFFFFF80  }
0x1ab: {  	_ =	swait.ge [sflag:s5], $0x80  }
0x1ac: {  	[sflag:s5] =	ssyncset.done $0x0  }
0x1ad: {  	[sflag:s5] =	ssyncadd.s32 $0xFFFFFF80  }
0x1ae: {  	_ =	swait.ge [sflag:s5], $0x80  }
0x1af: {  	[sflag:s5] =	ssyncset.done $0x0  }
0x1b0: {  	[sflag:s5] =	ssyncadd.s32 $0xFFFFFF80  }
0x1b1: {  	_ =	swait.ge [sflag:s5], $0x80  }
0x1b2: {  	[sflag:s5] =	ssyncset.done $0x0  }
0x1b3: {  	[sflag:s5] =	ssyncadd.s32 $0xFFFFFF80  }
0x1b4: {  	_ =	swait.ge [sflag:s15], $0x280  }
0x1b5: {  	[sflag:s15] =	ssyncset.done $0x0  }
0x1b6: {  	[sflag:s15] =	ssyncadd.s32 $0xFFFFFD80  }
0x1b7: {  	_ =	swait.ge [sflag:s15], $0x280  }
0x1b8: {  	[sflag:s15] =	ssyncset.done $0x0  }
0x1b9: {  	[sflag:s15] =	ssyncadd.s32 $0xFFFFFD80  }
0x1ba: {  	_ =	swait.ge [sflag:s15], $0x280  }
0x1bb: {  	[sflag:s15] =	ssyncset.done $0x0  }
0x1bc: {  	[sflag:s15] =	ssyncadd.s32 $0xFFFFFD80  }
0x1bd: {  	_ =	swait.ge [sflag:s15], $0x280  }
0x1be: {  	[sflag:s15] =	ssyncset.done $0x0  }
0x1bf: {  	s14 =	simm.s32 $0x8C80;
	s17 =	simm.s32 $0x9900;
	[sflag:s15] =	ssyncadd.s32 $0xFFFFFD80  }
0x1c0: {  	[spmem:s3] =	stream.indirect.scatter.add.f32 [tilespmem:s17], [sflag:$0x6], $0x1, s14, s26, $0xb8;
	[tilespmem:$0x1EF80] =	vst v63  }
0x1c1: {  	s22 =	simm.s32 $0x9B80  }
0x1c2: {  	[spmem:s4] =	stream.indirect.scatter.add.f32 [tilespmem:s22], [sflag:$0x6], $0x1, s14, s26, $0xb8;
	[tilespmem:$0x1EF80] =	vst v63  }
0x1c3: {  	s18 =	simm.s32 $0x9E00  }
0x1c4: {  	[spmem:s6] =	stream.indirect.scatter.add.f32 [tilespmem:s18], [sflag:$0x6], $0x1, s14, s26, $0xb8;
	[tilespmem:$0x1EF80] =	vst v63  }
0x1c5: {  	s21 =	simm.s32 $0xA080  }
0x1c6: {  	[spmem:s7] =	stream.indirect.scatter.add.f32 [tilespmem:s21], [sflag:$0x6], $0x1, s14, s26, $0xb8;
	[tilespmem:$0x1EF80] =	vst v63  }
0x1c7: {  	s22 =	simm.s32 $0x9980;
	s14 =	simm.s32 $0x8D00  }
0x1c8: {  	[spmem:s3] =	stream.indirect.scatter.add.f32 [tilespmem:s22], [sflag:$0x6], $0x1, s14, s26, $0xb8;
	[tilespmem:$0x1EF80] =	vst v63  }
0x1c9: {  	s18 =	simm.s32 $0x9C00  }
0x1ca: {  	[spmem:s4] =	stream.indirect.scatter.add.f32 [tilespmem:s18], [sflag:$0x6], $0x1, s14, s26, $0xb8;
	[tilespmem:$0x1EF80] =	vst v63  }
0x1cb: {  	s21 =	simm.s32 $0x9E80  }
0x1cc: {  	[spmem:s6] =	stream.indirect.scatter.add.f32 [tilespmem:s21], [sflag:$0x6], $0x1, s14, s26, $0xb8;
	[tilespmem:$0x1EF80] =	vst v63  }
0x1cd: {  	s22 =	simm.s32 $0xA100  }
0x1ce: {  	[spmem:s7] =	stream.indirect.scatter.add.f32 [tilespmem:s22], [sflag:$0x6], $0x1, s14, s26, $0xb8;
	[tilespmem:$0x1EF80] =	vst v63  }
0x1cf: {  	s18 =	simm.s32 $0x9A00;
	s14 =	simm.s32 $0x8D80  }
0x1d0: {  	[spmem:s3] =	stream.indirect.scatter.add.f32 [tilespmem:s18], [sflag:$0x6], $0x1, s14, s26, $0xb8;
	[tilespmem:$0x1EF80] =	vst v63  }
0x1d1: {  	s21 =	simm.s32 $0x9C80  }
0x1d2: {  	[spmem:s4] =	stream.indirect.scatter.add.f32 [tilespmem:s21], [sflag:$0x6], $0x1, s14, s26, $0xb8;
	[tilespmem:$0x1EF80] =	vst v63  }
0x1d3: {  	s22 =	simm.s32 $0x9F00  }
0x1d4: {  	[spmem:s6] =	stream.indirect.scatter.add.f32 [tilespmem:s22], [sflag:$0x6], $0x1, s14, s26, $0xb8;
	[tilespmem:$0x1EF80] =	vst v63  }
0x1d5: {  	s18 =	simm.s32 $0xA180  }
0x1d6: {  	[spmem:s7] =	stream.indirect.scatter.add.f32 [tilespmem:s18], [sflag:$0x6], $0x1, s14, s26, $0xb8;
	[tilespmem:$0x1EF80] =	vst v63  }
0x1d7: {  	s21 =	simm.s32 $0x9A80;
	s14 =	simm.s32 $0x8E00  }
0x1d8: {  	[spmem:s3] =	stream.indirect.scatter.add.f32 [tilespmem:s21], [sflag:$0x6], $0x1, s14, s26, $0xb8;
	[tilespmem:$0x1EF80] =	vst v63  }
0x1d9: {  	s22 =	simm.s32 $0x9D00  }
0x1da: {  	[spmem:s4] =	stream.indirect.scatter.add.f32 [tilespmem:s22], [sflag:$0x6], $0x1, s14, s26, $0xb8;
	[tilespmem:$0x1EF80] =	vst v63  }
0x1db: {  	s18 =	simm.s32 $0x9F80  }
0x1dc: {  	[spmem:s6] =	stream.indirect.scatter.add.f32 [tilespmem:s18], [sflag:$0x6], $0x1, s14, s26, $0xb8;
	[tilespmem:$0x1EF80] =	vst v63  }
0x1dd: {  	s21 =	simm.s32 $0xA200  }
0x1de: {  	[spmem:s7] =	stream.indirect.scatter.add.f32 [tilespmem:s21], [sflag:$0x6], $0x1, s14, s26, $0xb8;
	[tilespmem:$0x1EF80] =	vst v63  }
0x1df: {  	s22 =	simm.s32 $0x9B00;
	s14 =	simm.s32 $0x8E80  }
0x1e0: {  	[spmem:s3] =	stream.indirect.scatter.add.f32 [tilespmem:s22], [sflag:$0x6], $0x1, s14, s26, $0xb8;
	[tilespmem:$0x1EF80] =	vst v63  }
0x1e1: {  	s18 =	simm.s32 $0x9D80  }
0x1e2: {  	[spmem:s4] =	stream.indirect.scatter.add.f32 [tilespmem:s18], [sflag:$0x6], $0x1, s14, s26, $0xb8;
	[tilespmem:$0x1EF80] =	vst v63  }
.Ltmp7:
0x1e3: {  	_ = 	snop;
	(pc) =	sbr.rel .LBB2_8-.Ltmp7, $4  }
0x1e4: {  	s21 =	simm.s32 $0xA000  }
0x1e5: {  	[spmem:s6] =	stream.indirect.scatter.add.f32 [tilespmem:s21], [sflag:$0x6], $0x1, s14, s26, $0xb8;
	[tilespmem:$0x1EF80] =	vst v63  }
0x1e6: {  	s22 =	simm.s32 $0xA280  }
0x1e7: {  	[spmem:s7] =	stream.indirect.scatter.add.f32 [tilespmem:s22], [sflag:$0x6], $0x1, s14, s26, $0xb8;
	[tilespmem:$0x1EF80] =	vst v63  }
.LBB2_9:
.Ltmp8:
0x1e8: {  	(pc) =	sbr.rel .LBB2_10-.Ltmp8, $3  }
0x1e9: {  	_ =	sdelay $0x1  }
0x1ea: {  	[bflag:$0x0] =	sbarrier.arrive $0xFFFF  }
0x1eb: {  	s1 =	simm.s32 $0x0  }
.LBB2_18:
0x1ec: {  	s9 =	simm.s32 @!p0 $0x5  }
0x1ed: {  	_ =	swait.ge @!p0 [sflag:s9], $0x4000  }
0x1ee: {  	s1 =	sadd.s32 $0x1, s1;
	[sflag:s9] =	ssyncset.done @!p0 $0x0  }
0x1ef: {  	[sflag:s9] =	ssyncadd.s32 @!p0 $0xFFFFC000;
	p0 =	sne.s32 s1, $0x28  }
.Ltmp9:
0x1f0: {  	_ = 	snop;
	(pc) =	sbr.rel @!p0 .LBB2_19-.Ltmp9, $4  }
0x1f1: {  	s9 =	simm.s32 @!p1 $0x6  }
0x1f2: {  	_ =	swait.ge @!p1 [sflag:s9], $0x4000  }
0x1f3: {  	[sflag:s9] =	ssyncset.done @!p1 $0x0  }
0x1f4: {  	[sflag:s9] =	ssyncadd.s32 @!p1 $0xFFFFC000  }
.LBB2_10:
0x1f5: {  	s16 =	sshll.u32 s1, $0x1;
	s9 =	rddreg [dreg:$0x9]  }
0x1f6: {  	s11 =	rddreg [dreg:$0xa];
	s16 =	sadd.s32 s9, s16  }
0x1f7: {  	p0 =	sge.u32 s16, s11  }
0x1f8: {  	s17 =	sshll.u32 @!p0 s16, $0x7  }
0x1f9: {  	s18 =	sadd.s32 @!p0 s20, s17  }
0x1fa: {  	s14 =	rddreg [dreg:$0xb];
	s21 =	sshrl.u32 @!p0 s18, $0x3  }
0x1fb: {  	s22 =	simm.s32 @!p0 $0x0;
	s21 =	sadd.s32 @!p0 s14, s21  }
0x1fc: {  	[tilespmem:s22], [sflag:$0x1] =	stream.linear.gather @!p0 [hbm4b:s21+s22], $0x80, $0x38;
	[tilespmem:$0x1EF80] =	vst v63  }
0x1fd: {  	s21 =	sadd.s32 @!p0 s13, s17  }
0x1fe: {  	s21 =	sshrl.u32 @!p0 s21, $0x3  }
0x1ff: {  	s9 =	simm.s32 @!p0 $0x100;
	s21 =	sadd.s32 @!p0 s0, s21  }
0x200: {  	[tilespmem:s9], [sflag:$0x3] =	stream.linear.gather @!p0 [hbm4b:s21+s22], $0x80, $0x38;
	[tilespmem:$0x1EF80] =	vst v63  }
0x201: {  	s9 =	sadd.s32 @!p0 s8, s17  }
0x202: {  	s9 =	sshrl.u32 @!p0 s9, $0x3  }
0x203: {  	s21 =	simm.s32 @!p0 $0x180;
	s9 =	sadd.s32 @!p0 s0, s9  }
0x204: {  	[tilespmem:s21], [sflag:$0x3] =	stream.linear.gather @!p0 [hbm4b:s9+s22], $0x80, $0x38;
	[tilespmem:$0x1EF80] =	vst v63  }
0x205: {  	s9 =	sadd.s32 @!p0 s2, s17  }
0x206: {  	s9 =	sshrl.u32 @!p0 s9, $0x3  }
0x207: {  	s21 =	simm.s32 @!p0 $0x200;
	s9 =	sadd.s32 @!p0 s0, s9  }
0x208: {  	[tilespmem:s21], [sflag:$0x3] =	stream.linear.gather @!p0 [hbm4b:s9+s22], $0x80, $0x38;
	[tilespmem:$0x1EF80] =	vst v63  }
0x209: {  	s9 =	sadd.s32 @!p0 s10, s17  }
0x20a: {  	s9 =	sshrl.u32 @!p0 s9, $0x3  }
0x20b: {  	s17 =	simm.s32 @!p0 $0x280;
	s9 =	sadd.s32 @!p0 s0, s9  }
0x20c: {  	[tilespmem:s17], [sflag:$0x3] =	stream.linear.gather @!p0 [hbm4b:s9+s22], $0x80, $0x38;
	[tilespmem:$0x1EF80] =	vst v63  }
0x20d: {  	s12 =	rddreg [dreg:$0x8];
	s16 =	sadd.s32 $0x1, s16;
	s9 =	sshll.u32 @!p0 s18, $0x4  }
0x20e: {  	p1 =	sge.u32 s16, s11;
	s17 =	simm.s32 @!p0 $0xA00;
	s9 =	sadd.s32 @!p0 s12, s9  }
0x20f: {  	[tilespmem:s17], [sflag:$0x7] =	stream.linear.gather @!p0 [hbm4b:s9+s22], $0x4000, $0x38;
	[tilespmem:$0x1EF80] =	vst v63  }
0x210: {  	s9 =	sshll.u32 @!p1 s16, $0x7  }
0x211: {  	s16 =	sadd.s32 @!p1 s20, s9  }
0x212: {  	s17 =	sshrl.u32 @!p1 s16, $0x3  }
0x213: {  	s21 =	simm.s32 @!p1 $0x80;
	s18 =	simm.s32 @!p1 $0x0;
	s17 =	sadd.s32 @!p1 s14, s17  }
0x214: {  	[tilespmem:s21], [sflag:$0x2] =	stream.linear.gather @!p1 [hbm4b:s17+s18], $0x80, $0x38;
	[tilespmem:$0x1EF80] =	vst v63  }
0x215: {  	s17 =	sadd.s32 @!p1 s13, s9  }
0x216: {  	s17 =	sshrl.u32 @!p1 s17, $0x3  }
0x217: {  	s21 =	simm.s32 @!p1 $0x300;
	s17 =	sadd.s32 @!p1 s0, s17  }
0x218: {  	[tilespmem:s21], [sflag:$0x4] =	stream.linear.gather @!p1 [hbm4b:s17+s18], $0x80, $0x38;
	[tilespmem:$0x1EF80] =	vst v63  }
0x219: {  	s17 =	sadd.s32 @!p1 s8, s9  }
0x21a: {  	s17 =	sshrl.u32 @!p1 s17, $0x3  }
0x21b: {  	s21 =	simm.s32 @!p1 $0x380;
	s17 =	sadd.s32 @!p1 s0, s17  }
0x21c: {  	[tilespmem:s21], [sflag:$0x4] =	stream.linear.gather @!p1 [hbm4b:s17+s18], $0x80, $0x38;
	[tilespmem:$0x1EF80] =	vst v63  }
0x21d: {  	s17 =	sadd.s32 @!p1 s2, s9  }
0x21e: {  	s9 =	sadd.s32 @!p1 s10, s9;
	s17 =	sshrl.u32 @!p1 s17, $0x3  }
0x21f: {  	s21 =	simm.s32 @!p1 $0x400;
	s9 =	sshrl.u32 @!p1 s9, $0x3;
	s17 =	sadd.s32 @!p1 s0, s17  }
0x220: {  	[tilespmem:s21], [sflag:$0x4] =	stream.linear.gather @!p1 [hbm4b:s17+s18], $0x80, $0x38;
	[tilespmem:$0x1EF80] =	vst v63  }
.Ltmp10:
0x221: {  	s9 =	sadd.s32 @!p1 s0, s9;
	s17 =	simm.s32 @!p1 $0x480;
	(pc) =	sbr.rel @p0 .LBB2_14-.Ltmp10, $4  }
0x222: {  	[tilespmem:s17], [sflag:$0x4] =	stream.linear.gather @!p1 [hbm4b:s9+s18], $0x80, $0x38;
	[tilespmem:$0x1EF80] =	vst v63  }
0x223: {  	s9 =	sshll.u32 @!p1 s16, $0x4  }
0x224: {  	s16 =	simm.s32 @!p1 $0x4A00;
	s9 =	sadd.s32 @!p1 s12, s9  }
0x225: {  	[tilespmem:s16], [sflag:$0x8] =	stream.linear.gather @!p1 [hbm4b:s9+s18], $0x4000, $0x38;
	[tilespmem:$0x1EF80] =	vst v63  }
0x226: {  	_ =	swait.ge [sflag:s24], $0x80  }
0x227: {  	[sflag:s24] =	ssyncset.done $0x0  }
0x228: {  	s16 =	simm.s32 $0x0;
	s9 =	simm.s32 $0x500;
	[sflag:s24] =	ssyncadd.s32 $0xFFFFFF80  }
0x229: {  	[tilespmem:s9], [sflag:$0x9] =	stream.indirect.gather [spmem:s3], $0x1, s16, s26, $0xb8;
	[tilespmem:$0x1EF80] =	vst v63  }
0x22a: {  	s14 =	simm.s32 $0x580  }
0x22b: {  	[tilespmem:s14], [sflag:$0x9] =	stream.indirect.gather [spmem:s4], $0x1, s16, s26, $0xb8;
	[tilespmem:$0x1EF80] =	vst v63  }
0x22c: {  	s17 =	simm.s32 $0x600  }
0x22d: {  	[tilespmem:s17], [sflag:$0x9] =	stream.indirect.gather [spmem:s6], $0x1, s16, s26, $0xb8;
	[tilespmem:$0x1EF80] =	vst v63  }
0x22e: {  	s18 =	simm.s32 $0x680  }
0x22f: {  	[tilespmem:s18], [sflag:$0x9] =	stream.indirect.gather [spmem:s7], $0x1, s16, s26, $0xb8;
	[tilespmem:$0x1EF80] =	vst v63  }
0x230: {  	_ =	swait.ge [sflag:s25], $0x80  }
0x231: {  	[sflag:s25] =	ssyncset.done $0x0  }
0x232: {  	[sflag:s25] =	ssyncadd.s32 $0xFFFFFF80  }
0x233: {  	_ =	swait.ge [sflag:s25], $0x80  }
0x234: {  	[sflag:s25] =	ssyncset.done $0x0  }
0x235: {  	[sflag:s25] =	ssyncadd.s32 $0xFFFFFF80  }
0x236: {  	_ =	swait.ge [sflag:s25], $0x80  }
0x237: {  	[sflag:s25] =	ssyncset.done $0x0  }
0x238: {  	[sflag:s25] =	ssyncadd.s32 $0xFFFFFF80  }
0x239: {  	_ =	swait.ge [sflag:s25], $0x80  }
0x23a: {  	[sflag:s25] =	ssyncset.done $0x0  }
0x23b: {  	[sflag:s25] =	ssyncadd.s32 $0xFFFFFF80  }
0x23c: {  	_ =	swait.ge [sflag:s19], $0x80  }
0x23d: {  	[sflag:s19] =	ssyncset.done $0x0  }
0x23e: {  	[sflag:s19] =	ssyncadd.s32 $0xFFFFFF80  }
0x23f: {  	_ =	swait.ge [sflag:s19], $0x80  }
0x240: {  	[sflag:s19] =	ssyncset.done $0x0  }
0x241: {  	[sflag:s19] =	ssyncadd.s32 $0xFFFFFF80  }
0x242: {  	_ =	swait.ge [sflag:s19], $0x80  }
0x243: {  	[sflag:s19] =	ssyncset.done $0x0  }
0x244: {  	[sflag:s19] =	ssyncadd.s32 $0xFFFFFF80  }
0x245: {  	_ =	swait.ge [sflag:s19], $0x80  }
0x246: {  	[sflag:s19] =	ssyncset.done $0x0  }
0x247: {  	[sflag:s19] =	ssyncadd.s32 $0xFFFFFF80  }
0x248: {  	v9 =	vld [tilespmem:$0x100]  }
0x249: {  	v10 =	vld [tilespmem:$0x500]  }
0x24a: {  	v11 =	vld [tilespmem:$0x180]  }
0x24b: {  	v12 =	vld [tilespmem:$0x580]  }
0x24c: {  	v13 =	vld [tilespmem:$0x200]  }
0x24d: {  	v14 =	vld [tilespmem:$0x600]  }
0x24e: {  	v15 =	vld [tilespmem:$0x280]  }
0x24f: {  	v16 =	vld [tilespmem:$0x680]  }
0x250: {  	v17 =	vld [tilespmem:$0x110]  }
0x251: {  	v18 =	vld [tilespmem:$0x510]  }
0x252: {  	v19 =	vld [tilespmem:$0x190]  }
0x253: {  	v20 =	vld [tilespmem:$0x590]  }
0x254: {  	v21 =	vld [tilespmem:$0x210]  }
0x255: {  	v22 =	vld [tilespmem:$0x610]  }
0x256: {  	v23 =	vld [tilespmem:$0x290]  }
0x257: {  	v24 =	vld [tilespmem:$0x690]  }
0x258: {  	v25 =	vld [tilespmem:$0x120]  }
0x259: {  	v26 =	vld [tilespmem:$0x520]  }
0x25a: {  	v27 =	vld [tilespmem:$0x1A0]  }
0x25b: {  	v28 =	vld [tilespmem:$0x5A0]  }
0x25c: {  	v29 =	vld [tilespmem:$0x220]  }
0x25d: {  	v30 =	vld [tilespmem:$0x620]  }
0x25e: {  	v31 =	vld [tilespmem:$0x2A0]  }
0x25f: {  	v32 =	vld [tilespmem:$0x6A0]  }
0x260: {  	v52 =	vld [tilespmem:$0x5B0];
	(erf) = vrcp.f32 v10  }
0x261: {  	v53 =	vld [tilespmem:$0x630];
	(erf) = vrcp.f32 v12  }
0x262: {  	v54 =	vld [tilespmem:$0x6B0];
	(erf) = vrcp.f32 v14  }
0x263: {  	v55 =	vld [tilespmem:$0x540];
	(erf) = vrcp.f32 v16  }
0x264: {  	v56 =	vld [tilespmem:$0x5C0];
	(erf) = vrcp.f32 v18  }
0x265: {  	v57 =	vld [tilespmem:$0x640];
	(erf) = vrcp.f32 v20  }
0x266: {  	v58 =	vld [tilespmem:$0x6C0];
	(erf) = vrcp.f32 v22  }
0x267: {  	v12 =	vld [tilespmem:$0x530];
	(erf) = vrcp.f32 v24  }
0x268: {  	v59 =	vld [tilespmem:$0x550];
	(erf) = vrcp.f32 v26  }
0x269: {  	v60 =	vld [tilespmem:$0x5D0];
	v33 =	vpop (erf);
	(erf) = vrcp.f32 v28  }
0x26a: {  	v62 =	vld [tilespmem:$0x650];
	v34 =	vpop (erf);
	(erf) = vrcp.f32 v30  }
0x26b: {  	v41 =	vld [tilespmem:$0x6D0];
	v35 =	vpop (erf);
	(erf) = vrcp.f32 v32  }
0x26c: {  	v43 =	vld [tilespmem:$0x560];
	v36 =	vpop (erf);
	(erf) = vrcp.f32 v12  }
0x26d: {  	v45 =	vld [tilespmem:$0x5E0];
	v37 =	vpop (erf);
	(erf) = vrcp.f32 v52  }
0x26e: {  	v46 =	vld [tilespmem:$0x660];
	v38 =	vpop (erf);
	(erf) = vrcp.f32 v53  }
0x26f: {  	v48 =	vld [tilespmem:$0x6E0];
	v39 =	vpop (erf);
	(erf) = vrcp.f32 v54  }
0x270: {  	v50 =	vld [tilespmem:$0x570];
	v9 =	vmul.f32 v33, v9;
	v40 =	vpop (erf);
	(erf) = vrcp.f32 v55  }
0x271: {  	v10 =	vld [tilespmem:$0x130];
	v11 =	vmul.f32 v34, v11;
	v61 =	vpop (erf);
	(erf) = vrcp.f32 v56  }
0x272: {  	v14 =	vld [tilespmem:$0x1B0];
	v9 =	vadd.f32 $0.0e+00, v9;
	v13 =	vmul.f32 v35, v13;
	v63 =	vpop (erf);
	(erf) = vrcp.f32 v57  }
0x273: {  	v18 =	vld [tilespmem:$0x230];
	v17 =	vmul.f32 v37, v17;
	v42 =	vpop (erf);
	(erf) = vrcp.f32 v58  }
0x274: {  	v20 =	vld [tilespmem:$0x2C0];
	v9 =	vadd.f32 v11, v9;
	v11 =	vmul.f32 v36, v15;
	v44 =	vpop (erf);
	(erf) = vrcp.f32 v59  }
0x275: {  	v22 =	vld [tilespmem:$0x2B0];
	v19 =	vmul.f32 v38, v19;
	v17 =	vadd.f32 $0.0e+00, v17;
	v15 =	vpop (erf);
	(erf) = vrcp.f32 v60  }
0x276: {  	v26 =	vld [tilespmem:$0x140];
	v9 =	vadd.f32 v13, v9;
	v13 =	vmul.f32 v39, v21;
	v47 =	vpop (erf);
	(erf) = vrcp.f32 v62  }
0x277: {  	v30 =	vld [tilespmem:$0x1C0];
	v51 =	vmul.f32 v40, v23;
	v17 =	vadd.f32 v19, v17;
	v49 =	vpop (erf);
	(erf) = vrcp.f32 v41  }
0x278: {  	v12 =	vld [tilespmem:$0x240];
	v9 =	vadd.f32 v11, v9;
	v11 =	vmul.f32 v61, v25;
	v52 =	vpop (erf);
	(erf) = vrcp.f32 v43  }
0x279: {  	v54 =	vld [tilespmem:$0x5F0];
	v27 =	vmul.f32 v63, v27;
	v53 =	vpop (erf);
	(erf) = vrcp.f32 v45  }
0x27a: {  	v35 =	vld [tilespmem:$0x250];
	v13 =	vadd.f32 v13, v17;
	v10 =	vmul.f32 v15, v10;
	v15 =	vpop (erf);
	(erf) = vrcp.f32 v46  }
0x27b: {  	v57 =	vld [tilespmem:$0x670];
	v61 =	vmul.f32 v42, v29;
	v56 =	vpop (erf);
	(erf) = vrcp.f32 v48  }
0x27c: {  	v55 =	vld [tilespmem:$0x150];
	v9 =	vmul.f32 $2.500000000e-01, v9;
	v13 =	vadd.f32 v51, v13;
	v58 =	vpop (erf);
	(erf) = vrcp.f32 v50  }
0x27d: {  	v38 =	vmul.f32 v44, v31;
	v62 =	vld [tilespmem:$0x6F0];
	v14 =	vmul.f32 v47, v14;
	v10 =	vadd.f32 $0.0e+00, v10;
	v60 =	vpop (erf)  }
0x27e: {  	v39 =	vld [tilespmem:$0x2D0];
	v11 =	vadd.f32 $0.0e+00, v11;
	v13 =	vmul.f32 $2.500000000e-01, v13;
	(erf) = vrcp.f32 v54;
	v63 =	vpop (erf)  }
0x27f: {  	v59 =	vld [tilespmem:$0x1D0];
	v10 =	vadd.f32 v14, v10;
	v14 =	vmul.f32 v49, v18;
	v25 =	vmul.f32 v53, v26;
	v36 =	vpop (erf)  }
0x280: {  	v11 =	vadd.f32 v27, v11;
	v41 =	vld [tilespmem:$0x160];
	v22 =	vmul.f32 v52, v22;
	(erf) = vrcp.f32 v57;
	v40 =	vpop (erf)  }
0x281: {  	v44 =	vld [tilespmem:$0x170];
	v15 =	vmul.f32 v15, v30;
	v10 =	vadd.f32 v14, v10;
	v43 =	vadd.f32 $0.0e+00, v25;
	v42 =	vpop (erf)  }
0x282: {  	v11 =	vadd.f32 v61, v11;
	v45 =	vld [tilespmem:$0x1E0];
	v14 =	vmul.f32 v60, v55;
	(erf) = vrcp.f32 v62;
	v46 =	vpop (erf)  }
0x283: {  	v48 =	vld [tilespmem:$0x1F0];
	v12 =	vmul.f32 v56, v12;
	v15 =	vadd.f32 v15, v43;
	v10 =	vadd.f32 v22, v10;
	v47 =	vpop (erf)  }
0x284: {  	v51 =	vld [tilespmem:$0x260];
	v18 =	vmul.f32 v63, v59;
	v14 =	vadd.f32 $0.0e+00, v14;
	v50 =	vmul.f32 v36, v35;
	v49 =	vpop (erf)  }
0x285: {  	v53 =	vld [tilespmem:$0x270];
	v12 =	vadd.f32 v12, v15;
	v15 =	vmul.f32 v58, v20;
	v17 =	vmul.f32 v42, v41;
	v52 =	vpop (erf)  }
0x286: {  	v54 =	vld [tilespmem:$0x2E0];
	v16 =	vmul.f32 v40, v39;
	v14 =	vadd.f32 v18, v14;
	v22 =	vmul.f32 v52, v44  }
0x287: {  	v57 =	vld [tilespmem:$0x2F0];
	v12 =	vadd.f32 v15, v12;
	v56 =	vmul.f32 v46, v45;
	v15 =	vadd.f32 $0.0e+00, v17;
	v55 =	vpop (erf)  }
0x288: {  	v14 =	vadd.f32 v50, v14;
	v19 =	vmul.f32 v55, v48;
	v58 =	vadd.f32 $0.0e+00, v22  }
0x289: {  	v11 =	vadd.f32 v38, v11;
	v60 =	vmul.f32 v47, v51;
	v15 =	vadd.f32 v56, v15;
	v59 =	vpop (erf)  }
0x28a: {  	v14 =	vadd.f32 v16, v14;
	v61 =	vmul.f32 v59, v53;
	v16 =	vadd.f32 v19, v58  }
0x28b: {  	[tilespmem:$0x900] =	vst v9;
	v11 =	vmul.f32 $2.500000000e-01, v11;
	v9 =	vadd.f32 v60, v15;
	v15 =	vmul.f32 v49, v54;
	v62 =	vpop (erf)  }
0x28c: {  	[tilespmem:$0x910] =	vst v13;
	v10 =	vmul.f32 $2.500000000e-01, v10;
	v63 =	vmul.f32 v62, v57;
	v13 =	vadd.f32 v61, v16  }
0x28d: {  	[tilespmem:$0x920] =	vst v11;
	v11 =	vmul.f32 $2.500000000e-01, v12;
	v9 =	vadd.f32 v15, v9  }
0x28e: {  	[tilespmem:$0x930] =	vst v10;
	v10 =	vmul.f32 $2.500000000e-01, v14;
	v12 =	vadd.f32 v63, v13  }
0x28f: {  	[tilespmem:$0x940] =	vst v11;
	v9 =	vmul.f32 $2.500000000e-01, v9  }
0x290: {  	v11 =	vmov s16;
	[tilespmem:$0x950] =	vst v10;
	v10 =	vmul.f32 $2.500000000e-01, v12  }
0x291: {  	[tilespmem:$0x960] =	vst v9;
	v9 =	vshll.u32 v11, $0x7  }
0x292: {  	s21 =	simm.s32 $0x7;
	[tilespmem:$0x970] =	vst v10;
	v10 =	vor.u32 v0, v9  }
0x293: {  	_ =	swait.ge [sflag:s21], $0x4000  }
0x294: {  	[sflag:s21] =	ssyncset.done $0x0  }
0x295: {  	[sflag:s21] =	ssyncadd.s32 $0xFFFFC000  }
0x296: {  	v13 =	vld.idx.msk [tilespmem:v11+s28+$0x0], $0xffff  }
0x297: {  	v11 =	vld.idx.msk [tilespmem:v10+s23+$0x0], $0xffff;
	_ =	sdelay $0x2  }
0x298: {  	v12 =	vor.u32 v2, v9;
	_ =	sdelay $0x1  }
0x299: {  	v11 =	vmul.f32 v11, v13;
	_ =	sdelay $0x1  }
0x29a: {  	[tilespmem:v10+s23+$0x0] =	vst.idx.msk $0xffff, v11  }
0x29b: {  	v10 =	vld.idx.msk [tilespmem:v12+s23+$0x0], $0xffff;
	_ =	sdelay $0x2  }
0x29c: {  	v11 =	vor.u32 v3, v9;
	_ =	sdelay $0x1  }
0x29d: {  	v10 =	vmul.f32 v10, v13;
	_ =	sdelay $0x1  }
0x29e: {  	[tilespmem:v12+s23+$0x0] =	vst.idx.msk $0xffff, v10  }
0x29f: {  	v10 =	vld.idx.msk [tilespmem:v11+s23+$0x0], $0xffff;
	_ =	sdelay $0x2  }
0x2a0: {  	v12 =	vor.u32 v4, v9;
	_ =	sdelay $0x1  }
0x2a1: {  	v10 =	vmul.f32 v10, v13;
	_ =	sdelay $0x1  }
0x2a2: {  	[tilespmem:v11+s23+$0x0] =	vst.idx.msk $0xffff, v10  }
0x2a3: {  	v10 =	vld.idx.msk [tilespmem:v12+s23+$0x0], $0xffff;
	_ =	sdelay $0x2  }
0x2a4: {  	v11 =	vor.u32 v5, v9;
	_ =	sdelay $0x1  }
0x2a5: {  	v10 =	vmul.f32 v10, v13;
	_ =	sdelay $0x1  }
0x2a6: {  	[tilespmem:v12+s23+$0x0] =	vst.idx.msk $0xffff, v10  }
0x2a7: {  	v10 =	vld.idx.msk [tilespmem:v11+s23+$0x0], $0xffff;
	_ =	sdelay $0x2  }
0x2a8: {  	v12 =	vor.u32 v6, v9;
	_ =	sdelay $0x1  }
0x2a9: {  	v10 =	vmul.f32 v10, v13;
	_ =	sdelay $0x1  }
0x2aa: {  	[tilespmem:v11+s23+$0x0] =	vst.idx.msk $0xffff, v10  }
0x2ab: {  	v10 =	vld.idx.msk [tilespmem:v12+s23+$0x0], $0xffff;
	_ =	sdelay $0x2  }
0x2ac: {  	v11 =	vor.u32 v7, v9;
	_ =	sdelay $0x1  }
0x2ad: {  	v10 =	vmul.f32 v10, v13;
	_ =	sdelay $0x1  }
0x2ae: {  	[tilespmem:v12+s23+$0x0] =	vst.idx.msk $0xffff, v10  }
0x2af: {  	v12 =	vld.idx.msk [tilespmem:v11+s23+$0x0], $0xffff;
	_ =	sdelay $0x2  }
0x2b0: {  	v10 =	vor.u32 v8, v9;
	_ =	sdelay $0x1  }
0x2b1: {  	v9 =	vmul.f32 v12, v13;
	_ =	sdelay $0x1  }
0x2b2: {  	[tilespmem:v11+s23+$0x0] =	vst.idx.msk $0xffff, v9  }
0x2b3: {  	v14 =	vld.idx.msk [tilespmem:v10+s23+$0x0], $0xffff  }
0x2b4: {  	s22 =	simm.s32 $0x1  }
0x2b5: {  	v12 =	vmov s22  }
0x2b6: {  	v9 =	vshll.u32 v12, $0x7  }
0x2b7: {  	v11 =	vor.u32 v0, v9  }
0x2b8: {  	s16 =	simm.s32 $0x2;
	v13 =	vmul.f32 v14, v13  }
.LBB2_12:
0x2b9: {  	_ = 	snop  }
0x2ba: {  	p2 =	sne.s32 s16, $0x7F;
	s17 =	smov.u32 s16;
	s16 =	sadd.s32 $0x1, s16;
	[tilespmem:v10+s23+$0x0] =	vst.idx.msk $0xffff, v13  }
0x2bb: {  	v13 =	vld.idx.msk [tilespmem:v12+s28+$0x0], $0xffff  }
0x2bc: {  	v10 =	vld.idx.msk [tilespmem:v11+s23+$0x0], $0xffff;
	_ =	sdelay $0x3  }
0x2bd: {  	v12 =	vor.u32 v2, v9;
	_ =	sdelay $0x1  }
0x2be: {  	v10 =	vmul.f32 v10, v13;
	_ =	sdelay $0x1  }
0x2bf: {  	[tilespmem:v11+s23+$0x0] =	vst.idx.msk $0xffff, v10  }
0x2c0: {  	v10 =	vld.idx.msk [tilespmem:v12+s23+$0x0], $0xffff;
	_ =	sdelay $0x3  }
0x2c1: {  	v11 =	vor.u32 v3, v9;
	_ =	sdelay $0x1  }
0x2c2: {  	v10 =	vmul.f32 v10, v13;
	_ =	sdelay $0x1  }
0x2c3: {  	[tilespmem:v12+s23+$0x0] =	vst.idx.msk $0xffff, v10  }
0x2c4: {  	v10 =	vld.idx.msk [tilespmem:v11+s23+$0x0], $0xffff;
	_ =	sdelay $0x3  }
0x2c5: {  	v12 =	vor.u32 v4, v9;
	_ =	sdelay $0x1  }
0x2c6: {  	v10 =	vmul.f32 v10, v13;
	_ =	sdelay $0x1  }
0x2c7: {  	[tilespmem:v11+s23+$0x0] =	vst.idx.msk $0xffff, v10  }
0x2c8: {  	v10 =	vld.idx.msk [tilespmem:v12+s23+$0x0], $0xffff;
	_ =	sdelay $0x3  }
0x2c9: {  	v11 =	vor.u32 v5, v9;
	_ =	sdelay $0x1  }
0x2ca: {  	v10 =	vmul.f32 v10, v13;
	_ =	sdelay $0x1  }
0x2cb: {  	[tilespmem:v12+s23+$0x0] =	vst.idx.msk $0xffff, v10  }
0x2cc: {  	v10 =	vld.idx.msk [tilespmem:v11+s23+$0x0], $0xffff;
	_ =	sdelay $0x3  }
0x2cd: {  	v12 =	vor.u32 v6, v9;
	_ =	sdelay $0x1  }
0x2ce: {  	v10 =	vmul.f32 v10, v13;
	_ =	sdelay $0x1  }
0x2cf: {  	[tilespmem:v11+s23+$0x0] =	vst.idx.msk $0xffff, v10  }
0x2d0: {  	v10 =	vld.idx.msk [tilespmem:v12+s23+$0x0], $0xffff;
	_ =	sdelay $0x3  }
0x2d1: {  	v11 =	vor.u32 v7, v9;
	_ =	sdelay $0x1  }
0x2d2: {  	v10 =	vmul.f32 v10, v13;
	_ =	sdelay $0x1  }
0x2d3: {  	[tilespmem:v12+s23+$0x0] =	vst.idx.msk $0xffff, v10  }
0x2d4: {  	v12 =	vld.idx.msk [tilespmem:v11+s23+$0x0], $0xffff;
	_ =	sdelay $0x3  }
0x2d5: {  	v10 =	vor.u32 v8, v9;
	_ =	sdelay $0x1  }
0x2d6: {  	v9 =	vmul.f32 v12, v13;
	_ =	sdelay $0x1  }
0x2d7: {  	[tilespmem:v11+s23+$0x0] =	vst.idx.msk $0xffff, v9  }
0x2d8: {  	v14 =	vld.idx.msk [tilespmem:v10+s23+$0x0], $0xffff;
	_ =	sdelay $0x1  }
.Ltmp11:
0x2d9: {  	(pc) =	sbr.rel @p2 .LBB2_12-.Ltmp11, $4  }
0x2da: {  	v12 =	vmov s17  }
0x2db: {  	v9 =	vshll.u32 v12, $0x7  }
0x2dc: {  	v11 =	vor.u32 v0, v9  }
0x2dd: {  	v13 =	vmul.f32 v14, v13  }
0x2de: {  	_ =	sdelay $0x3  }
0x2df: {  	[tilespmem:v10+s23+$0x0] =	vst.idx.msk $0xffff, v13  }
0x2e0: {  	v10 =	vld.idx.msk [tilespmem:v12+s28+$0x0], $0xffff  }
0x2e1: {  	v57 =	vld.idx.msk [tilespmem:v11+s23+$0x0], $0xffff;
	_ =	sdelay $0x2  }
0x2e2: {  	v58 =	vor.u32 v2, v9;
	_ =	sdelay $0x1  }
0x2e3: {  	v12 =	vmul.f32 v57, v10;
	_ =	sdelay $0x1  }
0x2e4: {  	[tilespmem:v11+s23+$0x0] =	vst.idx.msk $0xffff, v12  }
0x2e5: {  	v11 =	vld.idx.msk [tilespmem:v58+s23+$0x0], $0xffff;
	_ =	sdelay $0x2  }
0x2e6: {  	v59 =	vor.u32 v3, v9;
	_ =	sdelay $0x1  }
0x2e7: {  	v11 =	vmul.f32 v11, v10;
	_ =	sdelay $0x1  }
0x2e8: {  	[tilespmem:v58+s23+$0x0] =	vst.idx.msk $0xffff, v11  }
0x2e9: {  	v11 =	vld.idx.msk [tilespmem:v59+s23+$0x0], $0xffff;
	_ =	sdelay $0x2  }
0x2ea: {  	v60 =	vor.u32 v4, v9;
	_ =	sdelay $0x1  }
0x2eb: {  	v11 =	vmul.f32 v11, v10;
	_ =	sdelay $0x1  }
0x2ec: {  	[tilespmem:v59+s23+$0x0] =	vst.idx.msk $0xffff, v11  }
0x2ed: {  	v11 =	vld.idx.msk [tilespmem:v60+s23+$0x0], $0xffff;
	_ =	sdelay $0x2  }
0x2ee: {  	v61 =	vor.u32 v5, v9;
	_ =	sdelay $0x1  }
0x2ef: {  	v11 =	vmul.f32 v11, v10;
	_ =	sdelay $0x1  }
0x2f0: {  	[tilespmem:v60+s23+$0x0] =	vst.idx.msk $0xffff, v11  }
0x2f1: {  	v11 =	vld.idx.msk [tilespmem:v61+s23+$0x0], $0xffff;
	_ =	sdelay $0x2  }
0x2f2: {  	v62 =	vor.u32 v6, v9;
	_ =	sdelay $0x1  }
0x2f3: {  	v11 =	vmul.f32 v11, v10;
	_ =	sdelay $0x1  }
0x2f4: {  	[tilespmem:v61+s23+$0x0] =	vst.idx.msk $0xffff, v11  }
0x2f5: {  	v11 =	vld.idx.msk [tilespmem:v62+s23+$0x0], $0xffff;
	_ =	sdelay $0x2  }
0x2f6: {  	v63 =	vor.u32 v7, v9;
	_ =	sdelay $0x1  }
0x2f7: {  	v11 =	vmul.f32 v11, v10;
	_ =	sdelay $0x1  }
0x2f8: {  	[tilespmem:v62+s23+$0x0] =	vst.idx.msk $0xffff, v11  }
0x2f9: {  	v11 =	vld.idx.msk [tilespmem:v63+s23+$0x0], $0xffff;
	_ =	sdelay $0x2  }
0x2fa: {  	v9 =	vor.u32 v8, v9;
	_ =	sdelay $0x1  }
0x2fb: {  	v11 =	vmul.f32 v11, v10;
	_ =	sdelay $0x1  }
0x2fc: {  	[tilespmem:v63+s23+$0x0] =	vst.idx.msk $0xffff, v11  }
0x2fd: {  	v11 =	vld.idx.msk [tilespmem:v9+s23+$0x0], $0xffff;
	_ =	sdelay $0x4  }
0x2fe: {  	v10 =	vmul.f32 v11, v10;
	_ =	sdelay $0x1  }
0x2ff: {  	s9 =	rddreg [dreg:$0x2];
	s16 =	simm.s32 $0x0;
	[tilespmem:v9+s23+$0x0] =	vst.idx.msk $0xffff, v10  }
0x300: {  	[spmem:s9] =	stream.indirect.scatter.add.f32 [tilespmem:s23], [sflag:$0x5], $0x80, s16, s26, $0xb8;
	[tilespmem:$0x1EF80] =	vst v63  }
.LBB2_14:
.Ltmp12:
0x301: {  	(pc) =	sbr.rel @p1 .LBB2_18-.Ltmp12, $1  }
0x302: {  	_ =	sdelay $0x3  }
0x303: {  	_ =	swait.ge [sflag:s5], $0x80  }
0x304: {  	[sflag:s5] =	ssyncset.done $0x0  }
0x305: {  	s9 =	simm.s32 $0x700;
	[sflag:s5] =	ssyncadd.s32 $0xFFFFFF80  }
0x306: {  	[tilespmem:s9], [sflag:$0xA] =	stream.indirect.gather [spmem:s3], $0x1, s26, s26, $0xb8;
	[tilespmem:$0x1EF80] =	vst v63  }
0x307: {  	s14 =	simm.s32 $0x780  }
0x308: {  	[tilespmem:s14], [sflag:$0xA] =	stream.indirect.gather [spmem:s4], $0x1, s26, s26, $0xb8;
	[tilespmem:$0x1EF80] =	vst v63  }
0x309: {  	s16 =	simm.s32 $0x800  }
0x30a: {  	[tilespmem:s16], [sflag:$0xA] =	stream.indirect.gather [spmem:s6], $0x1, s26, s26, $0xb8;
	[tilespmem:$0x1EF80] =	vst v63  }
0x30b: {  	s17 =	simm.s32 $0x880  }
0x30c: {  	[tilespmem:s17], [sflag:$0xA] =	stream.indirect.gather [spmem:s7], $0x1, s26, s26, $0xb8;
	[tilespmem:$0x1EF80] =	vst v63  }
0x30d: {  	_ =	swait.ge [sflag:s15], $0x80  }
0x30e: {  	[sflag:s15] =	ssyncset.done $0x0  }
0x30f: {  	[sflag:s15] =	ssyncadd.s32 $0xFFFFFF80  }
0x310: {  	_ =	swait.ge [sflag:s15], $0x80  }
0x311: {  	[sflag:s15] =	ssyncset.done $0x0  }
0x312: {  	[sflag:s15] =	ssyncadd.s32 $0xFFFFFF80  }
0x313: {  	_ =	swait.ge [sflag:s15], $0x80  }
0x314: {  	[sflag:s15] =	ssyncset.done $0x0  }
0x315: {  	[sflag:s15] =	ssyncadd.s32 $0xFFFFFF80  }
0x316: {  	_ =	swait.ge [sflag:s15], $0x80  }
0x317: {  	[sflag:s15] =	ssyncset.done $0x0  }
0x318: {  	[sflag:s15] =	ssyncadd.s32 $0xFFFFFF80  }
0x319: {  	_ =	swait.ge [sflag:s29], $0x80  }
0x31a: {  	[sflag:s29] =	ssyncset.done $0x0  }
0x31b: {  	[sflag:s29] =	ssyncadd.s32 $0xFFFFFF80  }
0x31c: {  	_ =	swait.ge [sflag:s29], $0x80  }
0x31d: {  	[sflag:s29] =	ssyncset.done $0x0  }
0x31e: {  	[sflag:s29] =	ssyncadd.s32 $0xFFFFFF80  }
0x31f: {  	_ =	swait.ge [sflag:s29], $0x80  }
0x320: {  	[sflag:s29] =	ssyncset.done $0x0  }
0x321: {  	[sflag:s29] =	ssyncadd.s32 $0xFFFFFF80  }
0x322: {  	_ =	swait.ge [sflag:s29], $0x80  }
0x323: {  	[sflag:s29] =	ssyncset.done $0x0  }
0x324: {  	[sflag:s29] =	ssyncadd.s32 $0xFFFFFF80  }
0x325: {  	v9 =	vld [tilespmem:$0x300]  }
0x326: {  	v10 =	vld [tilespmem:$0x700]  }
0x327: {  	v11 =	vld [tilespmem:$0x380]  }
0x328: {  	v12 =	vld [tilespmem:$0x780]  }
0x329: {  	v13 =	vld [tilespmem:$0x400]  }
0x32a: {  	v14 =	vld [tilespmem:$0x800]  }
0x32b: {  	v15 =	vld [tilespmem:$0x480]  }
0x32c: {  	v16 =	vld [tilespmem:$0x880]  }
0x32d: {  	v17 =	vld [tilespmem:$0x310]  }
0x32e: {  	v18 =	vld [tilespmem:$0x710]  }
0x32f: {  	v19 =	vld [tilespmem:$0x390]  }
0x330: {  	v20 =	vld [tilespmem:$0x790]  }
0x331: {  	v21 =	vld [tilespmem:$0x410]  }
0x332: {  	v22 =	vld [tilespmem:$0x810]  }
0x333: {  	v23 =	vld [tilespmem:$0x490]  }
0x334: {  	v24 =	vld [tilespmem:$0x890]  }
0x335: {  	v25 =	vld [tilespmem:$0x320]  }
0x336: {  	v26 =	vld [tilespmem:$0x720]  }
0x337: {  	v27 =	vld [tilespmem:$0x3A0]  }
0x338: {  	v28 =	vld [tilespmem:$0x7A0]  }
0x339: {  	v29 =	vld [tilespmem:$0x420]  }
0x33a: {  	v30 =	vld [tilespmem:$0x820]  }
0x33b: {  	v31 =	vld [tilespmem:$0x4A0]  }
0x33c: {  	v32 =	vld [tilespmem:$0x8A0]  }
0x33d: {  	v52 =	vld [tilespmem:$0x7B0];
	(erf) = vrcp.f32 v10  }
0x33e: {  	v53 =	vld [tilespmem:$0x830];
	(erf) = vrcp.f32 v12  }
0x33f: {  	v54 =	vld [tilespmem:$0x8B0];
	(erf) = vrcp.f32 v14  }
0x340: {  	v55 =	vld [tilespmem:$0x740];
	(erf) = vrcp.f32 v16  }
0x341: {  	v56 =	vld [tilespmem:$0x7C0];
	(erf) = vrcp.f32 v18  }
0x342: {  	v57 =	vld [tilespmem:$0x840];
	(erf) = vrcp.f32 v20  }
0x343: {  	v58 =	vld [tilespmem:$0x8C0];
	(erf) = vrcp.f32 v22  }
0x344: {  	v12 =	vld [tilespmem:$0x730];
	(erf) = vrcp.f32 v24  }
0x345: {  	v59 =	vld [tilespmem:$0x750];
	(erf) = vrcp.f32 v26  }
0x346: {  	v60 =	vld [tilespmem:$0x7D0];
	v33 =	vpop (erf);
	(erf) = vrcp.f32 v28  }
0x347: {  	v62 =	vld [tilespmem:$0x850];
	v34 =	vpop (erf);
	(erf) = vrcp.f32 v30  }
0x348: {  	v41 =	vld [tilespmem:$0x8D0];
	v35 =	vpop (erf);
	(erf) = vrcp.f32 v32  }
0x349: {  	v43 =	vld [tilespmem:$0x760];
	v36 =	vpop (erf);
	(erf) = vrcp.f32 v12  }
0x34a: {  	v45 =	vld [tilespmem:$0x7E0];
	v37 =	vpop (erf);
	(erf) = vrcp.f32 v52  }
0x34b: {  	v46 =	vld [tilespmem:$0x860];
	v38 =	vpop (erf);
	(erf) = vrcp.f32 v53  }
0x34c: {  	v48 =	vld [tilespmem:$0x8E0];
	v39 =	vpop (erf);
	(erf) = vrcp.f32 v54  }
0x34d: {  	v50 =	vld [tilespmem:$0x770];
	v9 =	vmul.f32 v33, v9;
	v40 =	vpop (erf);
	(erf) = vrcp.f32 v55  }
0x34e: {  	v10 =	vld [tilespmem:$0x330];
	v11 =	vmul.f32 v34, v11;
	v61 =	vpop (erf);
	(erf) = vrcp.f32 v56  }
0x34f: {  	v14 =	vld [tilespmem:$0x3B0];
	v9 =	vadd.f32 $0.0e+00, v9;
	v13 =	vmul.f32 v35, v13;
	v63 =	vpop (erf);
	(erf) = vrcp.f32 v57  }
0x350: {  	v18 =	vld [tilespmem:$0x430];
	v17 =	vmul.f32 v37, v17;
	v42 =	vpop (erf);
	(erf) = vrcp.f32 v58  }
0x351: {  	v20 =	vld [tilespmem:$0x4C0];
	v9 =	vadd.f32 v11, v9;
	v11 =	vmul.f32 v36, v15;
	v44 =	vpop (erf);
	(erf) = vrcp.f32 v59  }
0x352: {  	v22 =	vld [tilespmem:$0x4B0];
	v19 =	vmul.f32 v38, v19;
	v17 =	vadd.f32 $0.0e+00, v17;
	v15 =	vpop (erf);
	(erf) = vrcp.f32 v60  }
0x353: {  	v26 =	vld [tilespmem:$0x340];
	v9 =	vadd.f32 v13, v9;
	v13 =	vmul.f32 v39, v21;
	v47 =	vpop (erf);
	(erf) = vrcp.f32 v62  }
0x354: {  	v30 =	vld [tilespmem:$0x3C0];
	v51 =	vmul.f32 v40, v23;
	v17 =	vadd.f32 v19, v17;
	v49 =	vpop (erf);
	(erf) = vrcp.f32 v41  }
0x355: {  	v12 =	vld [tilespmem:$0x440];
	v9 =	vadd.f32 v11, v9;
	v11 =	vmul.f32 v61, v25;
	v52 =	vpop (erf);
	(erf) = vrcp.f32 v43  }
0x356: {  	v54 =	vld [tilespmem:$0x7F0];
	v27 =	vmul.f32 v63, v27;
	v53 =	vpop (erf);
	(erf) = vrcp.f32 v45  }
0x357: {  	v35 =	vld [tilespmem:$0x450];
	v13 =	vadd.f32 v13, v17;
	v10 =	vmul.f32 v15, v10;
	v15 =	vpop (erf);
	(erf) = vrcp.f32 v46  }
0x358: {  	v57 =	vld [tilespmem:$0x870];
	v61 =	vmul.f32 v42, v29;
	v56 =	vpop (erf);
	(erf) = vrcp.f32 v48  }
0x359: {  	v55 =	vld [tilespmem:$0x350];
	v9 =	vmul.f32 $2.500000000e-01, v9;
	v13 =	vadd.f32 v51, v13;
	v58 =	vpop (erf);
	(erf) = vrcp.f32 v50  }
0x35a: {  	v38 =	vmul.f32 v44, v31;
	v62 =	vld [tilespmem:$0x8F0];
	v14 =	vmul.f32 v47, v14;
	v10 =	vadd.f32 $0.0e+00, v10;
	v60 =	vpop (erf)  }
0x35b: {  	v39 =	vld [tilespmem:$0x4D0];
	v11 =	vadd.f32 $0.0e+00, v11;
	v13 =	vmul.f32 $2.500000000e-01, v13;
	(erf) = vrcp.f32 v54;
	v63 =	vpop (erf)  }
0x35c: {  	v59 =	vld [tilespmem:$0x3D0];
	v10 =	vadd.f32 v14, v10;
	v14 =	vmul.f32 v49, v18;
	v25 =	vmul.f32 v53, v26;
	v36 =	vpop (erf)  }
0x35d: {  	v11 =	vadd.f32 v27, v11;
	v41 =	vld [tilespmem:$0x360];
	v22 =	vmul.f32 v52, v22;
	(erf) = vrcp.f32 v57;
	v40 =	vpop (erf)  }
0x35e: {  	v44 =	vld [tilespmem:$0x370];
	v15 =	vmul.f32 v15, v30;
	v10 =	vadd.f32 v14, v10;
	v43 =	vadd.f32 $0.0e+00, v25;
	v42 =	vpop (erf)  }
0x35f: {  	v11 =	vadd.f32 v61, v11;
	v45 =	vld [tilespmem:$0x3E0];
	v14 =	vmul.f32 v60, v55;
	(erf) = vrcp.f32 v62;
	v46 =	vpop (erf)  }
0x360: {  	v48 =	vld [tilespmem:$0x3F0];
	v12 =	vmul.f32 v56, v12;
	v15 =	vadd.f32 v15, v43;
	v10 =	vadd.f32 v22, v10;
	v47 =	vpop (erf)  }
0x361: {  	v51 =	vld [tilespmem:$0x460];
	v18 =	vmul.f32 v63, v59;
	v14 =	vadd.f32 $0.0e+00, v14;
	v50 =	vmul.f32 v36, v35;
	v49 =	vpop (erf)  }
0x362: {  	v53 =	vld [tilespmem:$0x470];
	v12 =	vadd.f32 v12, v15;
	v15 =	vmul.f32 v58, v20;
	v17 =	vmul.f32 v42, v41;
	v52 =	vpop (erf)  }
0x363: {  	v54 =	vld [tilespmem:$0x4E0];
	v16 =	vmul.f32 v40, v39;
	v14 =	vadd.f32 v18, v14;
	v22 =	vmul.f32 v52, v44  }
0x364: {  	v57 =	vld [tilespmem:$0x4F0];
	v12 =	vadd.f32 v15, v12;
	v56 =	vmul.f32 v46, v45;
	v15 =	vadd.f32 $0.0e+00, v17;
	v55 =	vpop (erf)  }
0x365: {  	v14 =	vadd.f32 v50, v14;
	v19 =	vmul.f32 v55, v48;
	v58 =	vadd.f32 $0.0e+00, v22  }
0x366: {  	v11 =	vadd.f32 v38, v11;
	v60 =	vmul.f32 v47, v51;
	v15 =	vadd.f32 v56, v15;
	v59 =	vpop (erf)  }
0x367: {  	v14 =	vadd.f32 v16, v14;
	v61 =	vmul.f32 v59, v53;
	v16 =	vadd.f32 v19, v58  }
0x368: {  	[tilespmem:$0x980] =	vst v9;
	v11 =	vmul.f32 $2.500000000e-01, v11;
	v9 =	vadd.f32 v60, v15;
	v15 =	vmul.f32 v49, v54;
	v62 =	vpop (erf)  }
0x369: {  	[tilespmem:$0x990] =	vst v13;
	v10 =	vmul.f32 $2.500000000e-01, v10;
	v63 =	vmul.f32 v62, v57;
	v13 =	vadd.f32 v61, v16  }
0x36a: {  	[tilespmem:$0x9A0] =	vst v11;
	v11 =	vmul.f32 $2.500000000e-01, v12;
	v9 =	vadd.f32 v15, v9  }
0x36b: {  	[tilespmem:$0x9B0] =	vst v10;
	v10 =	vmul.f32 $2.500000000e-01, v14;
	v12 =	vadd.f32 v63, v13  }
0x36c: {  	s18 =	simm.s32 $0x0;
	[tilespmem:$0x9C0] =	vst v11;
	v9 =	vmul.f32 $2.500000000e-01, v9  }
0x36d: {  	v11 =	vmov s18;
	[tilespmem:$0x9D0] =	vst v10;
	v10 =	vmul.f32 $2.500000000e-01, v12  }
0x36e: {  	[tilespmem:$0x9E0] =	vst v9;
	v9 =	vshll.u32 v11, $0x7  }
0x36f: {  	s21 =	simm.s32 $0x8;
	[tilespmem:$0x9F0] =	vst v10;
	v10 =	vor.u32 v0, v9  }
0x370: {  	_ =	swait.ge [sflag:s21], $0x4000  }
0x371: {  	[sflag:s21] =	ssyncset.done $0x0  }
0x372: {  	[sflag:s21] =	ssyncadd.s32 $0xFFFFC000  }
0x373: {  	v13 =	vld.idx.msk [tilespmem:v11+s30+$0x0], $0xffff  }
0x374: {  	v11 =	vld.idx.msk [tilespmem:v10+s31+$0x0], $0xffff;
	_ =	sdelay $0x2  }
0x375: {  	v12 =	vor.u32 v2, v9;
	_ =	sdelay $0x1  }
0x376: {  	v11 =	vmul.f32 v11, v13;
	_ =	sdelay $0x1  }
0x377: {  	[tilespmem:v10+s31+$0x0] =	vst.idx.msk $0xffff, v11  }
0x378: {  	v10 =	vld.idx.msk [tilespmem:v12+s31+$0x0], $0xffff;
	_ =	sdelay $0x2  }
0x379: {  	v11 =	vor.u32 v3, v9;
	_ =	sdelay $0x1  }
0x37a: {  	v10 =	vmul.f32 v10, v13;
	_ =	sdelay $0x1  }
0x37b: {  	[tilespmem:v12+s31+$0x0] =	vst.idx.msk $0xffff, v10  }
0x37c: {  	v10 =	vld.idx.msk [tilespmem:v11+s31+$0x0], $0xffff;
	_ =	sdelay $0x2  }
0x37d: {  	v12 =	vor.u32 v4, v9;
	_ =	sdelay $0x1  }
0x37e: {  	v10 =	vmul.f32 v10, v13;
	_ =	sdelay $0x1  }
0x37f: {  	[tilespmem:v11+s31+$0x0] =	vst.idx.msk $0xffff, v10  }
0x380: {  	v10 =	vld.idx.msk [tilespmem:v12+s31+$0x0], $0xffff;
	_ =	sdelay $0x2  }
0x381: {  	v11 =	vor.u32 v5, v9;
	_ =	sdelay $0x1  }
0x382: {  	v10 =	vmul.f32 v10, v13;
	_ =	sdelay $0x1  }
0x383: {  	[tilespmem:v12+s31+$0x0] =	vst.idx.msk $0xffff, v10  }
0x384: {  	v10 =	vld.idx.msk [tilespmem:v11+s31+$0x0], $0xffff;
	_ =	sdelay $0x2  }
0x385: {  	v12 =	vor.u32 v6, v9;
	_ =	sdelay $0x1  }
0x386: {  	v10 =	vmul.f32 v10, v13;
	_ =	sdelay $0x1  }
0x387: {  	[tilespmem:v11+s31+$0x0] =	vst.idx.msk $0xffff, v10  }
0x388: {  	v10 =	vld.idx.msk [tilespmem:v12+s31+$0x0], $0xffff;
	_ =	sdelay $0x2  }
0x389: {  	v11 =	vor.u32 v7, v9;
	_ =	sdelay $0x1  }
0x38a: {  	v10 =	vmul.f32 v10, v13;
	_ =	sdelay $0x1  }
0x38b: {  	[tilespmem:v12+s31+$0x0] =	vst.idx.msk $0xffff, v10  }
0x38c: {  	v12 =	vld.idx.msk [tilespmem:v11+s31+$0x0], $0xffff;
	_ =	sdelay $0x2  }
0x38d: {  	v10 =	vor.u32 v8, v9;
	_ =	sdelay $0x1  }
0x38e: {  	v9 =	vmul.f32 v12, v13;
	_ =	sdelay $0x1  }
0x38f: {  	[tilespmem:v11+s31+$0x0] =	vst.idx.msk $0xffff, v9  }
0x390: {  	v14 =	vld.idx.msk [tilespmem:v10+s31+$0x0], $0xffff  }
0x391: {  	s22 =	simm.s32 $0x1  }
0x392: {  	v12 =	vmov s22  }
0x393: {  	v9 =	vshll.u32 v12, $0x7  }
0x394: {  	v11 =	vor.u32 v0, v9  }
0x395: {  	s16 =	simm.s32 $0x2;
	v13 =	vmul.f32 v14, v13  }
.LBB2_16:
0x396: {  	_ = 	snop  }
0x397: {  	p2 =	sne.s32 s16, $0x7F;
	s17 =	smov.u32 s16;
	s16 =	sadd.s32 $0x1, s16;
	[tilespmem:v10+s31+$0x0] =	vst.idx.msk $0xffff, v13  }
0x398: {  	v13 =	vld.idx.msk [tilespmem:v12+s30+$0x0], $0xffff  }
0x399: {  	v10 =	vld.idx.msk [tilespmem:v11+s31+$0x0], $0xffff;
	_ =	sdelay $0x3  }
0x39a: {  	v12 =	vor.u32 v2, v9;
	_ =	sdelay $0x1  }
0x39b: {  	v10 =	vmul.f32 v10, v13;
	_ =	sdelay $0x1  }
0x39c: {  	[tilespmem:v11+s31+$0x0] =	vst.idx.msk $0xffff, v10  }
0x39d: {  	v10 =	vld.idx.msk [tilespmem:v12+s31+$0x0], $0xffff;
	_ =	sdelay $0x3  }
0x39e: {  	v11 =	vor.u32 v3, v9;
	_ =	sdelay $0x1  }
0x39f: {  	v10 =	vmul.f32 v10, v13;
	_ =	sdelay $0x1  }
0x3a0: {  	[tilespmem:v12+s31+$0x0] =	vst.idx.msk $0xffff, v10  }
0x3a1: {  	v10 =	vld.idx.msk [tilespmem:v11+s31+$0x0], $0xffff;
	_ =	sdelay $0x3  }
0x3a2: {  	v12 =	vor.u32 v4, v9;
	_ =	sdelay $0x1  }
0x3a3: {  	v10 =	vmul.f32 v10, v13;
	_ =	sdelay $0x1  }
0x3a4: {  	[tilespmem:v11+s31+$0x0] =	vst.idx.msk $0xffff, v10  }
0x3a5: {  	v10 =	vld.idx.msk [tilespmem:v12+s31+$0x0], $0xffff;
	_ =	sdelay $0x3  }
0x3a6: {  	v11 =	vor.u32 v5, v9;
	_ =	sdelay $0x1  }
0x3a7: {  	v10 =	vmul.f32 v10, v13;
	_ =	sdelay $0x1  }
0x3a8: {  	[tilespmem:v12+s31+$0x0] =	vst.idx.msk $0xffff, v10  }
0x3a9: {  	v10 =	vld.idx.msk [tilespmem:v11+s31+$0x0], $0xffff;
	_ =	sdelay $0x3  }
0x3aa: {  	v12 =	vor.u32 v6, v9;
	_ =	sdelay $0x1  }
0x3ab: {  	v10 =	vmul.f32 v10, v13;
	_ =	sdelay $0x1  }
0x3ac: {  	[tilespmem:v11+s31+$0x0] =	vst.idx.msk $0xffff, v10  }
0x3ad: {  	v10 =	vld.idx.msk [tilespmem:v12+s31+$0x0], $0xffff;
	_ =	sdelay $0x3  }
0x3ae: {  	v11 =	vor.u32 v7, v9;
	_ =	sdelay $0x1  }
0x3af: {  	v10 =	vmul.f32 v10, v13;
	_ =	sdelay $0x1  }
0x3b0: {  	[tilespmem:v12+s31+$0x0] =	vst.idx.msk $0xffff, v10  }
0x3b1: {  	v12 =	vld.idx.msk [tilespmem:v11+s31+$0x0], $0xffff;
	_ =	sdelay $0x3  }
0x3b2: {  	v10 =	vor.u32 v8, v9;
	_ =	sdelay $0x1  }
0x3b3: {  	v9 =	vmul.f32 v12, v13;
	_ =	sdelay $0x1  }
0x3b4: {  	[tilespmem:v11+s31+$0x0] =	vst.idx.msk $0xffff, v9  }
0x3b5: {  	v14 =	vld.idx.msk [tilespmem:v10+s31+$0x0], $0xffff;
	_ =	sdelay $0x1  }
.Ltmp13:
0x3b6: {  	(pc) =	sbr.rel @p2 .LBB2_16-.Ltmp13, $4  }
0x3b7: {  	v12 =	vmov s17  }
0x3b8: {  	v9 =	vshll.u32 v12, $0x7  }
0x3b9: {  	v11 =	vor.u32 v0, v9  }
0x3ba: {  	v13 =	vmul.f32 v14, v13  }
0x3bb: {  	_ =	sdelay $0x3  }
0x3bc: {  	[tilespmem:v10+s31+$0x0] =	vst.idx.msk $0xffff, v13  }
0x3bd: {  	v10 =	vld.idx.msk [tilespmem:v12+s30+$0x0], $0xffff  }
0x3be: {  	v57 =	vld.idx.msk [tilespmem:v11+s31+$0x0], $0xffff;
	_ =	sdelay $0x2  }
0x3bf: {  	v58 =	vor.u32 v2, v9;
	_ =	sdelay $0x1  }
0x3c0: {  	v12 =	vmul.f32 v57, v10;
	_ =	sdelay $0x1  }
0x3c1: {  	[tilespmem:v11+s31+$0x0] =	vst.idx.msk $0xffff, v12  }
0x3c2: {  	v11 =	vld.idx.msk [tilespmem:v58+s31+$0x0], $0xffff;
	_ =	sdelay $0x2  }
0x3c3: {  	v59 =	vor.u32 v3, v9;
	_ =	sdelay $0x1  }
0x3c4: {  	v11 =	vmul.f32 v11, v10;
	_ =	sdelay $0x1  }
0x3c5: {  	[tilespmem:v58+s31+$0x0] =	vst.idx.msk $0xffff, v11  }
0x3c6: {  	v11 =	vld.idx.msk [tilespmem:v59+s31+$0x0], $0xffff;
	_ =	sdelay $0x2  }
0x3c7: {  	v60 =	vor.u32 v4, v9;
	_ =	sdelay $0x1  }
0x3c8: {  	v11 =	vmul.f32 v11, v10;
	_ =	sdelay $0x1  }
0x3c9: {  	[tilespmem:v59+s31+$0x0] =	vst.idx.msk $0xffff, v11  }
0x3ca: {  	v11 =	vld.idx.msk [tilespmem:v60+s31+$0x0], $0xffff;
	_ =	sdelay $0x2  }
0x3cb: {  	v61 =	vor.u32 v5, v9;
	_ =	sdelay $0x1  }
0x3cc: {  	v11 =	vmul.f32 v11, v10;
	_ =	sdelay $0x1  }
0x3cd: {  	[tilespmem:v60+s31+$0x0] =	vst.idx.msk $0xffff, v11  }
0x3ce: {  	v11 =	vld.idx.msk [tilespmem:v61+s31+$0x0], $0xffff;
	_ =	sdelay $0x2  }
0x3cf: {  	v62 =	vor.u32 v6, v9;
	_ =	sdelay $0x1  }
0x3d0: {  	v11 =	vmul.f32 v11, v10;
	_ =	sdelay $0x1  }
0x3d1: {  	[tilespmem:v61+s31+$0x0] =	vst.idx.msk $0xffff, v11  }
0x3d2: {  	v11 =	vld.idx.msk [tilespmem:v62+s31+$0x0], $0xffff;
	_ =	sdelay $0x2  }
0x3d3: {  	v63 =	vor.u32 v7, v9;
	_ =	sdelay $0x1  }
0x3d4: {  	v11 =	vmul.f32 v11, v10;
	_ =	sdelay $0x1  }
0x3d5: {  	[tilespmem:v62+s31+$0x0] =	vst.idx.msk $0xffff, v11  }
0x3d6: {  	v11 =	vld.idx.msk [tilespmem:v63+s31+$0x0], $0xffff;
	_ =	sdelay $0x2  }
0x3d7: {  	v9 =	vor.u32 v8, v9;
	_ =	sdelay $0x1  }
0x3d8: {  	v11 =	vmul.f32 v11, v10;
	_ =	sdelay $0x1  }
0x3d9: {  	[tilespmem:v63+s31+$0x0] =	vst.idx.msk $0xffff, v11  }
0x3da: {  	v11 =	vld.idx.msk [tilespmem:v9+s31+$0x0], $0xffff;
	_ =	sdelay $0x3  }
.Ltmp14:
0x3db: {  	_ = 	snop;
	(pc) =	sbr.rel .LBB2_18-.Ltmp14, $3  }
0x3dc: {  	v10 =	vmul.f32 v11, v10;
	_ =	sdelay $0x1  }
0x3dd: {  	s9 =	rddreg [dreg:$0x2];
	[tilespmem:v9+s31+$0x0] =	vst.idx.msk $0xffff, v10  }
0x3de: {  	[spmem:s9] =	stream.indirect.scatter.add.f32 [tilespmem:s31], [sflag:$0x6], $0x80, s26, s26, $0xb8;
	[tilespmem:$0x1EF80] =	vst v63  }
.LBB2_20:
0x3df: {  	_ =	sfence.sel $0x180000  }
0x3e0: {  	[bflag:$0x0] =	sbarrier.arrive $0xFFFF  }
0x3e1: {  	_ =	strace $0x9000004A  }
0x3e2: {  	s0 =	stileid.u32;
	[bflag:$0x2] =	sbarrier.arrive $0xFFFF  }
0x3e3: {  	p0 =	sne.s32 s0, $0x0;
	s0 =	rddreg [dreg:$0x7]  }
0x3e4: {  	s0 =	sadd.s32 @!p0 $0x100000, s0  }
0x3e5: {  	[sflag:s0] =	ssyncadd.tile.s32 @!p0 $0x1;
	_ =	shalt  }
.Lfunc_end2:
_tile_overlayer_lowered:
.L_overlay_start_2:
0x3e6: {  	(tag) =	ssettag $0x2  }
0x3e7: {  	s0 =	rddreg [dreg:$0x0];
	s2 =	stileid.u32  }
0x3e8: {  	s1 =	rddreg [dreg:$0x1];
	p0 =	sne.s32 s2, $0x0  }
0x3e9: {  	s3 =	rddreg [dreg:$0x2];
	[bflag:$0x3] =	sbarrier.arrive $0xFFFF;
	s2 =	simm.s32 @!p0 $0x1C0B  }
0x3ea: {  	[timem:s3], [sflag:s2] =	dma.local @!p0 [hbm:s0], s1  }
0x3eb: {  	s0 =	simm.s32 @!p0 $0xB  }
0x3ec: {  	_ =	swait.ge @!p0 [sflag:s0], s1  }
0x3ed: {  	s1 =	ssub.s32 @!p0 $0x0, s1;
	[sflag:s0] =	ssyncset.done @!p0 $0x0  }
0x3ee: {  	[sflag:s0] =	ssyncadd.s32 @!p0 s1  }
0x3ef: {  	[bflag:$0x3] =	sbarrier.arrive $0xFFFF  }
0x3f0: {  	_ =	shalt  }

// kernel: kernel.9.cloned.1.call-start
scs
__scs_entry_jumppad:
0x0: {  	(pc) =	sbr.rel $0x88, $3  }
0x1: {  	(tag) =	ssettag $0x0;
	lr =	simm.s32 $0x1  }
0x2: {  	[smem:$0x3F93] =	sst lr;
	_ =	strace $0xD0000000  }
0x3: {  	_ = 	snop  }
0x4: {  	_ = 	snop  }
0x5: {  	_ = 	snop  }
0x6: {  	_ = 	snop  }
0x7: {  	_ = 	snop  }
__scs_overlays_trampoline_lowered:
0x8: {  	[smem:$0x3FA2] =	sst s0  }
0x9: {  	[smem:$0x3FA3] =	sst s1  }
0xa: {  	[smem:$0x3FA4] =	sst s2  }
0xb: {  	[smem:$0x3FA5] =	sst s3  }
0xc: {  	[smem:$0x3FA6] =	sst s4  }
0xd: {  	[smem:$0x3FA7] =	sst s5  }
0xe: {  	[smem:$0x3FA8] =	sst s6  }
0xf: {  	[smem:$0x3FA9] =	sst s7  }
0x10: {  	[smem:$0x3FAA] =	sst s8  }
0x11: {  	[smem:$0x3FAB] =	sst s9;
	s0 =	simm.s32 @!p0 $0x0  }
0x12: {  	s1 =	sld [smem:$0x3F91];
	s0 =	simm.s32 @p0 $0x1  }
0x13: {  	[smem:$0x3FAC] =	sst s0;
	s0 =	simm.s32 @!p1 $0x0  }
0x14: {  	s2 =	sld [smem:$0x3F90];
	s0 =	simm.s32 @p1 $0x1  }
0x15: {  	[smem:$0x3FAD] =	sst s0;
	s0 =	simm.s32 @!p2 $0x0  }
0x16: {  	s3 =	sld [smem:$0x3FDB];
	s0 =	simm.s32 @p2 $0x1  }
0x17: {  	s4 =	simm.s32 $0x1BF5;
	[smem:$0x3FAF] =	sst s0  }
0x18: {  	s0 =	sld [smem:$0x3F92];
	_ =	swait.ge [sflag:s4], $0x0  }
0x19: {  	s7 =	sld [smem:$0x3F93]  }
0x1a: {  	s8 =	sadd.s32 $0xFFFFE003, lr  }
0x1b: {  	s9 =	sadd.s32 $0xFFFFFEF7, lr;
	s5 =	simm.s32 $0xFFFFFFFF;
	p2 =	slt.u32 s8, $0xFFFFF086  }
0x1c: {  	p1 =	slt.u32 s9, $0xF7A;
	s5 =	simm.s32 @!p2 $0x0  }
0x1d: {  	s5 =	simm.s32 @p1 $0x1;
	p0 =	seq.s32 s7, s2  }
0x1e: {  	s7 =	smul.u32 @!p0 $0xF7A, s2;
	p2 =	seq.s32 @!p0 s5, $0x0  }
0x1f: {  	s9 =	smul.u32 $0xF7A, s1;
	s8 =	simm.s32 @!p0 $0x1BF5;
	p2 =	por !p2, p0  }
0x20: {  	[sflag:s8] =	ssyncset.s32 @!p0 $0xFFFFF086;
	s6 =	sadd.s32 @!p0 s3, s7;
	s7 =	simm.s32 @!p0 $0x108  }
0x21: {  	s3 =	sadd.s32 s3, s9;
	s6 =	sadd.s32 @!p0 $0x88, s6;
	s7 =	simm.s32 @p2 $0x1082  }
0x22: {  	[simem:s7], [sflag:s8] =	dma.local @!p0 [hbm:s6], $0xF7A  }
0x23: {  	s9 =	sor.u32 $0xD0000000, s2;
	s6 =	simm.s32 $0x108;
	_ =	swait.ge @!p0 [sflag:s8], $0x0  }
0x24: {  	s3 =	sadd.s32 $0x88, s3;
	s6 =	simm.s32 @!p1 $0x1082;
	[sflag:s4] =	ssyncset.s32 $0xFFFFF086  }
0x25: {  	[simem:s6], [sflag:s4] =	dma.local [hbm:s3], $0xF7A  }
0x26: {  	[smem:$0x3F93] =	sst s1;
	(tag) =	ssettag s2;
	_ =	strace s9  }
0x27: {  	s1 =	sld [smem:$0x3FA3]  }
0x28: {  	s2 =	sld [smem:$0x3FA4]  }
0x29: {  	s4 =	sld [smem:$0x3FA6]  }
0x2a: {  	p0 =	seq.s32 s5, $0x0;
	s5 =	sld [smem:$0x3FA7]  }
0x2b: {  	s6 =	sld [smem:$0x3FA8]  }
0x2c: {  	s7 =	sld [smem:$0x3FA9]  }
0x2d: {  	s3 =	simm.s32 $0x108;
	s8 =	sld [smem:$0x3FAA]  }
0x2e: {  	s3 =	simm.s32 @!p0 $0x1082;
	s9 =	sld [smem:$0x3FAB]  }
0x2f: {  	lr =	sadd.s32 s0, s3;
	s0 =	sld [smem:$0x3FA2]  }
0x30: {  	s3 =	sld [smem:$0x3FA5]  }
0x31: {  	[smem:$0x3FAE] =	sst s10  }
0x32: {  	s10 =	sld [smem:$0x3FAC];
	_ =	sdelay $0x3  }
0x33: {  	p0 =	seq.s32 s10, $0x1;
	s10 =	sld [smem:$0x3FAE];
	_ =	sdelay $0x3  }
0x34: {  	[smem:$0x3FAE] =	sst s10  }
0x35: {  	s10 =	sld [smem:$0x3FAD];
	_ =	sdelay $0x3  }
0x36: {  	p1 =	seq.s32 s10, $0x1;
	s10 =	sld [smem:$0x3FAE];
	_ =	sdelay $0x3  }
0x37: {  	[smem:$0x3FAE] =	sst s10  }
0x38: {  	s10 =	sld [smem:$0x3FAF]  }
0x39: {  	_ = 	snop;
	(pc) =	sbr.ind lr, $3  }
0x3a: {  	_ = 	snop  }
0x3b: {  	_ = 	snop  }
0x3c: {  	p2 =	seq.s32 s10, $0x1;
	s10 =	sld [smem:$0x3FAE]  }
0x3d: {  	_ =	shalt  }
0x3e: {  	_ =	shalt  }
0x3f: {  	_ =	shalt  }
0x40: {  	_ =	shalt  }
0x41: {  	_ =	shalt  }
0x42: {  	_ =	shalt  }
0x43: {  	_ =	shalt  }
0x44: {  	_ =	shalt  }
0x45: {  	_ =	shalt  }
0x46: {  	_ =	shalt  }
0x47: {  	_ =	shalt  }
0x48: {  	_ =	shalt  }
0x49: {  	_ =	shalt  }
0x4a: {  	_ =	shalt  }
0x4b: {  	_ =	shalt  }
0x4c: {  	_ =	shalt  }
0x4d: {  	_ =	shalt  }
0x4e: {  	_ =	shalt  }
0x4f: {  	_ =	shalt  }
0x50: {  	_ =	shalt  }
0x51: {  	_ =	shalt  }
0x52: {  	_ =	shalt  }
0x53: {  	_ =	shalt  }
0x54: {  	_ =	shalt  }
0x55: {  	_ =	shalt  }
0x56: {  	_ =	shalt  }
0x57: {  	_ =	shalt  }
0x58: {  	_ =	shalt  }
0x59: {  	_ =	shalt  }
0x5a: {  	_ =	shalt  }
0x5b: {  	_ =	shalt  }
0x5c: {  	_ =	shalt  }
0x5d: {  	_ =	shalt  }
0x5e: {  	_ =	shalt  }
0x5f: {  	_ =	shalt  }
0x60: {  	_ =	shalt  }
0x61: {  	_ =	shalt  }
0x62: {  	_ =	shalt  }
0x63: {  	_ =	shalt  }
0x64: {  	_ =	shalt  }
0x65: {  	_ =	shalt  }
0x66: {  	_ =	shalt  }
0x67: {  	_ =	shalt  }
0x68: {  	_ =	shalt  }
0x69: {  	_ =	shalt  }
0x6a: {  	_ =	shalt  }
0x6b: {  	_ =	shalt  }
0x6c: {  	_ =	shalt  }
0x6d: {  	_ =	shalt  }
0x6e: {  	_ =	shalt  }
0x6f: {  	_ =	shalt  }
0x70: {  	_ =	shalt  }
0x71: {  	_ =	shalt  }
0x72: {  	_ =	shalt  }
0x73: {  	_ =	shalt  }
0x74: {  	_ =	shalt  }
0x75: {  	_ =	shalt  }
0x76: {  	_ =	shalt  }
0x77: {  	_ =	shalt  }
0x78: {  	_ =	shalt  }
0x79: {  	_ =	shalt  }
0x7a: {  	_ =	shalt  }
0x7b: {  	_ =	shalt  }
0x7c: {  	_ =	shalt  }
0x7d: {  	_ =	shalt  }
0x7e: {  	_ =	shalt  }
0x7f: {  	_ =	shalt  }
0x80: {  	_ =	shalt  }
0x81: {  	_ =	shalt  }
0x82: {  	_ =	shalt  }
0x83: {  	_ =	shalt  }
0x84: {  	_ =	shalt  }
0x85: {  	_ =	shalt  }
0x86: {  	_ =	shalt  }
0x87: {  	_ =	shalt  }
.Lfunc_end0:
.L_simem_size_0:
called_computation_lowered:
.L_overlay_start_0:
0x88: {  	s2 =	sld [smem:$0x3FD9]  }
0x89: {  	s3 =	sld [smem:$0x3FFE];
	_ =	sdelay $0x1  }
0x8a: {  	s1 =	srdreg.scid  }
0x8b: {  	s0 =	sand.u32 $0x1, s1  }
0x8c: {  	s17 =	sshll.u32 s0, $0xA;
	s2 =	sadd.s32 s3, s2  }
0x8d: {  	s2 =	sadd.s32 s2, s17  }
0x8e: {  	[smem:$0x3FBA] =	sst s2  }
0x8f: {  	_ = 	snop  }
0x90: {  	s2 =	sld [smem:$0x3FC9]  }
0x91: {  	s18 =	sld [smem:$0x3FD0];
	(tm) =	ssettm $0x1  }
0x92: {  	s4 =	sld [smem:$0x3FFB];
	_ =	sdelay $0x3  }
0x93: {  	_ =	strace s4  }
0x94: {  	s4 =	sld [smem:$0x3FFC];
	_ =	sdelay $0x3  }
0x95: {  	_ =	strace s4  }
0x96: {  	s4 =	sld [smem:$0x3FFD];
	_ =	sdelay $0x3  }
0x97: {  	_ =	strace s4  }
0x98: {  	_ =	strace $0x8FFFFFFF  }
0x99: {  	s19 =	sld [smem:$0x3FDB];
	_ =	sdelay $0x1  }
0x9a: {  	s5 =	simm.s32 $_scs_section_size  }
0x9b: {  	s6 =	simm.s32 $_size__tile_overlayer_lowered;
	s7 =	simm.s32 $_tile_overlayer_lowered  }
0x9c: {  	s22 =	simm.s32 $0x1BFF;
	s21 =	sshll.u32 s7, $0x1;
	s4 =	sadd.s32 s5, s19  }
0x9d: {  	s8 =	simm.s32 $0x0;
	s20 =	sshll.u32 s6, $0x1;
	s6 =	sadd.s32 s21, s4  }
0x9e: {  	[timem:s8], [sflag:s22] =	dma.local [hbm:s6], s20  }
0x9f: {  	_ =	swait.ge [sflag:s22], s20  }
0xa0: {  	s5 =	ssub.s32 $0x0, s20;
	[sflag:s22] =	ssyncset.done $0x0  }
0xa1: {  	[sflag:s22] =	ssyncadd.s32 s5;
	_ =	sdelay $0x1  }
0xa2: {  	s23 =	simm.s32 $0x1B8B  }
0xa3: {  	_ =	swait.ge [sflag:s23], $0x1  }
0xa4: {  	[sflag:s23] =	ssyncset.done $0x0  }
0xa5: {  	s25 =	simm.s32 $0x1B8E;
	s24 =	sld [smem:$0x3FFE];
	[sflag:s23] =	ssyncadd.s32 $0xFFFFFFFF  }
0xa6: {  	s26 =	simm.s32 $execute0_lowered;
	[smem:$0x3FD2] =	sst s25  }
0xa7: {  	s6 =	sshll.u32 s26, $0x1;
	_ =	strace $0x80000046;
	[dreg:$0x1] =	wrdreg $0xFFFFFFFF  }
0xa8: {  	s28 =	simm.s32 $_size_execute0_lowered;
	s4 =	sadd.s32 s4, s6;
	[dreg:$0x0] =	wrdreg $0x0  }
0xa9: {  	s6 =	sshll.u32 s28, $0x1;
	[dreg:$0x2] =	wrdreg s4  }
0xaa: {  	[dreg:$0x3] =	wrdreg s6  }
0xab: {  	[dreg:$0x4] =	wrdreg $0xC0  }
0xac: {  	_ =	task [dreg:s8], $0x5FFFF  }
0xad: {  	[dreg:$0x1] =	wrdreg $0xFFFFFFFF  }
0xae: {  	[dreg:$0x0] =	wrdreg $0x60  }
0xaf: {  	[dreg:$0x2] =	wrdreg s24  }
0xb0: {  	[dreg:$0x3] =	wrdreg s18  }
0xb1: {  	[dreg:$0x4] =	wrdreg s2  }
0xb2: {  	[dreg:$0x5] =	wrdreg $0x9  }
0xb3: {  	_ =	task.clear_ibuf [dreg:s8], $0x6FFFF;
	_ =	strace $0x90000046  }
0xb4: {  	s29 =	simm.s32 $0x9;
	_ =	strace $0x80000048  }
0xb5: {  	_ =	swait.ge [sflag:s29], $0x1  }
0xb6: {  	[sflag:s29] =	ssyncadd.s32 $0xFFFFFFFF  }
0xb7: {  	_ =	strace $0x90000048  }
0xb8: {  	_ =	sfence  }
0xb9: {  	s30 =	sld [smem:$0x0];
	_ =	sdelay $0x2  }
0xba: {  	s31 =	sshll.u32 s1, $0xD;
	s1 =	sshrl.u32 s1, $0x2  }
0xbb: {  	s3 =	sand.u32 $0x4000, s31;
	s1 =	sadd.s32 s1, s30  }
0xbc: {  	s0 =	sor.u32 s3, s0;
	s1 =	sshll.u32 s1, $0x11  }
0xbd: {  	s0 =	sor.u32 s1, s0  }
0xbe: {  	s0 =	sadd.s32 $0x8F2B, s0  }
0xbf: {  	[sflag:s0] =	ssyncadd.remote.s32 $0x1  }
0xc0: {  	_ =	sfence.sel $0xFFFF  }
0xc1: {  	[dreg:$0x0] =	wrdreg $0xFFFFFFFF;
	(pc) =	sbr.abs _section_cstart, $3  }
0xc2: {  	[dreg:$0x1] =	wrdreg $0xFFFFFFFF  }
0xc3: {  	_ =	task.clear_ibuf [dreg:s8], $0x2FFFF;
	_ =	strace $0x9FFFFFFF  }
0xc4: {  	(tm) =	ssettm $0x7FFFFFFF  }
0xc5: {  	_ =	shalt  }
tec
execute0_lowered:
.L_overlay_start_1:
0x0: {  	(tag) =	ssettag $0x1  }
0x1: {  	s9 =	rddreg [dreg:$0x0]  }
0x2: {  	s1 =	rddreg [dreg:$0x1]  }
0x3: {  	s2 =	rddreg [dreg:$0x2]  }
0x4: {  	s0 =	rddreg [dreg:$0x3];
	s3 =	simm.s32 $0x0;
	s4 =	srdreg.scid  }
0x5: {  	s14 =	simm.s32 $0x100;
	s15 =	simm.s32 $0x5;
	s16 =	simm.s32 $0x4100  }
0x6: {  	s17 =	simm.s32 $0x8100;
	s18 =	simm.s32 $0x1;
	s19 =	simm.s32 $0x2  }
0x7: {  	s20 =	simm.s32 $0x3;
	s21 =	simm.s32 $0x0;
	[smem:$0x7FF] =	sst s3  }
0x8: {  	s5 =	sadd.s32 $0x9F400, s9;
	s6 =	sadd.s32 $0x16C00, s9;
	s10 =	sand.u32 $0x1, s4  }
.Ltmp0:
0x9: {  	s7 =	sadd.s32 $0xCE00, s9;
	s4 =	stileid.u32;
	(pc) =	sbr.rel .LBB2_1-.Ltmp0, $4  }
0xa: {  	s8 =	sadd.s32 $0xED600, s9;
	s9 =	sadd.s32 $0x5CF600, s9;
	s11 =	ssub.s32 $0x2, s10  }
0xb: {  	_ =	strace $0x80000047;
	s13 =	sshll.u32 s4, $0x1;
	s12 =	sshrl.u32 s11, $0x1  }
0xc: {  	s10 =	sor.u32 s10, s13;
	s13 =	simm.s32 $0x4;
	s11 =	ssub.s32 s11, s12  }
0xd: {  	s10 =	smul.u32 $0x4F, s10;
	s12 =	simm.s32 $0x80;
	s11 =	smax.u32 s11, $0x1  }
.LBB2_7:
0xe: {  	s21 =	sadd.s32 $0x1, s21  }
0xf: {  	p0 =	sne.s32 s21, s11  }
.Ltmp1:
0x10: {  	_ = 	snop;
	(pc) =	sbr.rel @!p0 .LBB2_8-.Ltmp1, $1  }
0x11: {  	_ =	sdelay $0x3  }
.LBB2_1:
.Ltmp2:
0x12: {  	(pc) =	sbr.rel .LBB2_2-.Ltmp2, $2  }
0x13: {  	_ =	sdelay $0x2  }
0x14: {  	s22 =	simm.s32 $0x0  }
.LBB2_6:
0x15: {  	s22 =	sadd.s32 $0x1, s22  }
0x16: {  	p0 =	sne.s32 s22, $0x4F  }
.Ltmp3:
0x17: {  	_ = 	snop;
	(pc) =	sbr.rel @!p0 .LBB2_7-.Ltmp3, $1  }
0x18: {  	_ =	sdelay $0x3  }
.LBB2_2:
0x19: {  	s23 =	sadd.s32 s10, s22  }
0x1a: {  	p0 =	sgt.u32 s23, $0x9C3  }
.Ltmp4:
0x1b: {  	_ = 	snop;
	(pc) =	sbr.rel @p0 .LBB2_6-.Ltmp4, $1  }
0x1c: {  	_ =	sdelay $0x3  }
0x1d: {  	s24 =	sshll.u32 s23, $0x4  }
0x1e: {  	s26 =	simm.s32 $0x0;
	s25 =	sadd.s32 s6, s24  }
0x1f: {  	[tilespmem:s26], [sflag:$0x4] =	stream.linear.gather [hbm4b:s25+s26], $0x80, $0x38;
	[tilespmem:$0xC100] =	vst v63  }
0x20: {  	s24 =	sadd.s32 s7, s24  }
0x21: {  	[tilespmem:s12], [sflag:$0x5] =	stream.linear.gather [hbm4b:s24+s26], $0x80, $0x38;
	[tilespmem:$0xC100] =	vst v63  }
0x22: {  	_ =	swait.ge [sflag:s13], $0x80  }
0x23: {  	[sflag:s13] =	ssyncset.done $0x0  }
0x24: {  	[sflag:s13] =	ssyncadd.s32 $0xFFFFFF80  }
0x25: {  	[tilespmem:s14], [sflag:$0x1] =	stream.indirect.gather [hbm4b:s5+s12], $0x80, s26, s12, $0xb8;
	[tilespmem:$0xC100] =	vst v63  }
0x26: {  	_ =	swait.ge [sflag:s15], $0x80  }
0x27: {  	[sflag:s15] =	ssyncset.done $0x0  }
0x28: {  	[sflag:s15] =	ssyncadd.s32 $0xFFFFFF80  }
0x29: {  	[tilespmem:s16], [sflag:$0x2] =	stream.indirect.gather [hbm4b:s1+s12], $0x80, s12, s12, $0xb8;
	[tilespmem:$0xC100] =	vst v63  }
0x2a: {  	_ = 	snop  }
0x2b: {  	[tilespmem:s17], [sflag:$0x3] =	stream.indirect.gather [hbm4b:s2+s12], $0x80, s12, s12, $0xb8;
	[tilespmem:$0xC100] =	vst v63  }
0x2c: {  	_ =	swait.ge [sflag:s18], $0x4000  }
0x2d: {  	[sflag:s18] =	ssyncset.done $0x0  }
0x2e: {  	[sflag:s18] =	ssyncadd.s32 $0xFFFFC000  }
0x2f: {  	_ =	swait.ge [sflag:s19], $0x4000  }
0x30: {  	[sflag:s19] =	ssyncset.done $0x0  }
0x31: {  	s24 =	simm.s32 $0x0;
	[sflag:s19] =	ssyncadd.s32 $0xFFFFC000  }
0x32: {  	v7 =	vld [tilespmem:s24+$0x4100]  }
0x33: {  	v11 =	vld [tilespmem:s24+$0x4110]  }
0x34: {  	v5 =	vld [tilespmem:s24+$0x4120]  }
0x35: {  	v4 =	vld [tilespmem:s24+$0x4130]  }
0x36: {  	v3 =	vld [tilespmem:s24+$0x4140]  }
0x37: {  	v2 =	vld [tilespmem:s24+$0x4150]  }
0x38: {  	v1 =	vld [tilespmem:s24+$0x4160]  }
0x39: {  	v0 =	vld [tilespmem:s24+$0x4170]  }
0x3a: {  	v12 =	vld [tilespmem:s24+$0x100]  }
0x3b: {  	v13 =	vld [tilespmem:s24+$0x110]  }
0x3c: {  	v10 =	vld [tilespmem:s24+$0x120]  }
0x3d: {  	v9 =	vld [tilespmem:s24+$0x130]  }
0x3e: {  	v8 =	vld [tilespmem:s24+$0x140]  }
0x3f: {  	v6 =	vld [tilespmem:s24+$0x150];
	v12 =	vadd.f32 v7, v12  }
0x40: {  	s25 =	simm.s32 $0x200;
	v11 =	vadd.f32 v11, v13;
	v7 =	vld [tilespmem:s24+$0x160]  }
.LBB2_4:
0x41: {  	s26 =	sshra.s32 s25, $0x2;
	p0 =	sne.s32 s25, $0xFE00;
	[tilespmem:s24+$0x100] =	vst v12;
	v5 =	vadd.f32 v5, v10;
	v10 =	vld [tilespmem:s24+$0x170]  }
0x42: {  	v12 =	vld [tilespmem:s26+$0x4100];
	[tilespmem:s24+$0x110] =	vst v11;
	v4 =	vadd.f32 v4, v9  }
0x43: {  	v11 =	vld [tilespmem:s26+$0x4110];
	[tilespmem:s24+$0x120] =	vst v5;
	v3 =	vadd.f32 v3, v8  }
0x44: {  	v5 =	vld [tilespmem:s26+$0x4120];
	[tilespmem:s24+$0x130] =	vst v4;
	v2 =	vadd.f32 v2, v6  }
0x45: {  	v4 =	vld [tilespmem:s26+$0x4130];
	[tilespmem:s24+$0x140] =	vst v3;
	v1 =	vadd.f32 v1, v7  }
0x46: {  	v3 =	vld [tilespmem:s26+$0x4140];
	[tilespmem:s24+$0x150] =	vst v2;
	v0 =	vadd.f32 v0, v10  }
0x47: {  	v2 =	vld [tilespmem:s26+$0x4150];
	[tilespmem:s24+$0x160] =	vst v1  }
0x48: {  	v1 =	vld [tilespmem:s26+$0x4160];
	[tilespmem:s24+$0x170] =	vst v0;
	s24 =	smov.u32 s26  }
0x49: {  	v0 =	vld [tilespmem:s24+$0x4170]  }
0x4a: {  	v6 =	vld [tilespmem:s24+$0x100]  }
0x4b: {  	v7 =	vld [tilespmem:s24+$0x110]  }
.Ltmp5:
0x4c: {  	v10 =	vld [tilespmem:s24+$0x120];
	(pc) =	sbr.rel @p0 .LBB2_4-.Ltmp5, $4  }
0x4d: {  	v9 =	vld [tilespmem:s24+$0x130]  }
0x4e: {  	v8 =	vld [tilespmem:s24+$0x140]  }
0x4f: {  	v12 =	vadd.f32 v12, v6;
	v6 =	vld [tilespmem:s24+$0x150]  }
0x50: {  	s25 =	sadd.s32 $0x200, s25;
	v11 =	vadd.f32 v11, v7;
	v7 =	vld [tilespmem:s24+$0x160]  }
0x51: {  	[tilespmem:s24+$0x100] =	vst v12;
	v5 =	vadd.f32 v5, v10;
	v63 =	vld [tilespmem:s24+$0x170]  }
0x52: {  	[tilespmem:s24+$0x110] =	vst v11;
	v4 =	vadd.f32 v4, v9  }
0x53: {  	[tilespmem:s24+$0x120] =	vst v5;
	v3 =	vadd.f32 v3, v8  }
0x54: {  	[tilespmem:s24+$0x130] =	vst v4;
	v2 =	vadd.f32 v2, v6  }
0x55: {  	[tilespmem:s24+$0x140] =	vst v3;
	v1 =	vadd.f32 v1, v7  }
0x56: {  	[tilespmem:s24+$0x150] =	vst v2;
	v0 =	vadd.f32 v0, v63  }
0x57: {  	s23 =	sshll.u32 s23, $0xB;
	[tilespmem:s24+$0x160] =	vst v1  }
0x58: {  	s31 =	sadd.s32 s8, s23;
	[tilespmem:s24+$0x170] =	vst v0  }
0x59: {  	[hbm4b:s31+s3] =	stream.linear.scatter [tilespmem:s14], [sflag:$0x4], $0x4000, $0x38;
	[tilespmem:$0xC100] =	vst v63  }
0x5a: {  	_ =	swait.ge [sflag:s20], $0x4000  }
0x5b: {  	[sflag:s20] =	ssyncset.done $0x0  }
0x5c: {  	s23 =	sadd.s32 s9, s23;
	[sflag:s20] =	ssyncadd.s32 $0xFFFFC000  }
0x5d: {  	[hbm4b:s23+s3] =	stream.linear.scatter [tilespmem:s17], [sflag:$0x5], $0x4000, $0x38;
	[tilespmem:$0xC100] =	vst v63  }
0x5e: {  	_ =	swait.ge [sflag:s13], $0x4000  }
.Ltmp6:
0x5f: {  	[sflag:s13] =	ssyncset.done $0x0;
	(pc) =	sbr.rel .LBB2_6-.Ltmp6, $4  }
0x60: {  	[sflag:s13] =	ssyncadd.s32 $0xFFFFC000  }
0x61: {  	_ =	swait.ge [sflag:s15], $0x4000  }
0x62: {  	[sflag:s15] =	ssyncset.done $0x0  }
0x63: {  	[sflag:s15] =	ssyncadd.s32 $0xFFFFC000  }
.LBB2_8:
0x64: {  	_ =	sfence.sel $0x180000  }
0x65: {  	[bflag:$0x0] =	sbarrier.arrive $0xFFFF  }
0x66: {  	p0 =	sne.s32 s4, $0x0;
	_ =	strace $0x90000047  }
0x67: {  	s0 =	sadd.s32 @!p0 $0x100000, s0;
	[bflag:$0x2] =	sbarrier.arrive $0xFFFF  }
0x68: {  	[sflag:s0] =	ssyncadd.tile.s32 @!p0 $0x1;
	_ =	shalt  }
.Lfunc_end2:
_tile_overlayer_lowered:
.L_overlay_start_2:
0x69: {  	(tag) =	ssettag $0x2  }
0x6a: {  	s0 =	rddreg [dreg:$0x0];
	s2 =	stileid.u32  }
0x6b: {  	s1 =	rddreg [dreg:$0x1];
	p0 =	sne.s32 s2, $0x0  }
0x6c: {  	s3 =	rddreg [dreg:$0x2];
	[bflag:$0x3] =	sbarrier.arrive $0xFFFF;
	s2 =	simm.s32 @!p0 $0x1C06  }
0x6d: {  	[timem:s3], [sflag:s2] =	dma.local @!p0 [hbm:s0], s1  }
0x6e: {  	s0 =	simm.s32 @!p0 $0x6  }
0x6f: {  	_ =	swait.ge @!p0 [sflag:s0], s1  }
0x70: {  	s1 =	ssub.s32 @!p0 $0x0, s1;
	[sflag:s0] =	ssyncset.done @!p0 $0x0  }
0x71: {  	[sflag:s0] =	ssyncadd.s32 @!p0 s1  }
0x72: {  	[bflag:$0x3] =	sbarrier.arrive $0xFFFF  }
0x73: {  	_ =	shalt  }

</sc_bundles>
